<compile_context>
chip_gen: v7x
topology: tpu7x:2x2x1
jax: 0.10.2.dev20260603
libtpu: 0.0.44.dev20260713+nightly
codegen_flags: <defaults>
</compile_context>

<pallas_src>
import functools

import jax
import jax.numpy as jnp
from jax import lax
from jax.experimental import pallas as pl
from jax.experimental.pallas import tpu as pltpu
from jax.experimental.pallas import tpu_sc as plsc

_ETA = 0.01
_EPS = 1e-12
_D_OUT = 1000
_D_PAD = 1024
_DH = 512
_NEC = 16
_NBC = 2
_BC = 128



def _sim_body(sn_ref, x_ref, out_ref):
    x = x_ref[...]
    xn_blk = x / (jnp.sqrt(jnp.sum(x * x, axis=1, keepdims=True)) + _EPS)
    s = sn_ref[...]
    sn = s / (jnp.sqrt(jnp.sum(s * s, axis=1, keepdims=True)) + _EPS)
    cos = lax.dot_general(sn, xn_blk, (((1,), (1,)), ((), ())),
                          preferred_element_type=jnp.float32)
    out_ref[...] = ((cos + 1.0) * 0.5)[None]


def _sim_call(sign_features, heatmap):
    S, F = sign_features.shape
    B = heatmap.shape[0]
    SB = 1000
    return pl.pallas_call(
        _sim_body,
        grid=(S // SB, _NBC),
        in_specs=[
            pl.BlockSpec((SB, F), lambda i, j: (i, 0)),
            pl.BlockSpec((_BC, F), lambda i, j: (j, 0)),
        ],
        out_specs=pl.BlockSpec((1, SB, _BC), lambda i, j: (j, i, 0)),
        out_shape=jax.ShapeDtypeStruct((_NBC, S, _BC), jnp.float32),
    )(sign_features, heatmap)



def _edge_call(sim4, didx3, sidx3, w2):
    info = plsc.get_sparse_core_info()
    NC, NS = info.num_cores, info.num_subcores
    NW = NC * NS
    assert NW == _NEC * _NBC
    _, NB, G = didx3.shape
    EC = NB * G

    @functools.partial(
        pl.kernel,
        out_type=jax.ShapeDtypeStruct((_NBC, _NEC, 2, _DH, _BC), jnp.float32),
        mesh=plsc.VectorSubcoreMesh(core_axis_name="c", subcore_axis_name="s"),
        compiler_params=pltpu.CompilerParams(needs_layout_passes=False),
        scratch_types=[
            pltpu.VMEM((NB, G), jnp.int32),
            pltpu.VMEM((NB, G), jnp.int32),
            pltpu.VMEM((EC,), jnp.float32),
            pltpu.VMEM((G, _BC), jnp.float32),
            pltpu.VMEM((G, _BC), jnp.float32),
            pltpu.VMEM((_DH + 8, _BC), jnp.float32),
            pltpu.SemaphoreType.DMA,
            pltpu.SemaphoreType.DMA,
        ],
    )
    def k(sim_hbm, didx_hbm, sidx_hbm, w_hbm, out_hbm,
          sidx_v, didx_v, w_v, rows0, rows1, acc_v, sem0, sem1):
        c = lax.axis_index("c")
        s = lax.axis_index("s")
        wid = c * NS + s
        ec = lax.rem(wid, _NEC)
        bc = wid // _NEC
        pltpu.sync_copy(sidx_hbm.at[ec], sidx_v)
        pltpu.sync_copy(didx_hbm.at[ec], didx_v)
        pltpu.sync_copy(w_hbm.at[ec], w_v)
        zero16 = jnp.zeros((16,), jnp.float32)
        dnums = lax.GatherDimensionNumbers(
            offset_dims=(), collapsed_slice_dims=(0,), start_index_map=(0,))

        def gather_rows(b, rows, sem):
            return pltpu.async_copy(sim_hbm.at[bc].at[sidx_v.at[b]], rows,
                                    sem)

        def pass_body(p, carry0):
            d_lo = p * _DH

            def zrow(r, carry):
                for jj in range(_BC // 16):
                    acc_v[r, pl.ds(jj * 16, 16)] = zero16
                return carry

            lax.fori_loop(0, _DH + 8, zrow, 0)
            gather_rows(0, rows0, sem0)

            def pair_body(h, carry):
                b0 = 2 * h
                gather_rows(b0 + 1, rows1, sem1)
                pltpu.make_async_copy(
                    sim_hbm.at[bc].at[sidx_v.at[b0]], rows0, sem0).wait()
                process_pass(b0, rows0, d_lo)

                @pl.when(h < NB // 2 - 1)
                def _():
                    gather_rows(b0 + 2, rows0, sem0)

                pltpu.make_async_copy(
                    sim_hbm.at[bc].at[sidx_v.at[b0 + 1]], rows1, sem1).wait()
                process_pass(b0 + 1, rows1, d_lo)
                return carry

            lax.fori_loop(0, NB // 2, pair_body, 0)
            pltpu.sync_copy(acc_v.at[pl.ds(0, _DH)],
                            out_hbm.at[bc].at[ec].at[p])
            return carry0

        def process_pass(b, rows, d_lo):
            nch = _BC // 16

            def group_body(gidx, c2):
                d16 = didx_v[b, pl.ds(gidx * 16, 16)] - d_lo
                w16 = w_v[pl.ds(b * G + gidx * 16, 16)]
                dl = [d16[l] for l in range(16)]
                dd = [jnp.where(jnp.logical_and(dl[l] >= 0, dl[l] < _DH),
                                dl[l], _DH + (l % 8)) for l in range(16)]
                wspl = [
                    lax.gather(w16, jnp.full((16, 1), l, jnp.int32),
                               dnums, (1,),
                               mode=lax.GatherScatterMode.PROMISE_IN_BOUNDS)
                    for l in range(16)
                ]

                def lane_prods(l):
                    e = gidx * 16 + l
                    return [rows[e, pl.ds(jj * 16, 16)] * wspl[l]
                            for jj in range(nch)]

                prods = lane_prods(0)
                for l in range(16):
                    nxt = lane_prods(l + 1) if l < 15 else None
                    for jj in range(nch):
                        plsc.addupdate(acc_v.at[dd[l], pl.ds(jj * 16, 16)],
                                       prods[jj])
                    prods = nxt
                return c2

            lax.fori_loop(0, G // 16, group_body, 0)

        lax.fori_loop(0, 2, pass_body, 0)

    return k(sim4, didx3, sidx3, w2)



def _fin_body(p_ref, g_ref, out_ref):
    acc = jnp.sum(p_ref[...][0, :, 0], axis=0)
    g = g_ref[...]
    gn = jnp.sqrt(jnp.sum(g * g, axis=1))
    row = lax.broadcasted_iota(jnp.int32, (_BC, _BC), 0)
    col = lax.broadcasted_iota(jnp.int32, (_BC, _BC), 1)
    m = jnp.where(col == row, (_ETA * gn)[:, None], 0.0)
    out_ref[...] = lax.dot_general(m, acc, (((1,), (1,)), ((), ())),
                                   preferred_element_type=jnp.float32)


def _fin_call(partials, grad):
    B, F = grad.shape
    return pl.pallas_call(
        _fin_body,
        grid=(_NBC, 2),
        in_specs=[
            pl.BlockSpec((1, _NEC, 1, _DH, _BC), lambda j, p: (j, 0, p, 0, 0)),
            pl.BlockSpec((_BC, F), lambda j, p: (j, 0)),
        ],
        out_specs=pl.BlockSpec((_BC, _DH), lambda j, p: (j, p)),
        out_shape=jax.ShapeDtypeStruct((B, _D_PAD), jnp.float32),
    )(partials, grad)



def kernel(heatmap_features_batch, grad_output_batch, sign_features,
           disease_idx, sign_idx, edge_weight, num_diseases):
    B, F = heatmap_features_batch.shape
    S = sign_features.shape[0]
    E = disease_idx.shape[0]
    G = 128
    NB = -(-E // (_NEC * G))
    NB += NB % 2
    E_pad = _NEC * NB * G
    pad = E_pad - E

    sim4 = _sim_call(sign_features, heatmap_features_batch)

    didx_p = jnp.concatenate([disease_idx, jnp.zeros((pad,), jnp.int32)])
    sidx_p = jnp.concatenate([sign_idx, jnp.zeros((pad,), jnp.int32)])
    w_p = jnp.concatenate([edge_weight, jnp.zeros((pad,), jnp.float32)])
    didx3 = didx_p.reshape(_NEC, NB, G)
    sidx3 = sidx_p.reshape(_NEC, NB, G)
    w2 = w_p.reshape(_NEC, NB * G)
    partials = _edge_call(sim4, didx3, sidx3, w2)

    return _fin_call(partials, grad_output_batch)[:, :_D_OUT]

# --- scband reference (transcript-rebuilt; emitter-appended) ---
"""Pipeline reference for scband-graph-nudger-6906307412233 (READ-ONLY COPY).

The authoritative reference and input builder live on the scoring server;
editing this copy changes nothing except your own understanding.
"""

import jax, jax.numpy as jnp
import numpy as np

ETA = 0.01


def setup_inputs(seed: int = 0) -> dict:
    key = jax.random.key(seed)
    ks = jax.random.split(key, 6)
    B, F, S, D, E = 256, 512, 10000, 1000, 160000
    return {
        "heatmap_features_batch": jax.random.normal(ks[0], (B, F), dtype=jnp.float32),
        "grad_output_batch": jax.random.normal(ks[1], (B, F), dtype=jnp.float32),
        "sign_features": jax.random.normal(ks[2], (S, F), dtype=jnp.float32),
        "disease_idx": jax.random.randint(ks[3], (E,), 0, D, dtype=jnp.int32),
        "sign_idx": jax.random.randint(ks[4], (E,), 0, S, dtype=jnp.int32),
        "edge_weight": jax.random.uniform(ks[5], (E,), dtype=jnp.float32),
        "num_diseases": D,
    }


def reference(heatmap_features_batch, grad_output_batch, sign_features, disease_idx, sign_idx, edge_weight, num_diseases):
    # Tensorized GraphNudger.forward:
    # bias[i, d] = eta * sum_{edges e with source=d} w_e * sim(f_sign[e], x_i) * ||g_i||
    # where sim = (cosine + 1) / 2.
    eps = 1e-12
    xn = heatmap_features_batch / (jnp.linalg.norm(heatmap_features_batch, axis=1, keepdims=True) + eps)
    sn = sign_features / (jnp.linalg.norm(sign_features, axis=1, keepdims=True) + eps)
    cos = sn @ xn.T                      # [S, B] cosine similarities
    sim = (cos + 1.0) / 2.0              # normalized to [0, 1]
    g_norm = jnp.linalg.norm(grad_output_batch, axis=1)   # [B]
    edge_sim = jnp.take(sim, sign_idx, axis=0)            # gather: [E, B]
    edge_contrib = edge_weight[:, None] * edge_sim        # [E, B]
    per_disease = jax.ops.segment_sum(edge_contrib, disease_idx % num_diseases, num_segments=1000)  # [D, B]
    bias = ETA * per_disease.T * g_norm[:, None]          # [B, D]
    return bias

if __name__ == "__main__":
    import jax
    _d = setup_inputs()
    print(jax.jit(kernel)(*tuple(_d.values())))

</pallas_src>

<mosaic_0001>
#map = affine_map<(d0, d1) -> (0, 0, 0)>
#map1 = affine_map<(d0, d1) -> (0, 0)>
#map2 = affine_map<(d0, d1) -> (0, 0, 0, 0, 0)>
module attributes {stable_mosaic.version = 14 : i64} {
  func.func @k(%arg0: i32, %arg1: i32, %arg2: memref<2x10000x128xf32, #tpu.memory_space<hbm>>, %arg3: memref<16x80x128xi32, #tpu.memory_space<hbm>>, %arg4: memref<16x80x128xi32, #tpu.memory_space<hbm>>, %arg5: memref<16x10240xf32, #tpu.memory_space<hbm>>, %arg6: memref<2x16x2x512x128xf32, #tpu.memory_space<hbm>>, %arg7: memref<80x128xi32, #tpu.memory_space<vmem>>, %arg8: memref<80x128xi32, #tpu.memory_space<vmem>>, %arg9: memref<10240xf32, #tpu.memory_space<vmem>>, %arg10: memref<128x128xf32, #tpu.memory_space<vmem>>, %arg11: memref<128x128xf32, #tpu.memory_space<vmem>>, %arg12: memref<520x128xf32, #tpu.memory_space<vmem>>, %arg13: memref<!tpu.dma_semaphore, #tpu.memory_space<semaphore_mem>>, %arg14: memref<!tpu.dma_semaphore, #tpu.memory_space<semaphore_mem>>) attributes {dimension_semantics = [#tpu.dimension_semantics<core_parallel>, #tpu.dimension_semantics<subcore_parallel>], iteration_bounds = array<i64: 2, 16>, scalar_prefetch = 0 : i64, scratch_operands = 8 : i64, tpu.core_type = #tpu.core_type<sc_vector_subcore>, window_params = [{transform_indices = #map}, {transform_indices = #map}, {transform_indices = #map}, {transform_indices = #map1}, {transform_indices = #map2}]} {
    %mul3A = arith.constant 16 : i32
    %mul3A_0 = arith.muli %arg0, %mul3A : i32
    %add3A = arith.addi %mul3A_0, %arg1 : i32
    %rem3A = arith.constant 16 : i32
    %rem3A_1 = arith.remsi %add3A, %rem3A : i32
    %jit3A = arith.constant 16 : i32
    %div3A = arith.divsi %add3A, %jit3A : i32
    %sign3A = arith.constant 0 : i32
    %sign3A_2 = arith.cmpi sgt, %add3A, %sign3A : i32
    %sign3A_3 = arith.extui %sign3A_2 : i1 to i32
    %sign3A_4 = arith.constant 0 : i32
    %sign3A_5 = arith.cmpi slt, %add3A, %sign3A_4 : i32
    %sign3A_6 = arith.extui %sign3A_5 : i1 to i32
    %sign3A_7 = arith.subi %sign3A_3, %sign3A_6 : i32
    %sign3A_8 = arith.constant 0 : i32
    %sign3A_9 = arith.cmpi sgt, %jit3A, %sign3A_8 : i32
    %sign3A_10 = arith.extui %sign3A_9 : i1 to i32
    %sign3A_11 = arith.constant 0 : i32
    %sign3A_12 = arith.cmpi slt, %jit3A, %sign3A_11 : i32
    %sign3A_13 = arith.extui %sign3A_12 : i1 to i32
    %sign3A_14 = arith.subi %sign3A_10, %sign3A_13 : i32
    %ne3A = arith.cmpi ne, %sign3A_7, %sign3A_14 : i32
    %rem3A_15 = arith.remsi %add3A, %jit3A : i32
    %ne3A_16 = arith.constant 0 : i32
    %ne3A_17 = arith.cmpi ne, %rem3A_15, %ne3A_16 : i32
    %and3A = arith.andi %ne3A, %ne3A_17 : i1
    %sub3A = arith.constant 1 : i32
    %sub3A_18 = arith.subi %div3A, %sub3A : i32
    %select_n3A = arith.select %and3A, %sub3A_18, %div3A : i32
    "tpu.region"() ({
      %run_scoped3A = tpu.sem_alloc : memref<!tpu.dma_semaphore, #tpu.memory_space<semaphore_mem>>
      %dma_start3A = arith.constant 0 : i32
      %dma_start3A_25 = arith.constant 0 : i32
      %dma_start3A_26 = tpu.memref_slice %arg4[%rem3A_1, %dma_start3A, %dma_start3A_25] : memref<16x80x128xi32, #tpu.memory_space<hbm>> -> memref<1x80x128xi32, #tpu.memory_space<hbm>>
      %dma_start3A_27 = tpu.memref_squeeze %dma_start3A_26 : memref<1x80x128xi32, #tpu.memory_space<hbm>> -> memref<80x128xi32, #tpu.memory_space<hbm>>
      %dma_start3A_28 = arith.constant 0 : i32
      %dma_start3A_29 = arith.constant 0 : i32
      %dma_start3A_30 = tpu.memref_slice %arg4[%rem3A_1, %dma_start3A_28, %dma_start3A_29] : memref<16x80x128xi32, #tpu.memory_space<hbm>> -> memref<1x80x128xi32, #tpu.memory_space<hbm>>
      %dma_start3A_31 = tpu.memref_squeeze %dma_start3A_30 : memref<1x80x128xi32, #tpu.memory_space<hbm>> -> memref<80x128xi32, #tpu.memory_space<hbm>>
      tpu.enqueue_dma source(%dma_start3A_31 : memref<80x128xi32, #tpu.memory_space<hbm>>) target(%arg7 : memref<80x128xi32, #tpu.memory_space<vmem>>) target_semaphore(%run_scoped3A : memref<!tpu.dma_semaphore, #tpu.memory_space<semaphore_mem>>)
      %dma_wait3A = arith.constant 0 : i32
      %dma_wait3A_32 = arith.constant 0 : i32
      %dma_wait3A_33 = tpu.memref_slice %arg4[%rem3A_1, %dma_wait3A, %dma_wait3A_32] : memref<16x80x128xi32, #tpu.memory_space<hbm>> -> memref<1x80x128xi32, #tpu.memory_space<hbm>>
      %dma_wait3A_34 = tpu.memref_squeeze %dma_wait3A_33 : memref<1x80x128xi32, #tpu.memory_space<hbm>> -> memref<80x128xi32, #tpu.memory_space<hbm>>
      %dma_wait3A_35 = arith.constant 0 : i32
      %dma_wait3A_36 = arith.constant 0 : i32
      %dma_wait3A_37 = tpu.memref_slice %arg4[%rem3A_1, %dma_wait3A_35, %dma_wait3A_36] : memref<16x80x128xi32, #tpu.memory_space<hbm>> -> memref<1x80x128xi32, #tpu.memory_space<hbm>>
      %dma_wait3A_38 = tpu.memref_squeeze %dma_wait3A_37 : memref<1x80x128xi32, #tpu.memory_space<hbm>> -> memref<80x128xi32, #tpu.memory_space<hbm>>
      tpu.wait_dma2 semaphore(%run_scoped3A : memref<!tpu.dma_semaphore, #tpu.memory_space<semaphore_mem>>) src(%dma_wait3A_38 : memref<80x128xi32, #tpu.memory_space<hbm>>) dst(%arg7 : memref<80x128xi32, #tpu.memory_space<vmem>>)
      tpu.yield
    }) : () -> ()
    "tpu.region"() ({
      %run_scoped3A = tpu.sem_alloc : memref<!tpu.dma_semaphore, #tpu.memory_space<semaphore_mem>>
      %dma_start3A = arith.constant 0 : i32
      %dma_start3A_25 = arith.constant 0 : i32
      %dma_start3A_26 = tpu.memref_slice %arg3[%rem3A_1, %dma_start3A, %dma_start3A_25] : memref<16x80x128xi32, #tpu.memory_space<hbm>> -> memref<1x80x128xi32, #tpu.memory_space<hbm>>
      %dma_start3A_27 = tpu.memref_squeeze %dma_start3A_26 : memref<1x80x128xi32, #tpu.memory_space<hbm>> -> memref<80x128xi32, #tpu.memory_space<hbm>>
      %dma_start3A_28 = arith.constant 0 : i32
      %dma_start3A_29 = arith.constant 0 : i32
      %dma_start3A_30 = tpu.memref_slice %arg3[%rem3A_1, %dma_start3A_28, %dma_start3A_29] : memref<16x80x128xi32, #tpu.memory_space<hbm>> -> memref<1x80x128xi32, #tpu.memory_space<hbm>>
      %dma_start3A_31 = tpu.memref_squeeze %dma_start3A_30 : memref<1x80x128xi32, #tpu.memory_space<hbm>> -> memref<80x128xi32, #tpu.memory_space<hbm>>
      tpu.enqueue_dma source(%dma_start3A_31 : memref<80x128xi32, #tpu.memory_space<hbm>>) target(%arg8 : memref<80x128xi32, #tpu.memory_space<vmem>>) target_semaphore(%run_scoped3A : memref<!tpu.dma_semaphore, #tpu.memory_space<semaphore_mem>>)
      %dma_wait3A = arith.constant 0 : i32
      %dma_wait3A_32 = arith.constant 0 : i32
      %dma_wait3A_33 = tpu.memref_slice %arg3[%rem3A_1, %dma_wait3A, %dma_wait3A_32] : memref<16x80x128xi32, #tpu.memory_space<hbm>> -> memref<1x80x128xi32, #tpu.memory_space<hbm>>
      %dma_wait3A_34 = tpu.memref_squeeze %dma_wait3A_33 : memref<1x80x128xi32, #tpu.memory_space<hbm>> -> memref<80x128xi32, #tpu.memory_space<hbm>>
      %dma_wait3A_35 = arith.constant 0 : i32
      %dma_wait3A_36 = arith.constant 0 : i32
      %dma_wait3A_37 = tpu.memref_slice %arg3[%rem3A_1, %dma_wait3A_35, %dma_wait3A_36] : memref<16x80x128xi32, #tpu.memory_space<hbm>> -> memref<1x80x128xi32, #tpu.memory_space<hbm>>
      %dma_wait3A_38 = tpu.memref_squeeze %dma_wait3A_37 : memref<1x80x128xi32, #tpu.memory_space<hbm>> -> memref<80x128xi32, #tpu.memory_space<hbm>>
      tpu.wait_dma2 semaphore(%run_scoped3A : memref<!tpu.dma_semaphore, #tpu.memory_space<semaphore_mem>>) src(%dma_wait3A_38 : memref<80x128xi32, #tpu.memory_space<hbm>>) dst(%arg8 : memref<80x128xi32, #tpu.memory_space<vmem>>)
      tpu.yield
    }) : () -> ()
    "tpu.region"() ({
      %run_scoped3A = tpu.sem_alloc : memref<!tpu.dma_semaphore, #tpu.memory_space<semaphore_mem>>
      %dma_start3A = arith.constant 0 : i32
      %dma_start3A_25 = tpu.memref_slice %arg5[%rem3A_1, %dma_start3A] : memref<16x10240xf32, #tpu.memory_space<hbm>> -> memref<1x10240xf32, #tpu.memory_space<hbm>>
      %dma_start3A_26 = tpu.memref_squeeze %dma_start3A_25 : memref<1x10240xf32, #tpu.memory_space<hbm>> -> memref<10240xf32, #tpu.memory_space<hbm>>
      %dma_start3A_27 = arith.constant 0 : i32
      %dma_start3A_28 = tpu.memref_slice %arg5[%rem3A_1, %dma_start3A_27] : memref<16x10240xf32, #tpu.memory_space<hbm>> -> memref<1x10240xf32, #tpu.memory_space<hbm>>
      %dma_start3A_29 = tpu.memref_squeeze %dma_start3A_28 : memref<1x10240xf32, #tpu.memory_space<hbm>> -> memref<10240xf32, #tpu.memory_space<hbm>>
      tpu.enqueue_dma source(%dma_start3A_29 : memref<10240xf32, #tpu.memory_space<hbm>>) target(%arg9 : memref<10240xf32, #tpu.memory_space<vmem>>) target_semaphore(%run_scoped3A : memref<!tpu.dma_semaphore, #tpu.memory_space<semaphore_mem>>)
      %dma_wait3A = arith.constant 0 : i32
      %dma_wait3A_30 = tpu.memref_slice %arg5[%rem3A_1, %dma_wait3A] : memref<16x10240xf32, #tpu.memory_space<hbm>> -> memref<1x10240xf32, #tpu.memory_space<hbm>>
      %dma_wait3A_31 = tpu.memref_squeeze %dma_wait3A_30 : memref<1x10240xf32, #tpu.memory_space<hbm>> -> memref<10240xf32, #tpu.memory_space<hbm>>
      %dma_wait3A_32 = arith.constant 0 : i32
      %dma_wait3A_33 = tpu.memref_slice %arg5[%rem3A_1, %dma_wait3A_32] : memref<16x10240xf32, #tpu.memory_space<hbm>> -> memref<1x10240xf32, #tpu.memory_space<hbm>>
      %dma_wait3A_34 = tpu.memref_squeeze %dma_wait3A_33 : memref<1x10240xf32, #tpu.memory_space<hbm>> -> memref<10240xf32, #tpu.memory_space<hbm>>
      tpu.wait_dma2 semaphore(%run_scoped3A : memref<!tpu.dma_semaphore, #tpu.memory_space<semaphore_mem>>) src(%dma_wait3A_34 : memref<10240xf32, #tpu.memory_space<hbm>>) dst(%arg9 : memref<10240xf32, #tpu.memory_space<vmem>>)
      tpu.yield
    }) : () -> ()
    %broadcast_in_dim3A = arith.constant 0.000000e+00 : f32
    %broadcast_in_dim3A_19 = vector.broadcast %broadcast_in_dim3A : f32 to vector<16xf32>
    %scan3A = arith.constant 0 : i32
    %scan3A_20 = arith.constant 0 : i32
    %scan3A_21 = arith.constant 2 : i32
    %scan3A_22 = arith.addi %scan3A_20, %scan3A_21 : i32
    %scan3A_23 = arith.constant 1 : i32
    scf.for %scan3A_25 = %scan3A_20 to %scan3A_22 step %scan3A_23  : i32 {
      %mul3A_26 = arith.constant 512 : i32
      %mul3A_27 = arith.muli %scan3A_25, %mul3A_26 : i32
      %scan3A_28 = arith.constant 0 : i32
      %scan3A_29 = arith.constant 0 : i32
      %scan3A_30 = arith.constant 520 : i32
      %scan3A_31 = arith.addi %scan3A_29, %scan3A_30 : i32
      %scan3A_32 = arith.constant 1 : i32
      scf.for %scan3A_50 = %scan3A_29 to %scan3A_31 step %scan3A_32  : i32 {
        %swap3A = arith.index_cast %scan3A_50 : i32 to index
        %swap3A_51 = arith.constant 0 : index
        %swap3A_52 = tpu.vector_load %arg12[%swap3A, %swap3A_51] {strides = array<i32>} : memref<520x128xf32, #tpu.memory_space<vmem>>, vector<16xf32>,
        tpu.vector_store %arg12[%swap3A, %swap3A_51], %broadcast_in_dim3A_19 {strides = array<i32>} : memref<520x128xf32, #tpu.memory_space<vmem>>, vector<16xf32>,
        %swap3A_53 = arith.index_cast %scan3A_50 : i32 to index
        %swap3A_54 = arith.constant 16 : index
        %swap3A_55 = tpu.vector_load %arg12[%swap3A_53, %swap3A_54] {strides = array<i32>} : memref<520x128xf32, #tpu.memory_space<vmem>>, vector<16xf32>,
        tpu.vector_store %arg12[%swap3A_53, %swap3A_54], %broadcast_in_dim3A_19 {strides = array<i32>} : memref<520x128xf32, #tpu.memory_space<vmem>>, vector<16xf32>,
        %swap3A_56 = arith.index_cast %scan3A_50 : i32 to index
        %swap3A_57 = arith.constant 32 : index
        %swap3A_58 = tpu.vector_load %arg12[%swap3A_56, %swap3A_57] {strides = array<i32>} : memref<520x128xf32, #tpu.memory_space<vmem>>, vector<16xf32>,
        tpu.vector_store %arg12[%swap3A_56, %swap3A_57], %broadcast_in_dim3A_19 {strides = array<i32>} : memref<520x128xf32, #tpu.memory_space<vmem>>, vector<16xf32>,
        %swap3A_59 = arith.index_cast %scan3A_50 : i32 to index
        %swap3A_60 = arith.constant 48 : index
        %swap3A_61 = tpu.vector_load %arg12[%swap3A_59, %swap3A_60] {strides = array<i32>} : memref<520x128xf32, #tpu.memory_space<vmem>>, vector<16xf32>,
        tpu.vector_store %arg12[%swap3A_59, %swap3A_60], %broadcast_in_dim3A_19 {strides = array<i32>} : memref<520x128xf32, #tpu.memory_space<vmem>>, vector<16xf32>,
        %swap3A_62 = arith.index_cast %scan3A_50 : i32 to index
        %swap3A_63 = arith.constant 64 : index
        %swap3A_64 = tpu.vector_load %arg12[%swap3A_62, %swap3A_63] {strides = array<i32>} : memref<520x128xf32, #tpu.memory_space<vmem>>, vector<16xf32>,
        tpu.vector_store %arg12[%swap3A_62, %swap3A_63], %broadcast_in_dim3A_19 {strides = array<i32>} : memref<520x128xf32, #tpu.memory_space<vmem>>, vector<16xf32>,
        %swap3A_65 = arith.index_cast %scan3A_50 : i32 to index
        %swap3A_66 = arith.constant 80 : index
        %swap3A_67 = tpu.vector_load %arg12[%swap3A_65, %swap3A_66] {strides = array<i32>} : memref<520x128xf32, #tpu.memory_space<vmem>>, vector<16xf32>,
        tpu.vector_store %arg12[%swap3A_65, %swap3A_66], %broadcast_in_dim3A_19 {strides = array<i32>} : memref<520x128xf32, #tpu.memory_space<vmem>>, vector<16xf32>,
        %swap3A_68 = arith.index_cast %scan3A_50 : i32 to index
        %swap3A_69 = arith.constant 96 : index
        %swap3A_70 = tpu.vector_load %arg12[%swap3A_68, %swap3A_69] {strides = array<i32>} : memref<520x128xf32, #tpu.memory_space<vmem>>, vector<16xf32>,
        tpu.vector_store %arg12[%swap3A_68, %swap3A_69], %broadcast_in_dim3A_19 {strides = array<i32>} : memref<520x128xf32, #tpu.memory_space<vmem>>, vector<16xf32>,
        %swap3A_71 = arith.index_cast %scan3A_50 : i32 to index
        %swap3A_72 = arith.constant 112 : index
        %swap3A_73 = tpu.vector_load %arg12[%swap3A_71, %swap3A_72] {strides = array<i32>} : memref<520x128xf32, #tpu.memory_space<vmem>>, vector<16xf32>,
        tpu.vector_store %arg12[%swap3A_71, %swap3A_72], %broadcast_in_dim3A_19 {strides = array<i32>} : memref<520x128xf32, #tpu.memory_space<vmem>>, vector<16xf32>,
      }
      %scan3A_33 = arith.constant 520 : i32
      %dma_start3A = arith.constant 0 : i32
      %dma_start3A_34 = arith.constant 0 : i32
      %dma_start3A_35 = tpu.memref_slice %arg7[%dma_start3A, %dma_start3A_34] : memref<80x128xi32, #tpu.memory_space<vmem>> -> memref<1x128xi32, #tpu.memory_space<vmem>>
      %dma_start3A_36 = tpu.memref_squeeze %dma_start3A_35 : memref<1x128xi32, #tpu.memory_space<vmem>> -> memref<128xi32, #tpu.memory_space<vmem>>
      %dma_start3A_37 = arith.constant 0 : i32
      %dma_start3A_38 = arith.constant 0 : i32
      %dma_start3A_39 = tpu.memref_slice %arg2[%select_n3A, %dma_start3A_37, %dma_start3A_38] : memref<2x10000x128xf32, #tpu.memory_space<hbm>> -> memref<1x10000x128xf32, #tpu.memory_space<hbm>>
      %dma_start3A_40 = tpu.memref_squeeze %dma_start3A_39 : memref<1x10000x128xf32, #tpu.memory_space<hbm>> -> memref<10000x128xf32, #tpu.memory_space<hbm>>
      %dma_start3A_41 = arith.constant 0 : i32
      %dma_start3A_42 = arith.constant 0 : i32
      %dma_start3A_43 = tpu.memref_slice %dma_start3A_40[%dma_start3A_41, %dma_start3A_42] : memref<10000x128xf32, #tpu.memory_space<hbm>> -> memref<10000x128xf32, #tpu.memory_space<hbm>>
      tpu.enqueue_indirect_dma source(%dma_start3A_43 : memref<10000x128xf32, #tpu.memory_space<hbm>>) target(%arg10 : memref<128x128xf32, #tpu.memory_space<vmem>>) offsets(%dma_start3A_36 : memref<128xi32, #tpu.memory_space<vmem>>) semaphore(%arg13 : memref<!tpu.dma_semaphore, #tpu.memory_space<semaphore_mem>>)
      %scan3A_44 = arith.constant 0 : i32
      %scan3A_45 = arith.constant 0 : i32
      %scan3A_46 = arith.constant 40 : i32
      %scan3A_47 = arith.addi %scan3A_45, %scan3A_46 : i32
      %scan3A_48 = arith.constant 1 : i32
      scf.for %scan3A_50 = %scan3A_45 to %scan3A_47 step %scan3A_48  : i32 {
        %mul3A_51 = arith.constant 2 : i32
        %mul3A_52 = arith.muli %mul3A_51, %scan3A_50 : i32
        %add3A_53 = arith.constant 1 : i32
        %add3A_54 = arith.addi %mul3A_52, %add3A_53 : i32
        %dma_start3A_55 = arith.constant 0 : i32
        %dma_start3A_56 = tpu.memref_slice %arg7[%add3A_54, %dma_start3A_55] : memref<80x128xi32, #tpu.memory_space<vmem>> -> memref<1x128xi32, #tpu.memory_space<vmem>>
        %dma_start3A_57 = tpu.memref_squeeze %dma_start3A_56 : memref<1x128xi32, #tpu.memory_space<vmem>> -> memref<128xi32, #tpu.memory_space<vmem>>
        %dma_start3A_58 = arith.constant 0 : i32
        %dma_start3A_59 = arith.constant 0 : i32
        %dma_start3A_60 = tpu.memref_slice %arg2[%select_n3A, %dma_start3A_58, %dma_start3A_59] : memref<2x10000x128xf32, #tpu.memory_space<hbm>> -> memref<1x10000x128xf32, #tpu.memory_space<hbm>>
        %dma_start3A_61 = tpu.memref_squeeze %dma_start3A_60 : memref<1x10000x128xf32, #tpu.memory_space<hbm>> -> memref<10000x128xf32, #tpu.memory_space<hbm>>
        %dma_start3A_62 = arith.constant 0 : i32
        %dma_start3A_63 = arith.constant 0 : i32
        %dma_start3A_64 = tpu.memref_slice %dma_start3A_61[%dma_start3A_62, %dma_start3A_63] : memref<10000x128xf32, #tpu.memory_space<hbm>> -> memref<10000x128xf32, #tpu.memory_space<hbm>>
        tpu.enqueue_indirect_dma source(%dma_start3A_64 : memref<10000x128xf32, #tpu.memory_space<hbm>>) target(%arg11 : memref<128x128xf32, #tpu.memory_space<vmem>>) offsets(%dma_start3A_57 : memref<128xi32, #tpu.memory_space<vmem>>) semaphore(%arg14 : memref<!tpu.dma_semaphore, #tpu.memory_space<semaphore_mem>>)
        %dma_wait3A = arith.constant 0 : i32
        %dma_wait3A_65 = tpu.memref_slice %arg7[%mul3A_52, %dma_wait3A] : memref<80x128xi32, #tpu.memory_space<vmem>> -> memref<1x128xi32, #tpu.memory_space<vmem>>
        %dma_wait3A_66 = tpu.memref_squeeze %dma_wait3A_65 : memref<1x128xi32, #tpu.memory_space<vmem>> -> memref<128xi32, #tpu.memory_space<vmem>>
        %dma_wait3A_67 = arith.constant 0 : i32
        %dma_wait3A_68 = arith.constant 0 : i32
        %dma_wait3A_69 = tpu.memref_slice %arg2[%select_n3A, %dma_wait3A_67, %dma_wait3A_68] : memref<2x10000x128xf32, #tpu.memory_space<hbm>> -> memref<1x10000x128xf32, #tpu.memory_space<hbm>>
        %dma_wait3A_70 = tpu.memref_squeeze %dma_wait3A_69 : memref<1x10000x128xf32, #tpu.memory_space<hbm>> -> memref<10000x128xf32, #tpu.memory_space<hbm>>
        %dma_wait3A_71 = arith.constant 0 : i32
        %dma_wait3A_72 = arith.constant 0 : i32
        %dma_wait3A_73 = tpu.memref_slice %dma_wait3A_70[%dma_wait3A_71, %dma_wait3A_72] : memref<10000x128xf32, #tpu.memory_space<hbm>> -> memref<10000x128xf32, #tpu.memory_space<hbm>>
        tpu.wait_indirect_dma semaphore(%arg13 : memref<!tpu.dma_semaphore, #tpu.memory_space<semaphore_mem>>) src(%dma_wait3A_73 : memref<10000x128xf32, #tpu.memory_space<hbm>>) dst(%arg10 : memref<128x128xf32, #tpu.memory_space<vmem>>)
        %scan3A_74 = arith.constant 0 : i32
        %scan3A_75 = arith.constant 0 : i32
        %scan3A_76 = arith.constant 8 : i32
        %scan3A_77 = arith.addi %scan3A_75, %scan3A_76 : i32
        %scan3A_78 = arith.constant 1 : i32
        scf.for %scan3A_102 = %scan3A_75 to %scan3A_77 step %scan3A_78  : i32 {
          %mul3A_103 = arith.constant 16 : i32
          %mul3A_104 = arith.muli %scan3A_102, %mul3A_103 : i32
          %get3A = arith.index_cast %mul3A_52 : i32 to index
          %get3A_105 = arith.index_cast %mul3A_104 : i32 to index
          %get3A_106 = tpu.vector_load %arg8[%get3A, %get3A_105] {strides = array<i32>} : memref<80x128xi32, #tpu.memory_space<vmem>>, vector<16xi32>,
          %sub3A_107 = vector.broadcast %mul3A_27 : i32 to vector<16xi32>
          %sub3A_108 = arith.subi %get3A_106, %sub3A_107 : vector<16xi32>
          %mul3A_109 = arith.constant 128 : i32
          %mul3A_110 = arith.muli %mul3A_52, %mul3A_109 : i32
          %mul3A_111 = arith.constant 16 : i32
          %mul3A_112 = arith.muli %scan3A_102, %mul3A_111 : i32
          %add3A_113 = arith.addi %mul3A_110, %mul3A_112 : i32
          %get3A_114 = arith.index_cast %add3A_113 : i32 to index
          %get3A_115 = tpu.vector_load %arg9[%get3A_114] {strides = array<i32>} : memref<10240xf32, #tpu.memory_space<vmem>>, vector<16xf32>,
          %slice3A = vector.extract_strided_slice %sub3A_108 {offsets = [0], sizes = [1], strides = [1]} : vector<16xi32> to vector<1xi32>
          %squeeze3A = vector.extract %slice3A[0] : i32 from vector<1xi32>
          %slice3A_116 = vector.extract_strided_slice %sub3A_108 {offsets = [1], sizes = [1], strides = [1]} : vector<16xi32> to vector<1xi32>
          %squeeze3A_117 = vector.extract %slice3A_116[0] : i32 from vector<1xi32>
          %slice3A_118 = vector.extract_strided_slice %sub3A_108 {offsets = [2], sizes = [1], strides = [1]} : vector<16xi32> to vector<1xi32>
          %squeeze3A_119 = vector.extract %slice3A_118[0] : i32 from vector<1xi32>
          %slice3A_120 = vector.extract_strided_slice %sub3A_108 {offsets = [3], sizes = [1], strides = [1]} : vector<16xi32> to vector<1xi32>
          %squeeze3A_121 = vector.extract %slice3A_120[0] : i32 from vector<1xi32>
          %slice3A_122 = vector.extract_strided_slice %sub3A_108 {offsets = [4], sizes = [1], strides = [1]} : vector<16xi32> to vector<1xi32>
          %squeeze3A_123 = vector.extract %slice3A_122[0] : i32 from vector<1xi32>
          %slice3A_124 = vector.extract_strided_slice %sub3A_108 {offsets = [5], sizes = [1], strides = [1]} : vector<16xi32> to vector<1xi32>
          %squeeze3A_125 = vector.extract %slice3A_124[0] : i32 from vector<1xi32>
          %slice3A_126 = vector.extract_strided_slice %sub3A_108 {offsets = [6], sizes = [1], strides = [1]} : vector<16xi32> to vector<1xi32>
          %squeeze3A_127 = vector.extract %slice3A_126[0] : i32 from vector<1xi32>
          %slice3A_128 = vector.extract_strided_slice %sub3A_108 {offsets = [7], sizes = [1], strides = [1]} : vector<16xi32> to vector<1xi32>
          %squeeze3A_129 = vector.extract %slice3A_128[0] : i32 from vector<1xi32>
          %slice3A_130 = vector.extract_strided_slice %sub3A_108 {offsets = [8], sizes = [1], strides = [1]} : vector<16xi32> to vector<1xi32>
          %squeeze3A_131 = vector.extract %slice3A_130[0] : i32 from vector<1xi32>
          %slice3A_132 = vector.extract_strided_slice %sub3A_108 {offsets = [9], sizes = [1], strides = [1]} : vector<16xi32> to vector<1xi32>
          %squeeze3A_133 = vector.extract %slice3A_132[0] : i32 from vector<1xi32>
          %slice3A_134 = vector.extract_strided_slice %sub3A_108 {offsets = [10], sizes = [1], strides = [1]} : vector<16xi32> to vector<1xi32>
          %squeeze3A_135 = vector.extract %slice3A_134[0] : i32 from vector<1xi32>
          %slice3A_136 = vector.extract_strided_slice %sub3A_108 {offsets = [11], sizes = [1], strides = [1]} : vector<16xi32> to vector<1xi32>
          %squeeze3A_137 = vector.extract %slice3A_136[0] : i32 from vector<1xi32>
          %slice3A_138 = vector.extract_strided_slice %sub3A_108 {offsets = [12], sizes = [1], strides = [1]} : vector<16xi32> to vector<1xi32>
          %squeeze3A_139 = vector.extract %slice3A_138[0] : i32 from vector<1xi32>
          %slice3A_140 = vector.extract_strided_slice %sub3A_108 {offsets = [13], sizes = [1], strides = [1]} : vector<16xi32> to vector<1xi32>
          %squeeze3A_141 = vector.extract %slice3A_140[0] : i32 from vector<1xi32>
          %slice3A_142 = vector.extract_strided_slice %sub3A_108 {offsets = [14], sizes = [1], strides = [1]} : vector<16xi32> to vector<1xi32>
          %squeeze3A_143 = vector.extract %slice3A_142[0] : i32 from vector<1xi32>
          %slice3A_144 = vector.extract_strided_slice %sub3A_108 {offsets = [15], sizes = [1], strides = [1]} : vector<16xi32> to vector<1xi32>
          %squeeze3A_145 = vector.extract %slice3A_144[0] : i32 from vector<1xi32>
          %ge3A = arith.constant 0 : i32
          %ge3A_146 = arith.cmpi sge, %squeeze3A, %ge3A : i32
          %lt3A_147 = arith.constant 512 : i32
          %lt3A_148 = arith.cmpi slt, %squeeze3A, %lt3A_147 : i32
          %and3A_149 = arith.andi %ge3A_146, %lt3A_148 : i1
          %jit3A_150 = arith.constant 512 : i32
          %select_n3A_151 = arith.select %and3A_149, %squeeze3A, %jit3A_150 : i32
          %ge3A_152 = arith.constant 0 : i32
          %ge3A_153 = arith.cmpi sge, %squeeze3A_117, %ge3A_152 : i32
          %lt3A_154 = arith.constant 512 : i32
          %lt3A_155 = arith.cmpi slt, %squeeze3A_117, %lt3A_154 : i32
          %and3A_156 = arith.andi %ge3A_153, %lt3A_155 : i1
          %jit3A_157 = arith.constant 513 : i32
          %select_n3A_158 = arith.select %and3A_156, %squeeze3A_117, %jit3A_157 : i32
          %ge3A_159 = arith.constant 0 : i32
          %ge3A_160 = arith.cmpi sge, %squeeze3A_119, %ge3A_159 : i32
          %lt3A_161 = arith.constant 512 : i32
          %lt3A_162 = arith.cmpi slt, %squeeze3A_119, %lt3A_161 : i32
          %and3A_163 = arith.andi %ge3A_160, %lt3A_162 : i1
          %jit3A_164 = arith.constant 514 : i32
          %select_n3A_165 = arith.select %and3A_163, %squeeze3A_119, %jit3A_164 : i32
          %ge3A_166 = arith.constant 0 : i32
          %ge3A_167 = arith.cmpi sge, %squeeze3A_121, %ge3A_166 : i32
          %lt3A_168 = arith.constant 512 : i32
          %lt3A_169 = arith.cmpi slt, %squeeze3A_121, %lt3A_168 : i32
          %and3A_170 = arith.andi %ge3A_167, %lt3A_169 : i1
          %jit3A_171 = arith.constant 515 : i32
          %select_n3A_172 = arith.select %and3A_170, %squeeze3A_121, %jit3A_171 : i32
          %ge3A_173 = arith.constant 0 : i32
          %ge3A_174 = arith.cmpi sge, %squeeze3A_123, %ge3A_173 : i32
          %lt3A_175 = arith.constant 512 : i32
          %lt3A_176 = arith.cmpi slt, %squeeze3A_123, %lt3A_175 : i32
          %and3A_177 = arith.andi %ge3A_174, %lt3A_176 : i1
          %jit3A_178 = arith.constant 516 : i32
          %select_n3A_179 = arith.select %and3A_177, %squeeze3A_123, %jit3A_178 : i32
          %ge3A_180 = arith.constant 0 : i32
          %ge3A_181 = arith.cmpi sge, %squeeze3A_125, %ge3A_180 : i32
          %lt3A_182 = arith.constant 512 : i32
          %lt3A_183 = arith.cmpi slt, %squeeze3A_125, %lt3A_182 : i32
          %and3A_184 = arith.andi %ge3A_181, %lt3A_183 : i1
          %jit3A_185 = arith.constant 517 : i32
          %select_n3A_186 = arith.select %and3A_184, %squeeze3A_125, %jit3A_185 : i32
          %ge3A_187 = arith.constant 0 : i32
          %ge3A_188 = arith.cmpi sge, %squeeze3A_127, %ge3A_187 : i32
          %lt3A_189 = arith.constant 512 : i32
          %lt3A_190 = arith.cmpi slt, %squeeze3A_127, %lt3A_189 : i32
          %and3A_191 = arith.andi %ge3A_188, %lt3A_190 : i1
          %jit3A_192 = arith.constant 518 : i32
          %select_n3A_193 = arith.select %and3A_191, %squeeze3A_127, %jit3A_192 : i32
          %ge3A_194 = arith.constant 0 : i32
          %ge3A_195 = arith.cmpi sge, %squeeze3A_129, %ge3A_194 : i32
          %lt3A_196 = arith.constant 512 : i32
          %lt3A_197 = arith.cmpi slt, %squeeze3A_129, %lt3A_196 : i32
          %and3A_198 = arith.andi %ge3A_195, %lt3A_197 : i1
          %jit3A_199 = arith.constant 519 : i32
          %select_n3A_200 = arith.select %and3A_198, %squeeze3A_129, %jit3A_199 : i32
          %ge3A_201 = arith.constant 0 : i32
          %ge3A_202 = arith.cmpi sge, %squeeze3A_131, %ge3A_201 : i32
          %lt3A_203 = arith.constant 512 : i32
          %lt3A_204 = arith.cmpi slt, %squeeze3A_131, %lt3A_203 : i32
          %and3A_205 = arith.andi %ge3A_202, %lt3A_204 : i1
          %jit3A_206 = arith.constant 512 : i32
          %select_n3A_207 = arith.select %and3A_205, %squeeze3A_131, %jit3A_206 : i32
          %ge3A_208 = arith.constant 0 : i32
          %ge3A_209 = arith.cmpi sge, %squeeze3A_133, %ge3A_208 : i32
          %lt3A_210 = arith.constant 512 : i32
          %lt3A_211 = arith.cmpi slt, %squeeze3A_133, %lt3A_210 : i32
          %and3A_212 = arith.andi %ge3A_209, %lt3A_211 : i1
          %jit3A_213 = arith.constant 513 : i32
          %select_n3A_214 = arith.select %and3A_212, %squeeze3A_133, %jit3A_213 : i32
          %ge3A_215 = arith.constant 0 : i32
          %ge3A_216 = arith.cmpi sge, %squeeze3A_135, %ge3A_215 : i32
          %lt3A_217 = arith.constant 512 : i32
          %lt3A_218 = arith.cmpi slt, %squeeze3A_135, %lt3A_217 : i32
          %and3A_219 = arith.andi %ge3A_216, %lt3A_218 : i1
          %jit3A_220 = arith.constant 514 : i32
          %select_n3A_221 = arith.select %and3A_219, %squeeze3A_135, %jit3A_220 : i32
          %ge3A_222 = arith.constant 0 : i32
          %ge3A_223 = arith.cmpi sge, %squeeze3A_137, %ge3A_222 : i32
          %lt3A_224 = arith.constant 512 : i32
          %lt3A_225 = arith.cmpi slt, %squeeze3A_137, %lt3A_224 : i32
          %and3A_226 = arith.andi %ge3A_223, %lt3A_225 : i1
          %jit3A_227 = arith.constant 515 : i32
          %select_n3A_228 = arith.select %and3A_226, %squeeze3A_137, %jit3A_227 : i32
          %ge3A_229 = arith.constant 0 : i32
          %ge3A_230 = arith.cmpi sge, %squeeze3A_139, %ge3A_229 : i32
          %lt3A_231 = arith.constant 512 : i32
          %lt3A_232 = arith.cmpi slt, %squeeze3A_139, %lt3A_231 : i32
          %and3A_233 = arith.andi %ge3A_230, %lt3A_232 : i1
          %jit3A_234 = arith.constant 516 : i32
          %select_n3A_235 = arith.select %and3A_233, %squeeze3A_139, %jit3A_234 : i32
          %ge3A_236 = arith.constant 0 : i32
          %ge3A_237 = arith.cmpi sge, %squeeze3A_141, %ge3A_236 : i32
          %lt3A_238 = arith.constant 512 : i32
          %lt3A_239 = arith.cmpi slt, %squeeze3A_141, %lt3A_238 : i32
          %and3A_240 = arith.andi %ge3A_237, %lt3A_239 : i1
          %jit3A_241 = arith.constant 517 : i32
          %select_n3A_242 = arith.select %and3A_240, %squeeze3A_141, %jit3A_241 : i32
          %ge3A_243 = arith.constant 0 : i32
          %ge3A_244 = arith.cmpi sge, %squeeze3A_143, %ge3A_243 : i32
          %lt3A_245 = arith.constant 512 : i32
          %lt3A_246 = arith.cmpi slt, %squeeze3A_143, %lt3A_245 : i32
          %and3A_247 = arith.andi %ge3A_244, %lt3A_246 : i1
          %jit3A_248 = arith.constant 518 : i32
          %select_n3A_249 = arith.select %and3A_247, %squeeze3A_143, %jit3A_248 : i32
          %ge3A_250 = arith.constant 0 : i32
          %ge3A_251 = arith.cmpi sge, %squeeze3A_145, %ge3A_250 : i32
          %lt3A_252 = arith.constant 512 : i32
          %lt3A_253 = arith.cmpi slt, %squeeze3A_145, %lt3A_252 : i32
          %and3A_254 = arith.andi %ge3A_251, %lt3A_253 : i1
          %jit3A_255 = arith.constant 519 : i32
          %select_n3A_256 = arith.select %and3A_254, %squeeze3A_145, %jit3A_255 : i32
          %broadcast_in_dim3A_257 = arith.constant 0 : i32
          %broadcast_in_dim3A_258 = vector.broadcast %broadcast_in_dim3A_257 : i32 to vector<16x1xi32>
          %gather3A = vector.shape_cast %broadcast_in_dim3A_258 : vector<16x1xi32> to vector<16xi32>
          %gather3A_259 = tpu.dynamic_gather %get3A_115[%gather3A] in [0] : vector<16xf32>, vector<16xi32> -> vector<16xf32>
          %broadcast_in_dim3A_260 = arith.constant 1 : i32
          %broadcast_in_dim3A_261 = vector.broadcast %broadcast_in_dim3A_260 : i32 to vector<16x1xi32>
          %gather3A_262 = vector.shape_cast %broadcast_in_dim3A_261 : vector<16x1xi32> to vector<16xi32>
          %gather3A_263 = tpu.dynamic_gather %get3A_115[%gather3A_262] in [0] : vector<16xf32>, vector<16xi32> -> vector<16xf32>
          %broadcast_in_dim3A_264 = arith.constant 2 : i32
          %broadcast_in_dim3A_265 = vector.broadcast %broadcast_in_dim3A_264 : i32 to vector<16x1xi32>
          %gather3A_266 = vector.shape_cast %broadcast_in_dim3A_265 : vector<16x1xi32> to vector<16xi32>
          %gather3A_267 = tpu.dynamic_gather %get3A_115[%gather3A_266] in [0] : vector<16xf32>, vector<16xi32> -> vector<16xf32>
          %broadcast_in_dim3A_268 = arith.constant 3 : i32
          %broadcast_in_dim3A_269 = vector.broadcast %broadcast_in_dim3A_268 : i32 to vector<16x1xi32>
          %gather3A_270 = vector.shape_cast %broadcast_in_dim3A_269 : vector<16x1xi32> to vector<16xi32>
          %gather3A_271 = tpu.dynamic_gather %get3A_115[%gather3A_270] in [0] : vector<16xf32>, vector<16xi32> -> vector<16xf32>
          %broadcast_in_dim3A_272 = arith.constant 4 : i32
          %broadcast_in_dim3A_273 = vector.broadcast %broadcast_in_dim3A_272 : i32 to vector<16x1xi32>
          %gather3A_274 = vector.shape_cast %broadcast_in_dim3A_273 : vector<16x1xi32> to vector<16xi32>
          %gather3A_275 = tpu.dynamic_gather %get3A_115[%gather3A_274] in [0] : vector<16xf32>, vector<16xi32> -> vector<16xf32>
          %broadcast_in_dim3A_276 = arith.constant 5 : i32
          %broadcast_in_dim3A_277 = vector.broadcast %broadcast_in_dim3A_276 : i32 to vector<16x1xi32>
          %gather3A_278 = vector.shape_cast %broadcast_in_dim3A_277 : vector<16x1xi32> to vector<16xi32>
          %gather3A_279 = tpu.dynamic_gather %get3A_115[%gather3A_278] in [0] : vector<16xf32>, vector<16xi32> -> vector<16xf32>
          %broadcast_in_dim3A_280 = arith.constant 6 : i32
          %broadcast_in_dim3A_281 = vector.broadcast %broadcast_in_dim3A_280 : i32 to vector<16x1xi32>
          %gather3A_282 = vector.shape_cast %broadcast_in_dim3A_281 : vector<16x1xi32> to vector<16xi32>
          %gather3A_283 = tpu.dynamic_gather %get3A_115[%gather3A_282] in [0] : vector<16xf32>, vector<16xi32> -> vector<16xf32>
          %broadcast_in_dim3A_284 = arith.constant 7 : i32
          %broadcast_in_dim3A_285 = vector.broadcast %broadcast_in_dim3A_284 : i32 to vector<16x1xi32>
          %gather3A_286 = vector.shape_cast %broadcast_in_dim3A_285 : vector<16x1xi32> to vector<16xi32>
          %gather3A_287 = tpu.dynamic_gather %get3A_115[%gather3A_286] in [0] : vector<16xf32>, vector<16xi32> -> vector<16xf32>
          %broadcast_in_dim3A_288 = arith.constant 8 : i32
          %broadcast_in_dim3A_289 = vector.broadcast %broadcast_in_dim3A_288 : i32 to vector<16x1xi32>
          %gather3A_290 = vector.shape_cast %broadcast_in_dim3A_289 : vector<16x1xi32> to vector<16xi32>
          %gather3A_291 = tpu.dynamic_gather %get3A_115[%gather3A_290] in [0] : vector<16xf32>, vector<16xi32> -> vector<16xf32>
          %broadcast_in_dim3A_292 = arith.constant 9 : i32
          %broadcast_in_dim3A_293 = vector.broadcast %broadcast_in_dim3A_292 : i32 to vector<16x1xi32>
          %gather3A_294 = vector.shape_cast %broadcast_in_dim3A_293 : vector<16x1xi32> to vector<16xi32>
          %gather3A_295 = tpu.dynamic_gather %get3A_115[%gather3A_294] in [0] : vector<16xf32>, vector<16xi32> -> vector<16xf32>
          %broadcast_in_dim3A_296 = arith.constant 10 : i32
          %broadcast_in_dim3A_297 = vector.broadcast %broadcast_in_dim3A_296 : i32 to vector<16x1xi32>
          %gather3A_298 = vector.shape_cast %broadcast_in_dim3A_297 : vector<16x1xi32> to vector<16xi32>
          %gather3A_299 = tpu.dynamic_gather %get3A_115[%gather3A_298] in [0] : vector<16xf32>, vector<16xi32> -> vector<16xf32>
          %broadcast_in_dim3A_300 = arith.constant 11 : i32
          %broadcast_in_dim3A_301 = vector.broadcast %broadcast_in_dim3A_300 : i32 to vector<16x1xi32>
          %gather3A_302 = vector.shape_cast %broadcast_in_dim3A_301 : vector<16x1xi32> to vector<16xi32>
          %gather3A_303 = tpu.dynamic_gather %get3A_115[%gather3A_302] in [0] : vector<16xf32>, vector<16xi32> -> vector<16xf32>
          %broadcast_in_dim3A_304 = arith.constant 12 : i32
          %broadcast_in_dim3A_305 = vector.broadcast %broadcast_in_dim3A_304 : i32 to vector<16x1xi32>
          %gather3A_306 = vector.shape_cast %broadcast_in_dim3A_305 : vector<16x1xi32> to vector<16xi32>
          %gather3A_307 = tpu.dynamic_gather %get3A_115[%gather3A_306] in [0] : vector<16xf32>, vector<16xi32> -> vector<16xf32>
          %broadcast_in_dim3A_308 = arith.constant 13 : i32
          %broadcast_in_dim3A_309 = vector.broadcast %broadcast_in_dim3A_308 : i32 to vector<16x1xi32>
          %gather3A_310 = vector.shape_cast %broadcast_in_dim3A_309 : vector<16x1xi32> to vector<16xi32>
          %gather3A_311 = tpu.dynamic_gather %get3A_115[%gather3A_310] in [0] : vector<16xf32>, vector<16xi32> -> vector<16xf32>
          %broadcast_in_dim3A_312 = arith.constant 14 : i32
          %broadcast_in_dim3A_313 = vector.broadcast %broadcast_in_dim3A_312 : i32 to vector<16x1xi32>
          %gather3A_314 = vector.shape_cast %broadcast_in_dim3A_313 : vector<16x1xi32> to vector<16xi32>
          %gather3A_315 = tpu.dynamic_gather %get3A_115[%gather3A_314] in [0] : vector<16xf32>, vector<16xi32> -> vector<16xf32>
          %broadcast_in_dim3A_316 = arith.constant 15 : i32
          %broadcast_in_dim3A_317 = vector.broadcast %broadcast_in_dim3A_316 : i32 to vector<16x1xi32>
          %gather3A_318 = vector.shape_cast %broadcast_in_dim3A_317 : vector<16x1xi32> to vector<16xi32>
          %gather3A_319 = tpu.dynamic_gather %get3A_115[%gather3A_318] in [0] : vector<16xf32>, vector<16xi32> -> vector<16xf32>
          %mul3A_320 = arith.constant 16 : i32
          %mul3A_321 = arith.muli %scan3A_102, %mul3A_320 : i32
          %add3A_322 = arith.constant 0 : i32
          %add3A_323 = arith.addi %mul3A_321, %add3A_322 : i32
          %get3A_324 = arith.index_cast %add3A_323 : i32 to index
          %get3A_325 = arith.constant 0 : index
          %get3A_326 = tpu.vector_load %arg10[%get3A_324, %get3A_325] {strides = array<i32>} : memref<128x128xf32, #tpu.memory_space<vmem>>, vector<16xf32>,
          %mul3A_327 = arith.mulf %get3A_326, %gather3A_259 : vector<16xf32>
          %get3A_328 = arith.index_cast %add3A_323 : i32 to index
          %get3A_329 = arith.constant 16 : index
          %get3A_330 = tpu.vector_load %arg10[%get3A_328, %get3A_329] {strides = array<i32>} : memref<128x128xf32, #tpu.memory_space<vmem>>, vector<16xf32>,
          %mul3A_331 = arith.mulf %get3A_330, %gather3A_259 : vector<16xf32>
          %get3A_332 = arith.index_cast %add3A_323 : i32 to index
          %get3A_333 = arith.constant 32 : index
          %get3A_334 = tpu.vector_load %arg10[%get3A_332, %get3A_333] {strides = array<i32>} : memref<128x128xf32, #tpu.memory_space<vmem>>, vector<16xf32>,
          %mul3A_335 = arith.mulf %get3A_334, %gather3A_259 : vector<16xf32>
          %get3A_336 = arith.index_cast %add3A_323 : i32 to index
          %get3A_337 = arith.constant 48 : index
          %get3A_338 = tpu.vector_load %arg10[%get3A_336, %get3A_337] {strides = array<i32>} : memref<128x128xf32, #tpu.memory_space<vmem>>, vector<16xf32>,
          %mul3A_339 = arith.mulf %get3A_338, %gather3A_259 : vector<16xf32>
          %get3A_340 = arith.index_cast %add3A_323 : i32 to index
          %get3A_341 = arith.constant 64 : index
          %get3A_342 = tpu.vector_load %arg10[%get3A_340, %get3A_341] {strides = array<i32>} : memref<128x128xf32, #tpu.memory_space<vmem>>, vector<16xf32>,
          %mul3A_343 = arith.mulf %get3A_342, %gather3A_259 : vector<16xf32>
          %get3A_344 = arith.index_cast %add3A_323 : i32 to index
          %get3A_345 = arith.constant 80 : index
          %get3A_346 = tpu.vector_load %arg10[%get3A_344, %get3A_345] {strides = array<i32>} : memref<128x128xf32, #tpu.memory_space<vmem>>, vector<16xf32>,
          %mul3A_347 = arith.mulf %get3A_346, %gather3A_259 : vector<16xf32>
          %get3A_348 = arith.index_cast %add3A_323 : i32 to index
          %get3A_349 = arith.constant 96 : index
          %get3A_350 = tpu.vector_load %arg10[%get3A_348, %get3A_349] {strides = array<i32>} : memref<128x128xf32, #tpu.memory_space<vmem>>, vector<16xf32>,
          %mul3A_351 = arith.mulf %get3A_350, %gather3A_259 : vector<16xf32>
          %get3A_352 = arith.index_cast %add3A_323 : i32 to index
          %get3A_353 = arith.constant 112 : index
          %get3A_354 = tpu.vector_load %arg10[%get3A_352, %get3A_353] {strides = array<i32>} : memref<128x128xf32, #tpu.memory_space<vmem>>, vector<16xf32>,
          %mul3A_355 = arith.mulf %get3A_354, %gather3A_259 : vector<16xf32>
          %mul3A_356 = arith.constant 16 : i32
          %mul3A_357 = arith.muli %scan3A_102, %mul3A_356 : i32
          %add3A_358 = arith.constant 1 : i32
          %add3A_359 = arith.addi %mul3A_357, %add3A_358 : i32
          %get3A_360 = arith.index_cast %add3A_359 : i32 to index
          %get3A_361 = arith.constant 0 : index
          %get3A_362 = tpu.vector_load %arg10[%get3A_360, %get3A_361] {strides = array<i32>} : memref<128x128xf32, #tpu.memory_space<vmem>>, vector<16xf32>,
          %mul3A_363 = arith.mulf %get3A_362, %gather3A_263 : vector<16xf32>
          %get3A_364 = arith.index_cast %add3A_359 : i32 to index
          %get3A_365 = arith.constant 16 : index
          %get3A_366 = tpu.vector_load %arg10[%get3A_364, %get3A_365] {strides = array<i32>} : memref<128x128xf32, #tpu.memory_space<vmem>>, vector<16xf32>,
          %mul3A_367 = arith.mulf %get3A_366, %gather3A_263 : vector<16xf32>
          %get3A_368 = arith.index_cast %add3A_359 : i32 to index
          %get3A_369 = arith.constant 32 : index
          %get3A_370 = tpu.vector_load %arg10[%get3A_368, %get3A_369] {strides = array<i32>} : memref<128x128xf32, #tpu.memory_space<vmem>>, vector<16xf32>,
          %mul3A_371 = arith.mulf %get3A_370, %gather3A_263 : vector<16xf32>
          %get3A_372 = arith.index_cast %add3A_359 : i32 to index
          %get3A_373 = arith.constant 48 : index
          %get3A_374 = tpu.vector_load %arg10[%get3A_372, %get3A_373] {strides = array<i32>} : memref<128x128xf32, #tpu.memory_space<vmem>>, vector<16xf32>,
          %mul3A_375 = arith.mulf %get3A_374, %gather3A_263 : vector<16xf32>
          %get3A_376 = arith.index_cast %add3A_359 : i32 to index
          %get3A_377 = arith.constant 64 : index
          %get3A_378 = tpu.vector_load %arg10[%get3A_376, %get3A_377] {strides = array<i32>} : memref<128x128xf32, #tpu.memory_space<vmem>>, vector<16xf32>,
          %mul3A_379 = arith.mulf %get3A_378, %gather3A_263 : vector<16xf32>
          %get3A_380 = arith.index_cast %add3A_359 : i32 to index
          %get3A_381 = arith.constant 80 : index
          %get3A_382 = tpu.vector_load %arg10[%get3A_380, %get3A_381] {strides = array<i32>} : memref<128x128xf32, #tpu.memory_space<vmem>>, vector<16xf32>,
          %mul3A_383 = arith.mulf %get3A_382, %gather3A_263 : vector<16xf32>
          %get3A_384 = arith.index_cast %add3A_359 : i32 to index
          %get3A_385 = arith.constant 96 : index
          %get3A_386 = tpu.vector_load %arg10[%get3A_384, %get3A_385] {strides = array<i32>} : memref<128x128xf32, #tpu.memory_space<vmem>>, vector<16xf32>,
          %mul3A_387 = arith.mulf %get3A_386, %gather3A_263 : vector<16xf32>
          %get3A_388 = arith.index_cast %add3A_359 : i32 to index
          %get3A_389 = arith.constant 112 : index
          %get3A_390 = tpu.vector_load %arg10[%get3A_388, %get3A_389] {strides = array<i32>} : memref<128x128xf32, #tpu.memory_space<vmem>>, vector<16xf32>,
          %mul3A_391 = arith.mulf %get3A_390, %gather3A_263 : vector<16xf32>
          %swap3A = arith.index_cast %select_n3A_151 : i32 to index
          %swap3A_392 = arith.constant 0 : index
          %swap3A_393 = tpu.vector_load %arg12[%swap3A, %swap3A_392] {strides = array<i32>} : memref<520x128xf32, #tpu.memory_space<vmem>>, vector<16xf32>,
          tpu.vector_store %arg12[%swap3A, %swap3A_392], %mul3A_327 {add = true, strides = array<i32>} : memref<520x128xf32, #tpu.memory_space<vmem>>, vector<16xf32>,
          %swap3A_394 = arith.index_cast %select_n3A_151 : i32 to index
          %swap3A_395 = arith.constant 16 : index
          %swap3A_396 = tpu.vector_load %arg12[%swap3A_394, %swap3A_395] {strides = array<i32>} : memref<520x128xf32, #tpu.memory_space<vmem>>, vector<16xf32>,
          tpu.vector_store %arg12[%swap3A_394, %swap3A_395], %mul3A_331 {add = true, strides = array<i32>} : memref<520x128xf32, #tpu.memory_space<vmem>>, vector<16xf32>,
          %swap3A_397 = arith.index_cast %select_n3A_151 : i32 to index
          %swap3A_398 = arith.constant 32 : index
          %swap3A_399 = tpu.vector_load %arg12[%swap3A_397, %swap3A_398] {strides = array<i32>} : memref<520x128xf32, #tpu.memory_space<vmem>>, vector<16xf32>,
          tpu.vector_store %arg12[%swap3A_397, %swap3A_398], %mul3A_335 {add = true, strides = array<i32>} : memref<520x128xf32, #tpu.memory_space<vmem>>, vector<16xf32>,
          %swap3A_400 = arith.index_cast %select_n3A_151 : i32 to index
          %swap3A_401 = arith.constant 48 : index
          %swap3A_402 = tpu.vector_load %arg12[%swap3A_400, %swap3A_401] {strides = array<i32>} : memref<520x128xf32, #tpu.memory_space<vmem>>, vector<16xf32>,
          tpu.vector_store %arg12[%swap3A_400, %swap3A_401], %mul3A_339 {add = true, strides = array<i32>} : memref<520x128xf32, #tpu.memory_space<vmem>>, vector<16xf32>,
          %swap3A_403 = arith.index_cast %select_n3A_151 : i32 to index
          %swap3A_404 = arith.constant 64 : index
          %swap3A_405 = tpu.vector_load %arg12[%swap3A_403, %swap3A_404] {strides = array<i32>} : memref<520x128xf32, #tpu.memory_space<vmem>>, vector<16xf32>,
          tpu.vector_store %arg12[%swap3A_403, %swap3A_404], %mul3A_343 {add = true, strides = array<i32>} : memref<520x128xf32, #tpu.memory_space<vmem>>, vector<16xf32>,
          %swap3A_406 = arith.index_cast %select_n3A_151 : i32 to index
          %swap3A_407 = arith.constant 80 : index
          %swap3A_408 = tpu.vector_load %arg12[%swap3A_406, %swap3A_407] {strides = array<i32>} : memref<520x128xf32, #tpu.memory_space<vmem>>, vector<16xf32>,
          tpu.vector_store %arg12[%swap3A_406, %swap3A_407], %mul3A_347 {add = true, strides = array<i32>} : memref<520x128xf32, #tpu.memory_space<vmem>>, vector<16xf32>,
          %swap3A_409 = arith.index_cast %select_n3A_151 : i32 to index
          %swap3A_410 = arith.constant 96 : index
          %swap3A_411 = tpu.vector_load %arg12[%swap3A_409, %swap3A_410] {strides = array<i32>} : memref<520x128xf32, #tpu.memory_space<vmem>>, vector<16xf32>,
          tpu.vector_store %arg12[%swap3A_409, %swap3A_410], %mul3A_351 {add = true, strides = array<i32>} : memref<520x128xf32, #tpu.memory_space<vmem>>, vector<16xf32>,
          %swap3A_412 = arith.index_cast %select_n3A_151 : i32 to index
          %swap3A_413 = arith.constant 112 : index
          %swap3A_414 = tpu.vector_load %arg12[%swap3A_412, %swap3A_413] {strides = array<i32>} : memref<520x128xf32, #tpu.memory_space<vmem>>, vector<16xf32>,
          tpu.vector_store %arg12[%swap3A_412, %swap3A_413], %mul3A_355 {add = true, strides = array<i32>} : memref<520x128xf32, #tpu.memory_space<vmem>>, vector<16xf32>,
          %mul3A_415 = arith.constant 16 : i32
          %mul3A_416 = arith.muli %scan3A_102, %mul3A_415 : i32
          %add3A_417 = arith.constant 2 : i32
          %add3A_418 = arith.addi %mul3A_416, %add3A_417 : i32
          %get3A_419 = arith.index_cast %add3A_418 : i32 to index
          %get3A_420 = arith.constant 0 : index
          %get3A_421 = tpu.vector_load %arg10[%get3A_419, %get3A_420] {strides = array<i32>} : memref<128x128xf32, #tpu.memory_space<vmem>>, vector<16xf32>,
          %mul3A_422 = arith.mulf %get3A_421, %gather3A_267 : vector<16xf32>
          %get3A_423 = arith.index_cast %add3A_418 : i32 to index
          %get3A_424 = arith.constant 16 : index
          %get3A_425 = tpu.vector_load %arg10[%get3A_423, %get3A_424] {strides = array<i32>} : memref<128x128xf32, #tpu.memory_space<vmem>>, vector<16xf32>,
          %mul3A_426 = arith.mulf %get3A_425, %gather3A_267 : vector<16xf32>
          %get3A_427 = arith.index_cast %add3A_418 : i32 to index
          %get3A_428 = arith.constant 32 : index
          %get3A_429 = tpu.vector_load %arg10[%get3A_427, %get3A_428] {strides = array<i32>} : memref<128x128xf32, #tpu.memory_space<vmem>>, vector<16xf32>,
          %mul3A_430 = arith.mulf %get3A_429, %gather3A_267 : vector<16xf32>
          %get3A_431 = arith.index_cast %add3A_418 : i32 to index
          %get3A_432 = arith.constant 48 : index
          %get3A_433 = tpu.vector_load %arg10[%get3A_431, %get3A_432] {strides = array<i32>} : memref<128x128xf32, #tpu.memory_space<vmem>>, vector<16xf32>,
          %mul3A_434 = arith.mulf %get3A_433, %gather3A_267 : vector<16xf32>
          %get3A_435 = arith.index_cast %add3A_418 : i32 to index
          %get3A_436 = arith.constant 64 : index
          %get3A_437 = tpu.vector_load %arg10[%get3A_435, %get3A_436] {strides = array<i32>} : memref<128x128xf32, #tpu.memory_space<vmem>>, vector<16xf32>,
          %mul3A_438 = arith.mulf %get3A_437, %gather3A_267 : vector<16xf32>
          %get3A_439 = arith.index_cast %add3A_418 : i32 to index
          %get3A_440 = arith.constant 80 : index
          %get3A_441 = tpu.vector_load %arg10[%get3A_439, %get3A_440] {strides = array<i32>} : memref<128x128xf32, #tpu.memory_space<vmem>>, vector<16xf32>,
          %mul3A_442 = arith.mulf %get3A_441, %gather3A_267 : vector<16xf32>
          %get3A_443 = arith.index_cast %add3A_418 : i32 to index
          %get3A_444 = arith.constant 96 : index
          %get3A_445 = tpu.vector_load %arg10[%get3A_443, %get3A_444] {strides = array<i32>} : memref<128x128xf32, #tpu.memory_space<vmem>>, vector<16xf32>,
          %mul3A_446 = arith.mulf %get3A_445, %gather3A_267 : vector<16xf32>
          %get3A_447 = arith.index_cast %add3A_418 : i32 to index
          %get3A_448 = arith.constant 112 : index
          %get3A_449 = tpu.vector_load %arg10[%get3A_447, %get3A_448] {strides = array<i32>} : memref<128x128xf32, #tpu.memory_space<vmem>>, vector<16xf32>,
          %mul3A_450 = arith.mulf %get3A_449, %gather3A_267 : vector<16xf32>
          %swap3A_451 = arith.index_cast %select_n3A_158 : i32 to index
          %swap3A_452 = arith.constant 0 : index
          %swap3A_453 = tpu.vector_load %arg12[%swap3A_451, %swap3A_452] {strides = array<i32>} : memref<520x128xf32, #tpu.memory_space<vmem>>, vector<16xf32>,
          tpu.vector_store %arg12[%swap3A_451, %swap3A_452], %mul3A_363 {add = true, strides = array<i32>} : memref<520x128xf32, #tpu.memory_space<vmem>>, vector<16xf32>,
          %swap3A_454 = arith.index_cast %select_n3A_158 : i32 to index
          %swap3A_455 = arith.constant 16 : index
          %swap3A_456 = tpu.vector_load %arg12[%swap3A_454, %swap3A_455] {strides = array<i32>} : memref<520x128xf32, #tpu.memory_space<vmem>>, vector<16xf32>,
          tpu.vector_store %arg12[%swap3A_454, %swap3A_455], %mul3A_367 {add = true, strides = array<i32>} : memref<520x128xf32, #tpu.memory_space<vmem>>, vector<16xf32>,
          %swap3A_457 = arith.index_cast %select_n3A_158 : i32 to index
          %swap3A_458 = arith.constant 32 : index
          %swap3A_459 = tpu.vector_load %arg12[%swap3A_457, %swap3A_458] {strides = array<i32>} : memref<520x128xf32, #tpu.memory_space<vmem>>, vector<16xf32>,
          tpu.vector_store %arg12[%swap3A_457, %swap3A_458], %mul3A_371 {add = true, strides = array<i32>} : memref<520x128xf32, #tpu.memory_space<vmem>>, vector<16xf32>,
          %swap3A_460 = arith.index_cast %select_n3A_158 : i32 to index
          %swap3A_461 = arith.constant 48 : index
          %swap3A_462 = tpu.vector_load %arg12[%swap3A_460, %swap3A_461] {strides = array<i32>} : memref<520x128xf32, #tpu.memory_space<vmem>>, vector<16xf32>,
          tpu.vector_store %arg12[%swap3A_460, %swap3A_461], %mul3A_375 {add = true, strides = array<i32>} : memref<520x128xf32, #tpu.memory_space<vmem>>, vector<16xf32>,
          %swap3A_463 = arith.index_cast %select_n3A_158 : i32 to index
          %swap3A_464 = arith.constant 64 : index
          %swap3A_465 = tpu.vector_load %arg12[%swap3A_463, %swap3A_464] {strides = array<i32>} : memref<520x128xf32, #tpu.memory_space<vmem>>, vector<16xf32>,
          tpu.vector_store %arg12[%swap3A_463, %swap3A_464], %mul3A_379 {add = true, strides = array<i32>} : memref<520x128xf32, #tpu.memory_space<vmem>>, vector<16xf32>,
          %swap3A_466 = arith.index_cast %select_n3A_158 : i32 to index
          %swap3A_467 = arith.constant 80 : index
          %swap3A_468 = tpu.vector_load %arg12[%swap3A_466, %swap3A_467] {strides = array<i32>} : memref<520x128xf32, #tpu.memory_space<vmem>>, vector<16xf32>,
          tpu.vector_store %arg12[%swap3A_466, %swap3A_467], %mul3A_383 {add = true, strides = array<i32>} : memref<520x128xf32, #tpu.memory_space<vmem>>, vector<16xf32>,
          %swap3A_469 = arith.index_cast %select_n3A_158 : i32 to index
          %swap3A_470 = arith.constant 96 : index
          %swap3A_471 = tpu.vector_load %arg12[%swap3A_469, %swap3A_470] {strides = array<i32>} : memref<520x128xf32, #tpu.memory_space<vmem>>, vector<16xf32>,
          tpu.vector_store %arg12[%swap3A_469, %swap3A_470], %mul3A_387 {add = true, strides = array<i32>} : memref<520x128xf32, #tpu.memory_space<vmem>>, vector<16xf32>,
          %swap3A_472 = arith.index_cast %select_n3A_158 : i32 to index
          %swap3A_473 = arith.constant 112 : index
          %swap3A_474 = tpu.vector_load %arg12[%swap3A_472, %swap3A_473] {strides = array<i32>} : memref<520x128xf32, #tpu.memory_space<vmem>>, vector<16xf32>,
          tpu.vector_store %arg12[%swap3A_472, %swap3A_473], %mul3A_391 {add = true, strides = array<i32>} : memref<520x128xf32, #tpu.memory_space<vmem>>, vector<16xf32>,
          %mul3A_475 = arith.constant 16 : i32
          %mul3A_476 = arith.muli %scan3A_102, %mul3A_475 : i32
          %add3A_477 = arith.constant 3 : i32
          %add3A_478 = arith.addi %mul3A_476, %add3A_477 : i32
          %get3A_479 = arith.index_cast %add3A_478 : i32 to index
          %get3A_480 = arith.constant 0 : index
          %get3A_481 = tpu.vector_load %arg10[%get3A_479, %get3A_480] {strides = array<i32>} : memref<128x128xf32, #tpu.memory_space<vmem>>, vector<16xf32>,
          %mul3A_482 = arith.mulf %get3A_481, %gather3A_271 : vector<16xf32>
          %get3A_483 = arith.index_cast %add3A_478 : i32 to index
          %get3A_484 = arith.constant 16 : index
          %get3A_485 = tpu.vector_load %arg10[%get3A_483, %get3A_484] {strides = array<i32>} : memref<128x128xf32, #tpu.memory_space<vmem>>, vector<16xf32>,
          %mul3A_486 = arith.mulf %get3A_485, %gather3A_271 : vector<16xf32>
          %get3A_487 = arith.index_cast %add3A_478 : i32 to index
          %get3A_488 = arith.constant 32 : index
          %get3A_489 = tpu.vector_load %arg10[%get3A_487, %get3A_488] {strides = array<i32>} : memref<128x128xf32, #tpu.memory_space<vmem>>, vector<16xf32>,
          %mul3A_490 = arith.mulf %get3A_489, %gather3A_271 : vector<16xf32>
          %get3A_491 = arith.index_cast %add3A_478 : i32 to index
          %get3A_492 = arith.constant 48 : index
          %get3A_493 = tpu.vector_load %arg10[%get3A_491, %get3A_492] {strides = array<i32>} : memref<128x128xf32, #tpu.memory_space<vmem>>, vector<16xf32>,
          %mul3A_494 = arith.mulf %get3A_493, %gather3A_271 : vector<16xf32>
          %get3A_495 = arith.index_cast %add3A_478 : i32 to index
          %get3A_496 = arith.constant 64 : index
          %get3A_497 = tpu.vector_load %arg10[%get3A_495, %get3A_496] {strides = array<i32>} : memref<128x128xf32, #tpu.memory_space<vmem>>, vector<16xf32>,
          %mul3A_498 = arith.mulf %get3A_497, %gather3A_271 : vector<16xf32>
          %get3A_499 = arith.index_cast %add3A_478 : i32 to index
          %get3A_500 = arith.constant 80 : index
          %get3A_501 = tpu.vector_load %arg10[%get3A_499, %get3A_500] {strides = array<i32>} : memref<128x128xf32, #tpu.memory_space<vmem>>, vector<16xf32>,
          %mul3A_502 = arith.mulf %get3A_501, %gather3A_271 : vector<16xf32>
          %get3A_503 = arith.index_cast %add3A_478 : i32 to index
          %get3A_504 = arith.constant 96 : index
          %get3A_505 = tpu.vector_load %arg10[%get3A_503, %get3A_504] {strides = array<i32>} : memref<128x128xf32, #tpu.memory_space<vmem>>, vector<16xf32>,
          %mul3A_506 = arith.mulf %get3A_505, %gather3A_271 : vector<16xf32>
          %get3A_507 = arith.index_cast %add3A_478 : i32 to index
          %get3A_508 = arith.constant 112 : index
          %get3A_509 = tpu.vector_load %arg10[%get3A_507, %get3A_508] {strides = array<i32>} : memref<128x128xf32, #tpu.memory_space<vmem>>, vector<16xf32>,
          %mul3A_510 = arith.mulf %get3A_509, %gather3A_271 : vector<16xf32>
          %swap3A_511 = arith.index_cast %select_n3A_165 : i32 to index
          %swap3A_512 = arith.constant 0 : index
          %swap3A_513 = tpu.vector_load %arg12[%swap3A_511, %swap3A_512] {strides = array<i32>} : memref<520x128xf32, #tpu.memory_space<vmem>>, vector<16xf32>,
          tpu.vector_store %arg12[%swap3A_511, %swap3A_512], %mul3A_422 {add = true, strides = array<i32>} : memref<520x128xf32, #tpu.memory_space<vmem>>, vector<16xf32>,
          %swap3A_514 = arith.index_cast %select_n3A_165 : i32 to index
          %swap3A_515 = arith.constant 16 : index
          %swap3A_516 = tpu.vector_load %arg12[%swap3A_514, %swap3A_515] {strides = array<i32>} : memref<520x128xf32, #tpu.memory_space<vmem>>, vector<16xf32>,
          tpu.vector_store %arg12[%swap3A_514, %swap3A_515], %mul3A_426 {add = true, strides = array<i32>} : memref<520x128xf32, #tpu.memory_space<vmem>>, vector<16xf32>,
          %swap3A_517 = arith.index_cast %select_n3A_165 : i32 to index
          %swap3A_518 = arith.constant 32 : index
          %swap3A_519 = tpu.vector_load %arg12[%swap3A_517, %swap3A_518] {strides = array<i32>} : memref<520x128xf32, #tpu.memory_space<vmem>>, vector<16xf32>,
          tpu.vector_store %arg12[%swap3A_517, %swap3A_518], %mul3A_430 {add = true, strides = array<i32>} : memref<520x128xf32, #tpu.memory_space<vmem>>, vector<16xf32>,
          %swap3A_520 = arith.index_cast %select_n3A_165 : i32 to index
          %swap3A_521 = arith.constant 48 : index
          %swap3A_522 = tpu.vector_load %arg12[%swap3A_520, %swap3A_521] {strides = array<i32>} : memref<520x128xf32, #tpu.memory_space<vmem>>, vector<16xf32>,
          tpu.vector_store %arg12[%swap3A_520, %swap3A_521], %mul3A_434 {add = true, strides = array<i32>} : memref<520x128xf32, #tpu.memory_space<vmem>>, vector<16xf32>,
          %swap3A_523 = arith.index_cast %select_n3A_165 : i32 to index
          %swap3A_524 = arith.constant 64 : index
          %swap3A_525 = tpu.vector_load %arg12[%swap3A_523, %swap3A_524] {strides = array<i32>} : memref<520x128xf32, #tpu.memory_space<vmem>>, vector<16xf32>,
          tpu.vector_store %arg12[%swap3A_523, %swap3A_524], %mul3A_438 {add = true, strides = array<i32>} : memref<520x128xf32, #tpu.memory_space<vmem>>, vector<16xf32>,
          %swap3A_526 = arith.index_cast %select_n3A_165 : i32 to index
          %swap3A_527 = arith.constant 80 : index
          %swap3A_528 = tpu.vector_load %arg12[%swap3A_526, %swap3A_527] {strides = array<i32>} : memref<520x128xf32, #tpu.memory_space<vmem>>, vector<16xf32>,
          tpu.vector_store %arg12[%swap3A_526, %swap3A_527], %mul3A_442 {add = true, strides = array<i32>} : memref<520x128xf32, #tpu.memory_space<vmem>>, vector<16xf32>,
          %swap3A_529 = arith.index_cast %select_n3A_165 : i32 to index
          %swap3A_530 = arith.constant 96 : index
          %swap3A_531 = tpu.vector_load %arg12[%swap3A_529, %swap3A_530] {strides = array<i32>} : memref<520x128xf32, #tpu.memory_space<vmem>>, vector<16xf32>,
          tpu.vector_store %arg12[%swap3A_529, %swap3A_530], %mul3A_446 {add = true, strides = array<i32>} : memref<520x128xf32, #tpu.memory_space<vmem>>, vector<16xf32>,
          %swap3A_532 = arith.index_cast %select_n3A_165 : i32 to index
          %swap3A_533 = arith.constant 112 : index
          %swap3A_534 = tpu.vector_load %arg12[%swap3A_532, %swap3A_533] {strides = array<i32>} : memref<520x128xf32, #tpu.memory_space<vmem>>, vector<16xf32>,
          tpu.vector_store %arg12[%swap3A_532, %swap3A_533], %mul3A_450 {add = true, strides = array<i32>} : memref<520x128xf32, #tpu.memory_space<vmem>>, vector<16xf32>,
          %mul3A_535 = arith.constant 16 : i32
          %mul3A_536 = arith.muli %scan3A_102, %mul3A_535 : i32
          %add3A_537 = arith.constant 4 : i32
          %add3A_538 = arith.addi %mul3A_536, %add3A_537 : i32
          %get3A_539 = arith.index_cast %add3A_538 : i32 to index
          %get3A_540 = arith.constant 0 : index
          %get3A_541 = tpu.vector_load %arg10[%get3A_539, %get3A_540] {strides = array<i32>} : memref<128x128xf32, #tpu.memory_space<vmem>>, vector<16xf32>,
          %mul3A_542 = arith.mulf %get3A_541, %gather3A_275 : vector<16xf32>
          %get3A_543 = arith.index_cast %add3A_538 : i32 to index
          %get3A_544 = arith.constant 16 : index
          %get3A_545 = tpu.vector_load %arg10[%get3A_543, %get3A_544] {strides = array<i32>} : memref<128x128xf32, #tpu.memory_space<vmem>>, vector<16xf32>,
          %mul3A_546 = arith.mulf %get3A_545, %gather3A_275 : vector<16xf32>
          %get3A_547 = arith.index_cast %add3A_538 : i32 to index
          %get3A_548 = arith.constant 32 : index
          %get3A_549 = tpu.vector_load %arg10[%get3A_547, %get3A_548] {strides = array<i32>} : memref<128x128xf32, #tpu.memory_space<vmem>>, vector<16xf32>,
          %mul3A_550 = arith.mulf %get3A_549, %gather3A_275 : vector<16xf32>
          %get3A_551 = arith.index_cast %add3A_538 : i32 to index
          %get3A_552 = arith.constant 48 : index
          %get3A_553 = tpu.vector_load %arg10[%get3A_551, %get3A_552] {strides = array<i32>} : memref<128x128xf32, #tpu.memory_space<vmem>>, vector<16xf32>,
          %mul3A_554 = arith.mulf %get3A_553, %gather3A_275 : vector<16xf32>
          %get3A_555 = arith.index_cast %add3A_538 : i32 to index
          %get3A_556 = arith.constant 64 : index
          %get3A_557 = tpu.vector_load %arg10[%get3A_555, %get3A_556] {strides = array<i32>} : memref<128x128xf32, #tpu.memory_space<vmem>>, vector<16xf32>,
          %mul3A_558 = arith.mulf %get3A_557, %gather3A_275 : vector<16xf32>
          %get3A_559 = arith.index_cast %add3A_538 : i32 to index
          %get3A_560 = arith.constant 80 : index
          %get3A_561 = tpu.vector_load %arg10[%get3A_559, %get3A_560] {strides = array<i32>} : memref<128x128xf32, #tpu.memory_space<vmem>>, vector<16xf32>,
          %mul3A_562 = arith.mulf %get3A_561, %gather3A_275 : vector<16xf32>
          %get3A_563 = arith.index_cast %add3A_538 : i32 to index
          %get3A_564 = arith.constant 96 : index
          %get3A_565 = tpu.vector_load %arg10[%get3A_563, %get3A_564] {strides = array<i32>} : memref<128x128xf32, #tpu.memory_space<vmem>>, vector<16xf32>,
          %mul3A_566 = arith.mulf %get3A_565, %gather3A_275 : vector<16xf32>
          %get3A_567 = arith.index_cast %add3A_538 : i32 to index
          %get3A_568 = arith.constant 112 : index
          %get3A_569 = tpu.vector_load %arg10[%get3A_567, %get3A_568] {strides = array<i32>} : memref<128x128xf32, #tpu.memory_space<vmem>>, vector<16xf32>,
          %mul3A_570 = arith.mulf %get3A_569, %gather3A_275 : vector<16xf32>
          %swap3A_571 = arith.index_cast %select_n3A_172 : i32 to index
          %swap3A_572 = arith.constant 0 : index
          %swap3A_573 = tpu.vector_load %arg12[%swap3A_571, %swap3A_572] {strides = array<i32>} : memref<520x128xf32, #tpu.memory_space<vmem>>, vector<16xf32>,
          tpu.vector_store %arg12[%swap3A_571, %swap3A_572], %mul3A_482 {add = true, strides = array<i32>} : memref<520x128xf32, #tpu.memory_space<vmem>>, vector<16xf32>,
          %swap3A_574 = arith.index_cast %select_n3A_172 : i32 to index
          %swap3A_575 = arith.constant 16 : index
          %swap3A_576 = tpu.vector_load %arg12[%swap3A_574, %swap3A_575] {strides = array<i32>} : memref<520x128xf32, #tpu.memory_space<vmem>>, vector<16xf32>,
          tpu.vector_store %arg12[%swap3A_574, %swap3A_575], %mul3A_486 {add = true, strides = array<i32>} : memref<520x128xf32, #tpu.memory_space<vmem>>, vector<16xf32>,
          %swap3A_577 = arith.index_cast %select_n3A_172 : i32 to index
          %swap3A_578 = arith.constant 32 : index
          %swap3A_579 = tpu.vector_load %arg12[%swap3A_577, %swap3A_578] {strides = array<i32>} : memref<520x128xf32, #tpu.memory_space<vmem>>, vector<16xf32>,
          tpu.vector_store %arg12[%swap3A_577, %swap3A_578], %mul3A_490 {add = true, strides = array<i32>} : memref<520x128xf32, #tpu.memory_space<vmem>>, vector<16xf32>,
          %swap3A_580 = arith.index_cast %select_n3A_172 : i32 to index
          %swap3A_581 = arith.constant 48 : index
          %swap3A_582 = tpu.vector_load %arg12[%swap3A_580, %swap3A_581] {strides = array<i32>} : memref<520x128xf32, #tpu.memory_space<vmem>>, vector<16xf32>,
          tpu.vector_store %arg12[%swap3A_580, %swap3A_581], %mul3A_494 {add = true, strides = array<i32>} : memref<520x128xf32, #tpu.memory_space<vmem>>, vector<16xf32>,
          %swap3A_583 = arith.index_cast %select_n3A_172 : i32 to index
          %swap3A_584 = arith.constant 64 : index
          %swap3A_585 = tpu.vector_load %arg12[%swap3A_583, %swap3A_584] {strides = array<i32>} : memref<520x128xf32, #tpu.memory_space<vmem>>, vector<16xf32>,
          tpu.vector_store %arg12[%swap3A_583, %swap3A_584], %mul3A_498 {add = true, strides = array<i32>} : memref<520x128xf32, #tpu.memory_space<vmem>>, vector<16xf32>,
          %swap3A_586 = arith.index_cast %select_n3A_172 : i32 to index
          %swap3A_587 = arith.constant 80 : index
          %swap3A_588 = tpu.vector_load %arg12[%swap3A_586, %swap3A_587] {strides = array<i32>} : memref<520x128xf32, #tpu.memory_space<vmem>>, vector<16xf32>,
          tpu.vector_store %arg12[%swap3A_586, %swap3A_587], %mul3A_502 {add = true, strides = array<i32>} : memref<520x128xf32, #tpu.memory_space<vmem>>, vector<16xf32>,
          %swap3A_589 = arith.index_cast %select_n3A_172 : i32 to index
          %swap3A_590 = arith.constant 96 : index
          %swap3A_591 = tpu.vector_load %arg12[%swap3A_589, %swap3A_590] {strides = array<i32>} : memref<520x128xf32, #tpu.memory_space<vmem>>, vector<16xf32>,
          tpu.vector_store %arg12[%swap3A_589, %swap3A_590], %mul3A_506 {add = true, strides = array<i32>} : memref<520x128xf32, #tpu.memory_space<vmem>>, vector<16xf32>,
          %swap3A_592 = arith.index_cast %select_n3A_172 : i32 to index
          %swap3A_593 = arith.constant 112 : index
          %swap3A_594 = tpu.vector_load %arg12[%swap3A_592, %swap3A_593] {strides = array<i32>} : memref<520x128xf32, #tpu.memory_space<vmem>>, vector<16xf32>,
          tpu.vector_store %arg12[%swap3A_592, %swap3A_593], %mul3A_510 {add = true, strides = array<i32>} : memref<520x128xf32, #tpu.memory_space<vmem>>, vector<16xf32>,
          %mul3A_595 = arith.constant 16 : i32
          %mul3A_596 = arith.muli %scan3A_102, %mul3A_595 : i32
          %add3A_597 = arith.constant 5 : i32
          %add3A_598 = arith.addi %mul3A_596, %add3A_597 : i32
          %get3A_599 = arith.index_cast %add3A_598 : i32 to index
          %get3A_600 = arith.constant 0 : index
          %get3A_601 = tpu.vector_load %arg10[%get3A_599, %get3A_600] {strides = array<i32>} : memref<128x128xf32, #tpu.memory_space<vmem>>, vector<16xf32>,
          %mul3A_602 = arith.mulf %get3A_601, %gather3A_279 : vector<16xf32>
          %get3A_603 = arith.index_cast %add3A_598 : i32 to index
          %get3A_604 = arith.constant 16 : index
          %get3A_605 = tpu.vector_load %arg10[%get3A_603, %get3A_604] {strides = array<i32>} : memref<128x128xf32, #tpu.memory_space<vmem>>, vector<16xf32>,
          %mul3A_606 = arith.mulf %get3A_605, %gather3A_279 : vector<16xf32>
          %get3A_607 = arith.index_cast %add3A_598 : i32 to index
          %get3A_608 = arith.constant 32 : index
          %get3A_609 = tpu.vector_load %arg10[%get3A_607, %get3A_608] {strides = array<i32>} : memref<128x128xf32, #tpu.memory_space<vmem>>, vector<16xf32>,
          %mul3A_610 = arith.mulf %get3A_609, %gather3A_279 : vector<16xf32>
          %get3A_611 = arith.index_cast %add3A_598 : i32 to index
          %get3A_612 = arith.constant 48 : index
          %get3A_613 = tpu.vector_load %arg10[%get3A_611, %get3A_612] {strides = array<i32>} : memref<128x128xf32, #tpu.memory_space<vmem>>, vector<16xf32>,
          %mul3A_614 = arith.mulf %get3A_613, %gather3A_279 : vector<16xf32>
          %get3A_615 = arith.index_cast %add3A_598 : i32 to index
          %get3A_616 = arith.constant 64 : index
          %get3A_617 = tpu.vector_load %arg10[%get3A_615, %get3A_616] {strides = array<i32>} : memref<128x128xf32, #tpu.memory_space<vmem>>, vector<16xf32>,
          %mul3A_618 = arith.mulf %get3A_617, %gather3A_279 : vector<16xf32>
          %get3A_619 = arith.index_cast %add3A_598 : i32 to index
          %get3A_620 = arith.constant 80 : index
          %get3A_621 = tpu.vector_load %arg10[%get3A_619, %get3A_620] {strides = array<i32>} : memref<128x128xf32, #tpu.memory_space<vmem>>, vector<16xf32>,
          %mul3A_622 = arith.mulf %get3A_621, %gather3A_279 : vector<16xf32>
          %get3A_623 = arith.index_cast %add3A_598 : i32 to index
          %get3A_624 = arith.constant 96 : index
          %get3A_625 = tpu.vector_load %arg10[%get3A_623, %get3A_624] {strides = array<i32>} : memref<128x128xf32, #tpu.memory_space<vmem>>, vector<16xf32>,
          %mul3A_626 = arith.mulf %get3A_625, %gather3A_279 : vector<16xf32>
          %get3A_627 = arith.index_cast %add3A_598 : i32 to index
          %get3A_628 = arith.constant 112 : index
          %get3A_629 = tpu.vector_load %arg10[%get3A_627, %get3A_628] {strides = array<i32>} : memref<128x128xf32, #tpu.memory_space<vmem>>, vector<16xf32>,
          %mul3A_630 = arith.mulf %get3A_629, %gather3A_279 : vector<16xf32>
          %swap3A_631 = arith.index_cast %select_n3A_179 : i32 to index
          %swap3A_632 = arith.constant 0 : index
          %swap3A_633 = tpu.vector_load %arg12[%swap3A_631, %swap3A_632] {strides = array<i32>} : memref<520x128xf32, #tpu.memory_space<vmem>>, vector<16xf32>,
          tpu.vector_store %arg12[%swap3A_631, %swap3A_632], %mul3A_542 {add = true, strides = array<i32>} : memref<520x128xf32, #tpu.memory_space<vmem>>, vector<16xf32>,
          %swap3A_634 = arith.index_cast %select_n3A_179 : i32 to index
          %swap3A_635 = arith.constant 16 : index
          %swap3A_636 = tpu.vector_load %arg12[%swap3A_634, %swap3A_635] {strides = array<i32>} : memref<520x128xf32, #tpu.memory_space<vmem>>, vector<16xf32>,
          tpu.vector_store %arg12[%swap3A_634, %swap3A_635], %mul3A_546 {add = true, strides = array<i32>} : memref<520x128xf32, #tpu.memory_space<vmem>>, vector<16xf32>,
          %swap3A_637 = arith.index_cast %select_n3A_179 : i32 to index
          %swap3A_638 = arith.constant 32 : index
          %swap3A_639 = tpu.vector_load %arg12[%swap3A_637, %swap3A_638] {strides = array<i32>} : memref<520x128xf32, #tpu.memory_space<vmem>>, vector<16xf32>,
          tpu.vector_store %arg12[%swap3A_637, %swap3A_638], %mul3A_550 {add = true, strides = array<i32>} : memref<520x128xf32, #tpu.memory_space<vmem>>, vector<16xf32>,
          %swap3A_640 = arith.index_cast %select_n3A_179 : i32 to index
          %swap3A_641 = arith.constant 48 : index
          %swap3A_642 = tpu.vector_load %arg12[%swap3A_640, %swap3A_641] {strides = array<i32>} : memref<520x128xf32, #tpu.memory_space<vmem>>, vector<16xf32>,
          tpu.vector_store %arg12[%swap3A_640, %swap3A_641], %mul3A_554 {add = true, strides = array<i32>} : memref<520x128xf32, #tpu.memory_space<vmem>>, vector<16xf32>,
          %swap3A_643 = arith.index_cast %select_n3A_179 : i32 to index
          %swap3A_644 = arith.constant 64 : index
          %swap3A_645 = tpu.vector_load %arg12[%swap3A_643, %swap3A_644] {strides = array<i32>} : memref<520x128xf32, #tpu.memory_space<vmem>>, vector<16xf32>,
          tpu.vector_store %arg12[%swap3A_643, %swap3A_644], %mul3A_558 {add = true, strides = array<i32>} : memref<520x128xf32, #tpu.memory_space<vmem>>, vector<16xf32>,
          %swap3A_646 = arith.index_cast %select_n3A_179 : i32 to index
          %swap3A_647 = arith.constant 80 : index
          %swap3A_648 = tpu.vector_load %arg12[%swap3A_646, %swap3A_647] {strides = array<i32>} : memref<520x128xf32, #tpu.memory_space<vmem>>, vector<16xf32>,
          tpu.vector_store %arg12[%swap3A_646, %swap3A_647], %mul3A_562 {add = true, strides = array<i32>} : memref<520x128xf32, #tpu.memory_space<vmem>>, vector<16xf32>,
          %swap3A_649 = arith.index_cast %select_n3A_179 : i32 to index
          %swap3A_650 = arith.constant 96 : index
          %swap3A_651 = tpu.vector_load %arg12[%swap3A_649, %swap3A_650] {strides = array<i32>} : memref<520x128xf32, #tpu.memory_space<vmem>>, vector<16xf32>,
          tpu.vector_store %arg12[%swap3A_649, %swap3A_650], %mul3A_566 {add = true, strides = array<i32>} : memref<520x128xf32, #tpu.memory_space<vmem>>, vector<16xf32>,
          %swap3A_652 = arith.index_cast %select_n3A_179 : i32 to index
          %swap3A_653 = arith.constant 112 : index
          %swap3A_654 = tpu.vector_load %arg12[%swap3A_652, %swap3A_653] {strides = array<i32>} : memref<520x128xf32, #tpu.memory_space<vmem>>, vector<16xf32>,
          tpu.vector_store %arg12[%swap3A_652, %swap3A_653], %mul3A_570 {add = true, strides = array<i32>} : memref<520x128xf32, #tpu.memory_space<vmem>>, vector<16xf32>,
          %mul3A_655 = arith.constant 16 : i32
          %mul3A_656 = arith.muli %scan3A_102, %mul3A_655 : i32
          %add3A_657 = arith.constant 6 : i32
          %add3A_658 = arith.addi %mul3A_656, %add3A_657 : i32
          %get3A_659 = arith.index_cast %add3A_658 : i32 to index
          %get3A_660 = arith.constant 0 : index
          %get3A_661 = tpu.vector_load %arg10[%get3A_659, %get3A_660] {strides = array<i32>} : memref<128x128xf32, #tpu.memory_space<vmem>>, vector<16xf32>,
          %mul3A_662 = arith.mulf %get3A_661, %gather3A_283 : vector<16xf32>
          %get3A_663 = arith.index_cast %add3A_658 : i32 to index
          %get3A_664 = arith.constant 16 : index
          %get3A_665 = tpu.vector_load %arg10[%get3A_663, %get3A_664] {strides = array<i32>} : memref<128x128xf32, #tpu.memory_space<vmem>>, vector<16xf32>,
          %mul3A_666 = arith.mulf %get3A_665, %gather3A_283 : vector<16xf32>
          %get3A_667 = arith.index_cast %add3A_658 : i32 to index
          %get3A_668 = arith.constant 32 : index
          %get3A_669 = tpu.vector_load %arg10[%get3A_667, %get3A_668] {strides = array<i32>} : memref<128x128xf32, #tpu.memory_space<vmem>>, vector<16xf32>,
          %mul3A_670 = arith.mulf %get3A_669, %gather3A_283 : vector<16xf32>
          %get3A_671 = arith.index_cast %add3A_658 : i32 to index
          %get3A_672 = arith.constant 48 : index
          %get3A_673 = tpu.vector_load %arg10[%get3A_671, %get3A_672] {strides = array<i32>} : memref<128x128xf32, #tpu.memory_space<vmem>>, vector<16xf32>,
          %mul3A_674 = arith.mulf %get3A_673, %gather3A_283 : vector<16xf32>
          %get3A_675 = arith.index_cast %add3A_658 : i32 to index
          %get3A_676 = arith.constant 64 : index
          %get3A_677 = tpu.vector_load %arg10[%get3A_675, %get3A_676] {strides = array<i32>} : memref<128x128xf32, #tpu.memory_space<vmem>>, vector<16xf32>,
          %mul3A_678 = arith.mulf %get3A_677, %gather3A_283 : vector<16xf32>
          %get3A_679 = arith.index_cast %add3A_658 : i32 to index
          %get3A_680 = arith.constant 80 : index
          %get3A_681 = tpu.vector_load %arg10[%get3A_679, %get3A_680] {strides = array<i32>} : memref<128x128xf32, #tpu.memory_space<vmem>>, vector<16xf32>,
          %mul3A_682 = arith.mulf %get3A_681, %gather3A_283 : vector<16xf32>
          %get3A_683 = arith.index_cast %add3A_658 : i32 to index
          %get3A_684 = arith.constant 96 : index
          %get3A_685 = tpu.vector_load %arg10[%get3A_683, %get3A_684] {strides = array<i32>} : memref<128x128xf32, #tpu.memory_space<vmem>>, vector<16xf32>,
          %mul3A_686 = arith.mulf %get3A_685, %gather3A_283 : vector<16xf32>
          %get3A_687 = arith.index_cast %add3A_658 : i32 to index
          %get3A_688 = arith.constant 112 : index
          %get3A_689 = tpu.vector_load %arg10[%get3A_687, %get3A_688] {strides = array<i32>} : memref<128x128xf32, #tpu.memory_space<vmem>>, vector<16xf32>,
          %mul3A_690 = arith.mulf %get3A_689, %gather3A_283 : vector<16xf32>
          %swap3A_691 = arith.index_cast %select_n3A_186 : i32 to index
          %swap3A_692 = arith.constant 0 : index
          %swap3A_693 = tpu.vector_load %arg12[%swap3A_691, %swap3A_692] {strides = array<i32>} : memref<520x128xf32, #tpu.memory_space<vmem>>, vector<16xf32>,
          tpu.vector_store %arg12[%swap3A_691, %swap3A_692], %mul3A_602 {add = true, strides = array<i32>} : memref<520x128xf32, #tpu.memory_space<vmem>>, vector<16xf32>,
          %swap3A_694 = arith.index_cast %select_n3A_186 : i32 to index
          %swap3A_695 = arith.constant 16 : index
          %swap3A_696 = tpu.vector_load %arg12[%swap3A_694, %swap3A_695] {strides = array<i32>} : memref<520x128xf32, #tpu.memory_space<vmem>>, vector<16xf32>,
          tpu.vector_store %arg12[%swap3A_694, %swap3A_695], %mul3A_606 {add = true, strides = array<i32>} : memref<520x128xf32, #tpu.memory_space<vmem>>, vector<16xf32>,
          %swap3A_697 = arith.index_cast %select_n3A_186 : i32 to index
          %swap3A_698 = arith.constant 32 : index
          %swap3A_699 = tpu.vector_load %arg12[%swap3A_697, %swap3A_698] {strides = array<i32>} : memref<520x128xf32, #tpu.memory_space<vmem>>, vector<16xf32>,
          tpu.vector_store %arg12[%swap3A_697, %swap3A_698], %mul3A_610 {add = true, strides = array<i32>} : memref<520x128xf32, #tpu.memory_space<vmem>>, vector<16xf32>,
          %swap3A_700 = arith.index_cast %select_n3A_186 : i32 to index
          %swap3A_701 = arith.constant 48 : index
          %swap3A_702 = tpu.vector_load %arg12[%swap3A_700, %swap3A_701] {strides = array<i32>} : memref<520x128xf32, #tpu.memory_space<vmem>>, vector<16xf32>,
          tpu.vector_store %arg12[%swap3A_700, %swap3A_701], %mul3A_614 {add = true, strides = array<i32>} : memref<520x128xf32, #tpu.memory_space<vmem>>, vector<16xf32>,
          %swap3A_703 = arith.index_cast %select_n3A_186 : i32 to index
          %swap3A_704 = arith.constant 64 : index
          %swap3A_705 = tpu.vector_load %arg12[%swap3A_703, %swap3A_704] {strides = array<i32>} : memref<520x128xf32, #tpu.memory_space<vmem>>, vector<16xf32>,
          tpu.vector_store %arg12[%swap3A_703, %swap3A_704], %mul3A_618 {add = true, strides = array<i32>} : memref<520x128xf32, #tpu.memory_space<vmem>>, vector<16xf32>,
          %swap3A_706 = arith.index_cast %select_n3A_186 : i32 to index
          %swap3A_707 = arith.constant 80 : index
          %swap3A_708 = tpu.vector_load %arg12[%swap3A_706, %swap3A_707] {strides = array<i32>} : memref<520x128xf32, #tpu.memory_space<vmem>>, vector<16xf32>,
          tpu.vector_store %arg12[%swap3A_706, %swap3A_707], %mul3A_622 {add = true, strides = array<i32>} : memref<520x128xf32, #tpu.memory_space<vmem>>, vector<16xf32>,
          %swap3A_709 = arith.index_cast %select_n3A_186 : i32 to index
          %swap3A_710 = arith.constant 96 : index
          %swap3A_711 = tpu.vector_load %arg12[%swap3A_709, %swap3A_710] {strides = array<i32>} : memref<520x128xf32, #tpu.memory_space<vmem>>, vector<16xf32>,
          tpu.vector_store %arg12[%swap3A_709, %swap3A_710], %mul3A_626 {add = true, strides = array<i32>} : memref<520x128xf32, #tpu.memory_space<vmem>>, vector<16xf32>,
          %swap3A_712 = arith.index_cast %select_n3A_186 : i32 to index
          %swap3A_713 = arith.constant 112 : index
          %swap3A_714 = tpu.vector_load %arg12[%swap3A_712, %swap3A_713] {strides = array<i32>} : memref<520x128xf32, #tpu.memory_space<vmem>>, vector<16xf32>,
          tpu.vector_store %arg12[%swap3A_712, %swap3A_713], %mul3A_630 {add = true, strides = array<i32>} : memref<520x128xf32, #tpu.memory_space<vmem>>, vector<16xf32>,
          %mul3A_715 = arith.constant 16 : i32
          %mul3A_716 = arith.muli %scan3A_102, %mul3A_715 : i32
          %add3A_717 = arith.constant 7 : i32
          %add3A_718 = arith.addi %mul3A_716, %add3A_717 : i32
          %get3A_719 = arith.index_cast %add3A_718 : i32 to index
          %get3A_720 = arith.constant 0 : index
          %get3A_721 = tpu.vector_load %arg10[%get3A_719, %get3A_720] {strides = array<i32>} : memref<128x128xf32, #tpu.memory_space<vmem>>, vector<16xf32>,
          %mul3A_722 = arith.mulf %get3A_721, %gather3A_287 : vector<16xf32>
          %get3A_723 = arith.index_cast %add3A_718 : i32 to index
          %get3A_724 = arith.constant 16 : index
          %get3A_725 = tpu.vector_load %arg10[%get3A_723, %get3A_724] {strides = array<i32>} : memref<128x128xf32, #tpu.memory_space<vmem>>, vector<16xf32>,
          %mul3A_726 = arith.mulf %get3A_725, %gather3A_287 : vector<16xf32>
          %get3A_727 = arith.index_cast %add3A_718 : i32 to index
          %get3A_728 = arith.constant 32 : index
          %get3A_729 = tpu.vector_load %arg10[%get3A_727, %get3A_728] {strides = array<i32>} : memref<128x128xf32, #tpu.memory_space<vmem>>, vector<16xf32>,
          %mul3A_730 = arith.mulf %get3A_729, %gather3A_287 : vector<16xf32>
          %get3A_731 = arith.index_cast %add3A_718 : i32 to index
          %get3A_732 = arith.constant 48 : index
          %get3A_733 = tpu.vector_load %arg10[%get3A_731, %get3A_732] {strides = array<i32>} : memref<128x128xf32, #tpu.memory_space<vmem>>, vector<16xf32>,
          %mul3A_734 = arith.mulf %get3A_733, %gather3A_287 : vector<16xf32>
          %get3A_735 = arith.index_cast %add3A_718 : i32 to index
          %get3A_736 = arith.constant 64 : index
          %get3A_737 = tpu.vector_load %arg10[%get3A_735, %get3A_736] {strides = array<i32>} : memref<128x128xf32, #tpu.memory_space<vmem>>, vector<16xf32>,
          %mul3A_738 = arith.mulf %get3A_737, %gather3A_287 : vector<16xf32>
          %get3A_739 = arith.index_cast %add3A_718 : i32 to index
          %get3A_740 = arith.constant 80 : index
          %get3A_741 = tpu.vector_load %arg10[%get3A_739, %get3A_740] {strides = array<i32>} : memref<128x128xf32, #tpu.memory_space<vmem>>, vector<16xf32>,
          %mul3A_742 = arith.mulf %get3A_741, %gather3A_287 : vector<16xf32>
          %get3A_743 = arith.index_cast %add3A_718 : i32 to index
          %get3A_744 = arith.constant 96 : index
          %get3A_745 = tpu.vector_load %arg10[%get3A_743, %get3A_744] {strides = array<i32>} : memref<128x128xf32, #tpu.memory_space<vmem>>, vector<16xf32>,
          %mul3A_746 = arith.mulf %get3A_745, %gather3A_287 : vector<16xf32>
          %get3A_747 = arith.index_cast %add3A_718 : i32 to index
          %get3A_748 = arith.constant 112 : index
          %get3A_749 = tpu.vector_load %arg10[%get3A_747, %get3A_748] {strides = array<i32>} : memref<128x128xf32, #tpu.memory_space<vmem>>, vector<16xf32>,
          %mul3A_750 = arith.mulf %get3A_749, %gather3A_287 : vector<16xf32>
          %swap3A_751 = arith.index_cast %select_n3A_193 : i32 to index
          %swap3A_752 = arith.constant 0 : index
          %swap3A_753 = tpu.vector_load %arg12[%swap3A_751, %swap3A_752] {strides = array<i32>} : memref<520x128xf32, #tpu.memory_space<vmem>>, vector<16xf32>,
          tpu.vector_store %arg12[%swap3A_751, %swap3A_752], %mul3A_662 {add = true, strides = array<i32>} : memref<520x128xf32, #tpu.memory_space<vmem>>, vector<16xf32>,
          %swap3A_754 = arith.index_cast %select_n3A_193 : i32 to index
          %swap3A_755 = arith.constant 16 : index
          %swap3A_756 = tpu.vector_load %arg12[%swap3A_754, %swap3A_755] {strides = array<i32>} : memref<520x128xf32, #tpu.memory_space<vmem>>, vector<16xf32>,
          tpu.vector_store %arg12[%swap3A_754, %swap3A_755], %mul3A_666 {add = true, strides = array<i32>} : memref<520x128xf32, #tpu.memory_space<vmem>>, vector<16xf32>,
          %swap3A_757 = arith.index_cast %select_n3A_193 : i32 to index
          %swap3A_758 = arith.constant 32 : index
          %swap3A_759 = tpu.vector_load %arg12[%swap3A_757, %swap3A_758] {strides = array<i32>} : memref<520x128xf32, #tpu.memory_space<vmem>>, vector<16xf32>,
          tpu.vector_store %arg12[%swap3A_757, %swap3A_758], %mul3A_670 {add = true, strides = array<i32>} : memref<520x128xf32, #tpu.memory_space<vmem>>, vector<16xf32>,
          %swap3A_760 = arith.index_cast %select_n3A_193 : i32 to index
          %swap3A_761 = arith.constant 48 : index
          %swap3A_762 = tpu.vector_load %arg12[%swap3A_760, %swap3A_761] {strides = array<i32>} : memref<520x128xf32, #tpu.memory_space<vmem>>, vector<16xf32>,
          tpu.vector_store %arg12[%swap3A_760, %swap3A_761], %mul3A_674 {add = true, strides = array<i32>} : memref<520x128xf32, #tpu.memory_space<vmem>>, vector<16xf32>,
          %swap3A_763 = arith.index_cast %select_n3A_193 : i32 to index
          %swap3A_764 = arith.constant 64 : index
          %swap3A_765 = tpu.vector_load %arg12[%swap3A_763, %swap3A_764] {strides = array<i32>} : memref<520x128xf32, #tpu.memory_space<vmem>>, vector<16xf32>,
          tpu.vector_store %arg12[%swap3A_763, %swap3A_764], %mul3A_678 {add = true, strides = array<i32>} : memref<520x128xf32, #tpu.memory_space<vmem>>, vector<16xf32>,
          %swap3A_766 = arith.index_cast %select_n3A_193 : i32 to index
          %swap3A_767 = arith.constant 80 : index
          %swap3A_768 = tpu.vector_load %arg12[%swap3A_766, %swap3A_767] {strides = array<i32>} : memref<520x128xf32, #tpu.memory_space<vmem>>, vector<16xf32>,
          tpu.vector_store %arg12[%swap3A_766, %swap3A_767], %mul3A_682 {add = true, strides = array<i32>} : memref<520x128xf32, #tpu.memory_space<vmem>>, vector<16xf32>,
          %swap3A_769 = arith.index_cast %select_n3A_193 : i32 to index
          %swap3A_770 = arith.constant 96 : index
          %swap3A_771 = tpu.vector_load %arg12[%swap3A_769, %swap3A_770] {strides = array<i32>} : memref<520x128xf32, #tpu.memory_space<vmem>>, vector<16xf32>,
          tpu.vector_store %arg12[%swap3A_769, %swap3A_770], %mul3A_686 {add = true, strides = array<i32>} : memref<520x128xf32, #tpu.memory_space<vmem>>, vector<16xf32>,
          %swap3A_772 = arith.index_cast %select_n3A_193 : i32 to index
          %swap3A_773 = arith.constant 112 : index
          %swap3A_774 = tpu.vector_load %arg12[%swap3A_772, %swap3A_773] {strides = array<i32>} : memref<520x128xf32, #tpu.memory_space<vmem>>, vector<16xf32>,
          tpu.vector_store %arg12[%swap3A_772, %swap3A_773], %mul3A_690 {add = true, strides = array<i32>} : memref<520x128xf32, #tpu.memory_space<vmem>>, vector<16xf32>,
          %mul3A_775 = arith.constant 16 : i32
          %mul3A_776 = arith.muli %scan3A_102, %mul3A_775 : i32
          %add3A_777 = arith.constant 8 : i32
          %add3A_778 = arith.addi %mul3A_776, %add3A_777 : i32
          %get3A_779 = arith.index_cast %add3A_778 : i32 to index
          %get3A_780 = arith.constant 0 : index
          %get3A_781 = tpu.vector_load %arg10[%get3A_779, %get3A_780] {strides = array<i32>} : memref<128x128xf32, #tpu.memory_space<vmem>>, vector<16xf32>,
          %mul3A_782 = arith.mulf %get3A_781, %gather3A_291 : vector<16xf32>
          %get3A_783 = arith.index_cast %add3A_778 : i32 to index
          %get3A_784 = arith.constant 16 : index
          %get3A_785 = tpu.vector_load %arg10[%get3A_783, %get3A_784] {strides = array<i32>} : memref<128x128xf32, #tpu.memory_space<vmem>>, vector<16xf32>,
          %mul3A_786 = arith.mulf %get3A_785, %gather3A_291 : vector<16xf32>
          %get3A_787 = arith.index_cast %add3A_778 : i32 to index
          %get3A_788 = arith.constant 32 : index
          %get3A_789 = tpu.vector_load %arg10[%get3A_787, %get3A_788] {strides = array<i32>} : memref<128x128xf32, #tpu.memory_space<vmem>>, vector<16xf32>,
          %mul3A_790 = arith.mulf %get3A_789, %gather3A_291 : vector<16xf32>
          %get3A_791 = arith.index_cast %add3A_778 : i32 to index
          %get3A_792 = arith.constant 48 : index
          %get3A_793 = tpu.vector_load %arg10[%get3A_791, %get3A_792] {strides = array<i32>} : memref<128x128xf32, #tpu.memory_space<vmem>>, vector<16xf32>,
          %mul3A_794 = arith.mulf %get3A_793, %gather3A_291 : vector<16xf32>
          %get3A_795 = arith.index_cast %add3A_778 : i32 to index
          %get3A_796 = arith.constant 64 : index
          %get3A_797 = tpu.vector_load %arg10[%get3A_795, %get3A_796] {strides = array<i32>} : memref<128x128xf32, #tpu.memory_space<vmem>>, vector<16xf32>,
          %mul3A_798 = arith.mulf %get3A_797, %gather3A_291 : vector<16xf32>
          %get3A_799 = arith.index_cast %add3A_778 : i32 to index
          %get3A_800 = arith.constant 80 : index
          %get3A_801 = tpu.vector_load %arg10[%get3A_799, %get3A_800] {strides = array<i32>} : memref<128x128xf32, #tpu.memory_space<vmem>>, vector<16xf32>,
          %mul3A_802 = arith.mulf %get3A_801, %gather3A_291 : vector<16xf32>
          %get3A_803 = arith.index_cast %add3A_778 : i32 to index
          %get3A_804 = arith.constant 96 : index
          %get3A_805 = tpu.vector_load %arg10[%get3A_803, %get3A_804] {strides = array<i32>} : memref<128x128xf32, #tpu.memory_space<vmem>>, vector<16xf32>,
          %mul3A_806 = arith.mulf %get3A_805, %gather3A_291 : vector<16xf32>
          %get3A_807 = arith.index_cast %add3A_778 : i32 to index
          %get3A_808 = arith.constant 112 : index
          %get3A_809 = tpu.vector_load %arg10[%get3A_807, %get3A_808] {strides = array<i32>} : memref<128x128xf32, #tpu.memory_space<vmem>>, vector<16xf32>,
          %mul3A_810 = arith.mulf %get3A_809, %gather3A_291 : vector<16xf32>
          %swap3A_811 = arith.index_cast %select_n3A_200 : i32 to index
          %swap3A_812 = arith.constant 0 : index
          %swap3A_813 = tpu.vector_load %arg12[%swap3A_811, %swap3A_812] {strides = array<i32>} : memref<520x128xf32, #tpu.memory_space<vmem>>, vector<16xf32>,
          tpu.vector_store %arg12[%swap3A_811, %swap3A_812], %mul3A_722 {add = true, strides = array<i32>} : memref<520x128xf32, #tpu.memory_space<vmem>>, vector<16xf32>,
          %swap3A_814 = arith.index_cast %select_n3A_200 : i32 to index
          %swap3A_815 = arith.constant 16 : index
          %swap3A_816 = tpu.vector_load %arg12[%swap3A_814, %swap3A_815] {strides = array<i32>} : memref<520x128xf32, #tpu.memory_space<vmem>>, vector<16xf32>,
          tpu.vector_store %arg12[%swap3A_814, %swap3A_815], %mul3A_726 {add = true, strides = array<i32>} : memref<520x128xf32, #tpu.memory_space<vmem>>, vector<16xf32>,
          %swap3A_817 = arith.index_cast %select_n3A_200 : i32 to index
          %swap3A_818 = arith.constant 32 : index
          %swap3A_819 = tpu.vector_load %arg12[%swap3A_817, %swap3A_818] {strides = array<i32>} : memref<520x128xf32, #tpu.memory_space<vmem>>, vector<16xf32>,
          tpu.vector_store %arg12[%swap3A_817, %swap3A_818], %mul3A_730 {add = true, strides = array<i32>} : memref<520x128xf32, #tpu.memory_space<vmem>>, vector<16xf32>,
          %swap3A_820 = arith.index_cast %select_n3A_200 : i32 to index
          %swap3A_821 = arith.constant 48 : index
          %swap3A_822 = tpu.vector_load %arg12[%swap3A_820, %swap3A_821] {strides = array<i32>} : memref<520x128xf32, #tpu.memory_space<vmem>>, vector<16xf32>,
          tpu.vector_store %arg12[%swap3A_820, %swap3A_821], %mul3A_734 {add = true, strides = array<i32>} : memref<520x128xf32, #tpu.memory_space<vmem>>, vector<16xf32>,
          %swap3A_823 = arith.index_cast %select_n3A_200 : i32 to index
          %swap3A_824 = arith.constant 64 : index
          %swap3A_825 = tpu.vector_load %arg12[%swap3A_823, %swap3A_824] {strides = array<i32>} : memref<520x128xf32, #tpu.memory_space<vmem>>, vector<16xf32>,
          tpu.vector_store %arg12[%swap3A_823, %swap3A_824], %mul3A_738 {add = true, strides = array<i32>} : memref<520x128xf32, #tpu.memory_space<vmem>>, vector<16xf32>,
          %swap3A_826 = arith.index_cast %select_n3A_200 : i32 to index
          %swap3A_827 = arith.constant 80 : index
          %swap3A_828 = tpu.vector_load %arg12[%swap3A_826, %swap3A_827] {strides = array<i32>} : memref<520x128xf32, #tpu.memory_space<vmem>>, vector<16xf32>,
          tpu.vector_store %arg12[%swap3A_826, %swap3A_827], %mul3A_742 {add = true, strides = array<i32>} : memref<520x128xf32, #tpu.memory_space<vmem>>, vector<16xf32>,
          %swap3A_829 = arith.index_cast %select_n3A_200 : i32 to index
          %swap3A_830 = arith.constant 96 : index
          %swap3A_831 = tpu.vector_load %arg12[%swap3A_829, %swap3A_830] {strides = array<i32>} : memref<520x128xf32, #tpu.memory_space<vmem>>, vector<16xf32>,
          tpu.vector_store %arg12[%swap3A_829, %swap3A_830], %mul3A_746 {add = true, strides = array<i32>} : memref<520x128xf32, #tpu.memory_space<vmem>>, vector<16xf32>,
          %swap3A_832 = arith.index_cast %select_n3A_200 : i32 to index
          %swap3A_833 = arith.constant 112 : index
          %swap3A_834 = tpu.vector_load %arg12[%swap3A_832, %swap3A_833] {strides = array<i32>} : memref<520x128xf32, #tpu.memory_space<vmem>>, vector<16xf32>,
          tpu.vector_store %arg12[%swap3A_832, %swap3A_833], %mul3A_750 {add = true, strides = array<i32>} : memref<520x128xf32, #tpu.memory_space<vmem>>, vector<16xf32>,
          %mul3A_835 = arith.constant 16 : i32
          %mul3A_836 = arith.muli %scan3A_102, %mul3A_835 : i32
          %add3A_837 = arith.constant 9 : i32
          %add3A_838 = arith.addi %mul3A_836, %add3A_837 : i32
          %get3A_839 = arith.index_cast %add3A_838 : i32 to index
          %get3A_840 = arith.constant 0 : index
          %get3A_841 = tpu.vector_load %arg10[%get3A_839, %get3A_840] {strides = array<i32>} : memref<128x128xf32, #tpu.memory_space<vmem>>, vector<16xf32>,
          %mul3A_842 = arith.mulf %get3A_841, %gather3A_295 : vector<16xf32>
          %get3A_843 = arith.index_cast %add3A_838 : i32 to index
          %get3A_844 = arith.constant 16 : index
          %get3A_845 = tpu.vector_load %arg10[%get3A_843, %get3A_844] {strides = array<i32>} : memref<128x128xf32, #tpu.memory_space<vmem>>, vector<16xf32>,
          %mul3A_846 = arith.mulf %get3A_845, %gather3A_295 : vector<16xf32>
          %get3A_847 = arith.index_cast %add3A_838 : i32 to index
          %get3A_848 = arith.constant 32 : index
          %get3A_849 = tpu.vector_load %arg10[%get3A_847, %get3A_848] {strides = array<i32>} : memref<128x128xf32, #tpu.memory_space<vmem>>, vector<16xf32>,
          %mul3A_850 = arith.mulf %get3A_849, %gather3A_295 : vector<16xf32>
          %get3A_851 = arith.index_cast %add3A_838 : i32 to index
          %get3A_852 = arith.constant 48 : index
          %get3A_853 = tpu.vector_load %arg10[%get3A_851, %get3A_852] {strides = array<i32>} : memref<128x128xf32, #tpu.memory_space<vmem>>, vector<16xf32>,
          %mul3A_854 = arith.mulf %get3A_853, %gather3A_295 : vector<16xf32>
          %get3A_855 = arith.index_cast %add3A_838 : i32 to index
          %get3A_856 = arith.constant 64 : index
          %get3A_857 = tpu.vector_load %arg10[%get3A_855, %get3A_856] {strides = array<i32>} : memref<128x128xf32, #tpu.memory_space<vmem>>, vector<16xf32>,
          %mul3A_858 = arith.mulf %get3A_857, %gather3A_295 : vector<16xf32>
          %get3A_859 = arith.index_cast %add3A_838 : i32 to index
          %get3A_860 = arith.constant 80 : index
          %get3A_861 = tpu.vector_load %arg10[%get3A_859, %get3A_860] {strides = array<i32>} : memref<128x128xf32, #tpu.memory_space<vmem>>, vector<16xf32>,
          %mul3A_862 = arith.mulf %get3A_861, %gather3A_295 : vector<16xf32>
          %get3A_863 = arith.index_cast %add3A_838 : i32 to index
          %get3A_864 = arith.constant 96 : index
          %get3A_865 = tpu.vector_load %arg10[%get3A_863, %get3A_864] {strides = array<i32>} : memref<128x128xf32, #tpu.memory_space<vmem>>, vector<16xf32>,
          %mul3A_866 = arith.mulf %get3A_865, %gather3A_295 : vector<16xf32>
          %get3A_867 = arith.index_cast %add3A_838 : i32 to index
          %get3A_868 = arith.constant 112 : index
          %get3A_869 = tpu.vector_load %arg10[%get3A_867, %get3A_868] {strides = array<i32>} : memref<128x128xf32, #tpu.memory_space<vmem>>, vector<16xf32>,
          %mul3A_870 = arith.mulf %get3A_869, %gather3A_295 : vector<16xf32>
          %swap3A_871 = arith.index_cast %select_n3A_207 : i32 to index
          %swap3A_872 = arith.constant 0 : index
          %swap3A_873 = tpu.vector_load %arg12[%swap3A_871, %swap3A_872] {strides = array<i32>} : memref<520x128xf32, #tpu.memory_space<vmem>>, vector<16xf32>,
          tpu.vector_store %arg12[%swap3A_871, %swap3A_872], %mul3A_782 {add = true, strides = array<i32>} : memref<520x128xf32, #tpu.memory_space<vmem>>, vector<16xf32>,
          %swap3A_874 = arith.index_cast %select_n3A_207 : i32 to index
          %swap3A_875 = arith.constant 16 : index
          %swap3A_876 = tpu.vector_load %arg12[%swap3A_874, %swap3A_875] {strides = array<i32>} : memref<520x128xf32, #tpu.memory_space<vmem>>, vector<16xf32>,
          tpu.vector_store %arg12[%swap3A_874, %swap3A_875], %mul3A_786 {add = true, strides = array<i32>} : memref<520x128xf32, #tpu.memory_space<vmem>>, vector<16xf32>,
          %swap3A_877 = arith.index_cast %select_n3A_207 : i32 to index
          %swap3A_878 = arith.constant 32 : index
          %swap3A_879 = tpu.vector_load %arg12[%swap3A_877, %swap3A_878] {strides = array<i32>} : memref<520x128xf32, #tpu.memory_space<vmem>>, vector<16xf32>,
          tpu.vector_store %arg12[%swap3A_877, %swap3A_878], %mul3A_790 {add = true, strides = array<i32>} : memref<520x128xf32, #tpu.memory_space<vmem>>, vector<16xf32>,
          %swap3A_880 = arith.index_cast %select_n3A_207 : i32 to index
          %swap3A_881 = arith.constant 48 : index
          %swap3A_882 = tpu.vector_load %arg12[%swap3A_880, %swap3A_881] {strides = array<i32>} : memref<520x128xf32, #tpu.memory_space<vmem>>, vector<16xf32>,
          tpu.vector_store %arg12[%swap3A_880, %swap3A_881], %mul3A_794 {add = true, strides = array<i32>} : memref<520x128xf32, #tpu.memory_space<vmem>>, vector<16xf32>,
          %swap3A_883 = arith.index_cast %select_n3A_207 : i32 to index
          %swap3A_884 = arith.constant 64 : index
          %swap3A_885 = tpu.vector_load %arg12[%swap3A_883, %swap3A_884] {strides = array<i32>} : memref<520x128xf32, #tpu.memory_space<vmem>>, vector<16xf32>,
          tpu.vector_store %arg12[%swap3A_883, %swap3A_884], %mul3A_798 {add = true, strides = array<i32>} : memref<520x128xf32, #tpu.memory_space<vmem>>, vector<16xf32>,
          %swap3A_886 = arith.index_cast %select_n3A_207 : i32 to index
          %swap3A_887 = arith.constant 80 : index
          %swap3A_888 = tpu.vector_load %arg12[%swap3A_886, %swap3A_887] {strides = array<i32>} : memref<520x128xf32, #tpu.memory_space<vmem>>, vector<16xf32>,
          tpu.vector_store %arg12[%swap3A_886, %swap3A_887], %mul3A_802 {add = true, strides = array<i32>} : memref<520x128xf32, #tpu.memory_space<vmem>>, vector<16xf32>,
          %swap3A_889 = arith.index_cast %select_n3A_207 : i32 to index
          %swap3A_890 = arith.constant 96 : index
          %swap3A_891 = tpu.vector_load %arg12[%swap3A_889, %swap3A_890] {strides = array<i32>} : memref<520x128xf32, #tpu.memory_space<vmem>>, vector<16xf32>,
          tpu.vector_store %arg12[%swap3A_889, %swap3A_890], %mul3A_806 {add = true, strides = array<i32>} : memref<520x128xf32, #tpu.memory_space<vmem>>, vector<16xf32>,
          %swap3A_892 = arith.index_cast %select_n3A_207 : i32 to index
          %swap3A_893 = arith.constant 112 : index
          %swap3A_894 = tpu.vector_load %arg12[%swap3A_892, %swap3A_893] {strides = array<i32>} : memref<520x128xf32, #tpu.memory_space<vmem>>, vector<16xf32>,
          tpu.vector_store %arg12[%swap3A_892, %swap3A_893], %mul3A_810 {add = true, strides = array<i32>} : memref<520x128xf32, #tpu.memory_space<vmem>>, vector<16xf32>,
          %mul3A_895 = arith.constant 16 : i32
          %mul3A_896 = arith.muli %scan3A_102, %mul3A_895 : i32
          %add3A_897 = arith.constant 10 : i32
          %add3A_898 = arith.addi %mul3A_896, %add3A_897 : i32
          %get3A_899 = arith.index_cast %add3A_898 : i32 to index
          %get3A_900 = arith.constant 0 : index
          %get3A_901 = tpu.vector_load %arg10[%get3A_899, %get3A_900] {strides = array<i32>} : memref<128x128xf32, #tpu.memory_space<vmem>>, vector<16xf32>,
          %mul3A_902 = arith.mulf %get3A_901, %gather3A_299 : vector<16xf32>
          %get3A_903 = arith.index_cast %add3A_898 : i32 to index
          %get3A_904 = arith.constant 16 : index
          %get3A_905 = tpu.vector_load %arg10[%get3A_903, %get3A_904] {strides = array<i32>} : memref<128x128xf32, #tpu.memory_space<vmem>>, vector<16xf32>,
          %mul3A_906 = arith.mulf %get3A_905, %gather3A_299 : vector<16xf32>
          %get3A_907 = arith.index_cast %add3A_898 : i32 to index
          %get3A_908 = arith.constant 32 : index
          %get3A_909 = tpu.vector_load %arg10[%get3A_907, %get3A_908] {strides = array<i32>} : memref<128x128xf32, #tpu.memory_space<vmem>>, vector<16xf32>,
          %mul3A_910 = arith.mulf %get3A_909, %gather3A_299 : vector<16xf32>
          %get3A_911 = arith.index_cast %add3A_898 : i32 to index
          %get3A_912 = arith.constant 48 : index
          %get3A_913 = tpu.vector_load %arg10[%get3A_911, %get3A_912] {strides = array<i32>} : memref<128x128xf32, #tpu.memory_space<vmem>>, vector<16xf32>,
          %mul3A_914 = arith.mulf %get3A_913, %gather3A_299 : vector<16xf32>
          %get3A_915 = arith.index_cast %add3A_898 : i32 to index
          %get3A_916 = arith.constant 64 : index
          %get3A_917 = tpu.vector_load %arg10[%get3A_915, %get3A_916] {strides = array<i32>} : memref<128x128xf32, #tpu.memory_space<vmem>>, vector<16xf32>,
          %mul3A_918 = arith.mulf %get3A_917, %gather3A_299 : vector<16xf32>
          %get3A_919 = arith.index_cast %add3A_898 : i32 to index
          %get3A_920 = arith.constant 80 : index
          %get3A_921 = tpu.vector_load %arg10[%get3A_919, %get3A_920] {strides = array<i32>} : memref<128x128xf32, #tpu.memory_space<vmem>>, vector<16xf32>,
          %mul3A_922 = arith.mulf %get3A_921, %gather3A_299 : vector<16xf32>
          %get3A_923 = arith.index_cast %add3A_898 : i32 to index
          %get3A_924 = arith.constant 96 : index
          %get3A_925 = tpu.vector_load %arg10[%get3A_923, %get3A_924] {strides = array<i32>} : memref<128x128xf32, #tpu.memory_space<vmem>>, vector<16xf32>,
          %mul3A_926 = arith.mulf %get3A_925, %gather3A_299 : vector<16xf32>
          %get3A_927 = arith.index_cast %add3A_898 : i32 to index
          %get3A_928 = arith.constant 112 : index
          %get3A_929 = tpu.vector_load %arg10[%get3A_927, %get3A_928] {strides = array<i32>} : memref<128x128xf32, #tpu.memory_space<vmem>>, vector<16xf32>,
          %mul3A_930 = arith.mulf %get3A_929, %gather3A_299 : vector<16xf32>
          %swap3A_931 = arith.index_cast %select_n3A_214 : i32 to index
          %swap3A_932 = arith.constant 0 : index
          %swap3A_933 = tpu.vector_load %arg12[%swap3A_931, %swap3A_932] {strides = array<i32>} : memref<520x128xf32, #tpu.memory_space<vmem>>, vector<16xf32>,
          tpu.vector_store %arg12[%swap3A_931, %swap3A_932], %mul3A_842 {add = true, strides = array<i32>} : memref<520x128xf32, #tpu.memory_space<vmem>>, vector<16xf32>,
          %swap3A_934 = arith.index_cast %select_n3A_214 : i32 to index
          %swap3A_935 = arith.constant 16 : index
          %swap3A_936 = tpu.vector_load %arg12[%swap3A_934, %swap3A_935] {strides = array<i32>} : memref<520x128xf32, #tpu.memory_space<vmem>>, vector<16xf32>,
          tpu.vector_store %arg12[%swap3A_934, %swap3A_935], %mul3A_846 {add = true, strides = array<i32>} : memref<520x128xf32, #tpu.memory_space<vmem>>, vector<16xf32>,
          %swap3A_937 = arith.index_cast %select_n3A_214 : i32 to index
          %swap3A_938 = arith.constant 32 : index
          %swap3A_939 = tpu.vector_load %arg12[%swap3A_937, %swap3A_938] {strides = array<i32>} : memref<520x128xf32, #tpu.memory_space<vmem>>, vector<16xf32>,
          tpu.vector_store %arg12[%swap3A_937, %swap3A_938], %mul3A_850 {add = true, strides = array<i32>} : memref<520x128xf32, #tpu.memory_space<vmem>>, vector<16xf32>,
          %swap3A_940 = arith.index_cast %select_n3A_214 : i32 to index
          %swap3A_941 = arith.constant 48 : index
          %swap3A_942 = tpu.vector_load %arg12[%swap3A_940, %swap3A_941] {strides = array<i32>} : memref<520x128xf32, #tpu.memory_space<vmem>>, vector<16xf32>,
          tpu.vector_store %arg12[%swap3A_940, %swap3A_941], %mul3A_854 {add = true, strides = array<i32>} : memref<520x128xf32, #tpu.memory_space<vmem>>, vector<16xf32>,
          %swap3A_943 = arith.index_cast %select_n3A_214 : i32 to index
          %swap3A_944 = arith.constant 64 : index
          %swap3A_945 = tpu.vector_load %arg12[%swap3A_943, %swap3A_944] {strides = array<i32>} : memref<520x128xf32, #tpu.memory_space<vmem>>, vector<16xf32>,
          tpu.vector_store %arg12[%swap3A_943, %swap3A_944], %mul3A_858 {add = true, strides = array<i32>} : memref<520x128xf32, #tpu.memory_space<vmem>>, vector<16xf32>,
          %swap3A_946 = arith.index_cast %select_n3A_214 : i32 to index
          %swap3A_947 = arith.constant 80 : index
          %swap3A_948 = tpu.vector_load %arg12[%swap3A_946, %swap3A_947] {strides = array<i32>} : memref<520x128xf32, #tpu.memory_space<vmem>>, vector<16xf32>,
          tpu.vector_store %arg12[%swap3A_946, %swap3A_947], %mul3A_862 {add = true, strides = array<i32>} : memref<520x128xf32, #tpu.memory_space<vmem>>, vector<16xf32>,
          %swap3A_949 = arith.index_cast %select_n3A_214 : i32 to index
          %swap3A_950 = arith.constant 96 : index
          %swap3A_951 = tpu.vector_load %arg12[%swap3A_949, %swap3A_950] {strides = array<i32>} : memref<520x128xf32, #tpu.memory_space<vmem>>, vector<16xf32>,
          tpu.vector_store %arg12[%swap3A_949, %swap3A_950], %mul3A_866 {add = true, strides = array<i32>} : memref<520x128xf32, #tpu.memory_space<vmem>>, vector<16xf32>,
          %swap3A_952 = arith.index_cast %select_n3A_214 : i32 to index
          %swap3A_953 = arith.constant 112 : index
          %swap3A_954 = tpu.vector_load %arg12[%swap3A_952, %swap3A_953] {strides = array<i32>} : memref<520x128xf32, #tpu.memory_space<vmem>>, vector<16xf32>,
          tpu.vector_store %arg12[%swap3A_952, %swap3A_953], %mul3A_870 {add = true, strides = array<i32>} : memref<520x128xf32, #tpu.memory_space<vmem>>, vector<16xf32>,
          %mul3A_955 = arith.constant 16 : i32
          %mul3A_956 = arith.muli %scan3A_102, %mul3A_955 : i32
          %add3A_957 = arith.constant 11 : i32
          %add3A_958 = arith.addi %mul3A_956, %add3A_957 : i32
          %get3A_959 = arith.index_cast %add3A_958 : i32 to index
          %get3A_960 = arith.constant 0 : index
          %get3A_961 = tpu.vector_load %arg10[%get3A_959, %get3A_960] {strides = array<i32>} : memref<128x128xf32, #tpu.memory_space<vmem>>, vector<16xf32>,
          %mul3A_962 = arith.mulf %get3A_961, %gather3A_303 : vector<16xf32>
          %get3A_963 = arith.index_cast %add3A_958 : i32 to index
          %get3A_964 = arith.constant 16 : index
          %get3A_965 = tpu.vector_load %arg10[%get3A_963, %get3A_964] {strides = array<i32>} : memref<128x128xf32, #tpu.memory_space<vmem>>, vector<16xf32>,
          %mul3A_966 = arith.mulf %get3A_965, %gather3A_303 : vector<16xf32>
          %get3A_967 = arith.index_cast %add3A_958 : i32 to index
          %get3A_968 = arith.constant 32 : index
          %get3A_969 = tpu.vector_load %arg10[%get3A_967, %get3A_968] {strides = array<i32>} : memref<128x128xf32, #tpu.memory_space<vmem>>, vector<16xf32>,
          %mul3A_970 = arith.mulf %get3A_969, %gather3A_303 : vector<16xf32>
          %get3A_971 = arith.index_cast %add3A_958 : i32 to index
          %get3A_972 = arith.constant 48 : index
          %get3A_973 = tpu.vector_load %arg10[%get3A_971, %get3A_972] {strides = array<i32>} : memref<128x128xf32, #tpu.memory_space<vmem>>, vector<16xf32>,
          %mul3A_974 = arith.mulf %get3A_973, %gather3A_303 : vector<16xf32>
          %get3A_975 = arith.index_cast %add3A_958 : i32 to index
          %get3A_976 = arith.constant 64 : index
          %get3A_977 = tpu.vector_load %arg10[%get3A_975, %get3A_976] {strides = array<i32>} : memref<128x128xf32, #tpu.memory_space<vmem>>, vector<16xf32>,
          %mul3A_978 = arith.mulf %get3A_977, %gather3A_303 : vector<16xf32>
          %get3A_979 = arith.index_cast %add3A_958 : i32 to index
          %get3A_980 = arith.constant 80 : index
          %get3A_981 = tpu.vector_load %arg10[%get3A_979, %get3A_980] {strides = array<i32>} : memref<128x128xf32, #tpu.memory_space<vmem>>, vector<16xf32>,
          %mul3A_982 = arith.mulf %get3A_981, %gather3A_303 : vector<16xf32>
          %get3A_983 = arith.index_cast %add3A_958 : i32 to index
          %get3A_984 = arith.constant 96 : index
          %get3A_985 = tpu.vector_load %arg10[%get3A_983, %get3A_984] {strides = array<i32>} : memref<128x128xf32, #tpu.memory_space<vmem>>, vector<16xf32>,
          %mul3A_986 = arith.mulf %get3A_985, %gather3A_303 : vector<16xf32>
          %get3A_987 = arith.index_cast %add3A_958 : i32 to index
          %get3A_988 = arith.constant 112 : index
          %get3A_989 = tpu.vector_load %arg10[%get3A_987, %get3A_988] {strides = array<i32>} : memref<128x128xf32, #tpu.memory_space<vmem>>, vector<16xf32>,
          %mul3A_990 = arith.mulf %get3A_989, %gather3A_303 : vector<16xf32>
          %swap3A_991 = arith.index_cast %select_n3A_221 : i32 to index
          %swap3A_992 = arith.constant 0 : index
          %swap3A_993 = tpu.vector_load %arg12[%swap3A_991, %swap3A_992] {strides = array<i32>} : memref<520x128xf32, #tpu.memory_space<vmem>>, vector<16xf32>,
          tpu.vector_store %arg12[%swap3A_991, %swap3A_992], %mul3A_902 {add = true, strides = array<i32>} : memref<520x128xf32, #tpu.memory_space<vmem>>, vector<16xf32>,
          %swap3A_994 = arith.index_cast %select_n3A_221 : i32 to index
          %swap3A_995 = arith.constant 16 : index
          %swap3A_996 = tpu.vector_load %arg12[%swap3A_994, %swap3A_995] {strides = array<i32>} : memref<520x128xf32, #tpu.memory_space<vmem>>, vector<16xf32>,
          tpu.vector_store %arg12[%swap3A_994, %swap3A_995], %mul3A_906 {add = true, strides = array<i32>} : memref<520x128xf32, #tpu.memory_space<vmem>>, vector<16xf32>,
          %swap3A_997 = arith.index_cast %select_n3A_221 : i32 to index
          %swap3A_998 = arith.constant 32 : index
          %swap3A_999 = tpu.vector_load %arg12[%swap3A_997, %swap3A_998] {strides = array<i32>} : memref<520x128xf32, #tpu.memory_space<vmem>>, vector<16xf32>,
          tpu.vector_store %arg12[%swap3A_997, %swap3A_998], %mul3A_910 {add = true, strides = array<i32>} : memref<520x128xf32, #tpu.memory_space<vmem>>, vector<16xf32>,
          %swap3A_1000 = arith.index_cast %select_n3A_221 : i32 to index
          %swap3A_1001 = arith.constant 48 : index
          %swap3A_1002 = tpu.vector_load %arg12[%swap3A_1000, %swap3A_1001] {strides = array<i32>} : memref<520x128xf32, #tpu.memory_space<vmem>>, vector<16xf32>,
          tpu.vector_store %arg12[%swap3A_1000, %swap3A_1001], %mul3A_914 {add = true, strides = array<i32>} : memref<520x128xf32, #tpu.memory_space<vmem>>, vector<16xf32>,
          %swap3A_1003 = arith.index_cast %select_n3A_221 : i32 to index
          %swap3A_1004 = arith.constant 64 : index
          %swap3A_1005 = tpu.vector_load %arg12[%swap3A_1003, %swap3A_1004] {strides = array<i32>} : memref<520x128xf32, #tpu.memory_space<vmem>>, vector<16xf32>,
          tpu.vector_store %arg12[%swap3A_1003, %swap3A_1004], %mul3A_918 {add = true, strides = array<i32>} : memref<520x128xf32, #tpu.memory_space<vmem>>, vector<16xf32>,
          %swap3A_1006 = arith.index_cast %select_n3A_221 : i32 to index
          %swap3A_1007 = arith.constant 80 : index
          %swap3A_1008 = tpu.vector_load %arg12[%swap3A_1006, %swap3A_1007] {strides = array<i32>} : memref<520x128xf32, #tpu.memory_space<vmem>>, vector<16xf32>,
          tpu.vector_store %arg12[%swap3A_1006, %swap3A_1007], %mul3A_922 {add = true, strides = array<i32>} : memref<520x128xf32, #tpu.memory_space<vmem>>, vector<16xf32>,
          %swap3A_1009 = arith.index_cast %select_n3A_221 : i32 to index
          %swap3A_1010 = arith.constant 96 : index
          %swap3A_1011 = tpu.vector_load %arg12[%swap3A_1009, %swap3A_1010] {strides = array<i32>} : memref<520x128xf32, #tpu.memory_space<vmem>>, vector<16xf32>,
          tpu.vector_store %arg12[%swap3A_1009, %swap3A_1010], %mul3A_926 {add = true, strides = array<i32>} : memref<520x128xf32, #tpu.memory_space<vmem>>, vector<16xf32>,
          %swap3A_1012 = arith.index_cast %select_n3A_221 : i32 to index
          %swap3A_1013 = arith.constant 112 : index
          %swap3A_1014 = tpu.vector_load %arg12[%swap3A_1012, %swap3A_1013] {strides = array<i32>} : memref<520x128xf32, #tpu.memory_space<vmem>>, vector<16xf32>,
          tpu.vector_store %arg12[%swap3A_1012, %swap3A_1013], %mul3A_930 {add = true, strides = array<i32>} : memref<520x128xf32, #tpu.memory_space<vmem>>, vector<16xf32>,
          %mul3A_1015 = arith.constant 16 : i32
          %mul3A_1016 = arith.muli %scan3A_102, %mul3A_1015 : i32
          %add3A_1017 = arith.constant 12 : i32
          %add3A_1018 = arith.addi %mul3A_1016, %add3A_1017 : i32
          %get3A_1019 = arith.index_cast %add3A_1018 : i32 to index
          %get3A_1020 = arith.constant 0 : index
          %get3A_1021 = tpu.vector_load %arg10[%get3A_1019, %get3A_1020] {strides = array<i32>} : memref<128x128xf32, #tpu.memory_space<vmem>>, vector<16xf32>,
          %mul3A_1022 = arith.mulf %get3A_1021, %gather3A_307 : vector<16xf32>
          %get3A_1023 = arith.index_cast %add3A_1018 : i32 to index
          %get3A_1024 = arith.constant 16 : index
          %get3A_1025 = tpu.vector_load %arg10[%get3A_1023, %get3A_1024] {strides = array<i32>} : memref<128x128xf32, #tpu.memory_space<vmem>>, vector<16xf32>,
          %mul3A_1026 = arith.mulf %get3A_1025, %gather3A_307 : vector<16xf32>
          %get3A_1027 = arith.index_cast %add3A_1018 : i32 to index
          %get3A_1028 = arith.constant 32 : index
          %get3A_1029 = tpu.vector_load %arg10[%get3A_1027, %get3A_1028] {strides = array<i32>} : memref<128x128xf32, #tpu.memory_space<vmem>>, vector<16xf32>,
          %mul3A_1030 = arith.mulf %get3A_1029, %gather3A_307 : vector<16xf32>
          %get3A_1031 = arith.index_cast %add3A_1018 : i32 to index
          %get3A_1032 = arith.constant 48 : index
          %get3A_1033 = tpu.vector_load %arg10[%get3A_1031, %get3A_1032] {strides = array<i32>} : memref<128x128xf32, #tpu.memory_space<vmem>>, vector<16xf32>,
          %mul3A_1034 = arith.mulf %get3A_1033, %gather3A_307 : vector<16xf32>
          %get3A_1035 = arith.index_cast %add3A_1018 : i32 to index
          %get3A_1036 = arith.constant 64 : index
          %get3A_1037 = tpu.vector_load %arg10[%get3A_1035, %get3A_1036] {strides = array<i32>} : memref<128x128xf32, #tpu.memory_space<vmem>>, vector<16xf32>,
          %mul3A_1038 = arith.mulf %get3A_1037, %gather3A_307 : vector<16xf32>
          %get3A_1039 = arith.index_cast %add3A_1018 : i32 to index
          %get3A_1040 = arith.constant 80 : index
          %get3A_1041 = tpu.vector_load %arg10[%get3A_1039, %get3A_1040] {strides = array<i32>} : memref<128x128xf32, #tpu.memory_space<vmem>>, vector<16xf32>,
          %mul3A_1042 = arith.mulf %get3A_1041, %gather3A_307 : vector<16xf32>
          %get3A_1043 = arith.index_cast %add3A_1018 : i32 to index
          %get3A_1044 = arith.constant 96 : index
          %get3A_1045 = tpu.vector_load %arg10[%get3A_1043, %get3A_1044] {strides = array<i32>} : memref<128x128xf32, #tpu.memory_space<vmem>>, vector<16xf32>,
          %mul3A_1046 = arith.mulf %get3A_1045, %gather3A_307 : vector<16xf32>
          %get3A_1047 = arith.index_cast %add3A_1018 : i32 to index
          %get3A_1048 = arith.constant 112 : index
          %get3A_1049 = tpu.vector_load %arg10[%get3A_1047, %get3A_1048] {strides = array<i32>} : memref<128x128xf32, #tpu.memory_space<vmem>>, vector<16xf32>,
          %mul3A_1050 = arith.mulf %get3A_1049, %gather3A_307 : vector<16xf32>
          %swap3A_1051 = arith.index_cast %select_n3A_228 : i32 to index
          %swap3A_1052 = arith.constant 0 : index
          %swap3A_1053 = tpu.vector_load %arg12[%swap3A_1051, %swap3A_1052] {strides = array<i32>} : memref<520x128xf32, #tpu.memory_space<vmem>>, vector<16xf32>,
          tpu.vector_store %arg12[%swap3A_1051, %swap3A_1052], %mul3A_962 {add = true, strides = array<i32>} : memref<520x128xf32, #tpu.memory_space<vmem>>, vector<16xf32>,
          %swap3A_1054 = arith.index_cast %select_n3A_228 : i32 to index
          %swap3A_1055 = arith.constant 16 : index
          %swap3A_1056 = tpu.vector_load %arg12[%swap3A_1054, %swap3A_1055] {strides = array<i32>} : memref<520x128xf32, #tpu.memory_space<vmem>>, vector<16xf32>,
          tpu.vector_store %arg12[%swap3A_1054, %swap3A_1055], %mul3A_966 {add = true, strides = array<i32>} : memref<520x128xf32, #tpu.memory_space<vmem>>, vector<16xf32>,
          %swap3A_1057 = arith.index_cast %select_n3A_228 : i32 to index
          %swap3A_1058 = arith.constant 32 : index
          %swap3A_1059 = tpu.vector_load %arg12[%swap3A_1057, %swap3A_1058] {strides = array<i32>} : memref<520x128xf32, #tpu.memory_space<vmem>>, vector<16xf32>,
          tpu.vector_store %arg12[%swap3A_1057, %swap3A_1058], %mul3A_970 {add = true, strides = array<i32>} : memref<520x128xf32, #tpu.memory_space<vmem>>, vector<16xf32>,
          %swap3A_1060 = arith.index_cast %select_n3A_228 : i32 to index
          %swap3A_1061 = arith.constant 48 : index
          %swap3A_1062 = tpu.vector_load %arg12[%swap3A_1060, %swap3A_1061] {strides = array<i32>} : memref<520x128xf32, #tpu.memory_space<vmem>>, vector<16xf32>,
          tpu.vector_store %arg12[%swap3A_1060, %swap3A_1061], %mul3A_974 {add = true, strides = array<i32>} : memref<520x128xf32, #tpu.memory_space<vmem>>, vector<16xf32>,
          %swap3A_1063 = arith.index_cast %select_n3A_228 : i32 to index
          %swap3A_1064 = arith.constant 64 : index
          %swap3A_1065 = tpu.vector_load %arg12[%swap3A_1063, %swap3A_1064] {strides = array<i32>} : memref<520x128xf32, #tpu.memory_space<vmem>>, vector<16xf32>,
          tpu.vector_store %arg12[%swap3A_1063, %swap3A_1064], %mul3A_978 {add = true, strides = array<i32>} : memref<520x128xf32, #tpu.memory_space<vmem>>, vector<16xf32>,
          %swap3A_1066 = arith.index_cast %select_n3A_228 : i32 to index
          %swap3A_1067 = arith.constant 80 : index
          %swap3A_1068 = tpu.vector_load %arg12[%swap3A_1066, %swap3A_1067] {strides = array<i32>} : memref<520x128xf32, #tpu.memory_space<vmem>>, vector<16xf32>,
          tpu.vector_store %arg12[%swap3A_1066, %swap3A_1067], %mul3A_982 {add = true, strides = array<i32>} : memref<520x128xf32, #tpu.memory_space<vmem>>, vector<16xf32>,
          %swap3A_1069 = arith.index_cast %select_n3A_228 : i32 to index
          %swap3A_1070 = arith.constant 96 : index
          %swap3A_1071 = tpu.vector_load %arg12[%swap3A_1069, %swap3A_1070] {strides = array<i32>} : memref<520x128xf32, #tpu.memory_space<vmem>>, vector<16xf32>,
          tpu.vector_store %arg12[%swap3A_1069, %swap3A_1070], %mul3A_986 {add = true, strides = array<i32>} : memref<520x128xf32, #tpu.memory_space<vmem>>, vector<16xf32>,
          %swap3A_1072 = arith.index_cast %select_n3A_228 : i32 to index
          %swap3A_1073 = arith.constant 112 : index
          %swap3A_1074 = tpu.vector_load %arg12[%swap3A_1072, %swap3A_1073] {strides = array<i32>} : memref<520x128xf32, #tpu.memory_space<vmem>>, vector<16xf32>,
          tpu.vector_store %arg12[%swap3A_1072, %swap3A_1073], %mul3A_990 {add = true, strides = array<i32>} : memref<520x128xf32, #tpu.memory_space<vmem>>, vector<16xf32>,
          %mul3A_1075 = arith.constant 16 : i32
          %mul3A_1076 = arith.muli %scan3A_102, %mul3A_1075 : i32
          %add3A_1077 = arith.constant 13 : i32
          %add3A_1078 = arith.addi %mul3A_1076, %add3A_1077 : i32
          %get3A_1079 = arith.index_cast %add3A_1078 : i32 to index
          %get3A_1080 = arith.constant 0 : index
          %get3A_1081 = tpu.vector_load %arg10[%get3A_1079, %get3A_1080] {strides = array<i32>} : memref<128x128xf32, #tpu.memory_space<vmem>>, vector<16xf32>,
          %mul3A_1082 = arith.mulf %get3A_1081, %gather3A_311 : vector<16xf32>
          %get3A_1083 = arith.index_cast %add3A_1078 : i32 to index
          %get3A_1084 = arith.constant 16 : index
          %get3A_1085 = tpu.vector_load %arg10[%get3A_1083, %get3A_1084] {strides = array<i32>} : memref<128x128xf32, #tpu.memory_space<vmem>>, vector<16xf32>,
          %mul3A_1086 = arith.mulf %get3A_1085, %gather3A_311 : vector<16xf32>
          %get3A_1087 = arith.index_cast %add3A_1078 : i32 to index
          %get3A_1088 = arith.constant 32 : index
          %get3A_1089 = tpu.vector_load %arg10[%get3A_1087, %get3A_1088] {strides = array<i32>} : memref<128x128xf32, #tpu.memory_space<vmem>>, vector<16xf32>,
          %mul3A_1090 = arith.mulf %get3A_1089, %gather3A_311 : vector<16xf32>
          %get3A_1091 = arith.index_cast %add3A_1078 : i32 to index
          %get3A_1092 = arith.constant 48 : index
          %get3A_1093 = tpu.vector_load %arg10[%get3A_1091, %get3A_1092] {strides = array<i32>} : memref<128x128xf32, #tpu.memory_space<vmem>>, vector<16xf32>,
          %mul3A_1094 = arith.mulf %get3A_1093, %gather3A_311 : vector<16xf32>
          %get3A_1095 = arith.index_cast %add3A_1078 : i32 to index
          %get3A_1096 = arith.constant 64 : index
          %get3A_1097 = tpu.vector_load %arg10[%get3A_1095, %get3A_1096] {strides = array<i32>} : memref<128x128xf32, #tpu.memory_space<vmem>>, vector<16xf32>,
          %mul3A_1098 = arith.mulf %get3A_1097, %gather3A_311 : vector<16xf32>
          %get3A_1099 = arith.index_cast %add3A_1078 : i32 to index
          %get3A_1100 = arith.constant 80 : index
          %get3A_1101 = tpu.vector_load %arg10[%get3A_1099, %get3A_1100] {strides = array<i32>} : memref<128x128xf32, #tpu.memory_space<vmem>>, vector<16xf32>,
          %mul3A_1102 = arith.mulf %get3A_1101, %gather3A_311 : vector<16xf32>
          %get3A_1103 = arith.index_cast %add3A_1078 : i32 to index
          %get3A_1104 = arith.constant 96 : index
          %get3A_1105 = tpu.vector_load %arg10[%get3A_1103, %get3A_1104] {strides = array<i32>} : memref<128x128xf32, #tpu.memory_space<vmem>>, vector<16xf32>,
          %mul3A_1106 = arith.mulf %get3A_1105, %gather3A_311 : vector<16xf32>
          %get3A_1107 = arith.index_cast %add3A_1078 : i32 to index
          %get3A_1108 = arith.constant 112 : index
          %get3A_1109 = tpu.vector_load %arg10[%get3A_1107, %get3A_1108] {strides = array<i32>} : memref<128x128xf32, #tpu.memory_space<vmem>>, vector<16xf32>,
          %mul3A_1110 = arith.mulf %get3A_1109, %gather3A_311 : vector<16xf32>
          %swap3A_1111 = arith.index_cast %select_n3A_235 : i32 to index
          %swap3A_1112 = arith.constant 0 : index
          %swap3A_1113 = tpu.vector_load %arg12[%swap3A_1111, %swap3A_1112] {strides = array<i32>} : memref<520x128xf32, #tpu.memory_space<vmem>>, vector<16xf32>,
          tpu.vector_store %arg12[%swap3A_1111, %swap3A_1112], %mul3A_1022 {add = true, strides = array<i32>} : memref<520x128xf32, #tpu.memory_space<vmem>>, vector<16xf32>,
          %swap3A_1114 = arith.index_cast %select_n3A_235 : i32 to index
          %swap3A_1115 = arith.constant 16 : index
          %swap3A_1116 = tpu.vector_load %arg12[%swap3A_1114, %swap3A_1115] {strides = array<i32>} : memref<520x128xf32, #tpu.memory_space<vmem>>, vector<16xf32>,
          tpu.vector_store %arg12[%swap3A_1114, %swap3A_1115], %mul3A_1026 {add = true, strides = array<i32>} : memref<520x128xf32, #tpu.memory_space<vmem>>, vector<16xf32>,
          %swap3A_1117 = arith.index_cast %select_n3A_235 : i32 to index
          %swap3A_1118 = arith.constant 32 : index
          %swap3A_1119 = tpu.vector_load %arg12[%swap3A_1117, %swap3A_1118] {strides = array<i32>} : memref<520x128xf32, #tpu.memory_space<vmem>>, vector<16xf32>,
          tpu.vector_store %arg12[%swap3A_1117, %swap3A_1118], %mul3A_1030 {add = true, strides = array<i32>} : memref<520x128xf32, #tpu.memory_space<vmem>>, vector<16xf32>,
          %swap3A_1120 = arith.index_cast %select_n3A_235 : i32 to index
          %swap3A_1121 = arith.constant 48 : index
          %swap3A_1122 = tpu.vector_load %arg12[%swap3A_1120, %swap3A_1121] {strides = array<i32>} : memref<520x128xf32, #tpu.memory_space<vmem>>, vector<16xf32>,
          tpu.vector_store %arg12[%swap3A_1120, %swap3A_1121], %mul3A_1034 {add = true, strides = array<i32>} : memref<520x128xf32, #tpu.memory_space<vmem>>, vector<16xf32>,
          %swap3A_1123 = arith.index_cast %select_n3A_235 : i32 to index
          %swap3A_1124 = arith.constant 64 : index
          %swap3A_1125 = tpu.vector_load %arg12[%swap3A_1123, %swap3A_1124] {strides = array<i32>} : memref<520x128xf32, #tpu.memory_space<vmem>>, vector<16xf32>,
          tpu.vector_store %arg12[%swap3A_1123, %swap3A_1124], %mul3A_1038 {add = true, strides = array<i32>} : memref<520x128xf32, #tpu.memory_space<vmem>>, vector<16xf32>,
          %swap3A_1126 = arith.index_cast %select_n3A_235 : i32 to index
          %swap3A_1127 = arith.constant 80 : index
          %swap3A_1128 = tpu.vector_load %arg12[%swap3A_1126, %swap3A_1127] {strides = array<i32>} : memref<520x128xf32, #tpu.memory_space<vmem>>, vector<16xf32>,
          tpu.vector_store %arg12[%swap3A_1126, %swap3A_1127], %mul3A_1042 {add = true, strides = array<i32>} : memref<520x128xf32, #tpu.memory_space<vmem>>, vector<16xf32>,
          %swap3A_1129 = arith.index_cast %select_n3A_235 : i32 to index
          %swap3A_1130 = arith.constant 96 : index
          %swap3A_1131 = tpu.vector_load %arg12[%swap3A_1129, %swap3A_1130] {strides = array<i32>} : memref<520x128xf32, #tpu.memory_space<vmem>>, vector<16xf32>,
          tpu.vector_store %arg12[%swap3A_1129, %swap3A_1130], %mul3A_1046 {add = true, strides = array<i32>} : memref<520x128xf32, #tpu.memory_space<vmem>>, vector<16xf32>,
          %swap3A_1132 = arith.index_cast %select_n3A_235 : i32 to index
          %swap3A_1133 = arith.constant 112 : index
          %swap3A_1134 = tpu.vector_load %arg12[%swap3A_1132, %swap3A_1133] {strides = array<i32>} : memref<520x128xf32, #tpu.memory_space<vmem>>, vector<16xf32>,
          tpu.vector_store %arg12[%swap3A_1132, %swap3A_1133], %mul3A_1050 {add = true, strides = array<i32>} : memref<520x128xf32, #tpu.memory_space<vmem>>, vector<16xf32>,
          %mul3A_1135 = arith.constant 16 : i32
          %mul3A_1136 = arith.muli %scan3A_102, %mul3A_1135 : i32
          %add3A_1137 = arith.constant 14 : i32
          %add3A_1138 = arith.addi %mul3A_1136, %add3A_1137 : i32
          %get3A_1139 = arith.index_cast %add3A_1138 : i32 to index
          %get3A_1140 = arith.constant 0 : index
          %get3A_1141 = tpu.vector_load %arg10[%get3A_1139, %get3A_1140] {strides = array<i32>} : memref<128x128xf32, #tpu.memory_space<vmem>>, vector<16xf32>,
          %mul3A_1142 = arith.mulf %get3A_1141, %gather3A_315 : vector<16xf32>
          %get3A_1143 = arith.index_cast %add3A_1138 : i32 to index
          %get3A_1144 = arith.constant 16 : index
          %get3A_1145 = tpu.vector_load %arg10[%get3A_1143, %get3A_1144] {strides = array<i32>} : memref<128x128xf32, #tpu.memory_space<vmem>>, vector<16xf32>,
          %mul3A_1146 = arith.mulf %get3A_1145, %gather3A_315 : vector<16xf32>
          %get3A_1147 = arith.index_cast %add3A_1138 : i32 to index
          %get3A_1148 = arith.constant 32 : index
          %get3A_1149 = tpu.vector_load %arg10[%get3A_1147, %get3A_1148] {strides = array<i32>} : memref<128x128xf32, #tpu.memory_space<vmem>>, vector<16xf32>,
          %mul3A_1150 = arith.mulf %get3A_1149, %gather3A_315 : vector<16xf32>
          %get3A_1151 = arith.index_cast %add3A_1138 : i32 to index
          %get3A_1152 = arith.constant 48 : index
          %get3A_1153 = tpu.vector_load %arg10[%get3A_1151, %get3A_1152] {strides = array<i32>} : memref<128x128xf32, #tpu.memory_space<vmem>>, vector<16xf32>,
          %mul3A_1154 = arith.mulf %get3A_1153, %gather3A_315 : vector<16xf32>
          %get3A_1155 = arith.index_cast %add3A_1138 : i32 to index
          %get3A_1156 = arith.constant 64 : index
          %get3A_1157 = tpu.vector_load %arg10[%get3A_1155, %get3A_1156] {strides = array<i32>} : memref<128x128xf32, #tpu.memory_space<vmem>>, vector<16xf32>,
          %mul3A_1158 = arith.mulf %get3A_1157, %gather3A_315 : vector<16xf32>
          %get3A_1159 = arith.index_cast %add3A_1138 : i32 to index
          %get3A_1160 = arith.constant 80 : index
          %get3A_1161 = tpu.vector_load %arg10[%get3A_1159, %get3A_1160] {strides = array<i32>} : memref<128x128xf32, #tpu.memory_space<vmem>>, vector<16xf32>,
          %mul3A_1162 = arith.mulf %get3A_1161, %gather3A_315 : vector<16xf32>
          %get3A_1163 = arith.index_cast %add3A_1138 : i32 to index
          %get3A_1164 = arith.constant 96 : index
          %get3A_1165 = tpu.vector_load %arg10[%get3A_1163, %get3A_1164] {strides = array<i32>} : memref<128x128xf32, #tpu.memory_space<vmem>>, vector<16xf32>,
          %mul3A_1166 = arith.mulf %get3A_1165, %gather3A_315 : vector<16xf32>
          %get3A_1167 = arith.index_cast %add3A_1138 : i32 to index
          %get3A_1168 = arith.constant 112 : index
          %get3A_1169 = tpu.vector_load %arg10[%get3A_1167, %get3A_1168] {strides = array<i32>} : memref<128x128xf32, #tpu.memory_space<vmem>>, vector<16xf32>,
          %mul3A_1170 = arith.mulf %get3A_1169, %gather3A_315 : vector<16xf32>
          %swap3A_1171 = arith.index_cast %select_n3A_242 : i32 to index
          %swap3A_1172 = arith.constant 0 : index
          %swap3A_1173 = tpu.vector_load %arg12[%swap3A_1171, %swap3A_1172] {strides = array<i32>} : memref<520x128xf32, #tpu.memory_space<vmem>>, vector<16xf32>,
          tpu.vector_store %arg12[%swap3A_1171, %swap3A_1172], %mul3A_1082 {add = true, strides = array<i32>} : memref<520x128xf32, #tpu.memory_space<vmem>>, vector<16xf32>,
          %swap3A_1174 = arith.index_cast %select_n3A_242 : i32 to index
          %swap3A_1175 = arith.constant 16 : index
          %swap3A_1176 = tpu.vector_load %arg12[%swap3A_1174, %swap3A_1175] {strides = array<i32>} : memref<520x128xf32, #tpu.memory_space<vmem>>, vector<16xf32>,
          tpu.vector_store %arg12[%swap3A_1174, %swap3A_1175], %mul3A_1086 {add = true, strides = array<i32>} : memref<520x128xf32, #tpu.memory_space<vmem>>, vector<16xf32>,
          %swap3A_1177 = arith.index_cast %select_n3A_242 : i32 to index
          %swap3A_1178 = arith.constant 32 : index
          %swap3A_1179 = tpu.vector_load %arg12[%swap3A_1177, %swap3A_1178] {strides = array<i32>} : memref<520x128xf32, #tpu.memory_space<vmem>>, vector<16xf32>,
          tpu.vector_store %arg12[%swap3A_1177, %swap3A_1178], %mul3A_1090 {add = true, strides = array<i32>} : memref<520x128xf32, #tpu.memory_space<vmem>>, vector<16xf32>,
          %swap3A_1180 = arith.index_cast %select_n3A_242 : i32 to index
          %swap3A_1181 = arith.constant 48 : index
          %swap3A_1182 = tpu.vector_load %arg12[%swap3A_1180, %swap3A_1181] {strides = array<i32>} : memref<520x128xf32, #tpu.memory_space<vmem>>, vector<16xf32>,
          tpu.vector_store %arg12[%swap3A_1180, %swap3A_1181], %mul3A_1094 {add = true, strides = array<i32>} : memref<520x128xf32, #tpu.memory_space<vmem>>, vector<16xf32>,
          %swap3A_1183 = arith.index_cast %select_n3A_242 : i32 to index
          %swap3A_1184 = arith.constant 64 : index
          %swap3A_1185 = tpu.vector_load %arg12[%swap3A_1183, %swap3A_1184] {strides = array<i32>} : memref<520x128xf32, #tpu.memory_space<vmem>>, vector<16xf32>,
          tpu.vector_store %arg12[%swap3A_1183, %swap3A_1184], %mul3A_1098 {add = true, strides = array<i32>} : memref<520x128xf32, #tpu.memory_space<vmem>>, vector<16xf32>,
          %swap3A_1186 = arith.index_cast %select_n3A_242 : i32 to index
          %swap3A_1187 = arith.constant 80 : index
          %swap3A_1188 = tpu.vector_load %arg12[%swap3A_1186, %swap3A_1187] {strides = array<i32>} : memref<520x128xf32, #tpu.memory_space<vmem>>, vector<16xf32>,
          tpu.vector_store %arg12[%swap3A_1186, %swap3A_1187], %mul3A_1102 {add = true, strides = array<i32>} : memref<520x128xf32, #tpu.memory_space<vmem>>, vector<16xf32>,
          %swap3A_1189 = arith.index_cast %select_n3A_242 : i32 to index
          %swap3A_1190 = arith.constant 96 : index
          %swap3A_1191 = tpu.vector_load %arg12[%swap3A_1189, %swap3A_1190] {strides = array<i32>} : memref<520x128xf32, #tpu.memory_space<vmem>>, vector<16xf32>,
          tpu.vector_store %arg12[%swap3A_1189, %swap3A_1190], %mul3A_1106 {add = true, strides = array<i32>} : memref<520x128xf32, #tpu.memory_space<vmem>>, vector<16xf32>,
          %swap3A_1192 = arith.index_cast %select_n3A_242 : i32 to index
          %swap3A_1193 = arith.constant 112 : index
          %swap3A_1194 = tpu.vector_load %arg12[%swap3A_1192, %swap3A_1193] {strides = array<i32>} : memref<520x128xf32, #tpu.memory_space<vmem>>, vector<16xf32>,
          tpu.vector_store %arg12[%swap3A_1192, %swap3A_1193], %mul3A_1110 {add = true, strides = array<i32>} : memref<520x128xf32, #tpu.memory_space<vmem>>, vector<16xf32>,
          %mul3A_1195 = arith.constant 16 : i32
          %mul3A_1196 = arith.muli %scan3A_102, %mul3A_1195 : i32
          %add3A_1197 = arith.constant 15 : i32
          %add3A_1198 = arith.addi %mul3A_1196, %add3A_1197 : i32
          %get3A_1199 = arith.index_cast %add3A_1198 : i32 to index
          %get3A_1200 = arith.constant 0 : index
          %get3A_1201 = tpu.vector_load %arg10[%get3A_1199, %get3A_1200] {strides = array<i32>} : memref<128x128xf32, #tpu.memory_space<vmem>>, vector<16xf32>,
          %mul3A_1202 = arith.mulf %get3A_1201, %gather3A_319 : vector<16xf32>
          %get3A_1203 = arith.index_cast %add3A_1198 : i32 to index
          %get3A_1204 = arith.constant 16 : index
          %get3A_1205 = tpu.vector_load %arg10[%get3A_1203, %get3A_1204] {strides = array<i32>} : memref<128x128xf32, #tpu.memory_space<vmem>>, vector<16xf32>,
          %mul3A_1206 = arith.mulf %get3A_1205, %gather3A_319 : vector<16xf32>
          %get3A_1207 = arith.index_cast %add3A_1198 : i32 to index
          %get3A_1208 = arith.constant 32 : index
          %get3A_1209 = tpu.vector_load %arg10[%get3A_1207, %get3A_1208] {strides = array<i32>} : memref<128x128xf32, #tpu.memory_space<vmem>>, vector<16xf32>,
          %mul3A_1210 = arith.mulf %get3A_1209, %gather3A_319 : vector<16xf32>
          %get3A_1211 = arith.index_cast %add3A_1198 : i32 to index
          %get3A_1212 = arith.constant 48 : index
          %get3A_1213 = tpu.vector_load %arg10[%get3A_1211, %get3A_1212] {strides = array<i32>} : memref<128x128xf32, #tpu.memory_space<vmem>>, vector<16xf32>,
          %mul3A_1214 = arith.mulf %get3A_1213, %gather3A_319 : vector<16xf32>
          %get3A_1215 = arith.index_cast %add3A_1198 : i32 to index
          %get3A_1216 = arith.constant 64 : index
          %get3A_1217 = tpu.vector_load %arg10[%get3A_1215, %get3A_1216] {strides = array<i32>} : memref<128x128xf32, #tpu.memory_space<vmem>>, vector<16xf32>,
          %mul3A_1218 = arith.mulf %get3A_1217, %gather3A_319 : vector<16xf32>
          %get3A_1219 = arith.index_cast %add3A_1198 : i32 to index
          %get3A_1220 = arith.constant 80 : index
          %get3A_1221 = tpu.vector_load %arg10[%get3A_1219, %get3A_1220] {strides = array<i32>} : memref<128x128xf32, #tpu.memory_space<vmem>>, vector<16xf32>,
          %mul3A_1222 = arith.mulf %get3A_1221, %gather3A_319 : vector<16xf32>
          %get3A_1223 = arith.index_cast %add3A_1198 : i32 to index
          %get3A_1224 = arith.constant 96 : index
          %get3A_1225 = tpu.vector_load %arg10[%get3A_1223, %get3A_1224] {strides = array<i32>} : memref<128x128xf32, #tpu.memory_space<vmem>>, vector<16xf32>,
          %mul3A_1226 = arith.mulf %get3A_1225, %gather3A_319 : vector<16xf32>
          %get3A_1227 = arith.index_cast %add3A_1198 : i32 to index
          %get3A_1228 = arith.constant 112 : index
          %get3A_1229 = tpu.vector_load %arg10[%get3A_1227, %get3A_1228] {strides = array<i32>} : memref<128x128xf32, #tpu.memory_space<vmem>>, vector<16xf32>,
          %mul3A_1230 = arith.mulf %get3A_1229, %gather3A_319 : vector<16xf32>
          %swap3A_1231 = arith.index_cast %select_n3A_249 : i32 to index
          %swap3A_1232 = arith.constant 0 : index
          %swap3A_1233 = tpu.vector_load %arg12[%swap3A_1231, %swap3A_1232] {strides = array<i32>} : memref<520x128xf32, #tpu.memory_space<vmem>>, vector<16xf32>,
          tpu.vector_store %arg12[%swap3A_1231, %swap3A_1232], %mul3A_1142 {add = true, strides = array<i32>} : memref<520x128xf32, #tpu.memory_space<vmem>>, vector<16xf32>,
          %swap3A_1234 = arith.index_cast %select_n3A_249 : i32 to index
          %swap3A_1235 = arith.constant 16 : index
          %swap3A_1236 = tpu.vector_load %arg12[%swap3A_1234, %swap3A_1235] {strides = array<i32>} : memref<520x128xf32, #tpu.memory_space<vmem>>, vector<16xf32>,
          tpu.vector_store %arg12[%swap3A_1234, %swap3A_1235], %mul3A_1146 {add = true, strides = array<i32>} : memref<520x128xf32, #tpu.memory_space<vmem>>, vector<16xf32>,
          %swap3A_1237 = arith.index_cast %select_n3A_249 : i32 to index
          %swap3A_1238 = arith.constant 32 : index
          %swap3A_1239 = tpu.vector_load %arg12[%swap3A_1237, %swap3A_1238] {strides = array<i32>} : memref<520x128xf32, #tpu.memory_space<vmem>>, vector<16xf32>,
          tpu.vector_store %arg12[%swap3A_1237, %swap3A_1238], %mul3A_1150 {add = true, strides = array<i32>} : memref<520x128xf32, #tpu.memory_space<vmem>>, vector<16xf32>,
          %swap3A_1240 = arith.index_cast %select_n3A_249 : i32 to index
          %swap3A_1241 = arith.constant 48 : index
          %swap3A_1242 = tpu.vector_load %arg12[%swap3A_1240, %swap3A_1241] {strides = array<i32>} : memref<520x128xf32, #tpu.memory_space<vmem>>, vector<16xf32>,
          tpu.vector_store %arg12[%swap3A_1240, %swap3A_1241], %mul3A_1154 {add = true, strides = array<i32>} : memref<520x128xf32, #tpu.memory_space<vmem>>, vector<16xf32>,
          %swap3A_1243 = arith.index_cast %select_n3A_249 : i32 to index
          %swap3A_1244 = arith.constant 64 : index
          %swap3A_1245 = tpu.vector_load %arg12[%swap3A_1243, %swap3A_1244] {strides = array<i32>} : memref<520x128xf32, #tpu.memory_space<vmem>>, vector<16xf32>,
          tpu.vector_store %arg12[%swap3A_1243, %swap3A_1244], %mul3A_1158 {add = true, strides = array<i32>} : memref<520x128xf32, #tpu.memory_space<vmem>>, vector<16xf32>,
          %swap3A_1246 = arith.index_cast %select_n3A_249 : i32 to index
          %swap3A_1247 = arith.constant 80 : index
          %swap3A_1248 = tpu.vector_load %arg12[%swap3A_1246, %swap3A_1247] {strides = array<i32>} : memref<520x128xf32, #tpu.memory_space<vmem>>, vector<16xf32>,
          tpu.vector_store %arg12[%swap3A_1246, %swap3A_1247], %mul3A_1162 {add = true, strides = array<i32>} : memref<520x128xf32, #tpu.memory_space<vmem>>, vector<16xf32>,
          %swap3A_1249 = arith.index_cast %select_n3A_249 : i32 to index
          %swap3A_1250 = arith.constant 96 : index
          %swap3A_1251 = tpu.vector_load %arg12[%swap3A_1249, %swap3A_1250] {strides = array<i32>} : memref<520x128xf32, #tpu.memory_space<vmem>>, vector<16xf32>,
          tpu.vector_store %arg12[%swap3A_1249, %swap3A_1250], %mul3A_1166 {add = true, strides = array<i32>} : memref<520x128xf32, #tpu.memory_space<vmem>>, vector<16xf32>,
          %swap3A_1252 = arith.index_cast %select_n3A_249 : i32 to index
          %swap3A_1253 = arith.constant 112 : index
          %swap3A_1254 = tpu.vector_load %arg12[%swap3A_1252, %swap3A_1253] {strides = array<i32>} : memref<520x128xf32, #tpu.memory_space<vmem>>, vector<16xf32>,
          tpu.vector_store %arg12[%swap3A_1252, %swap3A_1253], %mul3A_1170 {add = true, strides = array<i32>} : memref<520x128xf32, #tpu.memory_space<vmem>>, vector<16xf32>,
          %swap3A_1255 = arith.index_cast %select_n3A_256 : i32 to index
          %swap3A_1256 = arith.constant 0 : index
          %swap3A_1257 = tpu.vector_load %arg12[%swap3A_1255, %swap3A_1256] {strides = array<i32>} : memref<520x128xf32, #tpu.memory_space<vmem>>, vector<16xf32>,
          tpu.vector_store %arg12[%swap3A_1255, %swap3A_1256], %mul3A_1202 {add = true, strides = array<i32>} : memref<520x128xf32, #tpu.memory_space<vmem>>, vector<16xf32>,
          %swap3A_1258 = arith.index_cast %select_n3A_256 : i32 to index
          %swap3A_1259 = arith.constant 16 : index
          %swap3A_1260 = tpu.vector_load %arg12[%swap3A_1258, %swap3A_1259] {strides = array<i32>} : memref<520x128xf32, #tpu.memory_space<vmem>>, vector<16xf32>,
          tpu.vector_store %arg12[%swap3A_1258, %swap3A_1259], %mul3A_1206 {add = true, strides = array<i32>} : memref<520x128xf32, #tpu.memory_space<vmem>>, vector<16xf32>,
          %swap3A_1261 = arith.index_cast %select_n3A_256 : i32 to index
          %swap3A_1262 = arith.constant 32 : index
          %swap3A_1263 = tpu.vector_load %arg12[%swap3A_1261, %swap3A_1262] {strides = array<i32>} : memref<520x128xf32, #tpu.memory_space<vmem>>, vector<16xf32>,
          tpu.vector_store %arg12[%swap3A_1261, %swap3A_1262], %mul3A_1210 {add = true, strides = array<i32>} : memref<520x128xf32, #tpu.memory_space<vmem>>, vector<16xf32>,
          %swap3A_1264 = arith.index_cast %select_n3A_256 : i32 to index
          %swap3A_1265 = arith.constant 48 : index
          %swap3A_1266 = tpu.vector_load %arg12[%swap3A_1264, %swap3A_1265] {strides = array<i32>} : memref<520x128xf32, #tpu.memory_space<vmem>>, vector<16xf32>,
          tpu.vector_store %arg12[%swap3A_1264, %swap3A_1265], %mul3A_1214 {add = true, strides = array<i32>} : memref<520x128xf32, #tpu.memory_space<vmem>>, vector<16xf32>,
          %swap3A_1267 = arith.index_cast %select_n3A_256 : i32 to index
          %swap3A_1268 = arith.constant 64 : index
          %swap3A_1269 = tpu.vector_load %arg12[%swap3A_1267, %swap3A_1268] {strides = array<i32>} : memref<520x128xf32, #tpu.memory_space<vmem>>, vector<16xf32>,
          tpu.vector_store %arg12[%swap3A_1267, %swap3A_1268], %mul3A_1218 {add = true, strides = array<i32>} : memref<520x128xf32, #tpu.memory_space<vmem>>, vector<16xf32>,
          %swap3A_1270 = arith.index_cast %select_n3A_256 : i32 to index
          %swap3A_1271 = arith.constant 80 : index
          %swap3A_1272 = tpu.vector_load %arg12[%swap3A_1270, %swap3A_1271] {strides = array<i32>} : memref<520x128xf32, #tpu.memory_space<vmem>>, vector<16xf32>,
          tpu.vector_store %arg12[%swap3A_1270, %swap3A_1271], %mul3A_1222 {add = true, strides = array<i32>} : memref<520x128xf32, #tpu.memory_space<vmem>>, vector<16xf32>,
          %swap3A_1273 = arith.index_cast %select_n3A_256 : i32 to index
          %swap3A_1274 = arith.constant 96 : index
          %swap3A_1275 = tpu.vector_load %arg12[%swap3A_1273, %swap3A_1274] {strides = array<i32>} : memref<520x128xf32, #tpu.memory_space<vmem>>, vector<16xf32>,
          tpu.vector_store %arg12[%swap3A_1273, %swap3A_1274], %mul3A_1226 {add = true, strides = array<i32>} : memref<520x128xf32, #tpu.memory_space<vmem>>, vector<16xf32>,
          %swap3A_1276 = arith.index_cast %select_n3A_256 : i32 to index
          %swap3A_1277 = arith.constant 112 : index
          %swap3A_1278 = tpu.vector_load %arg12[%swap3A_1276, %swap3A_1277] {strides = array<i32>} : memref<520x128xf32, #tpu.memory_space<vmem>>, vector<16xf32>,
          tpu.vector_store %arg12[%swap3A_1276, %swap3A_1277], %mul3A_1230 {add = true, strides = array<i32>} : memref<520x128xf32, #tpu.memory_space<vmem>>, vector<16xf32>,
        }
        %scan3A_79 = arith.constant 8 : i32
        %lt3A = arith.constant 39 : i32
        %lt3A_80 = arith.cmpi slt, %scan3A_50, %lt3A : i32
        %convert_element_type3A = arith.extui %lt3A_80 : i1 to i32
        %cond3A = arith.constant 0 : i32
        %cond3A_81 = arith.cmpi ne, %convert_element_type3A, %cond3A : i32
        scf.if %cond3A_81 {
          %add3A_102 = arith.constant 2 : i32
          %add3A_103 = arith.addi %mul3A_52, %add3A_102 : i32
          %dma_start3A_104 = arith.constant 0 : i32
          %dma_start3A_105 = tpu.memref_slice %arg7[%add3A_103, %dma_start3A_104] : memref<80x128xi32, #tpu.memory_space<vmem>> -> memref<1x128xi32, #tpu.memory_space<vmem>>
          %dma_start3A_106 = tpu.memref_squeeze %dma_start3A_105 : memref<1x128xi32, #tpu.memory_space<vmem>> -> memref<128xi32, #tpu.memory_space<vmem>>
          %dma_start3A_107 = arith.constant 0 : i32
          %dma_start3A_108 = arith.constant 0 : i32
          %dma_start3A_109 = tpu.memref_slice %arg2[%select_n3A, %dma_start3A_107, %dma_start3A_108] : memref<2x10000x128xf32, #tpu.memory_space<hbm>> -> memref<1x10000x128xf32, #tpu.memory_space<hbm>>
          %dma_start3A_110 = tpu.memref_squeeze %dma_start3A_109 : memref<1x10000x128xf32, #tpu.memory_space<hbm>> -> memref<10000x128xf32, #tpu.memory_space<hbm>>
          %dma_start3A_111 = arith.constant 0 : i32
          %dma_start3A_112 = arith.constant 0 : i32
          %dma_start3A_113 = tpu.memref_slice %dma_start3A_110[%dma_start3A_111, %dma_start3A_112] : memref<10000x128xf32, #tpu.memory_space<hbm>> -> memref<10000x128xf32, #tpu.memory_space<hbm>>
          tpu.enqueue_indirect_dma source(%dma_start3A_113 : memref<10000x128xf32, #tpu.memory_space<hbm>>) target(%arg10 : memref<128x128xf32, #tpu.memory_space<vmem>>) offsets(%dma_start3A_106 : memref<128xi32, #tpu.memory_space<vmem>>) semaphore(%arg13 : memref<!tpu.dma_semaphore, #tpu.memory_space<semaphore_mem>>)
        } else {
        }
        %add3A_82 = arith.constant 1 : i32
        %add3A_83 = arith.addi %mul3A_52, %add3A_82 : i32
        %dma_wait3A_84 = arith.constant 0 : i32
        %dma_wait3A_85 = tpu.memref_slice %arg7[%add3A_83, %dma_wait3A_84] : memref<80x128xi32, #tpu.memory_space<vmem>> -> memref<1x128xi32, #tpu.memory_space<vmem>>
        %dma_wait3A_86 = tpu.memref_squeeze %dma_wait3A_85 : memref<1x128xi32, #tpu.memory_space<vmem>> -> memref<128xi32, #tpu.memory_space<vmem>>
        %dma_wait3A_87 = arith.constant 0 : i32
        %dma_wait3A_88 = arith.constant 0 : i32
        %dma_wait3A_89 = tpu.memref_slice %arg2[%select_n3A, %dma_wait3A_87, %dma_wait3A_88] : memref<2x10000x128xf32, #tpu.memory_space<hbm>> -> memref<1x10000x128xf32, #tpu.memory_space<hbm>>
        %dma_wait3A_90 = tpu.memref_squeeze %dma_wait3A_89 : memref<1x10000x128xf32, #tpu.memory_space<hbm>> -> memref<10000x128xf32, #tpu.memory_space<hbm>>
        %dma_wait3A_91 = arith.constant 0 : i32
        %dma_wait3A_92 = arith.constant 0 : i32
        %dma_wait3A_93 = tpu.memref_slice %dma_wait3A_90[%dma_wait3A_91, %dma_wait3A_92] : memref<10000x128xf32, #tpu.memory_space<hbm>> -> memref<10000x128xf32, #tpu.memory_space<hbm>>
        tpu.wait_indirect_dma semaphore(%arg14 : memref<!tpu.dma_semaphore, #tpu.memory_space<semaphore_mem>>) src(%dma_wait3A_93 : memref<10000x128xf32, #tpu.memory_space<hbm>>) dst(%arg11 : memref<128x128xf32, #tpu.memory_space<vmem>>)
        %add3A_94 = arith.constant 1 : i32
        %add3A_95 = arith.addi %mul3A_52, %add3A_94 : i32
        %scan3A_96 = arith.constant 0 : i32
        %scan3A_97 = arith.constant 0 : i32
        %scan3A_98 = arith.constant 8 : i32
        %scan3A_99 = arith.addi %scan3A_97, %scan3A_98 : i32
        %scan3A_100 = arith.constant 1 : i32
        scf.for %scan3A_102 = %scan3A_97 to %scan3A_99 step %scan3A_100  : i32 {
          %mul3A_103 = arith.constant 16 : i32
          %mul3A_104 = arith.muli %scan3A_102, %mul3A_103 : i32
          %get3A = arith.index_cast %add3A_95 : i32 to index
          %get3A_105 = arith.index_cast %mul3A_104 : i32 to index
          %get3A_106 = tpu.vector_load %arg8[%get3A, %get3A_105] {strides = array<i32>} : memref<80x128xi32, #tpu.memory_space<vmem>>, vector<16xi32>,
          %sub3A_107 = vector.broadcast %mul3A_27 : i32 to vector<16xi32>
          %sub3A_108 = arith.subi %get3A_106, %sub3A_107 : vector<16xi32>
          %mul3A_109 = arith.constant 128 : i32
          %mul3A_110 = arith.muli %add3A_95, %mul3A_109 : i32
          %mul3A_111 = arith.constant 16 : i32
          %mul3A_112 = arith.muli %scan3A_102, %mul3A_111 : i32
          %add3A_113 = arith.addi %mul3A_110, %mul3A_112 : i32
          %get3A_114 = arith.index_cast %add3A_113 : i32 to index
          %get3A_115 = tpu.vector_load %arg9[%get3A_114] {strides = array<i32>} : memref<10240xf32, #tpu.memory_space<vmem>>, vector<16xf32>,
          %slice3A = vector.extract_strided_slice %sub3A_108 {offsets = [0], sizes = [1], strides = [1]} : vector<16xi32> to vector<1xi32>
          %squeeze3A = vector.extract %slice3A[0] : i32 from vector<1xi32>
          %slice3A_116 = vector.extract_strided_slice %sub3A_108 {offsets = [1], sizes = [1], strides = [1]} : vector<16xi32> to vector<1xi32>
          %squeeze3A_117 = vector.extract %slice3A_116[0] : i32 from vector<1xi32>
          %slice3A_118 = vector.extract_strided_slice %sub3A_108 {offsets = [2], sizes = [1], strides = [1]} : vector<16xi32> to vector<1xi32>
          %squeeze3A_119 = vector.extract %slice3A_118[0] : i32 from vector<1xi32>
          %slice3A_120 = vector.extract_strided_slice %sub3A_108 {offsets = [3], sizes = [1], strides = [1]} : vector<16xi32> to vector<1xi32>
          %squeeze3A_121 = vector.extract %slice3A_120[0] : i32 from vector<1xi32>
          %slice3A_122 = vector.extract_strided_slice %sub3A_108 {offsets = [4], sizes = [1], strides = [1]} : vector<16xi32> to vector<1xi32>
          %squeeze3A_123 = vector.extract %slice3A_122[0] : i32 from vector<1xi32>
          %slice3A_124 = vector.extract_strided_slice %sub3A_108 {offsets = [5], sizes = [1], strides = [1]} : vector<16xi32> to vector<1xi32>
          %squeeze3A_125 = vector.extract %slice3A_124[0] : i32 from vector<1xi32>
          %slice3A_126 = vector.extract_strided_slice %sub3A_108 {offsets = [6], sizes = [1], strides = [1]} : vector<16xi32> to vector<1xi32>
          %squeeze3A_127 = vector.extract %slice3A_126[0] : i32 from vector<1xi32>
          %slice3A_128 = vector.extract_strided_slice %sub3A_108 {offsets = [7], sizes = [1], strides = [1]} : vector<16xi32> to vector<1xi32>
          %squeeze3A_129 = vector.extract %slice3A_128[0] : i32 from vector<1xi32>
          %slice3A_130 = vector.extract_strided_slice %sub3A_108 {offsets = [8], sizes = [1], strides = [1]} : vector<16xi32> to vector<1xi32>
          %squeeze3A_131 = vector.extract %slice3A_130[0] : i32 from vector<1xi32>
          %slice3A_132 = vector.extract_strided_slice %sub3A_108 {offsets = [9], sizes = [1], strides = [1]} : vector<16xi32> to vector<1xi32>
          %squeeze3A_133 = vector.extract %slice3A_132[0] : i32 from vector<1xi32>
          %slice3A_134 = vector.extract_strided_slice %sub3A_108 {offsets = [10], sizes = [1], strides = [1]} : vector<16xi32> to vector<1xi32>
          %squeeze3A_135 = vector.extract %slice3A_134[0] : i32 from vector<1xi32>
          %slice3A_136 = vector.extract_strided_slice %sub3A_108 {offsets = [11], sizes = [1], strides = [1]} : vector<16xi32> to vector<1xi32>
          %squeeze3A_137 = vector.extract %slice3A_136[0] : i32 from vector<1xi32>
          %slice3A_138 = vector.extract_strided_slice %sub3A_108 {offsets = [12], sizes = [1], strides = [1]} : vector<16xi32> to vector<1xi32>
          %squeeze3A_139 = vector.extract %slice3A_138[0] : i32 from vector<1xi32>
          %slice3A_140 = vector.extract_strided_slice %sub3A_108 {offsets = [13], sizes = [1], strides = [1]} : vector<16xi32> to vector<1xi32>
          %squeeze3A_141 = vector.extract %slice3A_140[0] : i32 from vector<1xi32>
          %slice3A_142 = vector.extract_strided_slice %sub3A_108 {offsets = [14], sizes = [1], strides = [1]} : vector<16xi32> to vector<1xi32>
          %squeeze3A_143 = vector.extract %slice3A_142[0] : i32 from vector<1xi32>
          %slice3A_144 = vector.extract_strided_slice %sub3A_108 {offsets = [15], sizes = [1], strides = [1]} : vector<16xi32> to vector<1xi32>
          %squeeze3A_145 = vector.extract %slice3A_144[0] : i32 from vector<1xi32>
          %ge3A = arith.constant 0 : i32
          %ge3A_146 = arith.cmpi sge, %squeeze3A, %ge3A : i32
          %lt3A_147 = arith.constant 512 : i32
          %lt3A_148 = arith.cmpi slt, %squeeze3A, %lt3A_147 : i32
          %and3A_149 = arith.andi %ge3A_146, %lt3A_148 : i1
          %jit3A_150 = arith.constant 512 : i32
          %select_n3A_151 = arith.select %and3A_149, %squeeze3A, %jit3A_150 : i32
          %ge3A_152 = arith.constant 0 : i32
          %ge3A_153 = arith.cmpi sge, %squeeze3A_117, %ge3A_152 : i32
          %lt3A_154 = arith.constant 512 : i32
          %lt3A_155 = arith.cmpi slt, %squeeze3A_117, %lt3A_154 : i32
          %and3A_156 = arith.andi %ge3A_153, %lt3A_155 : i1
          %jit3A_157 = arith.constant 513 : i32
          %select_n3A_158 = arith.select %and3A_156, %squeeze3A_117, %jit3A_157 : i32
          %ge3A_159 = arith.constant 0 : i32
          %ge3A_160 = arith.cmpi sge, %squeeze3A_119, %ge3A_159 : i32
          %lt3A_161 = arith.constant 512 : i32
          %lt3A_162 = arith.cmpi slt, %squeeze3A_119, %lt3A_161 : i32
          %and3A_163 = arith.andi %ge3A_160, %lt3A_162 : i1
          %jit3A_164 = arith.constant 514 : i32
          %select_n3A_165 = arith.select %and3A_163, %squeeze3A_119, %jit3A_164 : i32
          %ge3A_166 = arith.constant 0 : i32
          %ge3A_167 = arith.cmpi sge, %squeeze3A_121, %ge3A_166 : i32
          %lt3A_168 = arith.constant 512 : i32
          %lt3A_169 = arith.cmpi slt, %squeeze3A_121, %lt3A_168 : i32
          %and3A_170 = arith.andi %ge3A_167, %lt3A_169 : i1
          %jit3A_171 = arith.constant 515 : i32
          %select_n3A_172 = arith.select %and3A_170, %squeeze3A_121, %jit3A_171 : i32
          %ge3A_173 = arith.constant 0 : i32
          %ge3A_174 = arith.cmpi sge, %squeeze3A_123, %ge3A_173 : i32
          %lt3A_175 = arith.constant 512 : i32
          %lt3A_176 = arith.cmpi slt, %squeeze3A_123, %lt3A_175 : i32
          %and3A_177 = arith.andi %ge3A_174, %lt3A_176 : i1
          %jit3A_178 = arith.constant 516 : i32
          %select_n3A_179 = arith.select %and3A_177, %squeeze3A_123, %jit3A_178 : i32
          %ge3A_180 = arith.constant 0 : i32
          %ge3A_181 = arith.cmpi sge, %squeeze3A_125, %ge3A_180 : i32
          %lt3A_182 = arith.constant 512 : i32
          %lt3A_183 = arith.cmpi slt, %squeeze3A_125, %lt3A_182 : i32
          %and3A_184 = arith.andi %ge3A_181, %lt3A_183 : i1
          %jit3A_185 = arith.constant 517 : i32
          %select_n3A_186 = arith.select %and3A_184, %squeeze3A_125, %jit3A_185 : i32
          %ge3A_187 = arith.constant 0 : i32
          %ge3A_188 = arith.cmpi sge, %squeeze3A_127, %ge3A_187 : i32
          %lt3A_189 = arith.constant 512 : i32
          %lt3A_190 = arith.cmpi slt, %squeeze3A_127, %lt3A_189 : i32
          %and3A_191 = arith.andi %ge3A_188, %lt3A_190 : i1
          %jit3A_192 = arith.constant 518 : i32
          %select_n3A_193 = arith.select %and3A_191, %squeeze3A_127, %jit3A_192 : i32
          %ge3A_194 = arith.constant 0 : i32
          %ge3A_195 = arith.cmpi sge, %squeeze3A_129, %ge3A_194 : i32
          %lt3A_196 = arith.constant 512 : i32
          %lt3A_197 = arith.cmpi slt, %squeeze3A_129, %lt3A_196 : i32
          %and3A_198 = arith.andi %ge3A_195, %lt3A_197 : i1
          %jit3A_199 = arith.constant 519 : i32
          %select_n3A_200 = arith.select %and3A_198, %squeeze3A_129, %jit3A_199 : i32
          %ge3A_201 = arith.constant 0 : i32
          %ge3A_202 = arith.cmpi sge, %squeeze3A_131, %ge3A_201 : i32
          %lt3A_203 = arith.constant 512 : i32
          %lt3A_204 = arith.cmpi slt, %squeeze3A_131, %lt3A_203 : i32
          %and3A_205 = arith.andi %ge3A_202, %lt3A_204 : i1
          %jit3A_206 = arith.constant 512 : i32
          %select_n3A_207 = arith.select %and3A_205, %squeeze3A_131, %jit3A_206 : i32
          %ge3A_208 = arith.constant 0 : i32
          %ge3A_209 = arith.cmpi sge, %squeeze3A_133, %ge3A_208 : i32
          %lt3A_210 = arith.constant 512 : i32
          %lt3A_211 = arith.cmpi slt, %squeeze3A_133, %lt3A_210 : i32
          %and3A_212 = arith.andi %ge3A_209, %lt3A_211 : i1
          %jit3A_213 = arith.constant 513 : i32
          %select_n3A_214 = arith.select %and3A_212, %squeeze3A_133, %jit3A_213 : i32
          %ge3A_215 = arith.constant 0 : i32
          %ge3A_216 = arith.cmpi sge, %squeeze3A_135, %ge3A_215 : i32
          %lt3A_217 = arith.constant 512 : i32
          %lt3A_218 = arith.cmpi slt, %squeeze3A_135, %lt3A_217 : i32
          %and3A_219 = arith.andi %ge3A_216, %lt3A_218 : i1
          %jit3A_220 = arith.constant 514 : i32
          %select_n3A_221 = arith.select %and3A_219, %squeeze3A_135, %jit3A_220 : i32
          %ge3A_222 = arith.constant 0 : i32
          %ge3A_223 = arith.cmpi sge, %squeeze3A_137, %ge3A_222 : i32
          %lt3A_224 = arith.constant 512 : i32
          %lt3A_225 = arith.cmpi slt, %squeeze3A_137, %lt3A_224 : i32
          %and3A_226 = arith.andi %ge3A_223, %lt3A_225 : i1
          %jit3A_227 = arith.constant 515 : i32
          %select_n3A_228 = arith.select %and3A_226, %squeeze3A_137, %jit3A_227 : i32
          %ge3A_229 = arith.constant 0 : i32
          %ge3A_230 = arith.cmpi sge, %squeeze3A_139, %ge3A_229 : i32
          %lt3A_231 = arith.constant 512 : i32
          %lt3A_232 = arith.cmpi slt, %squeeze3A_139, %lt3A_231 : i32
          %and3A_233 = arith.andi %ge3A_230, %lt3A_232 : i1
          %jit3A_234 = arith.constant 516 : i32
          %select_n3A_235 = arith.select %and3A_233, %squeeze3A_139, %jit3A_234 : i32
          %ge3A_236 = arith.constant 0 : i32
          %ge3A_237 = arith.cmpi sge, %squeeze3A_141, %ge3A_236 : i32
          %lt3A_238 = arith.constant 512 : i32
          %lt3A_239 = arith.cmpi slt, %squeeze3A_141, %lt3A_238 : i32
          %and3A_240 = arith.andi %ge3A_237, %lt3A_239 : i1
          %jit3A_241 = arith.constant 517 : i32
          %select_n3A_242 = arith.select %and3A_240, %squeeze3A_141, %jit3A_241 : i32
          %ge3A_243 = arith.constant 0 : i32
          %ge3A_244 = arith.cmpi sge, %squeeze3A_143, %ge3A_243 : i32
          %lt3A_245 = arith.constant 512 : i32
          %lt3A_246 = arith.cmpi slt, %squeeze3A_143, %lt3A_245 : i32
          %and3A_247 = arith.andi %ge3A_244, %lt3A_246 : i1
          %jit3A_248 = arith.constant 518 : i32
          %select_n3A_249 = arith.select %and3A_247, %squeeze3A_143, %jit3A_248 : i32
          %ge3A_250 = arith.constant 0 : i32
          %ge3A_251 = arith.cmpi sge, %squeeze3A_145, %ge3A_250 : i32
          %lt3A_252 = arith.constant 512 : i32
          %lt3A_253 = arith.cmpi slt, %squeeze3A_145, %lt3A_252 : i32
          %and3A_254 = arith.andi %ge3A_251, %lt3A_253 : i1
          %jit3A_255 = arith.constant 519 : i32
          %select_n3A_256 = arith.select %and3A_254, %squeeze3A_145, %jit3A_255 : i32
          %broadcast_in_dim3A_257 = arith.constant 0 : i32
          %broadcast_in_dim3A_258 = vector.broadcast %broadcast_in_dim3A_257 : i32 to vector<16x1xi32>
          %gather3A = vector.shape_cast %broadcast_in_dim3A_258 : vector<16x1xi32> to vector<16xi32>
          %gather3A_259 = tpu.dynamic_gather %get3A_115[%gather3A] in [0] : vector<16xf32>, vector<16xi32> -> vector<16xf32>
          %broadcast_in_dim3A_260 = arith.constant 1 : i32
          %broadcast_in_dim3A_261 = vector.broadcast %broadcast_in_dim3A_260 : i32 to vector<16x1xi32>
          %gather3A_262 = vector.shape_cast %broadcast_in_dim3A_261 : vector<16x1xi32> to vector<16xi32>
          %gather3A_263 = tpu.dynamic_gather %get3A_115[%gather3A_262] in [0] : vector<16xf32>, vector<16xi32> -> vector<16xf32>
          %broadcast_in_dim3A_264 = arith.constant 2 : i32
          %broadcast_in_dim3A_265 = vector.broadcast %broadcast_in_dim3A_264 : i32 to vector<16x1xi32>
          %gather3A_266 = vector.shape_cast %broadcast_in_dim3A_265 : vector<16x1xi32> to vector<16xi32>
          %gather3A_267 = tpu.dynamic_gather %get3A_115[%gather3A_266] in [0] : vector<16xf32>, vector<16xi32> -> vector<16xf32>
          %broadcast_in_dim3A_268 = arith.constant 3 : i32
          %broadcast_in_dim3A_269 = vector.broadcast %broadcast_in_dim3A_268 : i32 to vector<16x1xi32>
          %gather3A_270 = vector.shape_cast %broadcast_in_dim3A_269 : vector<16x1xi32> to vector<16xi32>
          %gather3A_271 = tpu.dynamic_gather %get3A_115[%gather3A_270] in [0] : vector<16xf32>, vector<16xi32> -> vector<16xf32>
          %broadcast_in_dim3A_272 = arith.constant 4 : i32
          %broadcast_in_dim3A_273 = vector.broadcast %broadcast_in_dim3A_272 : i32 to vector<16x1xi32>
          %gather3A_274 = vector.shape_cast %broadcast_in_dim3A_273 : vector<16x1xi32> to vector<16xi32>
          %gather3A_275 = tpu.dynamic_gather %get3A_115[%gather3A_274] in [0] : vector<16xf32>, vector<16xi32> -> vector<16xf32>
          %broadcast_in_dim3A_276 = arith.constant 5 : i32
          %broadcast_in_dim3A_277 = vector.broadcast %broadcast_in_dim3A_276 : i32 to vector<16x1xi32>
          %gather3A_278 = vector.shape_cast %broadcast_in_dim3A_277 : vector<16x1xi32> to vector<16xi32>
          %gather3A_279 = tpu.dynamic_gather %get3A_115[%gather3A_278] in [0] : vector<16xf32>, vector<16xi32> -> vector<16xf32>
          %broadcast_in_dim3A_280 = arith.constant 6 : i32
          %broadcast_in_dim3A_281 = vector.broadcast %broadcast_in_dim3A_280 : i32 to vector<16x1xi32>
          %gather3A_282 = vector.shape_cast %broadcast_in_dim3A_281 : vector<16x1xi32> to vector<16xi32>
          %gather3A_283 = tpu.dynamic_gather %get3A_115[%gather3A_282] in [0] : vector<16xf32>, vector<16xi32> -> vector<16xf32>
          %broadcast_in_dim3A_284 = arith.constant 7 : i32
          %broadcast_in_dim3A_285 = vector.broadcast %broadcast_in_dim3A_284 : i32 to vector<16x1xi32>
          %gather3A_286 = vector.shape_cast %broadcast_in_dim3A_285 : vector<16x1xi32> to vector<16xi32>
          %gather3A_287 = tpu.dynamic_gather %get3A_115[%gather3A_286] in [0] : vector<16xf32>, vector<16xi32> -> vector<16xf32>
          %broadcast_in_dim3A_288 = arith.constant 8 : i32
          %broadcast_in_dim3A_289 = vector.broadcast %broadcast_in_dim3A_288 : i32 to vector<16x1xi32>
          %gather3A_290 = vector.shape_cast %broadcast_in_dim3A_289 : vector<16x1xi32> to vector<16xi32>
          %gather3A_291 = tpu.dynamic_gather %get3A_115[%gather3A_290] in [0] : vector<16xf32>, vector<16xi32> -> vector<16xf32>
          %broadcast_in_dim3A_292 = arith.constant 9 : i32
          %broadcast_in_dim3A_293 = vector.broadcast %broadcast_in_dim3A_292 : i32 to vector<16x1xi32>
          %gather3A_294 = vector.shape_cast %broadcast_in_dim3A_293 : vector<16x1xi32> to vector<16xi32>
          %gather3A_295 = tpu.dynamic_gather %get3A_115[%gather3A_294] in [0] : vector<16xf32>, vector<16xi32> -> vector<16xf32>
          %broadcast_in_dim3A_296 = arith.constant 10 : i32
          %broadcast_in_dim3A_297 = vector.broadcast %broadcast_in_dim3A_296 : i32 to vector<16x1xi32>
          %gather3A_298 = vector.shape_cast %broadcast_in_dim3A_297 : vector<16x1xi32> to vector<16xi32>
          %gather3A_299 = tpu.dynamic_gather %get3A_115[%gather3A_298] in [0] : vector<16xf32>, vector<16xi32> -> vector<16xf32>
          %broadcast_in_dim3A_300 = arith.constant 11 : i32
          %broadcast_in_dim3A_301 = vector.broadcast %broadcast_in_dim3A_300 : i32 to vector<16x1xi32>
          %gather3A_302 = vector.shape_cast %broadcast_in_dim3A_301 : vector<16x1xi32> to vector<16xi32>
          %gather3A_303 = tpu.dynamic_gather %get3A_115[%gather3A_302] in [0] : vector<16xf32>, vector<16xi32> -> vector<16xf32>
          %broadcast_in_dim3A_304 = arith.constant 12 : i32
          %broadcast_in_dim3A_305 = vector.broadcast %broadcast_in_dim3A_304 : i32 to vector<16x1xi32>
          %gather3A_306 = vector.shape_cast %broadcast_in_dim3A_305 : vector<16x1xi32> to vector<16xi32>
          %gather3A_307 = tpu.dynamic_gather %get3A_115[%gather3A_306] in [0] : vector<16xf32>, vector<16xi32> -> vector<16xf32>
          %broadcast_in_dim3A_308 = arith.constant 13 : i32
          %broadcast_in_dim3A_309 = vector.broadcast %broadcast_in_dim3A_308 : i32 to vector<16x1xi32>
          %gather3A_310 = vector.shape_cast %broadcast_in_dim3A_309 : vector<16x1xi32> to vector<16xi32>
          %gather3A_311 = tpu.dynamic_gather %get3A_115[%gather3A_310] in [0] : vector<16xf32>, vector<16xi32> -> vector<16xf32>
          %broadcast_in_dim3A_312 = arith.constant 14 : i32
          %broadcast_in_dim3A_313 = vector.broadcast %broadcast_in_dim3A_312 : i32 to vector<16x1xi32>
          %gather3A_314 = vector.shape_cast %broadcast_in_dim3A_313 : vector<16x1xi32> to vector<16xi32>
          %gather3A_315 = tpu.dynamic_gather %get3A_115[%gather3A_314] in [0] : vector<16xf32>, vector<16xi32> -> vector<16xf32>
          %broadcast_in_dim3A_316 = arith.constant 15 : i32
          %broadcast_in_dim3A_317 = vector.broadcast %broadcast_in_dim3A_316 : i32 to vector<16x1xi32>
          %gather3A_318 = vector.shape_cast %broadcast_in_dim3A_317 : vector<16x1xi32> to vector<16xi32>
          %gather3A_319 = tpu.dynamic_gather %get3A_115[%gather3A_318] in [0] : vector<16xf32>, vector<16xi32> -> vector<16xf32>
          %mul3A_320 = arith.constant 16 : i32
          %mul3A_321 = arith.muli %scan3A_102, %mul3A_320 : i32
          %add3A_322 = arith.constant 0 : i32
          %add3A_323 = arith.addi %mul3A_321, %add3A_322 : i32
          %get3A_324 = arith.index_cast %add3A_323 : i32 to index
          %get3A_325 = arith.constant 0 : index
          %get3A_326 = tpu.vector_load %arg11[%get3A_324, %get3A_325] {strides = array<i32>} : memref<128x128xf32, #tpu.memory_space<vmem>>, vector<16xf32>,
          %mul3A_327 = arith.mulf %get3A_326, %gather3A_259 : vector<16xf32>
          %get3A_328 = arith.index_cast %add3A_323 : i32 to index
          %get3A_329 = arith.constant 16 : index
          %get3A_330 = tpu.vector_load %arg11[%get3A_328, %get3A_329] {strides = array<i32>} : memref<128x128xf32, #tpu.memory_space<vmem>>, vector<16xf32>,
          %mul3A_331 = arith.mulf %get3A_330, %gather3A_259 : vector<16xf32>
          %get3A_332 = arith.index_cast %add3A_323 : i32 to index
          %get3A_333 = arith.constant 32 : index
          %get3A_334 = tpu.vector_load %arg11[%get3A_332, %get3A_333] {strides = array<i32>} : memref<128x128xf32, #tpu.memory_space<vmem>>, vector<16xf32>,
          %mul3A_335 = arith.mulf %get3A_334, %gather3A_259 : vector<16xf32>
          %get3A_336 = arith.index_cast %add3A_323 : i32 to index
          %get3A_337 = arith.constant 48 : index
          %get3A_338 = tpu.vector_load %arg11[%get3A_336, %get3A_337] {strides = array<i32>} : memref<128x128xf32, #tpu.memory_space<vmem>>, vector<16xf32>,
          %mul3A_339 = arith.mulf %get3A_338, %gather3A_259 : vector<16xf32>
          %get3A_340 = arith.index_cast %add3A_323 : i32 to index
          %get3A_341 = arith.constant 64 : index
          %get3A_342 = tpu.vector_load %arg11[%get3A_340, %get3A_341] {strides = array<i32>} : memref<128x128xf32, #tpu.memory_space<vmem>>, vector<16xf32>,
          %mul3A_343 = arith.mulf %get3A_342, %gather3A_259 : vector<16xf32>
          %get3A_344 = arith.index_cast %add3A_323 : i32 to index
          %get3A_345 = arith.constant 80 : index
          %get3A_346 = tpu.vector_load %arg11[%get3A_344, %get3A_345] {strides = array<i32>} : memref<128x128xf32, #tpu.memory_space<vmem>>, vector<16xf32>,
          %mul3A_347 = arith.mulf %get3A_346, %gather3A_259 : vector<16xf32>
          %get3A_348 = arith.index_cast %add3A_323 : i32 to index
          %get3A_349 = arith.constant 96 : index
          %get3A_350 = tpu.vector_load %arg11[%get3A_348, %get3A_349] {strides = array<i32>} : memref<128x128xf32, #tpu.memory_space<vmem>>, vector<16xf32>,
          %mul3A_351 = arith.mulf %get3A_350, %gather3A_259 : vector<16xf32>
          %get3A_352 = arith.index_cast %add3A_323 : i32 to index
          %get3A_353 = arith.constant 112 : index
          %get3A_354 = tpu.vector_load %arg11[%get3A_352, %get3A_353] {strides = array<i32>} : memref<128x128xf32, #tpu.memory_space<vmem>>, vector<16xf32>,
          %mul3A_355 = arith.mulf %get3A_354, %gather3A_259 : vector<16xf32>
          %mul3A_356 = arith.constant 16 : i32
          %mul3A_357 = arith.muli %scan3A_102, %mul3A_356 : i32
          %add3A_358 = arith.constant 1 : i32
          %add3A_359 = arith.addi %mul3A_357, %add3A_358 : i32
          %get3A_360 = arith.index_cast %add3A_359 : i32 to index
          %get3A_361 = arith.constant 0 : index
          %get3A_362 = tpu.vector_load %arg11[%get3A_360, %get3A_361] {strides = array<i32>} : memref<128x128xf32, #tpu.memory_space<vmem>>, vector<16xf32>,
          %mul3A_363 = arith.mulf %get3A_362, %gather3A_263 : vector<16xf32>
          %get3A_364 = arith.index_cast %add3A_359 : i32 to index
          %get3A_365 = arith.constant 16 : index
          %get3A_366 = tpu.vector_load %arg11[%get3A_364, %get3A_365] {strides = array<i32>} : memref<128x128xf32, #tpu.memory_space<vmem>>, vector<16xf32>,
          %mul3A_367 = arith.mulf %get3A_366, %gather3A_263 : vector<16xf32>
          %get3A_368 = arith.index_cast %add3A_359 : i32 to index
          %get3A_369 = arith.constant 32 : index
          %get3A_370 = tpu.vector_load %arg11[%get3A_368, %get3A_369] {strides = array<i32>} : memref<128x128xf32, #tpu.memory_space<vmem>>, vector<16xf32>,
          %mul3A_371 = arith.mulf %get3A_370, %gather3A_263 : vector<16xf32>
          %get3A_372 = arith.index_cast %add3A_359 : i32 to index
          %get3A_373 = arith.constant 48 : index
          %get3A_374 = tpu.vector_load %arg11[%get3A_372, %get3A_373] {strides = array<i32>} : memref<128x128xf32, #tpu.memory_space<vmem>>, vector<16xf32>,
          %mul3A_375 = arith.mulf %get3A_374, %gather3A_263 : vector<16xf32>
          %get3A_376 = arith.index_cast %add3A_359 : i32 to index
          %get3A_377 = arith.constant 64 : index
          %get3A_378 = tpu.vector_load %arg11[%get3A_376, %get3A_377] {strides = array<i32>} : memref<128x128xf32, #tpu.memory_space<vmem>>, vector<16xf32>,
          %mul3A_379 = arith.mulf %get3A_378, %gather3A_263 : vector<16xf32>
          %get3A_380 = arith.index_cast %add3A_359 : i32 to index
          %get3A_381 = arith.constant 80 : index
          %get3A_382 = tpu.vector_load %arg11[%get3A_380, %get3A_381] {strides = array<i32>} : memref<128x128xf32, #tpu.memory_space<vmem>>, vector<16xf32>,
          %mul3A_383 = arith.mulf %get3A_382, %gather3A_263 : vector<16xf32>
          %get3A_384 = arith.index_cast %add3A_359 : i32 to index
          %get3A_385 = arith.constant 96 : index
          %get3A_386 = tpu.vector_load %arg11[%get3A_384, %get3A_385] {strides = array<i32>} : memref<128x128xf32, #tpu.memory_space<vmem>>, vector<16xf32>,
          %mul3A_387 = arith.mulf %get3A_386, %gather3A_263 : vector<16xf32>
          %get3A_388 = arith.index_cast %add3A_359 : i32 to index
          %get3A_389 = arith.constant 112 : index
          %get3A_390 = tpu.vector_load %arg11[%get3A_388, %get3A_389] {strides = array<i32>} : memref<128x128xf32, #tpu.memory_space<vmem>>, vector<16xf32>,
          %mul3A_391 = arith.mulf %get3A_390, %gather3A_263 : vector<16xf32>
          %swap3A = arith.index_cast %select_n3A_151 : i32 to index
          %swap3A_392 = arith.constant 0 : index
          %swap3A_393 = tpu.vector_load %arg12[%swap3A, %swap3A_392] {strides = array<i32>} : memref<520x128xf32, #tpu.memory_space<vmem>>, vector<16xf32>,
          tpu.vector_store %arg12[%swap3A, %swap3A_392], %mul3A_327 {add = true, strides = array<i32>} : memref<520x128xf32, #tpu.memory_space<vmem>>, vector<16xf32>,
          %swap3A_394 = arith.index_cast %select_n3A_151 : i32 to index
          %swap3A_395 = arith.constant 16 : index
          %swap3A_396 = tpu.vector_load %arg12[%swap3A_394, %swap3A_395] {strides = array<i32>} : memref<520x128xf32, #tpu.memory_space<vmem>>, vector<16xf32>,
          tpu.vector_store %arg12[%swap3A_394, %swap3A_395], %mul3A_331 {add = true, strides = array<i32>} : memref<520x128xf32, #tpu.memory_space<vmem>>, vector<16xf32>,
          %swap3A_397 = arith.index_cast %select_n3A_151 : i32 to index
          %swap3A_398 = arith.constant 32 : index
          %swap3A_399 = tpu.vector_load %arg12[%swap3A_397, %swap3A_398] {strides = array<i32>} : memref<520x128xf32, #tpu.memory_space<vmem>>, vector<16xf32>,
          tpu.vector_store %arg12[%swap3A_397, %swap3A_398], %mul3A_335 {add = true, strides = array<i32>} : memref<520x128xf32, #tpu.memory_space<vmem>>, vector<16xf32>,
          %swap3A_400 = arith.index_cast %select_n3A_151 : i32 to index
          %swap3A_401 = arith.constant 48 : index
          %swap3A_402 = tpu.vector_load %arg12[%swap3A_400, %swap3A_401] {strides = array<i32>} : memref<520x128xf32, #tpu.memory_space<vmem>>, vector<16xf32>,
          tpu.vector_store %arg12[%swap3A_400, %swap3A_401], %mul3A_339 {add = true, strides = array<i32>} : memref<520x128xf32, #tpu.memory_space<vmem>>, vector<16xf32>,
          %swap3A_403 = arith.index_cast %select_n3A_151 : i32 to index
          %swap3A_404 = arith.constant 64 : index
          %swap3A_405 = tpu.vector_load %arg12[%swap3A_403, %swap3A_404] {strides = array<i32>} : memref<520x128xf32, #tpu.memory_space<vmem>>, vector<16xf32>,
          tpu.vector_store %arg12[%swap3A_403, %swap3A_404], %mul3A_343 {add = true, strides = array<i32>} : memref<520x128xf32, #tpu.memory_space<vmem>>, vector<16xf32>,
          %swap3A_406 = arith.index_cast %select_n3A_151 : i32 to index
          %swap3A_407 = arith.constant 80 : index
          %swap3A_408 = tpu.vector_load %arg12[%swap3A_406, %swap3A_407] {strides = array<i32>} : memref<520x128xf32, #tpu.memory_space<vmem>>, vector<16xf32>,
          tpu.vector_store %arg12[%swap3A_406, %swap3A_407], %mul3A_347 {add = true, strides = array<i32>} : memref<520x128xf32, #tpu.memory_space<vmem>>, vector<16xf32>,
          %swap3A_409 = arith.index_cast %select_n3A_151 : i32 to index
          %swap3A_410 = arith.constant 96 : index
          %swap3A_411 = tpu.vector_load %arg12[%swap3A_409, %swap3A_410] {strides = array<i32>} : memref<520x128xf32, #tpu.memory_space<vmem>>, vector<16xf32>,
          tpu.vector_store %arg12[%swap3A_409, %swap3A_410], %mul3A_351 {add = true, strides = array<i32>} : memref<520x128xf32, #tpu.memory_space<vmem>>, vector<16xf32>,
          %swap3A_412 = arith.index_cast %select_n3A_151 : i32 to index
          %swap3A_413 = arith.constant 112 : index
          %swap3A_414 = tpu.vector_load %arg12[%swap3A_412, %swap3A_413] {strides = array<i32>} : memref<520x128xf32, #tpu.memory_space<vmem>>, vector<16xf32>,
          tpu.vector_store %arg12[%swap3A_412, %swap3A_413], %mul3A_355 {add = true, strides = array<i32>} : memref<520x128xf32, #tpu.memory_space<vmem>>, vector<16xf32>,
          %mul3A_415 = arith.constant 16 : i32
          %mul3A_416 = arith.muli %scan3A_102, %mul3A_415 : i32
          %add3A_417 = arith.constant 2 : i32
          %add3A_418 = arith.addi %mul3A_416, %add3A_417 : i32
          %get3A_419 = arith.index_cast %add3A_418 : i32 to index
          %get3A_420 = arith.constant 0 : index
          %get3A_421 = tpu.vector_load %arg11[%get3A_419, %get3A_420] {strides = array<i32>} : memref<128x128xf32, #tpu.memory_space<vmem>>, vector<16xf32>,
          %mul3A_422 = arith.mulf %get3A_421, %gather3A_267 : vector<16xf32>
          %get3A_423 = arith.index_cast %add3A_418 : i32 to index
          %get3A_424 = arith.constant 16 : index
          %get3A_425 = tpu.vector_load %arg11[%get3A_423, %get3A_424] {strides = array<i32>} : memref<128x128xf32, #tpu.memory_space<vmem>>, vector<16xf32>,
          %mul3A_426 = arith.mulf %get3A_425, %gather3A_267 : vector<16xf32>
          %get3A_427 = arith.index_cast %add3A_418 : i32 to index
          %get3A_428 = arith.constant 32 : index
          %get3A_429 = tpu.vector_load %arg11[%get3A_427, %get3A_428] {strides = array<i32>} : memref<128x128xf32, #tpu.memory_space<vmem>>, vector<16xf32>,
          %mul3A_430 = arith.mulf %get3A_429, %gather3A_267 : vector<16xf32>
          %get3A_431 = arith.index_cast %add3A_418 : i32 to index
          %get3A_432 = arith.constant 48 : index
          %get3A_433 = tpu.vector_load %arg11[%get3A_431, %get3A_432] {strides = array<i32>} : memref<128x128xf32, #tpu.memory_space<vmem>>, vector<16xf32>,
          %mul3A_434 = arith.mulf %get3A_433, %gather3A_267 : vector<16xf32>
          %get3A_435 = arith.index_cast %add3A_418 : i32 to index
          %get3A_436 = arith.constant 64 : index
          %get3A_437 = tpu.vector_load %arg11[%get3A_435, %get3A_436] {strides = array<i32>} : memref<128x128xf32, #tpu.memory_space<vmem>>, vector<16xf32>,
          %mul3A_438 = arith.mulf %get3A_437, %gather3A_267 : vector<16xf32>
          %get3A_439 = arith.index_cast %add3A_418 : i32 to index
          %get3A_440 = arith.constant 80 : index
          %get3A_441 = tpu.vector_load %arg11[%get3A_439, %get3A_440] {strides = array<i32>} : memref<128x128xf32, #tpu.memory_space<vmem>>, vector<16xf32>,
          %mul3A_442 = arith.mulf %get3A_441, %gather3A_267 : vector<16xf32>
          %get3A_443 = arith.index_cast %add3A_418 : i32 to index
          %get3A_444 = arith.constant 96 : index
          %get3A_445 = tpu.vector_load %arg11[%get3A_443, %get3A_444] {strides = array<i32>} : memref<128x128xf32, #tpu.memory_space<vmem>>, vector<16xf32>,
          %mul3A_446 = arith.mulf %get3A_445, %gather3A_267 : vector<16xf32>
          %get3A_447 = arith.index_cast %add3A_418 : i32 to index
          %get3A_448 = arith.constant 112 : index
          %get3A_449 = tpu.vector_load %arg11[%get3A_447, %get3A_448] {strides = array<i32>} : memref<128x128xf32, #tpu.memory_space<vmem>>, vector<16xf32>,
          %mul3A_450 = arith.mulf %get3A_449, %gather3A_267 : vector<16xf32>
          %swap3A_451 = arith.index_cast %select_n3A_158 : i32 to index
          %swap3A_452 = arith.constant 0 : index
          %swap3A_453 = tpu.vector_load %arg12[%swap3A_451, %swap3A_452] {strides = array<i32>} : memref<520x128xf32, #tpu.memory_space<vmem>>, vector<16xf32>,
          tpu.vector_store %arg12[%swap3A_451, %swap3A_452], %mul3A_363 {add = true, strides = array<i32>} : memref<520x128xf32, #tpu.memory_space<vmem>>, vector<16xf32>,
          %swap3A_454 = arith.index_cast %select_n3A_158 : i32 to index
          %swap3A_455 = arith.constant 16 : index
          %swap3A_456 = tpu.vector_load %arg12[%swap3A_454, %swap3A_455] {strides = array<i32>} : memref<520x128xf32, #tpu.memory_space<vmem>>, vector<16xf32>,
          tpu.vector_store %arg12[%swap3A_454, %swap3A_455], %mul3A_367 {add = true, strides = array<i32>} : memref<520x128xf32, #tpu.memory_space<vmem>>, vector<16xf32>,
          %swap3A_457 = arith.index_cast %select_n3A_158 : i32 to index
          %swap3A_458 = arith.constant 32 : index
          %swap3A_459 = tpu.vector_load %arg12[%swap3A_457, %swap3A_458] {strides = array<i32>} : memref<520x128xf32, #tpu.memory_space<vmem>>, vector<16xf32>,
          tpu.vector_store %arg12[%swap3A_457, %swap3A_458], %mul3A_371 {add = true, strides = array<i32>} : memref<520x128xf32, #tpu.memory_space<vmem>>, vector<16xf32>,
          %swap3A_460 = arith.index_cast %select_n3A_158 : i32 to index
          %swap3A_461 = arith.constant 48 : index
          %swap3A_462 = tpu.vector_load %arg12[%swap3A_460, %swap3A_461] {strides = array<i32>} : memref<520x128xf32, #tpu.memory_space<vmem>>, vector<16xf32>,
          tpu.vector_store %arg12[%swap3A_460, %swap3A_461], %mul3A_375 {add = true, strides = array<i32>} : memref<520x128xf32, #tpu.memory_space<vmem>>, vector<16xf32>,
          %swap3A_463 = arith.index_cast %select_n3A_158 : i32 to index
          %swap3A_464 = arith.constant 64 : index
          %swap3A_465 = tpu.vector_load %arg12[%swap3A_463, %swap3A_464] {strides = array<i32>} : memref<520x128xf32, #tpu.memory_space<vmem>>, vector<16xf32>,
          tpu.vector_store %arg12[%swap3A_463, %swap3A_464], %mul3A_379 {add = true, strides = array<i32>} : memref<520x128xf32, #tpu.memory_space<vmem>>, vector<16xf32>,
          %swap3A_466 = arith.index_cast %select_n3A_158 : i32 to index
          %swap3A_467 = arith.constant 80 : index
          %swap3A_468 = tpu.vector_load %arg12[%swap3A_466, %swap3A_467] {strides = array<i32>} : memref<520x128xf32, #tpu.memory_space<vmem>>, vector<16xf32>,
          tpu.vector_store %arg12[%swap3A_466, %swap3A_467], %mul3A_383 {add = true, strides = array<i32>} : memref<520x128xf32, #tpu.memory_space<vmem>>, vector<16xf32>,
          %swap3A_469 = arith.index_cast %select_n3A_158 : i32 to index
          %swap3A_470 = arith.constant 96 : index
          %swap3A_471 = tpu.vector_load %arg12[%swap3A_469, %swap3A_470] {strides = array<i32>} : memref<520x128xf32, #tpu.memory_space<vmem>>, vector<16xf32>,
          tpu.vector_store %arg12[%swap3A_469, %swap3A_470], %mul3A_387 {add = true, strides = array<i32>} : memref<520x128xf32, #tpu.memory_space<vmem>>, vector<16xf32>,
          %swap3A_472 = arith.index_cast %select_n3A_158 : i32 to index
          %swap3A_473 = arith.constant 112 : index
          %swap3A_474 = tpu.vector_load %arg12[%swap3A_472, %swap3A_473] {strides = array<i32>} : memref<520x128xf32, #tpu.memory_space<vmem>>, vector<16xf32>,
          tpu.vector_store %arg12[%swap3A_472, %swap3A_473], %mul3A_391 {add = true, strides = array<i32>} : memref<520x128xf32, #tpu.memory_space<vmem>>, vector<16xf32>,
          %mul3A_475 = arith.constant 16 : i32
          %mul3A_476 = arith.muli %scan3A_102, %mul3A_475 : i32
          %add3A_477 = arith.constant 3 : i32
          %add3A_478 = arith.addi %mul3A_476, %add3A_477 : i32
          %get3A_479 = arith.index_cast %add3A_478 : i32 to index
          %get3A_480 = arith.constant 0 : index
          %get3A_481 = tpu.vector_load %arg11[%get3A_479, %get3A_480] {strides = array<i32>} : memref<128x128xf32, #tpu.memory_space<vmem>>, vector<16xf32>,
          %mul3A_482 = arith.mulf %get3A_481, %gather3A_271 : vector<16xf32>
          %get3A_483 = arith.index_cast %add3A_478 : i32 to index
          %get3A_484 = arith.constant 16 : index
          %get3A_485 = tpu.vector_load %arg11[%get3A_483, %get3A_484] {strides = array<i32>} : memref<128x128xf32, #tpu.memory_space<vmem>>, vector<16xf32>,
          %mul3A_486 = arith.mulf %get3A_485, %gather3A_271 : vector<16xf32>
          %get3A_487 = arith.index_cast %add3A_478 : i32 to index
          %get3A_488 = arith.constant 32 : index
          %get3A_489 = tpu.vector_load %arg11[%get3A_487, %get3A_488] {strides = array<i32>} : memref<128x128xf32, #tpu.memory_space<vmem>>, vector<16xf32>,
          %mul3A_490 = arith.mulf %get3A_489, %gather3A_271 : vector<16xf32>
          %get3A_491 = arith.index_cast %add3A_478 : i32 to index
          %get3A_492 = arith.constant 48 : index
          %get3A_493 = tpu.vector_load %arg11[%get3A_491, %get3A_492] {strides = array<i32>} : memref<128x128xf32, #tpu.memory_space<vmem>>, vector<16xf32>,
          %mul3A_494 = arith.mulf %get3A_493, %gather3A_271 : vector<16xf32>
          %get3A_495 = arith.index_cast %add3A_478 : i32 to index
          %get3A_496 = arith.constant 64 : index
          %get3A_497 = tpu.vector_load %arg11[%get3A_495, %get3A_496] {strides = array<i32>} : memref<128x128xf32, #tpu.memory_space<vmem>>, vector<16xf32>,
          %mul3A_498 = arith.mulf %get3A_497, %gather3A_271 : vector<16xf32>
          %get3A_499 = arith.index_cast %add3A_478 : i32 to index
          %get3A_500 = arith.constant 80 : index
          %get3A_501 = tpu.vector_load %arg11[%get3A_499, %get3A_500] {strides = array<i32>} : memref<128x128xf32, #tpu.memory_space<vmem>>, vector<16xf32>,
          %mul3A_502 = arith.mulf %get3A_501, %gather3A_271 : vector<16xf32>
          %get3A_503 = arith.index_cast %add3A_478 : i32 to index
          %get3A_504 = arith.constant 96 : index
          %get3A_505 = tpu.vector_load %arg11[%get3A_503, %get3A_504] {strides = array<i32>} : memref<128x128xf32, #tpu.memory_space<vmem>>, vector<16xf32>,
          %mul3A_506 = arith.mulf %get3A_505, %gather3A_271 : vector<16xf32>
          %get3A_507 = arith.index_cast %add3A_478 : i32 to index
          %get3A_508 = arith.constant 112 : index
          %get3A_509 = tpu.vector_load %arg11[%get3A_507, %get3A_508] {strides = array<i32>} : memref<128x128xf32, #tpu.memory_space<vmem>>, vector<16xf32>,
          %mul3A_510 = arith.mulf %get3A_509, %gather3A_271 : vector<16xf32>
          %swap3A_511 = arith.index_cast %select_n3A_165 : i32 to index
          %swap3A_512 = arith.constant 0 : index
          %swap3A_513 = tpu.vector_load %arg12[%swap3A_511, %swap3A_512] {strides = array<i32>} : memref<520x128xf32, #tpu.memory_space<vmem>>, vector<16xf32>,
          tpu.vector_store %arg12[%swap3A_511, %swap3A_512], %mul3A_422 {add = true, strides = array<i32>} : memref<520x128xf32, #tpu.memory_space<vmem>>, vector<16xf32>,
          %swap3A_514 = arith.index_cast %select_n3A_165 : i32 to index
          %swap3A_515 = arith.constant 16 : index
          %swap3A_516 = tpu.vector_load %arg12[%swap3A_514, %swap3A_515] {strides = array<i32>} : memref<520x128xf32, #tpu.memory_space<vmem>>, vector<16xf32>,
          tpu.vector_store %arg12[%swap3A_514, %swap3A_515], %mul3A_426 {add = true, strides = array<i32>} : memref<520x128xf32, #tpu.memory_space<vmem>>, vector<16xf32>,
          %swap3A_517 = arith.index_cast %select_n3A_165 : i32 to index
          %swap3A_518 = arith.constant 32 : index
          %swap3A_519 = tpu.vector_load %arg12[%swap3A_517, %swap3A_518] {strides = array<i32>} : memref<520x128xf32, #tpu.memory_space<vmem>>, vector<16xf32>,
          tpu.vector_store %arg12[%swap3A_517, %swap3A_518], %mul3A_430 {add = true, strides = array<i32>} : memref<520x128xf32, #tpu.memory_space<vmem>>, vector<16xf32>,
          %swap3A_520 = arith.index_cast %select_n3A_165 : i32 to index
          %swap3A_521 = arith.constant 48 : index
          %swap3A_522 = tpu.vector_load %arg12[%swap3A_520, %swap3A_521] {strides = array<i32>} : memref<520x128xf32, #tpu.memory_space<vmem>>, vector<16xf32>,
          tpu.vector_store %arg12[%swap3A_520, %swap3A_521], %mul3A_434 {add = true, strides = array<i32>} : memref<520x128xf32, #tpu.memory_space<vmem>>, vector<16xf32>,
          %swap3A_523 = arith.index_cast %select_n3A_165 : i32 to index
          %swap3A_524 = arith.constant 64 : index
          %swap3A_525 = tpu.vector_load %arg12[%swap3A_523, %swap3A_524] {strides = array<i32>} : memref<520x128xf32, #tpu.memory_space<vmem>>, vector<16xf32>,
          tpu.vector_store %arg12[%swap3A_523, %swap3A_524], %mul3A_438 {add = true, strides = array<i32>} : memref<520x128xf32, #tpu.memory_space<vmem>>, vector<16xf32>,
          %swap3A_526 = arith.index_cast %select_n3A_165 : i32 to index
          %swap3A_527 = arith.constant 80 : index
          %swap3A_528 = tpu.vector_load %arg12[%swap3A_526, %swap3A_527] {strides = array<i32>} : memref<520x128xf32, #tpu.memory_space<vmem>>, vector<16xf32>,
          tpu.vector_store %arg12[%swap3A_526, %swap3A_527], %mul3A_442 {add = true, strides = array<i32>} : memref<520x128xf32, #tpu.memory_space<vmem>>, vector<16xf32>,
          %swap3A_529 = arith.index_cast %select_n3A_165 : i32 to index
          %swap3A_530 = arith.constant 96 : index
          %swap3A_531 = tpu.vector_load %arg12[%swap3A_529, %swap3A_530] {strides = array<i32>} : memref<520x128xf32, #tpu.memory_space<vmem>>, vector<16xf32>,
          tpu.vector_store %arg12[%swap3A_529, %swap3A_530], %mul3A_446 {add = true, strides = array<i32>} : memref<520x128xf32, #tpu.memory_space<vmem>>, vector<16xf32>,
          %swap3A_532 = arith.index_cast %select_n3A_165 : i32 to index
          %swap3A_533 = arith.constant 112 : index
          %swap3A_534 = tpu.vector_load %arg12[%swap3A_532, %swap3A_533] {strides = array<i32>} : memref<520x128xf32, #tpu.memory_space<vmem>>, vector<16xf32>,
          tpu.vector_store %arg12[%swap3A_532, %swap3A_533], %mul3A_450 {add = true, strides = array<i32>} : memref<520x128xf32, #tpu.memory_space<vmem>>, vector<16xf32>,
          %mul3A_535 = arith.constant 16 : i32
          %mul3A_536 = arith.muli %scan3A_102, %mul3A_535 : i32
          %add3A_537 = arith.constant 4 : i32
          %add3A_538 = arith.addi %mul3A_536, %add3A_537 : i32
          %get3A_539 = arith.index_cast %add3A_538 : i32 to index
          %get3A_540 = arith.constant 0 : index
          %get3A_541 = tpu.vector_load %arg11[%get3A_539, %get3A_540] {strides = array<i32>} : memref<128x128xf32, #tpu.memory_space<vmem>>, vector<16xf32>,
          %mul3A_542 = arith.mulf %get3A_541, %gather3A_275 : vector<16xf32>
          %get3A_543 = arith.index_cast %add3A_538 : i32 to index
          %get3A_544 = arith.constant 16 : index
          %get3A_545 = tpu.vector_load %arg11[%get3A_543, %get3A_544] {strides = array<i32>} : memref<128x128xf32, #tpu.memory_space<vmem>>, vector<16xf32>,
          %mul3A_546 = arith.mulf %get3A_545, %gather3A_275 : vector<16xf32>
          %get3A_547 = arith.index_cast %add3A_538 : i32 to index
          %get3A_548 = arith.constant 32 : index
          %get3A_549 = tpu.vector_load %arg11[%get3A_547, %get3A_548] {strides = array<i32>} : memref<128x128xf32, #tpu.memory_space<vmem>>, vector<16xf32>,
          %mul3A_550 = arith.mulf %get3A_549, %gather3A_275 : vector<16xf32>
          %get3A_551 = arith.index_cast %add3A_538 : i32 to index
          %get3A_552 = arith.constant 48 : index
          %get3A_553 = tpu.vector_load %arg11[%get3A_551, %get3A_552] {strides = array<i32>} : memref<128x128xf32, #tpu.memory_space<vmem>>, vector<16xf32>,
          %mul3A_554 = arith.mulf %get3A_553, %gather3A_275 : vector<16xf32>
          %get3A_555 = arith.index_cast %add3A_538 : i32 to index
          %get3A_556 = arith.constant 64 : index
          %get3A_557 = tpu.vector_load %arg11[%get3A_555, %get3A_556] {strides = array<i32>} : memref<128x128xf32, #tpu.memory_space<vmem>>, vector<16xf32>,
          %mul3A_558 = arith.mulf %get3A_557, %gather3A_275 : vector<16xf32>
          %get3A_559 = arith.index_cast %add3A_538 : i32 to index
          %get3A_560 = arith.constant 80 : index
          %get3A_561 = tpu.vector_load %arg11[%get3A_559, %get3A_560] {strides = array<i32>} : memref<128x128xf32, #tpu.memory_space<vmem>>, vector<16xf32>,
          %mul3A_562 = arith.mulf %get3A_561, %gather3A_275 : vector<16xf32>
          %get3A_563 = arith.index_cast %add3A_538 : i32 to index
          %get3A_564 = arith.constant 96 : index
          %get3A_565 = tpu.vector_load %arg11[%get3A_563, %get3A_564] {strides = array<i32>} : memref<128x128xf32, #tpu.memory_space<vmem>>, vector<16xf32>,
          %mul3A_566 = arith.mulf %get3A_565, %gather3A_275 : vector<16xf32>
          %get3A_567 = arith.index_cast %add3A_538 : i32 to index
          %get3A_568 = arith.constant 112 : index
          %get3A_569 = tpu.vector_load %arg11[%get3A_567, %get3A_568] {strides = array<i32>} : memref<128x128xf32, #tpu.memory_space<vmem>>, vector<16xf32>,
          %mul3A_570 = arith.mulf %get3A_569, %gather3A_275 : vector<16xf32>
          %swap3A_571 = arith.index_cast %select_n3A_172 : i32 to index
          %swap3A_572 = arith.constant 0 : index
          %swap3A_573 = tpu.vector_load %arg12[%swap3A_571, %swap3A_572] {strides = array<i32>} : memref<520x128xf32, #tpu.memory_space<vmem>>, vector<16xf32>,
          tpu.vector_store %arg12[%swap3A_571, %swap3A_572], %mul3A_482 {add = true, strides = array<i32>} : memref<520x128xf32, #tpu.memory_space<vmem>>, vector<16xf32>,
          %swap3A_574 = arith.index_cast %select_n3A_172 : i32 to index
          %swap3A_575 = arith.constant 16 : index
          %swap3A_576 = tpu.vector_load %arg12[%swap3A_574, %swap3A_575] {strides = array<i32>} : memref<520x128xf32, #tpu.memory_space<vmem>>, vector<16xf32>,
          tpu.vector_store %arg12[%swap3A_574, %swap3A_575], %mul3A_486 {add = true, strides = array<i32>} : memref<520x128xf32, #tpu.memory_space<vmem>>, vector<16xf32>,
          %swap3A_577 = arith.index_cast %select_n3A_172 : i32 to index
          %swap3A_578 = arith.constant 32 : index
          %swap3A_579 = tpu.vector_load %arg12[%swap3A_577, %swap3A_578] {strides = array<i32>} : memref<520x128xf32, #tpu.memory_space<vmem>>, vector<16xf32>,
          tpu.vector_store %arg12[%swap3A_577, %swap3A_578], %mul3A_490 {add = true, strides = array<i32>} : memref<520x128xf32, #tpu.memory_space<vmem>>, vector<16xf32>,
          %swap3A_580 = arith.index_cast %select_n3A_172 : i32 to index
          %swap3A_581 = arith.constant 48 : index
          %swap3A_582 = tpu.vector_load %arg12[%swap3A_580, %swap3A_581] {strides = array<i32>} : memref<520x128xf32, #tpu.memory_space<vmem>>, vector<16xf32>,
          tpu.vector_store %arg12[%swap3A_580, %swap3A_581], %mul3A_494 {add = true, strides = array<i32>} : memref<520x128xf32, #tpu.memory_space<vmem>>, vector<16xf32>,
          %swap3A_583 = arith.index_cast %select_n3A_172 : i32 to index
          %swap3A_584 = arith.constant 64 : index
          %swap3A_585 = tpu.vector_load %arg12[%swap3A_583, %swap3A_584] {strides = array<i32>} : memref<520x128xf32, #tpu.memory_space<vmem>>, vector<16xf32>,
          tpu.vector_store %arg12[%swap3A_583, %swap3A_584], %mul3A_498 {add = true, strides = array<i32>} : memref<520x128xf32, #tpu.memory_space<vmem>>, vector<16xf32>,
          %swap3A_586 = arith.index_cast %select_n3A_172 : i32 to index
          %swap3A_587 = arith.constant 80 : index
          %swap3A_588 = tpu.vector_load %arg12[%swap3A_586, %swap3A_587] {strides = array<i32>} : memref<520x128xf32, #tpu.memory_space<vmem>>, vector<16xf32>,
          tpu.vector_store %arg12[%swap3A_586, %swap3A_587], %mul3A_502 {add = true, strides = array<i32>} : memref<520x128xf32, #tpu.memory_space<vmem>>, vector<16xf32>,
          %swap3A_589 = arith.index_cast %select_n3A_172 : i32 to index
          %swap3A_590 = arith.constant 96 : index
          %swap3A_591 = tpu.vector_load %arg12[%swap3A_589, %swap3A_590] {strides = array<i32>} : memref<520x128xf32, #tpu.memory_space<vmem>>, vector<16xf32>,
          tpu.vector_store %arg12[%swap3A_589, %swap3A_590], %mul3A_506 {add = true, strides = array<i32>} : memref<520x128xf32, #tpu.memory_space<vmem>>, vector<16xf32>,
          %swap3A_592 = arith.index_cast %select_n3A_172 : i32 to index
          %swap3A_593 = arith.constant 112 : index
          %swap3A_594 = tpu.vector_load %arg12[%swap3A_592, %swap3A_593] {strides = array<i32>} : memref<520x128xf32, #tpu.memory_space<vmem>>, vector<16xf32>,
          tpu.vector_store %arg12[%swap3A_592, %swap3A_593], %mul3A_510 {add = true, strides = array<i32>} : memref<520x128xf32, #tpu.memory_space<vmem>>, vector<16xf32>,
          %mul3A_595 = arith.constant 16 : i32
          %mul3A_596 = arith.muli %scan3A_102, %mul3A_595 : i32
          %add3A_597 = arith.constant 5 : i32
          %add3A_598 = arith.addi %mul3A_596, %add3A_597 : i32
          %get3A_599 = arith.index_cast %add3A_598 : i32 to index
          %get3A_600 = arith.constant 0 : index
          %get3A_601 = tpu.vector_load %arg11[%get3A_599, %get3A_600] {strides = array<i32>} : memref<128x128xf32, #tpu.memory_space<vmem>>, vector<16xf32>,
          %mul3A_602 = arith.mulf %get3A_601, %gather3A_279 : vector<16xf32>
          %get3A_603 = arith.index_cast %add3A_598 : i32 to index
          %get3A_604 = arith.constant 16 : index
          %get3A_605 = tpu.vector_load %arg11[%get3A_603, %get3A_604] {strides = array<i32>} : memref<128x128xf32, #tpu.memory_space<vmem>>, vector<16xf32>,
          %mul3A_606 = arith.mulf %get3A_605, %gather3A_279 : vector<16xf32>
          %get3A_607 = arith.index_cast %add3A_598 : i32 to index
          %get3A_608 = arith.constant 32 : index
          %get3A_609 = tpu.vector_load %arg11[%get3A_607, %get3A_608] {strides = array<i32>} : memref<128x128xf32, #tpu.memory_space<vmem>>, vector<16xf32>,
          %mul3A_610 = arith.mulf %get3A_609, %gather3A_279 : vector<16xf32>
          %get3A_611 = arith.index_cast %add3A_598 : i32 to index
          %get3A_612 = arith.constant 48 : index
          %get3A_613 = tpu.vector_load %arg11[%get3A_611, %get3A_612] {strides = array<i32>} : memref<128x128xf32, #tpu.memory_space<vmem>>, vector<16xf32>,
          %mul3A_614 = arith.mulf %get3A_613, %gather3A_279 : vector<16xf32>
          %get3A_615 = arith.index_cast %add3A_598 : i32 to index
          %get3A_616 = arith.constant 64 : index
          %get3A_617 = tpu.vector_load %arg11[%get3A_615, %get3A_616] {strides = array<i32>} : memref<128x128xf32, #tpu.memory_space<vmem>>, vector<16xf32>,
          %mul3A_618 = arith.mulf %get3A_617, %gather3A_279 : vector<16xf32>
          %get3A_619 = arith.index_cast %add3A_598 : i32 to index
          %get3A_620 = arith.constant 80 : index
          %get3A_621 = tpu.vector_load %arg11[%get3A_619, %get3A_620] {strides = array<i32>} : memref<128x128xf32, #tpu.memory_space<vmem>>, vector<16xf32>,
          %mul3A_622 = arith.mulf %get3A_621, %gather3A_279 : vector<16xf32>
          %get3A_623 = arith.index_cast %add3A_598 : i32 to index
          %get3A_624 = arith.constant 96 : index
          %get3A_625 = tpu.vector_load %arg11[%get3A_623, %get3A_624] {strides = array<i32>} : memref<128x128xf32, #tpu.memory_space<vmem>>, vector<16xf32>,
          %mul3A_626 = arith.mulf %get3A_625, %gather3A_279 : vector<16xf32>
          %get3A_627 = arith.index_cast %add3A_598 : i32 to index
          %get3A_628 = arith.constant 112 : index
          %get3A_629 = tpu.vector_load %arg11[%get3A_627, %get3A_628] {strides = array<i32>} : memref<128x128xf32, #tpu.memory_space<vmem>>, vector<16xf32>,
          %mul3A_630 = arith.mulf %get3A_629, %gather3A_279 : vector<16xf32>
          %swap3A_631 = arith.index_cast %select_n3A_179 : i32 to index
          %swap3A_632 = arith.constant 0 : index
          %swap3A_633 = tpu.vector_load %arg12[%swap3A_631, %swap3A_632] {strides = array<i32>} : memref<520x128xf32, #tpu.memory_space<vmem>>, vector<16xf32>,
          tpu.vector_store %arg12[%swap3A_631, %swap3A_632], %mul3A_542 {add = true, strides = array<i32>} : memref<520x128xf32, #tpu.memory_space<vmem>>, vector<16xf32>,
          %swap3A_634 = arith.index_cast %select_n3A_179 : i32 to index
          %swap3A_635 = arith.constant 16 : index
          %swap3A_636 = tpu.vector_load %arg12[%swap3A_634, %swap3A_635] {strides = array<i32>} : memref<520x128xf32, #tpu.memory_space<vmem>>, vector<16xf32>,
          tpu.vector_store %arg12[%swap3A_634, %swap3A_635], %mul3A_546 {add = true, strides = array<i32>} : memref<520x128xf32, #tpu.memory_space<vmem>>, vector<16xf32>,
          %swap3A_637 = arith.index_cast %select_n3A_179 : i32 to index
          %swap3A_638 = arith.constant 32 : index
          %swap3A_639 = tpu.vector_load %arg12[%swap3A_637, %swap3A_638] {strides = array<i32>} : memref<520x128xf32, #tpu.memory_space<vmem>>, vector<16xf32>,
          tpu.vector_store %arg12[%swap3A_637, %swap3A_638], %mul3A_550 {add = true, strides = array<i32>} : memref<520x128xf32, #tpu.memory_space<vmem>>, vector<16xf32>,
          %swap3A_640 = arith.index_cast %select_n3A_179 : i32 to index
          %swap3A_641 = arith.constant 48 : index
          %swap3A_642 = tpu.vector_load %arg12[%swap3A_640, %swap3A_641] {strides = array<i32>} : memref<520x128xf32, #tpu.memory_space<vmem>>, vector<16xf32>,
          tpu.vector_store %arg12[%swap3A_640, %swap3A_641], %mul3A_554 {add = true, strides = array<i32>} : memref<520x128xf32, #tpu.memory_space<vmem>>, vector<16xf32>,
          %swap3A_643 = arith.index_cast %select_n3A_179 : i32 to index
          %swap3A_644 = arith.constant 64 : index
          %swap3A_645 = tpu.vector_load %arg12[%swap3A_643, %swap3A_644] {strides = array<i32>} : memref<520x128xf32, #tpu.memory_space<vmem>>, vector<16xf32>,
          tpu.vector_store %arg12[%swap3A_643, %swap3A_644], %mul3A_558 {add = true, strides = array<i32>} : memref<520x128xf32, #tpu.memory_space<vmem>>, vector<16xf32>,
          %swap3A_646 = arith.index_cast %select_n3A_179 : i32 to index
          %swap3A_647 = arith.constant 80 : index
          %swap3A_648 = tpu.vector_load %arg12[%swap3A_646, %swap3A_647] {strides = array<i32>} : memref<520x128xf32, #tpu.memory_space<vmem>>, vector<16xf32>,
          tpu.vector_store %arg12[%swap3A_646, %swap3A_647], %mul3A_562 {add = true, strides = array<i32>} : memref<520x128xf32, #tpu.memory_space<vmem>>, vector<16xf32>,
          %swap3A_649 = arith.index_cast %select_n3A_179 : i32 to index
          %swap3A_650 = arith.constant 96 : index
          %swap3A_651 = tpu.vector_load %arg12[%swap3A_649, %swap3A_650] {strides = array<i32>} : memref<520x128xf32, #tpu.memory_space<vmem>>, vector<16xf32>,
          tpu.vector_store %arg12[%swap3A_649, %swap3A_650], %mul3A_566 {add = true, strides = array<i32>} : memref<520x128xf32, #tpu.memory_space<vmem>>, vector<16xf32>,
          %swap3A_652 = arith.index_cast %select_n3A_179 : i32 to index
          %swap3A_653 = arith.constant 112 : index
          %swap3A_654 = tpu.vector_load %arg12[%swap3A_652, %swap3A_653] {strides = array<i32>} : memref<520x128xf32, #tpu.memory_space<vmem>>, vector<16xf32>,
          tpu.vector_store %arg12[%swap3A_652, %swap3A_653], %mul3A_570 {add = true, strides = array<i32>} : memref<520x128xf32, #tpu.memory_space<vmem>>, vector<16xf32>,
          %mul3A_655 = arith.constant 16 : i32
          %mul3A_656 = arith.muli %scan3A_102, %mul3A_655 : i32
          %add3A_657 = arith.constant 6 : i32
          %add3A_658 = arith.addi %mul3A_656, %add3A_657 : i32
          %get3A_659 = arith.index_cast %add3A_658 : i32 to index
          %get3A_660 = arith.constant 0 : index
          %get3A_661 = tpu.vector_load %arg11[%get3A_659, %get3A_660] {strides = array<i32>} : memref<128x128xf32, #tpu.memory_space<vmem>>, vector<16xf32>,
          %mul3A_662 = arith.mulf %get3A_661, %gather3A_283 : vector<16xf32>
          %get3A_663 = arith.index_cast %add3A_658 : i32 to index
          %get3A_664 = arith.constant 16 : index
          %get3A_665 = tpu.vector_load %arg11[%get3A_663, %get3A_664] {strides = array<i32>} : memref<128x128xf32, #tpu.memory_space<vmem>>, vector<16xf32>,
          %mul3A_666 = arith.mulf %get3A_665, %gather3A_283 : vector<16xf32>
          %get3A_667 = arith.index_cast %add3A_658 : i32 to index
          %get3A_668 = arith.constant 32 : index
          %get3A_669 = tpu.vector_load %arg11[%get3A_667, %get3A_668] {strides = array<i32>} : memref<128x128xf32, #tpu.memory_space<vmem>>, vector<16xf32>,
          %mul3A_670 = arith.mulf %get3A_669, %gather3A_283 : vector<16xf32>
          %get3A_671 = arith.index_cast %add3A_658 : i32 to index
          %get3A_672 = arith.constant 48 : index
          %get3A_673 = tpu.vector_load %arg11[%get3A_671, %get3A_672] {strides = array<i32>} : memref<128x128xf32, #tpu.memory_space<vmem>>, vector<16xf32>,
          %mul3A_674 = arith.mulf %get3A_673, %gather3A_283 : vector<16xf32>
          %get3A_675 = arith.index_cast %add3A_658 : i32 to index
          %get3A_676 = arith.constant 64 : index
          %get3A_677 = tpu.vector_load %arg11[%get3A_675, %get3A_676] {strides = array<i32>} : memref<128x128xf32, #tpu.memory_space<vmem>>, vector<16xf32>,
          %mul3A_678 = arith.mulf %get3A_677, %gather3A_283 : vector<16xf32>
          %get3A_679 = arith.index_cast %add3A_658 : i32 to index
          %get3A_680 = arith.constant 80 : index
          %get3A_681 = tpu.vector_load %arg11[%get3A_679, %get3A_680] {strides = array<i32>} : memref<128x128xf32, #tpu.memory_space<vmem>>, vector<16xf32>,
          %mul3A_682 = arith.mulf %get3A_681, %gather3A_283 : vector<16xf32>
          %get3A_683 = arith.index_cast %add3A_658 : i32 to index
          %get3A_684 = arith.constant 96 : index
          %get3A_685 = tpu.vector_load %arg11[%get3A_683, %get3A_684] {strides = array<i32>} : memref<128x128xf32, #tpu.memory_space<vmem>>, vector<16xf32>,
          %mul3A_686 = arith.mulf %get3A_685, %gather3A_283 : vector<16xf32>
          %get3A_687 = arith.index_cast %add3A_658 : i32 to index
          %get3A_688 = arith.constant 112 : index
          %get3A_689 = tpu.vector_load %arg11[%get3A_687, %get3A_688] {strides = array<i32>} : memref<128x128xf32, #tpu.memory_space<vmem>>, vector<16xf32>,
          %mul3A_690 = arith.mulf %get3A_689, %gather3A_283 : vector<16xf32>
          %swap3A_691 = arith.index_cast %select_n3A_186 : i32 to index
          %swap3A_692 = arith.constant 0 : index
          %swap3A_693 = tpu.vector_load %arg12[%swap3A_691, %swap3A_692] {strides = array<i32>} : memref<520x128xf32, #tpu.memory_space<vmem>>, vector<16xf32>,
          tpu.vector_store %arg12[%swap3A_691, %swap3A_692], %mul3A_602 {add = true, strides = array<i32>} : memref<520x128xf32, #tpu.memory_space<vmem>>, vector<16xf32>,
          %swap3A_694 = arith.index_cast %select_n3A_186 : i32 to index
          %swap3A_695 = arith.constant 16 : index
          %swap3A_696 = tpu.vector_load %arg12[%swap3A_694, %swap3A_695] {strides = array<i32>} : memref<520x128xf32, #tpu.memory_space<vmem>>, vector<16xf32>,
          tpu.vector_store %arg12[%swap3A_694, %swap3A_695], %mul3A_606 {add = true, strides = array<i32>} : memref<520x128xf32, #tpu.memory_space<vmem>>, vector<16xf32>,
          %swap3A_697 = arith.index_cast %select_n3A_186 : i32 to index
          %swap3A_698 = arith.constant 32 : index
          %swap3A_699 = tpu.vector_load %arg12[%swap3A_697, %swap3A_698] {strides = array<i32>} : memref<520x128xf32, #tpu.memory_space<vmem>>, vector<16xf32>,
          tpu.vector_store %arg12[%swap3A_697, %swap3A_698], %mul3A_610 {add = true, strides = array<i32>} : memref<520x128xf32, #tpu.memory_space<vmem>>, vector<16xf32>,
          %swap3A_700 = arith.index_cast %select_n3A_186 : i32 to index
          %swap3A_701 = arith.constant 48 : index
          %swap3A_702 = tpu.vector_load %arg12[%swap3A_700, %swap3A_701] {strides = array<i32>} : memref<520x128xf32, #tpu.memory_space<vmem>>, vector<16xf32>,
          tpu.vector_store %arg12[%swap3A_700, %swap3A_701], %mul3A_614 {add = true, strides = array<i32>} : memref<520x128xf32, #tpu.memory_space<vmem>>, vector<16xf32>,
          %swap3A_703 = arith.index_cast %select_n3A_186 : i32 to index
          %swap3A_704 = arith.constant 64 : index
          %swap3A_705 = tpu.vector_load %arg12[%swap3A_703, %swap3A_704] {strides = array<i32>} : memref<520x128xf32, #tpu.memory_space<vmem>>, vector<16xf32>,
          tpu.vector_store %arg12[%swap3A_703, %swap3A_704], %mul3A_618 {add = true, strides = array<i32>} : memref<520x128xf32, #tpu.memory_space<vmem>>, vector<16xf32>,
          %swap3A_706 = arith.index_cast %select_n3A_186 : i32 to index
          %swap3A_707 = arith.constant 80 : index
          %swap3A_708 = tpu.vector_load %arg12[%swap3A_706, %swap3A_707] {strides = array<i32>} : memref<520x128xf32, #tpu.memory_space<vmem>>, vector<16xf32>,
          tpu.vector_store %arg12[%swap3A_706, %swap3A_707], %mul3A_622 {add = true, strides = array<i32>} : memref<520x128xf32, #tpu.memory_space<vmem>>, vector<16xf32>,
          %swap3A_709 = arith.index_cast %select_n3A_186 : i32 to index
          %swap3A_710 = arith.constant 96 : index
          %swap3A_711 = tpu.vector_load %arg12[%swap3A_709, %swap3A_710] {strides = array<i32>} : memref<520x128xf32, #tpu.memory_space<vmem>>, vector<16xf32>,
          tpu.vector_store %arg12[%swap3A_709, %swap3A_710], %mul3A_626 {add = true, strides = array<i32>} : memref<520x128xf32, #tpu.memory_space<vmem>>, vector<16xf32>,
          %swap3A_712 = arith.index_cast %select_n3A_186 : i32 to index
          %swap3A_713 = arith.constant 112 : index
          %swap3A_714 = tpu.vector_load %arg12[%swap3A_712, %swap3A_713] {strides = array<i32>} : memref<520x128xf32, #tpu.memory_space<vmem>>, vector<16xf32>,
          tpu.vector_store %arg12[%swap3A_712, %swap3A_713], %mul3A_630 {add = true, strides = array<i32>} : memref<520x128xf32, #tpu.memory_space<vmem>>, vector<16xf32>,
          %mul3A_715 = arith.constant 16 : i32
          %mul3A_716 = arith.muli %scan3A_102, %mul3A_715 : i32
          %add3A_717 = arith.constant 7 : i32
          %add3A_718 = arith.addi %mul3A_716, %add3A_717 : i32
          %get3A_719 = arith.index_cast %add3A_718 : i32 to index
          %get3A_720 = arith.constant 0 : index
          %get3A_721 = tpu.vector_load %arg11[%get3A_719, %get3A_720] {strides = array<i32>} : memref<128x128xf32, #tpu.memory_space<vmem>>, vector<16xf32>,
          %mul3A_722 = arith.mulf %get3A_721, %gather3A_287 : vector<16xf32>
          %get3A_723 = arith.index_cast %add3A_718 : i32 to index
          %get3A_724 = arith.constant 16 : index
          %get3A_725 = tpu.vector_load %arg11[%get3A_723, %get3A_724] {strides = array<i32>} : memref<128x128xf32, #tpu.memory_space<vmem>>, vector<16xf32>,
          %mul3A_726 = arith.mulf %get3A_725, %gather3A_287 : vector<16xf32>
          %get3A_727 = arith.index_cast %add3A_718 : i32 to index
          %get3A_728 = arith.constant 32 : index
          %get3A_729 = tpu.vector_load %arg11[%get3A_727, %get3A_728] {strides = array<i32>} : memref<128x128xf32, #tpu.memory_space<vmem>>, vector<16xf32>,
          %mul3A_730 = arith.mulf %get3A_729, %gather3A_287 : vector<16xf32>
          %get3A_731 = arith.index_cast %add3A_718 : i32 to index
          %get3A_732 = arith.constant 48 : index
          %get3A_733 = tpu.vector_load %arg11[%get3A_731, %get3A_732] {strides = array<i32>} : memref<128x128xf32, #tpu.memory_space<vmem>>, vector<16xf32>,
          %mul3A_734 = arith.mulf %get3A_733, %gather3A_287 : vector<16xf32>
          %get3A_735 = arith.index_cast %add3A_718 : i32 to index
          %get3A_736 = arith.constant 64 : index
          %get3A_737 = tpu.vector_load %arg11[%get3A_735, %get3A_736] {strides = array<i32>} : memref<128x128xf32, #tpu.memory_space<vmem>>, vector<16xf32>,
          %mul3A_738 = arith.mulf %get3A_737, %gather3A_287 : vector<16xf32>
          %get3A_739 = arith.index_cast %add3A_718 : i32 to index
          %get3A_740 = arith.constant 80 : index
          %get3A_741 = tpu.vector_load %arg11[%get3A_739, %get3A_740] {strides = array<i32>} : memref<128x128xf32, #tpu.memory_space<vmem>>, vector<16xf32>,
          %mul3A_742 = arith.mulf %get3A_741, %gather3A_287 : vector<16xf32>
          %get3A_743 = arith.index_cast %add3A_718 : i32 to index
          %get3A_744 = arith.constant 96 : index
          %get3A_745 = tpu.vector_load %arg11[%get3A_743, %get3A_744] {strides = array<i32>} : memref<128x128xf32, #tpu.memory_space<vmem>>, vector<16xf32>,
          %mul3A_746 = arith.mulf %get3A_745, %gather3A_287 : vector<16xf32>
          %get3A_747 = arith.index_cast %add3A_718 : i32 to index
          %get3A_748 = arith.constant 112 : index
          %get3A_749 = tpu.vector_load %arg11[%get3A_747, %get3A_748] {strides = array<i32>} : memref<128x128xf32, #tpu.memory_space<vmem>>, vector<16xf32>,
          %mul3A_750 = arith.mulf %get3A_749, %gather3A_287 : vector<16xf32>
          %swap3A_751 = arith.index_cast %select_n3A_193 : i32 to index
          %swap3A_752 = arith.constant 0 : index
          %swap3A_753 = tpu.vector_load %arg12[%swap3A_751, %swap3A_752] {strides = array<i32>} : memref<520x128xf32, #tpu.memory_space<vmem>>, vector<16xf32>,
          tpu.vector_store %arg12[%swap3A_751, %swap3A_752], %mul3A_662 {add = true, strides = array<i32>} : memref<520x128xf32, #tpu.memory_space<vmem>>, vector<16xf32>,
          %swap3A_754 = arith.index_cast %select_n3A_193 : i32 to index
          %swap3A_755 = arith.constant 16 : index
          %swap3A_756 = tpu.vector_load %arg12[%swap3A_754, %swap3A_755] {strides = array<i32>} : memref<520x128xf32, #tpu.memory_space<vmem>>, vector<16xf32>,
          tpu.vector_store %arg12[%swap3A_754, %swap3A_755], %mul3A_666 {add = true, strides = array<i32>} : memref<520x128xf32, #tpu.memory_space<vmem>>, vector<16xf32>,
          %swap3A_757 = arith.index_cast %select_n3A_193 : i32 to index
          %swap3A_758 = arith.constant 32 : index
          %swap3A_759 = tpu.vector_load %arg12[%swap3A_757, %swap3A_758] {strides = array<i32>} : memref<520x128xf32, #tpu.memory_space<vmem>>, vector<16xf32>,
          tpu.vector_store %arg12[%swap3A_757, %swap3A_758], %mul3A_670 {add = true, strides = array<i32>} : memref<520x128xf32, #tpu.memory_space<vmem>>, vector<16xf32>,
          %swap3A_760 = arith.index_cast %select_n3A_193 : i32 to index
          %swap3A_761 = arith.constant 48 : index
          %swap3A_762 = tpu.vector_load %arg12[%swap3A_760, %swap3A_761] {strides = array<i32>} : memref<520x128xf32, #tpu.memory_space<vmem>>, vector<16xf32>,
          tpu.vector_store %arg12[%swap3A_760, %swap3A_761], %mul3A_674 {add = true, strides = array<i32>} : memref<520x128xf32, #tpu.memory_space<vmem>>, vector<16xf32>,
          %swap3A_763 = arith.index_cast %select_n3A_193 : i32 to index
          %swap3A_764 = arith.constant 64 : index
          %swap3A_765 = tpu.vector_load %arg12[%swap3A_763, %swap3A_764] {strides = array<i32>} : memref<520x128xf32, #tpu.memory_space<vmem>>, vector<16xf32>,
          tpu.vector_store %arg12[%swap3A_763, %swap3A_764], %mul3A_678 {add = true, strides = array<i32>} : memref<520x128xf32, #tpu.memory_space<vmem>>, vector<16xf32>,
          %swap3A_766 = arith.index_cast %select_n3A_193 : i32 to index
          %swap3A_767 = arith.constant 80 : index
          %swap3A_768 = tpu.vector_load %arg12[%swap3A_766, %swap3A_767] {strides = array<i32>} : memref<520x128xf32, #tpu.memory_space<vmem>>, vector<16xf32>,
          tpu.vector_store %arg12[%swap3A_766, %swap3A_767], %mul3A_682 {add = true, strides = array<i32>} : memref<520x128xf32, #tpu.memory_space<vmem>>, vector<16xf32>,
          %swap3A_769 = arith.index_cast %select_n3A_193 : i32 to index
          %swap3A_770 = arith.constant 96 : index
          %swap3A_771 = tpu.vector_load %arg12[%swap3A_769, %swap3A_770] {strides = array<i32>} : memref<520x128xf32, #tpu.memory_space<vmem>>, vector<16xf32>,
          tpu.vector_store %arg12[%swap3A_769, %swap3A_770], %mul3A_686 {add = true, strides = array<i32>} : memref<520x128xf32, #tpu.memory_space<vmem>>, vector<16xf32>,
          %swap3A_772 = arith.index_cast %select_n3A_193 : i32 to index
          %swap3A_773 = arith.constant 112 : index
          %swap3A_774 = tpu.vector_load %arg12[%swap3A_772, %swap3A_773] {strides = array<i32>} : memref<520x128xf32, #tpu.memory_space<vmem>>, vector<16xf32>,
          tpu.vector_store %arg12[%swap3A_772, %swap3A_773], %mul3A_690 {add = true, strides = array<i32>} : memref<520x128xf32, #tpu.memory_space<vmem>>, vector<16xf32>,
          %mul3A_775 = arith.constant 16 : i32
          %mul3A_776 = arith.muli %scan3A_102, %mul3A_775 : i32
          %add3A_777 = arith.constant 8 : i32
          %add3A_778 = arith.addi %mul3A_776, %add3A_777 : i32
          %get3A_779 = arith.index_cast %add3A_778 : i32 to index
          %get3A_780 = arith.constant 0 : index
          %get3A_781 = tpu.vector_load %arg11[%get3A_779, %get3A_780] {strides = array<i32>} : memref<128x128xf32, #tpu.memory_space<vmem>>, vector<16xf32>,
          %mul3A_782 = arith.mulf %get3A_781, %gather3A_291 : vector<16xf32>
          %get3A_783 = arith.index_cast %add3A_778 : i32 to index
          %get3A_784 = arith.constant 16 : index
          %get3A_785 = tpu.vector_load %arg11[%get3A_783, %get3A_784] {strides = array<i32>} : memref<128x128xf32, #tpu.memory_space<vmem>>, vector<16xf32>,
          %mul3A_786 = arith.mulf %get3A_785, %gather3A_291 : vector<16xf32>
          %get3A_787 = arith.index_cast %add3A_778 : i32 to index
          %get3A_788 = arith.constant 32 : index
          %get3A_789 = tpu.vector_load %arg11[%get3A_787, %get3A_788] {strides = array<i32>} : memref<128x128xf32, #tpu.memory_space<vmem>>, vector<16xf32>,
          %mul3A_790 = arith.mulf %get3A_789, %gather3A_291 : vector<16xf32>
          %get3A_791 = arith.index_cast %add3A_778 : i32 to index
          %get3A_792 = arith.constant 48 : index
          %get3A_793 = tpu.vector_load %arg11[%get3A_791, %get3A_792] {strides = array<i32>} : memref<128x128xf32, #tpu.memory_space<vmem>>, vector<16xf32>,
          %mul3A_794 = arith.mulf %get3A_793, %gather3A_291 : vector<16xf32>
          %get3A_795 = arith.index_cast %add3A_778 : i32 to index
          %get3A_796 = arith.constant 64 : index
          %get3A_797 = tpu.vector_load %arg11[%get3A_795, %get3A_796] {strides = array<i32>} : memref<128x128xf32, #tpu.memory_space<vmem>>, vector<16xf32>,
          %mul3A_798 = arith.mulf %get3A_797, %gather3A_291 : vector<16xf32>
          %get3A_799 = arith.index_cast %add3A_778 : i32 to index
          %get3A_800 = arith.constant 80 : index
          %get3A_801 = tpu.vector_load %arg11[%get3A_799, %get3A_800] {strides = array<i32>} : memref<128x128xf32, #tpu.memory_space<vmem>>, vector<16xf32>,
          %mul3A_802 = arith.mulf %get3A_801, %gather3A_291 : vector<16xf32>
          %get3A_803 = arith.index_cast %add3A_778 : i32 to index
          %get3A_804 = arith.constant 96 : index
          %get3A_805 = tpu.vector_load %arg11[%get3A_803, %get3A_804] {strides = array<i32>} : memref<128x128xf32, #tpu.memory_space<vmem>>, vector<16xf32>,
          %mul3A_806 = arith.mulf %get3A_805, %gather3A_291 : vector<16xf32>
          %get3A_807 = arith.index_cast %add3A_778 : i32 to index
          %get3A_808 = arith.constant 112 : index
          %get3A_809 = tpu.vector_load %arg11[%get3A_807, %get3A_808] {strides = array<i32>} : memref<128x128xf32, #tpu.memory_space<vmem>>, vector<16xf32>,
          %mul3A_810 = arith.mulf %get3A_809, %gather3A_291 : vector<16xf32>
          %swap3A_811 = arith.index_cast %select_n3A_200 : i32 to index
          %swap3A_812 = arith.constant 0 : index
          %swap3A_813 = tpu.vector_load %arg12[%swap3A_811, %swap3A_812] {strides = array<i32>} : memref<520x128xf32, #tpu.memory_space<vmem>>, vector<16xf32>,
          tpu.vector_store %arg12[%swap3A_811, %swap3A_812], %mul3A_722 {add = true, strides = array<i32>} : memref<520x128xf32, #tpu.memory_space<vmem>>, vector<16xf32>,
          %swap3A_814 = arith.index_cast %select_n3A_200 : i32 to index
          %swap3A_815 = arith.constant 16 : index
          %swap3A_816 = tpu.vector_load %arg12[%swap3A_814, %swap3A_815] {strides = array<i32>} : memref<520x128xf32, #tpu.memory_space<vmem>>, vector<16xf32>,
          tpu.vector_store %arg12[%swap3A_814, %swap3A_815], %mul3A_726 {add = true, strides = array<i32>} : memref<520x128xf32, #tpu.memory_space<vmem>>, vector<16xf32>,
          %swap3A_817 = arith.index_cast %select_n3A_200 : i32 to index
          %swap3A_818 = arith.constant 32 : index
          %swap3A_819 = tpu.vector_load %arg12[%swap3A_817, %swap3A_818] {strides = array<i32>} : memref<520x128xf32, #tpu.memory_space<vmem>>, vector<16xf32>,
          tpu.vector_store %arg12[%swap3A_817, %swap3A_818], %mul3A_730 {add = true, strides = array<i32>} : memref<520x128xf32, #tpu.memory_space<vmem>>, vector<16xf32>,
          %swap3A_820 = arith.index_cast %select_n3A_200 : i32 to index
          %swap3A_821 = arith.constant 48 : index
          %swap3A_822 = tpu.vector_load %arg12[%swap3A_820, %swap3A_821] {strides = array<i32>} : memref<520x128xf32, #tpu.memory_space<vmem>>, vector<16xf32>,
          tpu.vector_store %arg12[%swap3A_820, %swap3A_821], %mul3A_734 {add = true, strides = array<i32>} : memref<520x128xf32, #tpu.memory_space<vmem>>, vector<16xf32>,
          %swap3A_823 = arith.index_cast %select_n3A_200 : i32 to index
          %swap3A_824 = arith.constant 64 : index
          %swap3A_825 = tpu.vector_load %arg12[%swap3A_823, %swap3A_824] {strides = array<i32>} : memref<520x128xf32, #tpu.memory_space<vmem>>, vector<16xf32>,
          tpu.vector_store %arg12[%swap3A_823, %swap3A_824], %mul3A_738 {add = true, strides = array<i32>} : memref<520x128xf32, #tpu.memory_space<vmem>>, vector<16xf32>,
          %swap3A_826 = arith.index_cast %select_n3A_200 : i32 to index
          %swap3A_827 = arith.constant 80 : index
          %swap3A_828 = tpu.vector_load %arg12[%swap3A_826, %swap3A_827] {strides = array<i32>} : memref<520x128xf32, #tpu.memory_space<vmem>>, vector<16xf32>,
          tpu.vector_store %arg12[%swap3A_826, %swap3A_827], %mul3A_742 {add = true, strides = array<i32>} : memref<520x128xf32, #tpu.memory_space<vmem>>, vector<16xf32>,
          %swap3A_829 = arith.index_cast %select_n3A_200 : i32 to index
          %swap3A_830 = arith.constant 96 : index
          %swap3A_831 = tpu.vector_load %arg12[%swap3A_829, %swap3A_830] {strides = array<i32>} : memref<520x128xf32, #tpu.memory_space<vmem>>, vector<16xf32>,
          tpu.vector_store %arg12[%swap3A_829, %swap3A_830], %mul3A_746 {add = true, strides = array<i32>} : memref<520x128xf32, #tpu.memory_space<vmem>>, vector<16xf32>,
          %swap3A_832 = arith.index_cast %select_n3A_200 : i32 to index
          %swap3A_833 = arith.constant 112 : index
          %swap3A_834 = tpu.vector_load %arg12[%swap3A_832, %swap3A_833] {strides = array<i32>} : memref<520x128xf32, #tpu.memory_space<vmem>>, vector<16xf32>,
          tpu.vector_store %arg12[%swap3A_832, %swap3A_833], %mul3A_750 {add = true, strides = array<i32>} : memref<520x128xf32, #tpu.memory_space<vmem>>, vector<16xf32>,
          %mul3A_835 = arith.constant 16 : i32
          %mul3A_836 = arith.muli %scan3A_102, %mul3A_835 : i32
          %add3A_837 = arith.constant 9 : i32
          %add3A_838 = arith.addi %mul3A_836, %add3A_837 : i32
          %get3A_839 = arith.index_cast %add3A_838 : i32 to index
          %get3A_840 = arith.constant 0 : index
          %get3A_841 = tpu.vector_load %arg11[%get3A_839, %get3A_840] {strides = array<i32>} : memref<128x128xf32, #tpu.memory_space<vmem>>, vector<16xf32>,
          %mul3A_842 = arith.mulf %get3A_841, %gather3A_295 : vector<16xf32>
          %get3A_843 = arith.index_cast %add3A_838 : i32 to index
          %get3A_844 = arith.constant 16 : index
          %get3A_845 = tpu.vector_load %arg11[%get3A_843, %get3A_844] {strides = array<i32>} : memref<128x128xf32, #tpu.memory_space<vmem>>, vector<16xf32>,
          %mul3A_846 = arith.mulf %get3A_845, %gather3A_295 : vector<16xf32>
          %get3A_847 = arith.index_cast %add3A_838 : i32 to index
          %get3A_848 = arith.constant 32 : index
          %get3A_849 = tpu.vector_load %arg11[%get3A_847, %get3A_848] {strides = array<i32>} : memref<128x128xf32, #tpu.memory_space<vmem>>, vector<16xf32>,
          %mul3A_850 = arith.mulf %get3A_849, %gather3A_295 : vector<16xf32>
          %get3A_851 = arith.index_cast %add3A_838 : i32 to index
          %get3A_852 = arith.constant 48 : index
          %get3A_853 = tpu.vector_load %arg11[%get3A_851, %get3A_852] {strides = array<i32>} : memref<128x128xf32, #tpu.memory_space<vmem>>, vector<16xf32>,
          %mul3A_854 = arith.mulf %get3A_853, %gather3A_295 : vector<16xf32>
          %get3A_855 = arith.index_cast %add3A_838 : i32 to index
          %get3A_856 = arith.constant 64 : index
          %get3A_857 = tpu.vector_load %arg11[%get3A_855, %get3A_856] {strides = array<i32>} : memref<128x128xf32, #tpu.memory_space<vmem>>, vector<16xf32>,
          %mul3A_858 = arith.mulf %get3A_857, %gather3A_295 : vector<16xf32>
          %get3A_859 = arith.index_cast %add3A_838 : i32 to index
          %get3A_860 = arith.constant 80 : index
          %get3A_861 = tpu.vector_load %arg11[%get3A_859, %get3A_860] {strides = array<i32>} : memref<128x128xf32, #tpu.memory_space<vmem>>, vector<16xf32>,
          %mul3A_862 = arith.mulf %get3A_861, %gather3A_295 : vector<16xf32>
          %get3A_863 = arith.index_cast %add3A_838 : i32 to index
          %get3A_864 = arith.constant 96 : index
          %get3A_865 = tpu.vector_load %arg11[%get3A_863, %get3A_864] {strides = array<i32>} : memref<128x128xf32, #tpu.memory_space<vmem>>, vector<16xf32>,
          %mul3A_866 = arith.mulf %get3A_865, %gather3A_295 : vector<16xf32>
          %get3A_867 = arith.index_cast %add3A_838 : i32 to index
          %get3A_868 = arith.constant 112 : index
          %get3A_869 = tpu.vector_load %arg11[%get3A_867, %get3A_868] {strides = array<i32>} : memref<128x128xf32, #tpu.memory_space<vmem>>, vector<16xf32>,
          %mul3A_870 = arith.mulf %get3A_869, %gather3A_295 : vector<16xf32>
          %swap3A_871 = arith.index_cast %select_n3A_207 : i32 to index
          %swap3A_872 = arith.constant 0 : index
          %swap3A_873 = tpu.vector_load %arg12[%swap3A_871, %swap3A_872] {strides = array<i32>} : memref<520x128xf32, #tpu.memory_space<vmem>>, vector<16xf32>,
          tpu.vector_store %arg12[%swap3A_871, %swap3A_872], %mul3A_782 {add = true, strides = array<i32>} : memref<520x128xf32, #tpu.memory_space<vmem>>, vector<16xf32>,
          %swap3A_874 = arith.index_cast %select_n3A_207 : i32 to index
          %swap3A_875 = arith.constant 16 : index
          %swap3A_876 = tpu.vector_load %arg12[%swap3A_874, %swap3A_875] {strides = array<i32>} : memref<520x128xf32, #tpu.memory_space<vmem>>, vector<16xf32>,
          tpu.vector_store %arg12[%swap3A_874, %swap3A_875], %mul3A_786 {add = true, strides = array<i32>} : memref<520x128xf32, #tpu.memory_space<vmem>>, vector<16xf32>,
          %swap3A_877 = arith.index_cast %select_n3A_207 : i32 to index
          %swap3A_878 = arith.constant 32 : index
          %swap3A_879 = tpu.vector_load %arg12[%swap3A_877, %swap3A_878] {strides = array<i32>} : memref<520x128xf32, #tpu.memory_space<vmem>>, vector<16xf32>,
          tpu.vector_store %arg12[%swap3A_877, %swap3A_878], %mul3A_790 {add = true, strides = array<i32>} : memref<520x128xf32, #tpu.memory_space<vmem>>, vector<16xf32>,
          %swap3A_880 = arith.index_cast %select_n3A_207 : i32 to index
          %swap3A_881 = arith.constant 48 : index
          %swap3A_882 = tpu.vector_load %arg12[%swap3A_880, %swap3A_881] {strides = array<i32>} : memref<520x128xf32, #tpu.memory_space<vmem>>, vector<16xf32>,
          tpu.vector_store %arg12[%swap3A_880, %swap3A_881], %mul3A_794 {add = true, strides = array<i32>} : memref<520x128xf32, #tpu.memory_space<vmem>>, vector<16xf32>,
          %swap3A_883 = arith.index_cast %select_n3A_207 : i32 to index
          %swap3A_884 = arith.constant 64 : index
          %swap3A_885 = tpu.vector_load %arg12[%swap3A_883, %swap3A_884] {strides = array<i32>} : memref<520x128xf32, #tpu.memory_space<vmem>>, vector<16xf32>,
          tpu.vector_store %arg12[%swap3A_883, %swap3A_884], %mul3A_798 {add = true, strides = array<i32>} : memref<520x128xf32, #tpu.memory_space<vmem>>, vector<16xf32>,
          %swap3A_886 = arith.index_cast %select_n3A_207 : i32 to index
          %swap3A_887 = arith.constant 80 : index
          %swap3A_888 = tpu.vector_load %arg12[%swap3A_886, %swap3A_887] {strides = array<i32>} : memref<520x128xf32, #tpu.memory_space<vmem>>, vector<16xf32>,
          tpu.vector_store %arg12[%swap3A_886, %swap3A_887], %mul3A_802 {add = true, strides = array<i32>} : memref<520x128xf32, #tpu.memory_space<vmem>>, vector<16xf32>,
          %swap3A_889 = arith.index_cast %select_n3A_207 : i32 to index
          %swap3A_890 = arith.constant 96 : index
          %swap3A_891 = tpu.vector_load %arg12[%swap3A_889, %swap3A_890] {strides = array<i32>} : memref<520x128xf32, #tpu.memory_space<vmem>>, vector<16xf32>,
          tpu.vector_store %arg12[%swap3A_889, %swap3A_890], %mul3A_806 {add = true, strides = array<i32>} : memref<520x128xf32, #tpu.memory_space<vmem>>, vector<16xf32>,
          %swap3A_892 = arith.index_cast %select_n3A_207 : i32 to index
          %swap3A_893 = arith.constant 112 : index
          %swap3A_894 = tpu.vector_load %arg12[%swap3A_892, %swap3A_893] {strides = array<i32>} : memref<520x128xf32, #tpu.memory_space<vmem>>, vector<16xf32>,
          tpu.vector_store %arg12[%swap3A_892, %swap3A_893], %mul3A_810 {add = true, strides = array<i32>} : memref<520x128xf32, #tpu.memory_space<vmem>>, vector<16xf32>,
          %mul3A_895 = arith.constant 16 : i32
          %mul3A_896 = arith.muli %scan3A_102, %mul3A_895 : i32
          %add3A_897 = arith.constant 10 : i32
          %add3A_898 = arith.addi %mul3A_896, %add3A_897 : i32
          %get3A_899 = arith.index_cast %add3A_898 : i32 to index
          %get3A_900 = arith.constant 0 : index
          %get3A_901 = tpu.vector_load %arg11[%get3A_899, %get3A_900] {strides = array<i32>} : memref<128x128xf32, #tpu.memory_space<vmem>>, vector<16xf32>,
          %mul3A_902 = arith.mulf %get3A_901, %gather3A_299 : vector<16xf32>
          %get3A_903 = arith.index_cast %add3A_898 : i32 to index
          %get3A_904 = arith.constant 16 : index
          %get3A_905 = tpu.vector_load %arg11[%get3A_903, %get3A_904] {strides = array<i32>} : memref<128x128xf32, #tpu.memory_space<vmem>>, vector<16xf32>,
          %mul3A_906 = arith.mulf %get3A_905, %gather3A_299 : vector<16xf32>
          %get3A_907 = arith.index_cast %add3A_898 : i32 to index
          %get3A_908 = arith.constant 32 : index
          %get3A_909 = tpu.vector_load %arg11[%get3A_907, %get3A_908] {strides = array<i32>} : memref<128x128xf32, #tpu.memory_space<vmem>>, vector<16xf32>,
          %mul3A_910 = arith.mulf %get3A_909, %gather3A_299 : vector<16xf32>
          %get3A_911 = arith.index_cast %add3A_898 : i32 to index
          %get3A_912 = arith.constant 48 : index
          %get3A_913 = tpu.vector_load %arg11[%get3A_911, %get3A_912] {strides = array<i32>} : memref<128x128xf32, #tpu.memory_space<vmem>>, vector<16xf32>,
          %mul3A_914 = arith.mulf %get3A_913, %gather3A_299 : vector<16xf32>
          %get3A_915 = arith.index_cast %add3A_898 : i32 to index
          %get3A_916 = arith.constant 64 : index
          %get3A_917 = tpu.vector_load %arg11[%get3A_915, %get3A_916] {strides = array<i32>} : memref<128x128xf32, #tpu.memory_space<vmem>>, vector<16xf32>,
          %mul3A_918 = arith.mulf %get3A_917, %gather3A_299 : vector<16xf32>
          %get3A_919 = arith.index_cast %add3A_898 : i32 to index
          %get3A_920 = arith.constant 80 : index
          %get3A_921 = tpu.vector_load %arg11[%get3A_919, %get3A_920] {strides = array<i32>} : memref<128x128xf32, #tpu.memory_space<vmem>>, vector<16xf32>,
          %mul3A_922 = arith.mulf %get3A_921, %gather3A_299 : vector<16xf32>
          %get3A_923 = arith.index_cast %add3A_898 : i32 to index
          %get3A_924 = arith.constant 96 : index
          %get3A_925 = tpu.vector_load %arg11[%get3A_923, %get3A_924] {strides = array<i32>} : memref<128x128xf32, #tpu.memory_space<vmem>>, vector<16xf32>,
          %mul3A_926 = arith.mulf %get3A_925, %gather3A_299 : vector<16xf32>
          %get3A_927 = arith.index_cast %add3A_898 : i32 to index
          %get3A_928 = arith.constant 112 : index
          %get3A_929 = tpu.vector_load %arg11[%get3A_927, %get3A_928] {strides = array<i32>} : memref<128x128xf32, #tpu.memory_space<vmem>>, vector<16xf32>,
          %mul3A_930 = arith.mulf %get3A_929, %gather3A_299 : vector<16xf32>
          %swap3A_931 = arith.index_cast %select_n3A_214 : i32 to index
          %swap3A_932 = arith.constant 0 : index
          %swap3A_933 = tpu.vector_load %arg12[%swap3A_931, %swap3A_932] {strides = array<i32>} : memref<520x128xf32, #tpu.memory_space<vmem>>, vector<16xf32>,
          tpu.vector_store %arg12[%swap3A_931, %swap3A_932], %mul3A_842 {add = true, strides = array<i32>} : memref<520x128xf32, #tpu.memory_space<vmem>>, vector<16xf32>,
          %swap3A_934 = arith.index_cast %select_n3A_214 : i32 to index
          %swap3A_935 = arith.constant 16 : index
          %swap3A_936 = tpu.vector_load %arg12[%swap3A_934, %swap3A_935] {strides = array<i32>} : memref<520x128xf32, #tpu.memory_space<vmem>>, vector<16xf32>,
          tpu.vector_store %arg12[%swap3A_934, %swap3A_935], %mul3A_846 {add = true, strides = array<i32>} : memref<520x128xf32, #tpu.memory_space<vmem>>, vector<16xf32>,
          %swap3A_937 = arith.index_cast %select_n3A_214 : i32 to index
          %swap3A_938 = arith.constant 32 : index
          %swap3A_939 = tpu.vector_load %arg12[%swap3A_937, %swap3A_938] {strides = array<i32>} : memref<520x128xf32, #tpu.memory_space<vmem>>, vector<16xf32>,
          tpu.vector_store %arg12[%swap3A_937, %swap3A_938], %mul3A_850 {add = true, strides = array<i32>} : memref<520x128xf32, #tpu.memory_space<vmem>>, vector<16xf32>,
          %swap3A_940 = arith.index_cast %select_n3A_214 : i32 to index
          %swap3A_941 = arith.constant 48 : index
          %swap3A_942 = tpu.vector_load %arg12[%swap3A_940, %swap3A_941] {strides = array<i32>} : memref<520x128xf32, #tpu.memory_space<vmem>>, vector<16xf32>,
          tpu.vector_store %arg12[%swap3A_940, %swap3A_941], %mul3A_854 {add = true, strides = array<i32>} : memref<520x128xf32, #tpu.memory_space<vmem>>, vector<16xf32>,
          %swap3A_943 = arith.index_cast %select_n3A_214 : i32 to index
          %swap3A_944 = arith.constant 64 : index
          %swap3A_945 = tpu.vector_load %arg12[%swap3A_943, %swap3A_944] {strides = array<i32>} : memref<520x128xf32, #tpu.memory_space<vmem>>, vector<16xf32>,
          tpu.vector_store %arg12[%swap3A_943, %swap3A_944], %mul3A_858 {add = true, strides = array<i32>} : memref<520x128xf32, #tpu.memory_space<vmem>>, vector<16xf32>,
          %swap3A_946 = arith.index_cast %select_n3A_214 : i32 to index
          %swap3A_947 = arith.constant 80 : index
          %swap3A_948 = tpu.vector_load %arg12[%swap3A_946, %swap3A_947] {strides = array<i32>} : memref<520x128xf32, #tpu.memory_space<vmem>>, vector<16xf32>,
          tpu.vector_store %arg12[%swap3A_946, %swap3A_947], %mul3A_862 {add = true, strides = array<i32>} : memref<520x128xf32, #tpu.memory_space<vmem>>, vector<16xf32>,
          %swap3A_949 = arith.index_cast %select_n3A_214 : i32 to index
          %swap3A_950 = arith.constant 96 : index
          %swap3A_951 = tpu.vector_load %arg12[%swap3A_949, %swap3A_950] {strides = array<i32>} : memref<520x128xf32, #tpu.memory_space<vmem>>, vector<16xf32>,
          tpu.vector_store %arg12[%swap3A_949, %swap3A_950], %mul3A_866 {add = true, strides = array<i32>} : memref<520x128xf32, #tpu.memory_space<vmem>>, vector<16xf32>,
          %swap3A_952 = arith.index_cast %select_n3A_214 : i32 to index
          %swap3A_953 = arith.constant 112 : index
          %swap3A_954 = tpu.vector_load %arg12[%swap3A_952, %swap3A_953] {strides = array<i32>} : memref<520x128xf32, #tpu.memory_space<vmem>>, vector<16xf32>,
          tpu.vector_store %arg12[%swap3A_952, %swap3A_953], %mul3A_870 {add = true, strides = array<i32>} : memref<520x128xf32, #tpu.memory_space<vmem>>, vector<16xf32>,
          %mul3A_955 = arith.constant 16 : i32
          %mul3A_956 = arith.muli %scan3A_102, %mul3A_955 : i32
          %add3A_957 = arith.constant 11 : i32
          %add3A_958 = arith.addi %mul3A_956, %add3A_957 : i32
          %get3A_959 = arith.index_cast %add3A_958 : i32 to index
          %get3A_960 = arith.constant 0 : index
          %get3A_961 = tpu.vector_load %arg11[%get3A_959, %get3A_960] {strides = array<i32>} : memref<128x128xf32, #tpu.memory_space<vmem>>, vector<16xf32>,
          %mul3A_962 = arith.mulf %get3A_961, %gather3A_303 : vector<16xf32>
          %get3A_963 = arith.index_cast %add3A_958 : i32 to index
          %get3A_964 = arith.constant 16 : index
          %get3A_965 = tpu.vector_load %arg11[%get3A_963, %get3A_964] {strides = array<i32>} : memref<128x128xf32, #tpu.memory_space<vmem>>, vector<16xf32>,
          %mul3A_966 = arith.mulf %get3A_965, %gather3A_303 : vector<16xf32>
          %get3A_967 = arith.index_cast %add3A_958 : i32 to index
          %get3A_968 = arith.constant 32 : index
          %get3A_969 = tpu.vector_load %arg11[%get3A_967, %get3A_968] {strides = array<i32>} : memref<128x128xf32, #tpu.memory_space<vmem>>, vector<16xf32>,
          %mul3A_970 = arith.mulf %get3A_969, %gather3A_303 : vector<16xf32>
          %get3A_971 = arith.index_cast %add3A_958 : i32 to index
          %get3A_972 = arith.constant 48 : index
          %get3A_973 = tpu.vector_load %arg11[%get3A_971, %get3A_972] {strides = array<i32>} : memref<128x128xf32, #tpu.memory_space<vmem>>, vector<16xf32>,
          %mul3A_974 = arith.mulf %get3A_973, %gather3A_303 : vector<16xf32>
          %get3A_975 = arith.index_cast %add3A_958 : i32 to index
          %get3A_976 = arith.constant 64 : index
          %get3A_977 = tpu.vector_load %arg11[%get3A_975, %get3A_976] {strides = array<i32>} : memref<128x128xf32, #tpu.memory_space<vmem>>, vector<16xf32>,
          %mul3A_978 = arith.mulf %get3A_977, %gather3A_303 : vector<16xf32>
          %get3A_979 = arith.index_cast %add3A_958 : i32 to index
          %get3A_980 = arith.constant 80 : index
          %get3A_981 = tpu.vector_load %arg11[%get3A_979, %get3A_980] {strides = array<i32>} : memref<128x128xf32, #tpu.memory_space<vmem>>, vector<16xf32>,
          %mul3A_982 = arith.mulf %get3A_981, %gather3A_303 : vector<16xf32>
          %get3A_983 = arith.index_cast %add3A_958 : i32 to index
          %get3A_984 = arith.constant 96 : index
          %get3A_985 = tpu.vector_load %arg11[%get3A_983, %get3A_984] {strides = array<i32>} : memref<128x128xf32, #tpu.memory_space<vmem>>, vector<16xf32>,
          %mul3A_986 = arith.mulf %get3A_985, %gather3A_303 : vector<16xf32>
          %get3A_987 = arith.index_cast %add3A_958 : i32 to index
          %get3A_988 = arith.constant 112 : index
          %get3A_989 = tpu.vector_load %arg11[%get3A_987, %get3A_988] {strides = array<i32>} : memref<128x128xf32, #tpu.memory_space<vmem>>, vector<16xf32>,
          %mul3A_990 = arith.mulf %get3A_989, %gather3A_303 : vector<16xf32>
          %swap3A_991 = arith.index_cast %select_n3A_221 : i32 to index
          %swap3A_992 = arith.constant 0 : index
          %swap3A_993 = tpu.vector_load %arg12[%swap3A_991, %swap3A_992] {strides = array<i32>} : memref<520x128xf32, #tpu.memory_space<vmem>>, vector<16xf32>,
          tpu.vector_store %arg12[%swap3A_991, %swap3A_992], %mul3A_902 {add = true, strides = array<i32>} : memref<520x128xf32, #tpu.memory_space<vmem>>, vector<16xf32>,
          %swap3A_994 = arith.index_cast %select_n3A_221 : i32 to index
          %swap3A_995 = arith.constant 16 : index
          %swap3A_996 = tpu.vector_load %arg12[%swap3A_994, %swap3A_995] {strides = array<i32>} : memref<520x128xf32, #tpu.memory_space<vmem>>, vector<16xf32>,
          tpu.vector_store %arg12[%swap3A_994, %swap3A_995], %mul3A_906 {add = true, strides = array<i32>} : memref<520x128xf32, #tpu.memory_space<vmem>>, vector<16xf32>,
          %swap3A_997 = arith.index_cast %select_n3A_221 : i32 to index
          %swap3A_998 = arith.constant 32 : index
          %swap3A_999 = tpu.vector_load %arg12[%swap3A_997, %swap3A_998] {strides = array<i32>} : memref<520x128xf32, #tpu.memory_space<vmem>>, vector<16xf32>,
          tpu.vector_store %arg12[%swap3A_997, %swap3A_998], %mul3A_910 {add = true, strides = array<i32>} : memref<520x128xf32, #tpu.memory_space<vmem>>, vector<16xf32>,
          %swap3A_1000 = arith.index_cast %select_n3A_221 : i32 to index
          %swap3A_1001 = arith.constant 48 : index
          %swap3A_1002 = tpu.vector_load %arg12[%swap3A_1000, %swap3A_1001] {strides = array<i32>} : memref<520x128xf32, #tpu.memory_space<vmem>>, vector<16xf32>,
          tpu.vector_store %arg12[%swap3A_1000, %swap3A_1001], %mul3A_914 {add = true, strides = array<i32>} : memref<520x128xf32, #tpu.memory_space<vmem>>, vector<16xf32>,
          %swap3A_1003 = arith.index_cast %select_n3A_221 : i32 to index
          %swap3A_1004 = arith.constant 64 : index
          %swap3A_1005 = tpu.vector_load %arg12[%swap3A_1003, %swap3A_1004] {strides = array<i32>} : memref<520x128xf32, #tpu.memory_space<vmem>>, vector<16xf32>,
          tpu.vector_store %arg12[%swap3A_1003, %swap3A_1004], %mul3A_918 {add = true, strides = array<i32>} : memref<520x128xf32, #tpu.memory_space<vmem>>, vector<16xf32>,
          %swap3A_1006 = arith.index_cast %select_n3A_221 : i32 to index
          %swap3A_1007 = arith.constant 80 : index
          %swap3A_1008 = tpu.vector_load %arg12[%swap3A_1006, %swap3A_1007] {strides = array<i32>} : memref<520x128xf32, #tpu.memory_space<vmem>>, vector<16xf32>,
          tpu.vector_store %arg12[%swap3A_1006, %swap3A_1007], %mul3A_922 {add = true, strides = array<i32>} : memref<520x128xf32, #tpu.memory_space<vmem>>, vector<16xf32>,
          %swap3A_1009 = arith.index_cast %select_n3A_221 : i32 to index
          %swap3A_1010 = arith.constant 96 : index
          %swap3A_1011 = tpu.vector_load %arg12[%swap3A_1009, %swap3A_1010] {strides = array<i32>} : memref<520x128xf32, #tpu.memory_space<vmem>>, vector<16xf32>,
          tpu.vector_store %arg12[%swap3A_1009, %swap3A_1010], %mul3A_926 {add = true, strides = array<i32>} : memref<520x128xf32, #tpu.memory_space<vmem>>, vector<16xf32>,
          %swap3A_1012 = arith.index_cast %select_n3A_221 : i32 to index
          %swap3A_1013 = arith.constant 112 : index
          %swap3A_1014 = tpu.vector_load %arg12[%swap3A_1012, %swap3A_1013] {strides = array<i32>} : memref<520x128xf32, #tpu.memory_space<vmem>>, vector<16xf32>,
          tpu.vector_store %arg12[%swap3A_1012, %swap3A_1013], %mul3A_930 {add = true, strides = array<i32>} : memref<520x128xf32, #tpu.memory_space<vmem>>, vector<16xf32>,
          %mul3A_1015 = arith.constant 16 : i32
          %mul3A_1016 = arith.muli %scan3A_102, %mul3A_1015 : i32
          %add3A_1017 = arith.constant 12 : i32
          %add3A_1018 = arith.addi %mul3A_1016, %add3A_1017 : i32
          %get3A_1019 = arith.index_cast %add3A_1018 : i32 to index
          %get3A_1020 = arith.constant 0 : index
          %get3A_1021 = tpu.vector_load %arg11[%get3A_1019, %get3A_1020] {strides = array<i32>} : memref<128x128xf32, #tpu.memory_space<vmem>>, vector<16xf32>,
          %mul3A_1022 = arith.mulf %get3A_1021, %gather3A_307 : vector<16xf32>
          %get3A_1023 = arith.index_cast %add3A_1018 : i32 to index
          %get3A_1024 = arith.constant 16 : index
          %get3A_1025 = tpu.vector_load %arg11[%get3A_1023, %get3A_1024] {strides = array<i32>} : memref<128x128xf32, #tpu.memory_space<vmem>>, vector<16xf32>,
          %mul3A_1026 = arith.mulf %get3A_1025, %gather3A_307 : vector<16xf32>
          %get3A_1027 = arith.index_cast %add3A_1018 : i32 to index
          %get3A_1028 = arith.constant 32 : index
          %get3A_1029 = tpu.vector_load %arg11[%get3A_1027, %get3A_1028] {strides = array<i32>} : memref<128x128xf32, #tpu.memory_space<vmem>>, vector<16xf32>,
          %mul3A_1030 = arith.mulf %get3A_1029, %gather3A_307 : vector<16xf32>
          %get3A_1031 = arith.index_cast %add3A_1018 : i32 to index
          %get3A_1032 = arith.constant 48 : index
          %get3A_1033 = tpu.vector_load %arg11[%get3A_1031, %get3A_1032] {strides = array<i32>} : memref<128x128xf32, #tpu.memory_space<vmem>>, vector<16xf32>,
          %mul3A_1034 = arith.mulf %get3A_1033, %gather3A_307 : vector<16xf32>
          %get3A_1035 = arith.index_cast %add3A_1018 : i32 to index
          %get3A_1036 = arith.constant 64 : index
          %get3A_1037 = tpu.vector_load %arg11[%get3A_1035, %get3A_1036] {strides = array<i32>} : memref<128x128xf32, #tpu.memory_space<vmem>>, vector<16xf32>,
          %mul3A_1038 = arith.mulf %get3A_1037, %gather3A_307 : vector<16xf32>
          %get3A_1039 = arith.index_cast %add3A_1018 : i32 to index
          %get3A_1040 = arith.constant 80 : index
          %get3A_1041 = tpu.vector_load %arg11[%get3A_1039, %get3A_1040] {strides = array<i32>} : memref<128x128xf32, #tpu.memory_space<vmem>>, vector<16xf32>,
          %mul3A_1042 = arith.mulf %get3A_1041, %gather3A_307 : vector<16xf32>
          %get3A_1043 = arith.index_cast %add3A_1018 : i32 to index
          %get3A_1044 = arith.constant 96 : index
          %get3A_1045 = tpu.vector_load %arg11[%get3A_1043, %get3A_1044] {strides = array<i32>} : memref<128x128xf32, #tpu.memory_space<vmem>>, vector<16xf32>,
          %mul3A_1046 = arith.mulf %get3A_1045, %gather3A_307 : vector<16xf32>
          %get3A_1047 = arith.index_cast %add3A_1018 : i32 to index
          %get3A_1048 = arith.constant 112 : index
          %get3A_1049 = tpu.vector_load %arg11[%get3A_1047, %get3A_1048] {strides = array<i32>} : memref<128x128xf32, #tpu.memory_space<vmem>>, vector<16xf32>,
          %mul3A_1050 = arith.mulf %get3A_1049, %gather3A_307 : vector<16xf32>
          %swap3A_1051 = arith.index_cast %select_n3A_228 : i32 to index
          %swap3A_1052 = arith.constant 0 : index
          %swap3A_1053 = tpu.vector_load %arg12[%swap3A_1051, %swap3A_1052] {strides = array<i32>} : memref<520x128xf32, #tpu.memory_space<vmem>>, vector<16xf32>,
          tpu.vector_store %arg12[%swap3A_1051, %swap3A_1052], %mul3A_962 {add = true, strides = array<i32>} : memref<520x128xf32, #tpu.memory_space<vmem>>, vector<16xf32>,
          %swap3A_1054 = arith.index_cast %select_n3A_228 : i32 to index
          %swap3A_1055 = arith.constant 16 : index
          %swap3A_1056 = tpu.vector_load %arg12[%swap3A_1054, %swap3A_1055] {strides = array<i32>} : memref<520x128xf32, #tpu.memory_space<vmem>>, vector<16xf32>,
          tpu.vector_store %arg12[%swap3A_1054, %swap3A_1055], %mul3A_966 {add = true, strides = array<i32>} : memref<520x128xf32, #tpu.memory_space<vmem>>, vector<16xf32>,
          %swap3A_1057 = arith.index_cast %select_n3A_228 : i32 to index
          %swap3A_1058 = arith.constant 32 : index
          %swap3A_1059 = tpu.vector_load %arg12[%swap3A_1057, %swap3A_1058] {strides = array<i32>} : memref<520x128xf32, #tpu.memory_space<vmem>>, vector<16xf32>,
          tpu.vector_store %arg12[%swap3A_1057, %swap3A_1058], %mul3A_970 {add = true, strides = array<i32>} : memref<520x128xf32, #tpu.memory_space<vmem>>, vector<16xf32>,
          %swap3A_1060 = arith.index_cast %select_n3A_228 : i32 to index
          %swap3A_1061 = arith.constant 48 : index
          %swap3A_1062 = tpu.vector_load %arg12[%swap3A_1060, %swap3A_1061] {strides = array<i32>} : memref<520x128xf32, #tpu.memory_space<vmem>>, vector<16xf32>,
          tpu.vector_store %arg12[%swap3A_1060, %swap3A_1061], %mul3A_974 {add = true, strides = array<i32>} : memref<520x128xf32, #tpu.memory_space<vmem>>, vector<16xf32>,
          %swap3A_1063 = arith.index_cast %select_n3A_228 : i32 to index
          %swap3A_1064 = arith.constant 64 : index
          %swap3A_1065 = tpu.vector_load %arg12[%swap3A_1063, %swap3A_1064] {strides = array<i32>} : memref<520x128xf32, #tpu.memory_space<vmem>>, vector<16xf32>,
          tpu.vector_store %arg12[%swap3A_1063, %swap3A_1064], %mul3A_978 {add = true, strides = array<i32>} : memref<520x128xf32, #tpu.memory_space<vmem>>, vector<16xf32>,
          %swap3A_1066 = arith.index_cast %select_n3A_228 : i32 to index
          %swap3A_1067 = arith.constant 80 : index
          %swap3A_1068 = tpu.vector_load %arg12[%swap3A_1066, %swap3A_1067] {strides = array<i32>} : memref<520x128xf32, #tpu.memory_space<vmem>>, vector<16xf32>,
          tpu.vector_store %arg12[%swap3A_1066, %swap3A_1067], %mul3A_982 {add = true, strides = array<i32>} : memref<520x128xf32, #tpu.memory_space<vmem>>, vector<16xf32>,
          %swap3A_1069 = arith.index_cast %select_n3A_228 : i32 to index
          %swap3A_1070 = arith.constant 96 : index
          %swap3A_1071 = tpu.vector_load %arg12[%swap3A_1069, %swap3A_1070] {strides = array<i32>} : memref<520x128xf32, #tpu.memory_space<vmem>>, vector<16xf32>,
          tpu.vector_store %arg12[%swap3A_1069, %swap3A_1070], %mul3A_986 {add = true, strides = array<i32>} : memref<520x128xf32, #tpu.memory_space<vmem>>, vector<16xf32>,
          %swap3A_1072 = arith.index_cast %select_n3A_228 : i32 to index
          %swap3A_1073 = arith.constant 112 : index
          %swap3A_1074 = tpu.vector_load %arg12[%swap3A_1072, %swap3A_1073] {strides = array<i32>} : memref<520x128xf32, #tpu.memory_space<vmem>>, vector<16xf32>,
          tpu.vector_store %arg12[%swap3A_1072, %swap3A_1073], %mul3A_990 {add = true, strides = array<i32>} : memref<520x128xf32, #tpu.memory_space<vmem>>, vector<16xf32>,
          %mul3A_1075 = arith.constant 16 : i32
          %mul3A_1076 = arith.muli %scan3A_102, %mul3A_1075 : i32
          %add3A_1077 = arith.constant 13 : i32
          %add3A_1078 = arith.addi %mul3A_1076, %add3A_1077 : i32
          %get3A_1079 = arith.index_cast %add3A_1078 : i32 to index
          %get3A_1080 = arith.constant 0 : index
          %get3A_1081 = tpu.vector_load %arg11[%get3A_1079, %get3A_1080] {strides = array<i32>} : memref<128x128xf32, #tpu.memory_space<vmem>>, vector<16xf32>,
          %mul3A_1082 = arith.mulf %get3A_1081, %gather3A_311 : vector<16xf32>
          %get3A_1083 = arith.index_cast %add3A_1078 : i32 to index
          %get3A_1084 = arith.constant 16 : index
          %get3A_1085 = tpu.vector_load %arg11[%get3A_1083, %get3A_1084] {strides = array<i32>} : memref<128x128xf32, #tpu.memory_space<vmem>>, vector<16xf32>,
          %mul3A_1086 = arith.mulf %get3A_1085, %gather3A_311 : vector<16xf32>
          %get3A_1087 = arith.index_cast %add3A_1078 : i32 to index
          %get3A_1088 = arith.constant 32 : index
          %get3A_1089 = tpu.vector_load %arg11[%get3A_1087, %get3A_1088] {strides = array<i32>} : memref<128x128xf32, #tpu.memory_space<vmem>>, vector<16xf32>,
          %mul3A_1090 = arith.mulf %get3A_1089, %gather3A_311 : vector<16xf32>
          %get3A_1091 = arith.index_cast %add3A_1078 : i32 to index
          %get3A_1092 = arith.constant 48 : index
          %get3A_1093 = tpu.vector_load %arg11[%get3A_1091, %get3A_1092] {strides = array<i32>} : memref<128x128xf32, #tpu.memory_space<vmem>>, vector<16xf32>,
          %mul3A_1094 = arith.mulf %get3A_1093, %gather3A_311 : vector<16xf32>
          %get3A_1095 = arith.index_cast %add3A_1078 : i32 to index
          %get3A_1096 = arith.constant 64 : index
          %get3A_1097 = tpu.vector_load %arg11[%get3A_1095, %get3A_1096] {strides = array<i32>} : memref<128x128xf32, #tpu.memory_space<vmem>>, vector<16xf32>,
          %mul3A_1098 = arith.mulf %get3A_1097, %gather3A_311 : vector<16xf32>
          %get3A_1099 = arith.index_cast %add3A_1078 : i32 to index
          %get3A_1100 = arith.constant 80 : index
          %get3A_1101 = tpu.vector_load %arg11[%get3A_1099, %get3A_1100] {strides = array<i32>} : memref<128x128xf32, #tpu.memory_space<vmem>>, vector<16xf32>,
          %mul3A_1102 = arith.mulf %get3A_1101, %gather3A_311 : vector<16xf32>
          %get3A_1103 = arith.index_cast %add3A_1078 : i32 to index
          %get3A_1104 = arith.constant 96 : index
          %get3A_1105 = tpu.vector_load %arg11[%get3A_1103, %get3A_1104] {strides = array<i32>} : memref<128x128xf32, #tpu.memory_space<vmem>>, vector<16xf32>,
          %mul3A_1106 = arith.mulf %get3A_1105, %gather3A_311 : vector<16xf32>
          %get3A_1107 = arith.index_cast %add3A_1078 : i32 to index
          %get3A_1108 = arith.constant 112 : index
          %get3A_1109 = tpu.vector_load %arg11[%get3A_1107, %get3A_1108] {strides = array<i32>} : memref<128x128xf32, #tpu.memory_space<vmem>>, vector<16xf32>,
          %mul3A_1110 = arith.mulf %get3A_1109, %gather3A_311 : vector<16xf32>
          %swap3A_1111 = arith.index_cast %select_n3A_235 : i32 to index
          %swap3A_1112 = arith.constant 0 : index
          %swap3A_1113 = tpu.vector_load %arg12[%swap3A_1111, %swap3A_1112] {strides = array<i32>} : memref<520x128xf32, #tpu.memory_space<vmem>>, vector<16xf32>,
          tpu.vector_store %arg12[%swap3A_1111, %swap3A_1112], %mul3A_1022 {add = true, strides = array<i32>} : memref<520x128xf32, #tpu.memory_space<vmem>>, vector<16xf32>,
          %swap3A_1114 = arith.index_cast %select_n3A_235 : i32 to index
          %swap3A_1115 = arith.constant 16 : index
          %swap3A_1116 = tpu.vector_load %arg12[%swap3A_1114, %swap3A_1115] {strides = array<i32>} : memref<520x128xf32, #tpu.memory_space<vmem>>, vector<16xf32>,
          tpu.vector_store %arg12[%swap3A_1114, %swap3A_1115], %mul3A_1026 {add = true, strides = array<i32>} : memref<520x128xf32, #tpu.memory_space<vmem>>, vector<16xf32>,
          %swap3A_1117 = arith.index_cast %select_n3A_235 : i32 to index
          %swap3A_1118 = arith.constant 32 : index
          %swap3A_1119 = tpu.vector_load %arg12[%swap3A_1117, %swap3A_1118] {strides = array<i32>} : memref<520x128xf32, #tpu.memory_space<vmem>>, vector<16xf32>,
          tpu.vector_store %arg12[%swap3A_1117, %swap3A_1118], %mul3A_1030 {add = true, strides = array<i32>} : memref<520x128xf32, #tpu.memory_space<vmem>>, vector<16xf32>,
          %swap3A_1120 = arith.index_cast %select_n3A_235 : i32 to index
          %swap3A_1121 = arith.constant 48 : index
          %swap3A_1122 = tpu.vector_load %arg12[%swap3A_1120, %swap3A_1121] {strides = array<i32>} : memref<520x128xf32, #tpu.memory_space<vmem>>, vector<16xf32>,
          tpu.vector_store %arg12[%swap3A_1120, %swap3A_1121], %mul3A_1034 {add = true, strides = array<i32>} : memref<520x128xf32, #tpu.memory_space<vmem>>, vector<16xf32>,
          %swap3A_1123 = arith.index_cast %select_n3A_235 : i32 to index
          %swap3A_1124 = arith.constant 64 : index
          %swap3A_1125 = tpu.vector_load %arg12[%swap3A_1123, %swap3A_1124] {strides = array<i32>} : memref<520x128xf32, #tpu.memory_space<vmem>>, vector<16xf32>,
          tpu.vector_store %arg12[%swap3A_1123, %swap3A_1124], %mul3A_1038 {add = true, strides = array<i32>} : memref<520x128xf32, #tpu.memory_space<vmem>>, vector<16xf32>,
          %swap3A_1126 = arith.index_cast %select_n3A_235 : i32 to index
          %swap3A_1127 = arith.constant 80 : index
          %swap3A_1128 = tpu.vector_load %arg12[%swap3A_1126, %swap3A_1127] {strides = array<i32>} : memref<520x128xf32, #tpu.memory_space<vmem>>, vector<16xf32>,
          tpu.vector_store %arg12[%swap3A_1126, %swap3A_1127], %mul3A_1042 {add = true, strides = array<i32>} : memref<520x128xf32, #tpu.memory_space<vmem>>, vector<16xf32>,
          %swap3A_1129 = arith.index_cast %select_n3A_235 : i32 to index
          %swap3A_1130 = arith.constant 96 : index
          %swap3A_1131 = tpu.vector_load %arg12[%swap3A_1129, %swap3A_1130] {strides = array<i32>} : memref<520x128xf32, #tpu.memory_space<vmem>>, vector<16xf32>,
          tpu.vector_store %arg12[%swap3A_1129, %swap3A_1130], %mul3A_1046 {add = true, strides = array<i32>} : memref<520x128xf32, #tpu.memory_space<vmem>>, vector<16xf32>,
          %swap3A_1132 = arith.index_cast %select_n3A_235 : i32 to index
          %swap3A_1133 = arith.constant 112 : index
          %swap3A_1134 = tpu.vector_load %arg12[%swap3A_1132, %swap3A_1133] {strides = array<i32>} : memref<520x128xf32, #tpu.memory_space<vmem>>, vector<16xf32>,
          tpu.vector_store %arg12[%swap3A_1132, %swap3A_1133], %mul3A_1050 {add = true, strides = array<i32>} : memref<520x128xf32, #tpu.memory_space<vmem>>, vector<16xf32>,
          %mul3A_1135 = arith.constant 16 : i32
          %mul3A_1136 = arith.muli %scan3A_102, %mul3A_1135 : i32
          %add3A_1137 = arith.constant 14 : i32
          %add3A_1138 = arith.addi %mul3A_1136, %add3A_1137 : i32
          %get3A_1139 = arith.index_cast %add3A_1138 : i32 to index
          %get3A_1140 = arith.constant 0 : index
          %get3A_1141 = tpu.vector_load %arg11[%get3A_1139, %get3A_1140] {strides = array<i32>} : memref<128x128xf32, #tpu.memory_space<vmem>>, vector<16xf32>,
          %mul3A_1142 = arith.mulf %get3A_1141, %gather3A_315 : vector<16xf32>
          %get3A_1143 = arith.index_cast %add3A_1138 : i32 to index
          %get3A_1144 = arith.constant 16 : index
          %get3A_1145 = tpu.vector_load %arg11[%get3A_1143, %get3A_1144] {strides = array<i32>} : memref<128x128xf32, #tpu.memory_space<vmem>>, vector<16xf32>,
          %mul3A_1146 = arith.mulf %get3A_1145, %gather3A_315 : vector<16xf32>
          %get3A_1147 = arith.index_cast %add3A_1138 : i32 to index
          %get3A_1148 = arith.constant 32 : index
          %get3A_1149 = tpu.vector_load %arg11[%get3A_1147, %get3A_1148] {strides = array<i32>} : memref<128x128xf32, #tpu.memory_space<vmem>>, vector<16xf32>,
          %mul3A_1150 = arith.mulf %get3A_1149, %gather3A_315 : vector<16xf32>
          %get3A_1151 = arith.index_cast %add3A_1138 : i32 to index
          %get3A_1152 = arith.constant 48 : index
          %get3A_1153 = tpu.vector_load %arg11[%get3A_1151, %get3A_1152] {strides = array<i32>} : memref<128x128xf32, #tpu.memory_space<vmem>>, vector<16xf32>,
          %mul3A_1154 = arith.mulf %get3A_1153, %gather3A_315 : vector<16xf32>
          %get3A_1155 = arith.index_cast %add3A_1138 : i32 to index
          %get3A_1156 = arith.constant 64 : index
          %get3A_1157 = tpu.vector_load %arg11[%get3A_1155, %get3A_1156] {strides = array<i32>} : memref<128x128xf32, #tpu.memory_space<vmem>>, vector<16xf32>,
          %mul3A_1158 = arith.mulf %get3A_1157, %gather3A_315 : vector<16xf32>
          %get3A_1159 = arith.index_cast %add3A_1138 : i32 to index
          %get3A_1160 = arith.constant 80 : index
          %get3A_1161 = tpu.vector_load %arg11[%get3A_1159, %get3A_1160] {strides = array<i32>} : memref<128x128xf32, #tpu.memory_space<vmem>>, vector<16xf32>,
          %mul3A_1162 = arith.mulf %get3A_1161, %gather3A_315 : vector<16xf32>
          %get3A_1163 = arith.index_cast %add3A_1138 : i32 to index
          %get3A_1164 = arith.constant 96 : index
          %get3A_1165 = tpu.vector_load %arg11[%get3A_1163, %get3A_1164] {strides = array<i32>} : memref<128x128xf32, #tpu.memory_space<vmem>>, vector<16xf32>,
          %mul3A_1166 = arith.mulf %get3A_1165, %gather3A_315 : vector<16xf32>
          %get3A_1167 = arith.index_cast %add3A_1138 : i32 to index
          %get3A_1168 = arith.constant 112 : index
          %get3A_1169 = tpu.vector_load %arg11[%get3A_1167, %get3A_1168] {strides = array<i32>} : memref<128x128xf32, #tpu.memory_space<vmem>>, vector<16xf32>,
          %mul3A_1170 = arith.mulf %get3A_1169, %gather3A_315 : vector<16xf32>
          %swap3A_1171 = arith.index_cast %select_n3A_242 : i32 to index
          %swap3A_1172 = arith.constant 0 : index
          %swap3A_1173 = tpu.vector_load %arg12[%swap3A_1171, %swap3A_1172] {strides = array<i32>} : memref<520x128xf32, #tpu.memory_space<vmem>>, vector<16xf32>,
          tpu.vector_store %arg12[%swap3A_1171, %swap3A_1172], %mul3A_1082 {add = true, strides = array<i32>} : memref<520x128xf32, #tpu.memory_space<vmem>>, vector<16xf32>,
          %swap3A_1174 = arith.index_cast %select_n3A_242 : i32 to index
          %swap3A_1175 = arith.constant 16 : index
          %swap3A_1176 = tpu.vector_load %arg12[%swap3A_1174, %swap3A_1175] {strides = array<i32>} : memref<520x128xf32, #tpu.memory_space<vmem>>, vector<16xf32>,
          tpu.vector_store %arg12[%swap3A_1174, %swap3A_1175], %mul3A_1086 {add = true, strides = array<i32>} : memref<520x128xf32, #tpu.memory_space<vmem>>, vector<16xf32>,
          %swap3A_1177 = arith.index_cast %select_n3A_242 : i32 to index
          %swap3A_1178 = arith.constant 32 : index
          %swap3A_1179 = tpu.vector_load %arg12[%swap3A_1177, %swap3A_1178] {strides = array<i32>} : memref<520x128xf32, #tpu.memory_space<vmem>>, vector<16xf32>,
          tpu.vector_store %arg12[%swap3A_1177, %swap3A_1178], %mul3A_1090 {add = true, strides = array<i32>} : memref<520x128xf32, #tpu.memory_space<vmem>>, vector<16xf32>,
          %swap3A_1180 = arith.index_cast %select_n3A_242 : i32 to index
          %swap3A_1181 = arith.constant 48 : index
          %swap3A_1182 = tpu.vector_load %arg12[%swap3A_1180, %swap3A_1181] {strides = array<i32>} : memref<520x128xf32, #tpu.memory_space<vmem>>, vector<16xf32>,
          tpu.vector_store %arg12[%swap3A_1180, %swap3A_1181], %mul3A_1094 {add = true, strides = array<i32>} : memref<520x128xf32, #tpu.memory_space<vmem>>, vector<16xf32>,
          %swap3A_1183 = arith.index_cast %select_n3A_242 : i32 to index
          %swap3A_1184 = arith.constant 64 : index
          %swap3A_1185 = tpu.vector_load %arg12[%swap3A_1183, %swap3A_1184] {strides = array<i32>} : memref<520x128xf32, #tpu.memory_space<vmem>>, vector<16xf32>,
          tpu.vector_store %arg12[%swap3A_1183, %swap3A_1184], %mul3A_1098 {add = true, strides = array<i32>} : memref<520x128xf32, #tpu.memory_space<vmem>>, vector<16xf32>,
          %swap3A_1186 = arith.index_cast %select_n3A_242 : i32 to index
          %swap3A_1187 = arith.constant 80 : index
          %swap3A_1188 = tpu.vector_load %arg12[%swap3A_1186, %swap3A_1187] {strides = array<i32>} : memref<520x128xf32, #tpu.memory_space<vmem>>, vector<16xf32>,
          tpu.vector_store %arg12[%swap3A_1186, %swap3A_1187], %mul3A_1102 {add = true, strides = array<i32>} : memref<520x128xf32, #tpu.memory_space<vmem>>, vector<16xf32>,
          %swap3A_1189 = arith.index_cast %select_n3A_242 : i32 to index
          %swap3A_1190 = arith.constant 96 : index
          %swap3A_1191 = tpu.vector_load %arg12[%swap3A_1189, %swap3A_1190] {strides = array<i32>} : memref<520x128xf32, #tpu.memory_space<vmem>>, vector<16xf32>,
          tpu.vector_store %arg12[%swap3A_1189, %swap3A_1190], %mul3A_1106 {add = true, strides = array<i32>} : memref<520x128xf32, #tpu.memory_space<vmem>>, vector<16xf32>,
          %swap3A_1192 = arith.index_cast %select_n3A_242 : i32 to index
          %swap3A_1193 = arith.constant 112 : index
          %swap3A_1194 = tpu.vector_load %arg12[%swap3A_1192, %swap3A_1193] {strides = array<i32>} : memref<520x128xf32, #tpu.memory_space<vmem>>, vector<16xf32>,
          tpu.vector_store %arg12[%swap3A_1192, %swap3A_1193], %mul3A_1110 {add = true, strides = array<i32>} : memref<520x128xf32, #tpu.memory_space<vmem>>, vector<16xf32>,
          %mul3A_1195 = arith.constant 16 : i32
          %mul3A_1196 = arith.muli %scan3A_102, %mul3A_1195 : i32
          %add3A_1197 = arith.constant 15 : i32
          %add3A_1198 = arith.addi %mul3A_1196, %add3A_1197 : i32
          %get3A_1199 = arith.index_cast %add3A_1198 : i32 to index
          %get3A_1200 = arith.constant 0 : index
          %get3A_1201 = tpu.vector_load %arg11[%get3A_1199, %get3A_1200] {strides = array<i32>} : memref<128x128xf32, #tpu.memory_space<vmem>>, vector<16xf32>,
          %mul3A_1202 = arith.mulf %get3A_1201, %gather3A_319 : vector<16xf32>
          %get3A_1203 = arith.index_cast %add3A_1198 : i32 to index
          %get3A_1204 = arith.constant 16 : index
          %get3A_1205 = tpu.vector_load %arg11[%get3A_1203, %get3A_1204] {strides = array<i32>} : memref<128x128xf32, #tpu.memory_space<vmem>>, vector<16xf32>,
          %mul3A_1206 = arith.mulf %get3A_1205, %gather3A_319 : vector<16xf32>
          %get3A_1207 = arith.index_cast %add3A_1198 : i32 to index
          %get3A_1208 = arith.constant 32 : index
          %get3A_1209 = tpu.vector_load %arg11[%get3A_1207, %get3A_1208] {strides = array<i32>} : memref<128x128xf32, #tpu.memory_space<vmem>>, vector<16xf32>,
          %mul3A_1210 = arith.mulf %get3A_1209, %gather3A_319 : vector<16xf32>
          %get3A_1211 = arith.index_cast %add3A_1198 : i32 to index
          %get3A_1212 = arith.constant 48 : index
          %get3A_1213 = tpu.vector_load %arg11[%get3A_1211, %get3A_1212] {strides = array<i32>} : memref<128x128xf32, #tpu.memory_space<vmem>>, vector<16xf32>,
          %mul3A_1214 = arith.mulf %get3A_1213, %gather3A_319 : vector<16xf32>
          %get3A_1215 = arith.index_cast %add3A_1198 : i32 to index
          %get3A_1216 = arith.constant 64 : index
          %get3A_1217 = tpu.vector_load %arg11[%get3A_1215, %get3A_1216] {strides = array<i32>} : memref<128x128xf32, #tpu.memory_space<vmem>>, vector<16xf32>,
          %mul3A_1218 = arith.mulf %get3A_1217, %gather3A_319 : vector<16xf32>
          %get3A_1219 = arith.index_cast %add3A_1198 : i32 to index
          %get3A_1220 = arith.constant 80 : index
          %get3A_1221 = tpu.vector_load %arg11[%get3A_1219, %get3A_1220] {strides = array<i32>} : memref<128x128xf32, #tpu.memory_space<vmem>>, vector<16xf32>,
          %mul3A_1222 = arith.mulf %get3A_1221, %gather3A_319 : vector<16xf32>
          %get3A_1223 = arith.index_cast %add3A_1198 : i32 to index
          %get3A_1224 = arith.constant 96 : index
          %get3A_1225 = tpu.vector_load %arg11[%get3A_1223, %get3A_1224] {strides = array<i32>} : memref<128x128xf32, #tpu.memory_space<vmem>>, vector<16xf32>,
          %mul3A_1226 = arith.mulf %get3A_1225, %gather3A_319 : vector<16xf32>
          %get3A_1227 = arith.index_cast %add3A_1198 : i32 to index
          %get3A_1228 = arith.constant 112 : index
          %get3A_1229 = tpu.vector_load %arg11[%get3A_1227, %get3A_1228] {strides = array<i32>} : memref<128x128xf32, #tpu.memory_space<vmem>>, vector<16xf32>,
          %mul3A_1230 = arith.mulf %get3A_1229, %gather3A_319 : vector<16xf32>
          %swap3A_1231 = arith.index_cast %select_n3A_249 : i32 to index
          %swap3A_1232 = arith.constant 0 : index
          %swap3A_1233 = tpu.vector_load %arg12[%swap3A_1231, %swap3A_1232] {strides = array<i32>} : memref<520x128xf32, #tpu.memory_space<vmem>>, vector<16xf32>,
          tpu.vector_store %arg12[%swap3A_1231, %swap3A_1232], %mul3A_1142 {add = true, strides = array<i32>} : memref<520x128xf32, #tpu.memory_space<vmem>>, vector<16xf32>,
          %swap3A_1234 = arith.index_cast %select_n3A_249 : i32 to index
          %swap3A_1235 = arith.constant 16 : index
          %swap3A_1236 = tpu.vector_load %arg12[%swap3A_1234, %swap3A_1235] {strides = array<i32>} : memref<520x128xf32, #tpu.memory_space<vmem>>, vector<16xf32>,
          tpu.vector_store %arg12[%swap3A_1234, %swap3A_1235], %mul3A_1146 {add = true, strides = array<i32>} : memref<520x128xf32, #tpu.memory_space<vmem>>, vector<16xf32>,
          %swap3A_1237 = arith.index_cast %select_n3A_249 : i32 to index
          %swap3A_1238 = arith.constant 32 : index
          %swap3A_1239 = tpu.vector_load %arg12[%swap3A_1237, %swap3A_1238] {strides = array<i32>} : memref<520x128xf32, #tpu.memory_space<vmem>>, vector<16xf32>,
          tpu.vector_store %arg12[%swap3A_1237, %swap3A_1238], %mul3A_1150 {add = true, strides = array<i32>} : memref<520x128xf32, #tpu.memory_space<vmem>>, vector<16xf32>,
          %swap3A_1240 = arith.index_cast %select_n3A_249 : i32 to index
          %swap3A_1241 = arith.constant 48 : index
          %swap3A_1242 = tpu.vector_load %arg12[%swap3A_1240, %swap3A_1241] {strides = array<i32>} : memref<520x128xf32, #tpu.memory_space<vmem>>, vector<16xf32>,
          tpu.vector_store %arg12[%swap3A_1240, %swap3A_1241], %mul3A_1154 {add = true, strides = array<i32>} : memref<520x128xf32, #tpu.memory_space<vmem>>, vector<16xf32>,
          %swap3A_1243 = arith.index_cast %select_n3A_249 : i32 to index
          %swap3A_1244 = arith.constant 64 : index
          %swap3A_1245 = tpu.vector_load %arg12[%swap3A_1243, %swap3A_1244] {strides = array<i32>} : memref<520x128xf32, #tpu.memory_space<vmem>>, vector<16xf32>,
          tpu.vector_store %arg12[%swap3A_1243, %swap3A_1244], %mul3A_1158 {add = true, strides = array<i32>} : memref<520x128xf32, #tpu.memory_space<vmem>>, vector<16xf32>,
          %swap3A_1246 = arith.index_cast %select_n3A_249 : i32 to index
          %swap3A_1247 = arith.constant 80 : index
          %swap3A_1248 = tpu.vector_load %arg12[%swap3A_1246, %swap3A_1247] {strides = array<i32>} : memref<520x128xf32, #tpu.memory_space<vmem>>, vector<16xf32>,
          tpu.vector_store %arg12[%swap3A_1246, %swap3A_1247], %mul3A_1162 {add = true, strides = array<i32>} : memref<520x128xf32, #tpu.memory_space<vmem>>, vector<16xf32>,
          %swap3A_1249 = arith.index_cast %select_n3A_249 : i32 to index
          %swap3A_1250 = arith.constant 96 : index
          %swap3A_1251 = tpu.vector_load %arg12[%swap3A_1249, %swap3A_1250] {strides = array<i32>} : memref<520x128xf32, #tpu.memory_space<vmem>>, vector<16xf32>,
          tpu.vector_store %arg12[%swap3A_1249, %swap3A_1250], %mul3A_1166 {add = true, strides = array<i32>} : memref<520x128xf32, #tpu.memory_space<vmem>>, vector<16xf32>,
          %swap3A_1252 = arith.index_cast %select_n3A_249 : i32 to index
          %swap3A_1253 = arith.constant 112 : index
          %swap3A_1254 = tpu.vector_load %arg12[%swap3A_1252, %swap3A_1253] {strides = array<i32>} : memref<520x128xf32, #tpu.memory_space<vmem>>, vector<16xf32>,
          tpu.vector_store %arg12[%swap3A_1252, %swap3A_1253], %mul3A_1170 {add = true, strides = array<i32>} : memref<520x128xf32, #tpu.memory_space<vmem>>, vector<16xf32>,
          %swap3A_1255 = arith.index_cast %select_n3A_256 : i32 to index
          %swap3A_1256 = arith.constant 0 : index
          %swap3A_1257 = tpu.vector_load %arg12[%swap3A_1255, %swap3A_1256] {strides = array<i32>} : memref<520x128xf32, #tpu.memory_space<vmem>>, vector<16xf32>,
          tpu.vector_store %arg12[%swap3A_1255, %swap3A_1256], %mul3A_1202 {add = true, strides = array<i32>} : memref<520x128xf32, #tpu.memory_space<vmem>>, vector<16xf32>,
          %swap3A_1258 = arith.index_cast %select_n3A_256 : i32 to index
          %swap3A_1259 = arith.constant 16 : index
          %swap3A_1260 = tpu.vector_load %arg12[%swap3A_1258, %swap3A_1259] {strides = array<i32>} : memref<520x128xf32, #tpu.memory_space<vmem>>, vector<16xf32>,
          tpu.vector_store %arg12[%swap3A_1258, %swap3A_1259], %mul3A_1206 {add = true, strides = array<i32>} : memref<520x128xf32, #tpu.memory_space<vmem>>, vector<16xf32>,
          %swap3A_1261 = arith.index_cast %select_n3A_256 : i32 to index
          %swap3A_1262 = arith.constant 32 : index
          %swap3A_1263 = tpu.vector_load %arg12[%swap3A_1261, %swap3A_1262] {strides = array<i32>} : memref<520x128xf32, #tpu.memory_space<vmem>>, vector<16xf32>,
          tpu.vector_store %arg12[%swap3A_1261, %swap3A_1262], %mul3A_1210 {add = true, strides = array<i32>} : memref<520x128xf32, #tpu.memory_space<vmem>>, vector<16xf32>,
          %swap3A_1264 = arith.index_cast %select_n3A_256 : i32 to index
          %swap3A_1265 = arith.constant 48 : index
          %swap3A_1266 = tpu.vector_load %arg12[%swap3A_1264, %swap3A_1265] {strides = array<i32>} : memref<520x128xf32, #tpu.memory_space<vmem>>, vector<16xf32>,
          tpu.vector_store %arg12[%swap3A_1264, %swap3A_1265], %mul3A_1214 {add = true, strides = array<i32>} : memref<520x128xf32, #tpu.memory_space<vmem>>, vector<16xf32>,
          %swap3A_1267 = arith.index_cast %select_n3A_256 : i32 to index
          %swap3A_1268 = arith.constant 64 : index
          %swap3A_1269 = tpu.vector_load %arg12[%swap3A_1267, %swap3A_1268] {strides = array<i32>} : memref<520x128xf32, #tpu.memory_space<vmem>>, vector<16xf32>,
          tpu.vector_store %arg12[%swap3A_1267, %swap3A_1268], %mul3A_1218 {add = true, strides = array<i32>} : memref<520x128xf32, #tpu.memory_space<vmem>>, vector<16xf32>,
          %swap3A_1270 = arith.index_cast %select_n3A_256 : i32 to index
          %swap3A_1271 = arith.constant 80 : index
          %swap3A_1272 = tpu.vector_load %arg12[%swap3A_1270, %swap3A_1271] {strides = array<i32>} : memref<520x128xf32, #tpu.memory_space<vmem>>, vector<16xf32>,
          tpu.vector_store %arg12[%swap3A_1270, %swap3A_1271], %mul3A_1222 {add = true, strides = array<i32>} : memref<520x128xf32, #tpu.memory_space<vmem>>, vector<16xf32>,
          %swap3A_1273 = arith.index_cast %select_n3A_256 : i32 to index
          %swap3A_1274 = arith.constant 96 : index
          %swap3A_1275 = tpu.vector_load %arg12[%swap3A_1273, %swap3A_1274] {strides = array<i32>} : memref<520x128xf32, #tpu.memory_space<vmem>>, vector<16xf32>,
          tpu.vector_store %arg12[%swap3A_1273, %swap3A_1274], %mul3A_1226 {add = true, strides = array<i32>} : memref<520x128xf32, #tpu.memory_space<vmem>>, vector<16xf32>,
          %swap3A_1276 = arith.index_cast %select_n3A_256 : i32 to index
          %swap3A_1277 = arith.constant 112 : index
          %swap3A_1278 = tpu.vector_load %arg12[%swap3A_1276, %swap3A_1277] {strides = array<i32>} : memref<520x128xf32, #tpu.memory_space<vmem>>, vector<16xf32>,
          tpu.vector_store %arg12[%swap3A_1276, %swap3A_1277], %mul3A_1230 {add = true, strides = array<i32>} : memref<520x128xf32, #tpu.memory_space<vmem>>, vector<16xf32>,
        }
        %scan3A_101 = arith.constant 8 : i32
      }
      %scan3A_49 = arith.constant 40 : i32
      "tpu.region"() ({
        %run_scoped3A = tpu.sem_alloc : memref<!tpu.dma_semaphore, #tpu.memory_space<semaphore_mem>>
        %dma_start3A_50 = arith.constant 0 : i32
        %dma_start3A_51 = arith.constant 0 : i32
        %dma_start3A_52 = tpu.memref_slice %arg12[%dma_start3A_50, %dma_start3A_51] : memref<520x128xf32, #tpu.memory_space<vmem>> -> memref<512x128xf32, #tpu.memory_space<vmem>>
        %dma_start3A_53 = arith.constant 0 : i32
        %dma_start3A_54 = arith.constant 0 : i32
        %dma_start3A_55 = arith.constant 0 : i32
        %dma_start3A_56 = arith.constant 0 : i32
        %dma_start3A_57 = tpu.memref_slice %arg6[%select_n3A, %dma_start3A_53, %dma_start3A_54, %dma_start3A_55, %dma_start3A_56] : memref<2x16x2x512x128xf32, #tpu.memory_space<hbm>> -> memref<1x16x2x512x128xf32, #tpu.memory_space<hbm>>
        %dma_start3A_58 = tpu.memref_squeeze %dma_start3A_57 : memref<1x16x2x512x128xf32, #tpu.memory_space<hbm>> -> memref<16x2x512x128xf32, #tpu.memory_space<hbm>>
        %dma_start3A_59 = arith.constant 0 : i32
        %dma_start3A_60 = arith.constant 0 : i32
        %dma_start3A_61 = arith.constant 0 : i32
        %dma_start3A_62 = tpu.memref_slice %dma_start3A_58[%rem3A_1, %dma_start3A_59, %dma_start3A_60, %dma_start3A_61] : memref<16x2x512x128xf32, #tpu.memory_space<hbm>> -> memref<1x2x512x128xf32, #tpu.memory_space<hbm>>
        %dma_start3A_63 = tpu.memref_squeeze %dma_start3A_62 : memref<1x2x512x128xf32, #tpu.memory_space<hbm>> -> memref<2x512x128xf32, #tpu.memory_space<hbm>>
        %dma_start3A_64 = arith.constant 0 : i32
        %dma_start3A_65 = arith.constant 0 : i32
        %dma_start3A_66 = tpu.memref_slice %dma_start3A_63[%scan3A_25, %dma_start3A_64, %dma_start3A_65] : memref<2x512x128xf32, #tpu.memory_space<hbm>> -> memref<1x512x128xf32, #tpu.memory_space<hbm>>
        %dma_start3A_67 = tpu.memref_squeeze %dma_start3A_66 : memref<1x512x128xf32, #tpu.memory_space<hbm>> -> memref<512x128xf32, #tpu.memory_space<hbm>>
        %dma_start3A_68 = arith.constant 0 : i32
        %dma_start3A_69 = arith.constant 0 : i32
        %dma_start3A_70 = arith.constant 0 : i32
        %dma_start3A_71 = arith.constant 0 : i32
        %dma_start3A_72 = tpu.memref_slice %arg6[%select_n3A, %dma_start3A_68, %dma_start3A_69, %dma_start3A_70, %dma_start3A_71] : memref<2x16x2x512x128xf32, #tpu.memory_space<hbm>> -> memref<1x16x2x512x128xf32, #tpu.memory_space<hbm>>
        %dma_start3A_73 = tpu.memref_squeeze %dma_start3A_72 : memref<1x16x2x512x128xf32, #tpu.memory_space<hbm>> -> memref<16x2x512x128xf32, #tpu.memory_space<hbm>>
        %dma_start3A_74 = arith.constant 0 : i32
        %dma_start3A_75 = arith.constant 0 : i32
        %dma_start3A_76 = arith.constant 0 : i32
        %dma_start3A_77 = tpu.memref_slice %dma_start3A_73[%rem3A_1, %dma_start3A_74, %dma_start3A_75, %dma_start3A_76] : memref<16x2x512x128xf32, #tpu.memory_space<hbm>> -> memref<1x2x512x128xf32, #tpu.memory_space<hbm>>
        %dma_start3A_78 = tpu.memref_squeeze %dma_start3A_77 : memref<1x2x512x128xf32, #tpu.memory_space<hbm>> -> memref<2x512x128xf32, #tpu.memory_space<hbm>>
        %dma_start3A_79 = arith.constant 0 : i32
        %dma_start3A_80 = arith.constant 0 : i32
        %dma_start3A_81 = tpu.memref_slice %dma_start3A_78[%scan3A_25, %dma_start3A_79, %dma_start3A_80] : memref<2x512x128xf32, #tpu.memory_space<hbm>> -> memref<1x512x128xf32, #tpu.memory_space<hbm>>
        %dma_start3A_82 = tpu.memref_squeeze %dma_start3A_81 : memref<1x512x128xf32, #tpu.memory_space<hbm>> -> memref<512x128xf32, #tpu.memory_space<hbm>>
        %dma_start3A_83 = arith.constant 0 : i32
        %dma_start3A_84 = arith.constant 0 : i32
        %dma_start3A_85 = tpu.memref_slice %arg12[%dma_start3A_83, %dma_start3A_84] : memref<520x128xf32, #tpu.memory_space<vmem>> -> memref<512x128xf32, #tpu.memory_space<vmem>>
        tpu.enqueue_dma source(%dma_start3A_85 : memref<512x128xf32, #tpu.memory_space<vmem>>) target(%dma_start3A_82 : memref<512x128xf32, #tpu.memory_space<hbm>>) target_semaphore(%run_scoped3A : memref<!tpu.dma_semaphore, #tpu.memory_space<semaphore_mem>>)
        %dma_wait3A = arith.constant 0 : i32
        %dma_wait3A_86 = arith.constant 0 : i32
        %dma_wait3A_87 = tpu.memref_slice %arg12[%dma_wait3A, %dma_wait3A_86] : memref<520x128xf32, #tpu.memory_space<vmem>> -> memref<512x128xf32, #tpu.memory_space<vmem>>
        %dma_wait3A_88 = arith.constant 0 : i32
        %dma_wait3A_89 = arith.constant 0 : i32
        %dma_wait3A_90 = arith.constant 0 : i32
        %dma_wait3A_91 = arith.constant 0 : i32
        %dma_wait3A_92 = tpu.memref_slice %arg6[%select_n3A, %dma_wait3A_88, %dma_wait3A_89, %dma_wait3A_90, %dma_wait3A_91] : memref<2x16x2x512x128xf32, #tpu.memory_space<hbm>> -> memref<1x16x2x512x128xf32, #tpu.memory_space<hbm>>
        %dma_wait3A_93 = tpu.memref_squeeze %dma_wait3A_92 : memref<1x16x2x512x128xf32, #tpu.memory_space<hbm>> -> memref<16x2x512x128xf32, #tpu.memory_space<hbm>>
        %dma_wait3A_94 = arith.constant 0 : i32
        %dma_wait3A_95 = arith.constant 0 : i32
        %dma_wait3A_96 = arith.constant 0 : i32
        %dma_wait3A_97 = tpu.memref_slice %dma_wait3A_93[%rem3A_1, %dma_wait3A_94, %dma_wait3A_95, %dma_wait3A_96] : memref<16x2x512x128xf32, #tpu.memory_space<hbm>> -> memref<1x2x512x128xf32, #tpu.memory_space<hbm>>
        %dma_wait3A_98 = tpu.memref_squeeze %dma_wait3A_97 : memref<1x2x512x128xf32, #tpu.memory_space<hbm>> -> memref<2x512x128xf32, #tpu.memory_space<hbm>>
        %dma_wait3A_99 = arith.constant 0 : i32
        %dma_wait3A_100 = arith.constant 0 : i32
        %dma_wait3A_101 = tpu.memref_slice %dma_wait3A_98[%scan3A_25, %dma_wait3A_99, %dma_wait3A_100] : memref<2x512x128xf32, #tpu.memory_space<hbm>> -> memref<1x512x128xf32, #tpu.memory_space<hbm>>
        %dma_wait3A_102 = tpu.memref_squeeze %dma_wait3A_101 : memref<1x512x128xf32, #tpu.memory_space<hbm>> -> memref<512x128xf32, #tpu.memory_space<hbm>>
        %dma_wait3A_103 = arith.constant 0 : i32
        %dma_wait3A_104 = arith.constant 0 : i32
        %dma_wait3A_105 = arith.constant 0 : i32
        %dma_wait3A_106 = arith.constant 0 : i32
        %dma_wait3A_107 = tpu.memref_slice %arg6[%select_n3A, %dma_wait3A_103, %dma_wait3A_104, %dma_wait3A_105, %dma_wait3A_106] : memref<2x16x2x512x128xf32, #tpu.memory_space<hbm>> -> memref<1x16x2x512x128xf32, #tpu.memory_space<hbm>>
        %dma_wait3A_108 = tpu.memref_squeeze %dma_wait3A_107 : memref<1x16x2x512x128xf32, #tpu.memory_space<hbm>> -> memref<16x2x512x128xf32, #tpu.memory_space<hbm>>
        %dma_wait3A_109 = arith.constant 0 : i32
        %dma_wait3A_110 = arith.constant 0 : i32
        %dma_wait3A_111 = arith.constant 0 : i32
        %dma_wait3A_112 = tpu.memref_slice %dma_wait3A_108[%rem3A_1, %dma_wait3A_109, %dma_wait3A_110, %dma_wait3A_111] : memref<16x2x512x128xf32, #tpu.memory_space<hbm>> -> memref<1x2x512x128xf32, #tpu.memory_space<hbm>>
        %dma_wait3A_113 = tpu.memref_squeeze %dma_wait3A_112 : memref<1x2x512x128xf32, #tpu.memory_space<hbm>> -> memref<2x512x128xf32, #tpu.memory_space<hbm>>
        %dma_wait3A_114 = arith.constant 0 : i32
        %dma_wait3A_115 = arith.constant 0 : i32
        %dma_wait3A_116 = tpu.memref_slice %dma_wait3A_113[%scan3A_25, %dma_wait3A_114, %dma_wait3A_115] : memref<2x512x128xf32, #tpu.memory_space<hbm>> -> memref<1x512x128xf32, #tpu.memory_space<hbm>>
        %dma_wait3A_117 = tpu.memref_squeeze %dma_wait3A_116 : memref<1x512x128xf32, #tpu.memory_space<hbm>> -> memref<512x128xf32, #tpu.memory_space<hbm>>
        %dma_wait3A_118 = arith.constant 0 : i32
        %dma_wait3A_119 = arith.constant 0 : i32
        %dma_wait3A_120 = tpu.memref_slice %arg12[%dma_wait3A_118, %dma_wait3A_119] : memref<520x128xf32, #tpu.memory_space<vmem>> -> memref<512x128xf32, #tpu.memory_space<vmem>>
        tpu.wait_dma2 semaphore(%run_scoped3A : memref<!tpu.dma_semaphore, #tpu.memory_space<semaphore_mem>>) src(%dma_wait3A_120 : memref<512x128xf32, #tpu.memory_space<vmem>>) dst(%dma_wait3A_117 : memref<512x128xf32, #tpu.memory_space<hbm>>)
        tpu.yield
      }) : () -> ()
    }
    %scan3A_24 = arith.constant 2 : i32
    return
  }
}

module attributes {stable_mosaic.version = 14 : i64} {
  func.func @_fin_body(%arg0: i32, %arg1: i32, %arg2: memref<1x16x1x512x128xf32, #tpu.memory_space<vmem>>, %arg3: memref<128x512xf32, #tpu.memory_space<vmem>>, %arg4: memref<128x512xf32, #tpu.memory_space<vmem>>) attributes {dimension_semantics = [#tpu.dimension_semantics<arbitrary>, #tpu.dimension_semantics<arbitrary>], iteration_bounds = array<i64: 2, 2>, scalar_prefetch = 0 : i64, scratch_operands = 0 : i64, tpu.core_type = #tpu.core_type<tc>, window_params = [{transform_indices = @transform_0, window_bounds = array<i64: 1, 16, 1, 512, 128>}, {transform_indices = @transform_1, window_bounds = array<i64: 128, 512>}, {transform_indices = @transform_2, window_bounds = array<i64: 128, 512>}]} {
    %get3A = arith.constant 0 : index
    %get3A_0 = arith.constant 0 : index
    %get3A_1 = arith.constant 0 : index
    %get3A_2 = arith.constant 0 : index
    %get3A_3 = arith.constant 0 : index
    %get3A_4 = vector.load %arg2[%get3A, %get3A_0, %get3A_1, %get3A_2, %get3A_3] : memref<1x16x1x512x128xf32, #tpu.memory_space<vmem>>, vector<1x16x1x512x128xf32>
    %squeeze3A = vector.shape_cast %get3A_4 : vector<1x16x1x512x128xf32> to vector<16x512x128xf32>
    %reduce_sum3A = arith.constant dense<0.000000e+00> : vector<512x128xf32>
    %reduce_sum3A_5 = vector.multi_reduction <add>, %squeeze3A, %reduce_sum3A [0] : vector<16x512x128xf32> to vector<512x128xf32>
    %get3A_6 = arith.constant 0 : index
    %get3A_7 = arith.constant 0 : index
    %get3A_8 = vector.load %arg3[%get3A_6, %get3A_7] : memref<128x512xf32, #tpu.memory_space<vmem>>, vector<128x512xf32>
    %mul3A = arith.mulf %get3A_8, %get3A_8 : vector<128x512xf32>
    %reduce_sum3A_9 = arith.constant dense<0.000000e+00> : vector<128xf32>
    %reduce_sum3A_10 = vector.multi_reduction <add>, %mul3A, %reduce_sum3A_9 [1] : vector<128x512xf32> to vector<128xf32>
    %sqrt3A = math.sqrt %reduce_sum3A_10 : vector<128xf32>
    %iota3A = tpu.iota {dimensions = array<i32: 0>} : vector<128x128xi32>
    %iota3A_11 = tpu.iota {dimensions = array<i32: 1>} : vector<128x128xi32>
    %eq3A = arith.cmpi eq, %iota3A_11, %iota3A : vector<128x128xi32>
    %mul3A_12 = arith.constant 0.00999999977 : f32
    %mul3A_13 = vector.broadcast %mul3A_12 : f32 to vector<128xf32>
    %mul3A_14 = arith.mulf %mul3A_13, %sqrt3A : vector<128xf32>
    %broadcast_in_dim3A = vector.shape_cast %mul3A_14 : vector<128xf32> to vector<128x1xf32>
    %jit3A = arith.constant 0.000000e+00 : f32
    %broadcast_in_dim3A_15 = vector.shape_cast %broadcast_in_dim3A : vector<128x1xf32> to vector<128x1xf32>
    %broadcast_in_dim3A_16 = vector.broadcast %broadcast_in_dim3A_15 : vector<128x1xf32> to vector<128x128xf32>
    %broadcast_in_dim3A_17 = vector.broadcast %jit3A : f32 to vector<128x128xf32>
    %select_n3A = arith.select %eq3A, %broadcast_in_dim3A_16, %broadcast_in_dim3A_17 : vector<128x128xi1>, vector<128x128xf32>
    %dot_general3A = arith.constant dense<0.000000e+00> : vector<128x512xf32>
    %dot_general3A_18 = tpu.matmul %select_n3A, %reduce_sum3A_5, %dot_general3A {dimension_numbers = #tpu.dot_dimension_numbers<[1], [1], [0], [0], [0, 0, 1, 0], [], []>, transpose_lhs_hint = false} : vector<128x128xf32>, vector<512x128xf32>, vector<128x512xf32> -> vector<128x512xf32>
    %swap3A = arith.constant 0 : index
    %swap3A_19 = arith.constant 0 : index
    %swap3A_20 = vector.load %arg4[%swap3A, %swap3A_19] : memref<128x512xf32, #tpu.memory_space<vmem>>, vector<128x512xf32>
    tpu.vector_store %arg4[%swap3A, %swap3A_19], %dot_general3A_18 {strides = array<i32>} : memref<128x512xf32, #tpu.memory_space<vmem>>, vector<128x512xf32>,
    return
  }
  func.func @transform_0(%arg0: i32, %arg1: i32) -> (i32, i32, i32, i32, i32) {
    %c0_i32 = arith.constant 0 : i32
    %c0_i32_0 = arith.constant 0 : i32
    %c0_i32_1 = arith.constant 0 : i32
    %c0_i32_2 = arith.constant 0 : i32
    return %arg0, %c0_i32, %arg1, %c0_i32_0, %c0_i32_1 : i32, i32, i32, i32, i32
  }
  func.func @transform_1(%arg0: i32, %arg1: i32) -> (i32, i32) {
    %c0_i32 = arith.constant 0 : i32
    %c0_i32_0 = arith.constant 0 : i32
    return %arg0, %c0_i32 : i32, i32
  }
  func.func @transform_2(%arg0: i32, %arg1: i32) -> (i32, i32) {
    %c0_i32 = arith.constant 0 : i32
    return %arg0, %arg1 : i32, i32
  }
}

module attributes {stable_mosaic.version = 14 : i64} {
  func.func @_sim_body(%arg0: i32, %arg1: i32, %arg2: memref<1000x512xf32, #tpu.memory_space<vmem>>, %arg3: memref<128x512xf32, #tpu.memory_space<vmem>>, %arg4: memref<1x1000x128xf32, #tpu.memory_space<vmem>>) attributes {dimension_semantics = [#tpu.dimension_semantics<arbitrary>, #tpu.dimension_semantics<arbitrary>], iteration_bounds = array<i64: 10, 2>, scalar_prefetch = 0 : i64, scratch_operands = 0 : i64, tpu.core_type = #tpu.core_type<tc>, window_params = [{transform_indices = @transform_0, window_bounds = array<i64: 1000, 512>}, {transform_indices = @transform_1, window_bounds = array<i64: 128, 512>}, {transform_indices = @transform_2, window_bounds = array<i64: 1, 1000, 128>}]} {
    %get3A = arith.constant 0 : index
    %get3A_0 = arith.constant 0 : index
    %get3A_1 = vector.load %arg3[%get3A, %get3A_0] : memref<128x512xf32, #tpu.memory_space<vmem>>, vector<128x512xf32>
    %mul3A = arith.mulf %get3A_1, %get3A_1 : vector<128x512xf32>
    %reduce_sum3A = arith.constant dense<0.000000e+00> : vector<128xf32>
    %reduce_sum3A_2 = vector.multi_reduction <add>, %mul3A, %reduce_sum3A [1] : vector<128x512xf32> to vector<128xf32>
    %broadcast_in_dim3A = vector.shape_cast %reduce_sum3A_2 : vector<128xf32> to vector<128x1xf32>
    %sqrt3A = math.sqrt %broadcast_in_dim3A : vector<128x1xf32>
    %add3A = arith.constant 9.99999996E-13 : f32
    %add3A_3 = vector.broadcast %add3A : f32 to vector<128x1xf32>
    %add3A_4 = arith.addf %sqrt3A, %add3A_3 : vector<128x1xf32>
    %div3A = vector.broadcast %add3A_4 : vector<128x1xf32> to vector<128x512xf32>
    %div3A_5 = arith.divf %get3A_1, %div3A : vector<128x512xf32>
    %get3A_6 = arith.constant 0 : index
    %get3A_7 = arith.constant 0 : index
    %get3A_8 = vector.load %arg2[%get3A_6, %get3A_7] : memref<1000x512xf32, #tpu.memory_space<vmem>>, vector<1000x512xf32>
    %mul3A_9 = arith.mulf %get3A_8, %get3A_8 : vector<1000x512xf32>
    %reduce_sum3A_10 = arith.constant dense<0.000000e+00> : vector<1000xf32>
    %reduce_sum3A_11 = vector.multi_reduction <add>, %mul3A_9, %reduce_sum3A_10 [1] : vector<1000x512xf32> to vector<1000xf32>
    %broadcast_in_dim3A_12 = vector.shape_cast %reduce_sum3A_11 : vector<1000xf32> to vector<1000x1xf32>
    %sqrt3A_13 = math.sqrt %broadcast_in_dim3A_12 : vector<1000x1xf32>
    %add3A_14 = arith.constant 9.99999996E-13 : f32
    %add3A_15 = vector.broadcast %add3A_14 : f32 to vector<1000x1xf32>
    %add3A_16 = arith.addf %sqrt3A_13, %add3A_15 : vector<1000x1xf32>
    %div3A_17 = vector.broadcast %add3A_16 : vector<1000x1xf32> to vector<1000x512xf32>
    %div3A_18 = arith.divf %get3A_8, %div3A_17 : vector<1000x512xf32>
    %dot_general3A = arith.constant dense<0.000000e+00> : vector<1000x128xf32>
    %dot_general3A_19 = tpu.matmul %div3A_18, %div3A_5, %dot_general3A {dimension_numbers = #tpu.dot_dimension_numbers<[1], [1], [0], [0], [0, 0, 1, 0], [], []>, transpose_lhs_hint = false} : vector<1000x512xf32>, vector<128x512xf32>, vector<1000x128xf32> -> vector<1000x128xf32>
    %add3A_20 = arith.constant 1.000000e+00 : f32
    %add3A_21 = vector.broadcast %add3A_20 : f32 to vector<1000x128xf32>
    %add3A_22 = arith.addf %dot_general3A_19, %add3A_21 : vector<1000x128xf32>
    %mul3A_23 = arith.constant 5.000000e-01 : f32
    %mul3A_24 = vector.broadcast %mul3A_23 : f32 to vector<1000x128xf32>
    %mul3A_25 = arith.mulf %add3A_22, %mul3A_24 : vector<1000x128xf32>
    %broadcast_in_dim3A_26 = vector.shape_cast %mul3A_25 : vector<1000x128xf32> to vector<1x1000x128xf32>
    %swap3A = arith.constant 0 : index
    %swap3A_27 = arith.constant 0 : index
    %swap3A_28 = arith.constant 0 : index
    %swap3A_29 = vector.load %arg4[%swap3A, %swap3A_27, %swap3A_28] : memref<1x1000x128xf32, #tpu.memory_space<vmem>>, vector<1x1000x128xf32>
    tpu.vector_store %arg4[%swap3A, %swap3A_27, %swap3A_28], %broadcast_in_dim3A_26 {strides = array<i32>} : memref<1x1000x128xf32, #tpu.memory_space<vmem>>, vector<1x1000x128xf32>,
    return
  }
  func.func @transform_0(%arg0: i32, %arg1: i32) -> (i32, i32) {
    %c0_i32 = arith.constant 0 : i32
    %c0_i32_0 = arith.constant 0 : i32
    return %arg0, %c0_i32 : i32, i32
  }
  func.func @transform_1(%arg0: i32, %arg1: i32) -> (i32, i32) {
    %c0_i32 = arith.constant 0 : i32
    %c0_i32_0 = arith.constant 0 : i32
    return %arg1, %c0_i32 : i32, i32
  }
  func.func @transform_2(%arg0: i32, %arg1: i32) -> (i32, i32, i32) {
    %c0_i32 = arith.constant 0 : i32
    %c0_i32_0 = arith.constant 0 : i32
    return %arg1, %arg0, %c0_i32 : i32, i32, i32
  }
}

</mosaic_0001>

<sc_bundles>
// kernel: kernel.5.cloned.1.call-start
scs
__scs_entry_jumppad:
0x0: {  	(pc) =	sbr.rel $0x88, $3  }
0x1: {  	(tag) =	ssettag $0x0;
	lr =	simm.s32 $0x1  }
0x2: {  	[smem:$0x3F9B] =	sst lr;
	_ =	strace $0xD0000000  }
0x3: {  	_ = 	snop  }
0x4: {  	_ = 	snop  }
0x5: {  	_ = 	snop  }
0x6: {  	_ = 	snop  }
0x7: {  	_ = 	snop  }
__scs_overlays_trampoline_lowered:
0x8: {  	[smem:$0x3FAA] =	sst s0  }
0x9: {  	[smem:$0x3FAB] =	sst s1  }
0xa: {  	[smem:$0x3FAC] =	sst s2  }
0xb: {  	[smem:$0x3FAD] =	sst s3  }
0xc: {  	[smem:$0x3FAE] =	sst s4  }
0xd: {  	[smem:$0x3FAF] =	sst s5  }
0xe: {  	[smem:$0x3FB0] =	sst s6  }
0xf: {  	[smem:$0x3FB1] =	sst s7  }
0x10: {  	[smem:$0x3FB2] =	sst s8  }
0x11: {  	[smem:$0x3FB3] =	sst s9;
	s0 =	simm.s32 @!p0 $0x0  }
0x12: {  	s1 =	sld [smem:$0x3F99];
	s0 =	simm.s32 @p0 $0x1  }
0x13: {  	[smem:$0x3FB4] =	sst s0;
	s0 =	simm.s32 @!p1 $0x0  }
0x14: {  	s2 =	sld [smem:$0x3F98];
	s0 =	simm.s32 @p1 $0x1  }
0x15: {  	[smem:$0x3FB5] =	sst s0;
	s0 =	simm.s32 @!p2 $0x0  }
0x16: {  	s3 =	sld [smem:$0x3FDB];
	s0 =	simm.s32 @p2 $0x1  }
0x17: {  	s4 =	simm.s32 $0x1BF5;
	[smem:$0x3FB7] =	sst s0  }
0x18: {  	s0 =	sld [smem:$0x3F9A];
	_ =	swait.ge [sflag:s4], $0x0  }
0x19: {  	s7 =	sld [smem:$0x3F9B]  }
0x1a: {  	s8 =	sadd.s32 $0xFFFFE003, lr  }
0x1b: {  	s9 =	sadd.s32 $0xFFFFFEF7, lr;
	s5 =	simm.s32 $0xFFFFFFFF;
	p2 =	slt.u32 s8, $0xFFFFF086  }
0x1c: {  	p1 =	slt.u32 s9, $0xF7A;
	s5 =	simm.s32 @!p2 $0x0  }
0x1d: {  	s5 =	simm.s32 @p1 $0x1;
	p0 =	seq.s32 s7, s2  }
0x1e: {  	s7 =	smul.u32 @!p0 $0xF7A, s2;
	p2 =	seq.s32 @!p0 s5, $0x0  }
0x1f: {  	s9 =	smul.u32 $0xF7A, s1;
	s8 =	simm.s32 @!p0 $0x1BF5;
	p2 =	por !p2, p0  }
0x20: {  	[sflag:s8] =	ssyncset.s32 @!p0 $0xFFFFF086;
	s6 =	sadd.s32 @!p0 s3, s7;
	s7 =	simm.s32 @!p0 $0x108  }
0x21: {  	s3 =	sadd.s32 s3, s9;
	s6 =	sadd.s32 @!p0 $0x88, s6;
	s7 =	simm.s32 @p2 $0x1082  }
0x22: {  	[simem:s7], [sflag:s8] =	dma.local @!p0 [hbm:s6], $0xF7A  }
0x23: {  	s9 =	sor.u32 $0xD0000000, s2;
	s6 =	simm.s32 $0x108;
	_ =	swait.ge @!p0 [sflag:s8], $0x0  }
0x24: {  	s3 =	sadd.s32 $0x88, s3;
	s6 =	simm.s32 @!p1 $0x1082;
	[sflag:s4] =	ssyncset.s32 $0xFFFFF086  }
0x25: {  	[simem:s6], [sflag:s4] =	dma.local [hbm:s3], $0xF7A  }
0x26: {  	[smem:$0x3F9B] =	sst s1;
	(tag) =	ssettag s2;
	_ =	strace s9  }
0x27: {  	s1 =	sld [smem:$0x3FAB]  }
0x28: {  	s2 =	sld [smem:$0x3FAC]  }
0x29: {  	s4 =	sld [smem:$0x3FAE]  }
0x2a: {  	p0 =	seq.s32 s5, $0x0;
	s5 =	sld [smem:$0x3FAF]  }
0x2b: {  	s6 =	sld [smem:$0x3FB0]  }
0x2c: {  	s7 =	sld [smem:$0x3FB1]  }
0x2d: {  	s3 =	simm.s32 $0x108;
	s8 =	sld [smem:$0x3FB2]  }
0x2e: {  	s3 =	simm.s32 @!p0 $0x1082;
	s9 =	sld [smem:$0x3FB3]  }
0x2f: {  	lr =	sadd.s32 s0, s3;
	s0 =	sld [smem:$0x3FAA]  }
0x30: {  	s3 =	sld [smem:$0x3FAD]  }
0x31: {  	[smem:$0x3FB6] =	sst s10  }
0x32: {  	s10 =	sld [smem:$0x3FB4];
	_ =	sdelay $0x3  }
0x33: {  	p0 =	seq.s32 s10, $0x1;
	s10 =	sld [smem:$0x3FB6];
	_ =	sdelay $0x3  }
0x34: {  	[smem:$0x3FB6] =	sst s10  }
0x35: {  	s10 =	sld [smem:$0x3FB5];
	_ =	sdelay $0x3  }
0x36: {  	p1 =	seq.s32 s10, $0x1;
	s10 =	sld [smem:$0x3FB6];
	_ =	sdelay $0x3  }
0x37: {  	[smem:$0x3FB6] =	sst s10  }
0x38: {  	s10 =	sld [smem:$0x3FB7]  }
0x39: {  	_ = 	snop;
	(pc) =	sbr.ind lr, $3  }
0x3a: {  	_ = 	snop  }
0x3b: {  	_ = 	snop  }
0x3c: {  	p2 =	seq.s32 s10, $0x1;
	s10 =	sld [smem:$0x3FB6]  }
0x3d: {  	_ =	shalt  }
0x3e: {  	_ =	shalt  }
0x3f: {  	_ =	shalt  }
0x40: {  	_ =	shalt  }
0x41: {  	_ =	shalt  }
0x42: {  	_ =	shalt  }
0x43: {  	_ =	shalt  }
0x44: {  	_ =	shalt  }
0x45: {  	_ =	shalt  }
0x46: {  	_ =	shalt  }
0x47: {  	_ =	shalt  }
0x48: {  	_ =	shalt  }
0x49: {  	_ =	shalt  }
0x4a: {  	_ =	shalt  }
0x4b: {  	_ =	shalt  }
0x4c: {  	_ =	shalt  }
0x4d: {  	_ =	shalt  }
0x4e: {  	_ =	shalt  }
0x4f: {  	_ =	shalt  }
0x50: {  	_ =	shalt  }
0x51: {  	_ =	shalt  }
0x52: {  	_ =	shalt  }
0x53: {  	_ =	shalt  }
0x54: {  	_ =	shalt  }
0x55: {  	_ =	shalt  }
0x56: {  	_ =	shalt  }
0x57: {  	_ =	shalt  }
0x58: {  	_ =	shalt  }
0x59: {  	_ =	shalt  }
0x5a: {  	_ =	shalt  }
0x5b: {  	_ =	shalt  }
0x5c: {  	_ =	shalt  }
0x5d: {  	_ =	shalt  }
0x5e: {  	_ =	shalt  }
0x5f: {  	_ =	shalt  }
0x60: {  	_ =	shalt  }
0x61: {  	_ =	shalt  }
0x62: {  	_ =	shalt  }
0x63: {  	_ =	shalt  }
0x64: {  	_ =	shalt  }
0x65: {  	_ =	shalt  }
0x66: {  	_ =	shalt  }
0x67: {  	_ =	shalt  }
0x68: {  	_ =	shalt  }
0x69: {  	_ =	shalt  }
0x6a: {  	_ =	shalt  }
0x6b: {  	_ =	shalt  }
0x6c: {  	_ =	shalt  }
0x6d: {  	_ =	shalt  }
0x6e: {  	_ =	shalt  }
0x6f: {  	_ =	shalt  }
0x70: {  	_ =	shalt  }
0x71: {  	_ =	shalt  }
0x72: {  	_ =	shalt  }
0x73: {  	_ =	shalt  }
0x74: {  	_ =	shalt  }
0x75: {  	_ =	shalt  }
0x76: {  	_ =	shalt  }
0x77: {  	_ =	shalt  }
0x78: {  	_ =	shalt  }
0x79: {  	_ =	shalt  }
0x7a: {  	_ =	shalt  }
0x7b: {  	_ =	shalt  }
0x7c: {  	_ =	shalt  }
0x7d: {  	_ =	shalt  }
0x7e: {  	_ =	shalt  }
0x7f: {  	_ =	shalt  }
0x80: {  	_ =	shalt  }
0x81: {  	_ =	shalt  }
0x82: {  	_ =	shalt  }
0x83: {  	_ =	shalt  }
0x84: {  	_ =	shalt  }
0x85: {  	_ =	shalt  }
0x86: {  	_ =	shalt  }
0x87: {  	_ =	shalt  }
.Lfunc_end0:
.L_simem_size_0:
called_computation_lowered:
.L_overlay_start_0:
0x88: {  	s2 =	sld [smem:$0x3FD9]  }
0x89: {  	s3 =	sld [smem:$0x3FFE];
	_ =	sdelay $0x1  }
0x8a: {  	s1 =	srdreg.scid  }
0x8b: {  	s0 =	sand.u32 $0x1, s1  }
0x8c: {  	s17 =	sshll.u32 s0, $0xA;
	s2 =	sadd.s32 s3, s2  }
0x8d: {  	s2 =	sadd.s32 s2, s17  }
0x8e: {  	[smem:$0x3FC2] =	sst s2  }
0x8f: {  	_ = 	snop  }
0x90: {  	s2 =	sld [smem:$0x3FD0];
	(tm) =	ssettm $0x1  }
0x91: {  	s18 =	sld [smem:$0x3FFB];
	_ =	sdelay $0x3  }
0x92: {  	_ =	strace s18  }
0x93: {  	s3 =	sld [smem:$0x3FFC];
	_ =	sdelay $0x3  }
0x94: {  	_ =	strace s3  }
0x95: {  	s3 =	sld [smem:$0x3FFD];
	_ =	sdelay $0x3  }
0x96: {  	_ =	strace s3  }
0x97: {  	_ =	strace $0x8FFFFFFF  }
0x98: {  	s19 =	sld [smem:$0x3FDB];
	_ =	sdelay $0x1  }
0x99: {  	s4 =	simm.s32 $_scs_section_size  }
0x9a: {  	s5 =	simm.s32 $_size__tile_overlayer_lowered;
	s6 =	simm.s32 $_tile_overlayer_lowered  }
0x9b: {  	s22 =	simm.s32 $0x1BFF;
	s21 =	sshll.u32 s6, $0x1;
	s3 =	sadd.s32 s4, s19  }
0x9c: {  	s7 =	simm.s32 $0x0;
	s20 =	sshll.u32 s5, $0x1;
	s5 =	sadd.s32 s21, s3  }
0x9d: {  	[timem:s7], [sflag:s22] =	dma.local [hbm:s5], s20  }
0x9e: {  	_ =	swait.ge [sflag:s22], s20  }
0x9f: {  	s4 =	ssub.s32 $0x0, s20;
	[sflag:s22] =	ssyncset.done $0x0  }
0xa0: {  	[sflag:s22] =	ssyncadd.s32 s4;
	_ =	sdelay $0x1  }
0xa1: {  	s23 =	simm.s32 $0x1B8B  }
0xa2: {  	_ =	swait.ge [sflag:s23], $0x1  }
0xa3: {  	[sflag:s23] =	ssyncset.done $0x0  }
0xa4: {  	s25 =	simm.s32 $0x1B8E;
	s24 =	sld [smem:$0x3FFE];
	[sflag:s23] =	ssyncadd.s32 $0xFFFFFFFF  }
0xa5: {  	s26 =	simm.s32 $execute0_lowered;
	[smem:$0x3FD2] =	sst s25  }
0xa6: {  	s5 =	sshll.u32 s26, $0x1;
	_ =	strace $0x80000046;
	[dreg:$0x1] =	wrdreg $0xFFFFFFFF  }
0xa7: {  	s28 =	simm.s32 $_size_execute0_lowered;
	s3 =	sadd.s32 s3, s5;
	[dreg:$0x0] =	wrdreg $0x0  }
0xa8: {  	s5 =	sshll.u32 s28, $0x1;
	[dreg:$0x2] =	wrdreg s3  }
0xa9: {  	[dreg:$0x3] =	wrdreg s5  }
0xaa: {  	[dreg:$0x4] =	wrdreg $0xC0  }
0xab: {  	_ =	task [dreg:s7], $0x5FFFF  }
0xac: {  	[dreg:$0x1] =	wrdreg $0xFFFFFFFF  }
0xad: {  	[dreg:$0x0] =	wrdreg $0x60  }
0xae: {  	[dreg:$0x2] =	wrdreg s24  }
0xaf: {  	[dreg:$0x3] =	wrdreg s2  }
0xb0: {  	[dreg:$0x4] =	wrdreg $0x9  }
0xb1: {  	_ =	task.clear_ibuf [dreg:s7], $0x5FFFF;
	_ =	strace $0x90000046  }
0xb2: {  	s29 =	simm.s32 $0x9;
	_ =	strace $0x80000048  }
0xb3: {  	_ =	swait.ge [sflag:s29], $0x1  }
0xb4: {  	[sflag:s29] =	ssyncadd.s32 $0xFFFFFFFF  }
0xb5: {  	_ =	strace $0x90000048  }
0xb6: {  	_ =	sfence  }
0xb7: {  	s30 =	sld [smem:$0x0];
	_ =	sdelay $0x2  }
0xb8: {  	s31 =	sshll.u32 s1, $0xD;
	s1 =	sshrl.u32 s1, $0x2  }
0xb9: {  	s3 =	sand.u32 $0x4000, s31;
	s1 =	sadd.s32 s1, s30  }
0xba: {  	s0 =	sor.u32 s3, s0;
	s1 =	sshll.u32 s1, $0x11  }
0xbb: {  	s0 =	sor.u32 s1, s0  }
0xbc: {  	s0 =	sadd.s32 $0x8F2B, s0  }
0xbd: {  	[sflag:s0] =	ssyncadd.remote.s32 $0x1  }
0xbe: {  	_ =	sfence.sel $0xFFFF  }
0xbf: {  	[dreg:$0x0] =	wrdreg $0xFFFFFFFF;
	(pc) =	sbr.abs _section_cstart, $3  }
0xc0: {  	[dreg:$0x1] =	wrdreg $0xFFFFFFFF  }
0xc1: {  	_ =	task.clear_ibuf [dreg:s7], $0x2FFFF;
	_ =	strace $0x9FFFFFFF  }
0xc2: {  	(tm) =	ssettm $0x7FFFFFFF  }
0xc3: {  	_ =	shalt  }
tec
execute0_lowered:
.L_overlay_start_1:
0x0: {  	(tag) =	ssettag $0x1  }
0x1: {  	s0 =	srdreg.scid  }
0x2: {  	s7 =	stileid.u32;
	s4 =	rddreg [dreg:$0x0]  }
0x3: {  	s5 =	rddreg [dreg:$0x1];
	s2 =	simm.s32 $0x1;
	s1 =	simm.s32 $0x0  }
0x4: {  	s14 =	simm.s32 $0xB800;
	s15 =	simm.s32 $0x2;
	s18 =	simm.s32 $0x0  }
0x5: {  	s3 =	sand.u32 $0x1, s0;
	p0 =	sne.s32 s7, $0x0;
	[smem:$0x7FF] =	sst s1  }
0x6: {  	s9 =	smul.u32 $0x500, s7;
	s10 =	sshrl.u32 s7, $0x3;
	s0 =	sor.u32 s7, s3  }
0x7: {  	s11 =	sshll.u32 s7, $0x7;
	s10 =	smul.u32 $0x14000, s10;
	p1 =	seq.s32 s0, $0x0  }
0x8: {  	s17 =	sshll.u32 s7, $0xE;
	s11 =	sand.u32 $0x380, s11;
	p1 =	por !p0, !p1  }
0x9: {  	s0 =	rddreg [dreg:$0x2];
	s10 =	sor.u32 s11, s10;
	p1 =	por !p1, !p1  }
0xa: {  	_ =	strace $0x80000047;
	s10 =	sshrl.u32 s10, $0x3;
	s2 =	simm.s32 @!p1 $0x0  }
0xb: {  	s12 =	sadd.s32 s9, s4;
	s10 =	sadd.s32 s10, s4;
	s6 =	ssub.s32 s3, s2  }
0xc: {  	s3 =	ssub.s32 $0x2, s3;
	s8 =	smul.u32 $0x138800, s6;
	s6 =	sshll.u32 s6, $0x12  }
0xd: {  	s2 =	simm.s32 $0x1;
	s31 =	sshrl.u32 s3, $0x1;
	s6 =	sand.u32 $0x1FFC0000, s6  }
0xe: {  	v0 =	vimm.f32 $0.0e+00;
	v1 =	vimm.s32 $0x0;
	s11 =	ssub.s32 s3, s31;
	s3 =	sadd.s32 $0xC00, s12;
	s12 =	simm.s32 $0x5000  }
0xf: {  	v2 =	vimm.s32 $0x1;
	v3 =	vimm.s32 $0x2;
	v4 =	vimm.s32 $0x3;
	s8 =	sshrl.u32 s8, $0x3;
	s13 =	sadd.s32 s6, s4;
	s7 =	smax.u32 s11, $0x1  }
0x10: {  	v5 =	vimm.s32 $0x4;
	v6 =	vimm.s32 $0x5;
	v7 =	vimm.s32 $0x6;
	s11 =	simm.s32 $0x400;
	s8 =	sadd.s32 s8, s4;
	s4 =	sadd.s32 s5, s9  }
0x11: {  	v8 =	vimm.s32 $0x7;
	v9 =	vimm.s32 $0x8;
	v10 =	vimm.s32 $0x9;
	s5 =	sadd.s32 $0x5C00, s10;
	s16 =	sadd.s32 $0x58E00, s13;
	s9 =	simm.s32 $0x2800  }
0x12: {  	v11 =	vimm.s32 $0xA;
	v12 =	vimm.s32 $0xB;
	v13 =	vimm.s32 $0xC;
	s10 =	simm.s32 $0x80;
	s13 =	simm.s32 $0x7800;
	s6 =	sadd.s32 $0xAC00, s8  }
0x13: {  	v14 =	vimm.s32 $0xD;
	v15 =	vimm.s32 $0xE;
	v16 =	vimm.s32 $0xF;
	s8 =	simm.s32 $0x3;
	s16 =	sadd.s32 s17, s16;
	s17 =	simm.s32 $0xF800  }
.LBB2_1:
0x14: {  	[tilespmem:s1], [sflag:$0x3] =	stream.linear.gather [hbm4b:s3+s1], $0x2800, $0x38;
	[tilespmem:$0x1FC00] =	vst v63  }
0x15: {  	_ =	swait.ge [sflag:s8], $0x2800  }
0x16: {  	[sflag:s8] =	ssyncset.done $0x0  }
0x17: {  	[sflag:s8] =	ssyncadd.s32 $0xFFFFD800  }
0x18: {  	[tilespmem:s9], [sflag:$0x3] =	stream.linear.gather [hbm4b:s4+s1], $0x2800, $0x38;
	[tilespmem:$0x1FC00] =	vst v63  }
0x19: {  	_ =	swait.ge [sflag:s8], $0x2800  }
0x1a: {  	[sflag:s8] =	ssyncset.done $0x0  }
0x1b: {  	[sflag:s8] =	ssyncadd.s32 $0xFFFFD800  }
0x1c: {  	[tilespmem:s12], [sflag:$0x3] =	stream.strided.gather [hbm4b:s5+s10], $0x2800, s11, s10, $0x38;
	[tilespmem:$0x1FC00] =	vst v63  }
0x1d: {  	_ =	swait.ge [sflag:s8], $0x2800  }
0x1e: {  	[sflag:s8] =	ssyncset.done $0x0  }
0x1f: {  	p2 =	por $0x1, $0x1;
	s19 =	simm.s32 $0x0;
	[sflag:s8] =	ssyncadd.s32 $0xFFFFD800  }
.LBB2_2:
0x20: {  	p1 =	por p2, p2;
	s20 =	simm.s32 $0x0;
	s21 =	simm.s32 $0x200  }
.LBB2_3:
0x21: {  	p2 =	sne.s32 s21, $0x40E00;
	[tilespmem:s20+$0xF870] =	vst v0  }
0x22: {  	[tilespmem:s20+$0xF800] =	vst v0  }
0x23: {  	[tilespmem:s20+$0xF810] =	vst v0  }
.Ltmp0:
0x24: {  	[tilespmem:s20+$0xF820] =	vst v0;
	(pc) =	sbr.rel @p2 .LBB2_3-.Ltmp0, $4  }
0x25: {  	[tilespmem:s20+$0xF830] =	vst v0  }
0x26: {  	[tilespmem:s20+$0xF840] =	vst v0  }
0x27: {  	[tilespmem:s20+$0xF850] =	vst v0  }
0x28: {  	[tilespmem:s20+$0xF860] =	vst v0;
	s20 =	sshra.s32 s21, $0x2;
	s21 =	sadd.s32 $0x200, s21  }
0x29: {  	[tilespmem:s20+$0xF870] =	vst v0  }
0x2a: {  	[tilespmem:s20+$0xF800] =	vst v0  }
0x2b: {  	[tilespmem:s20+$0xF810] =	vst v0  }
0x2c: {  	[tilespmem:s20+$0xF820] =	vst v0  }
0x2d: {  	[tilespmem:s20+$0xF830] =	vst v0  }
0x2e: {  	[tilespmem:s20+$0xF840] =	vst v0  }
0x2f: {  	[tilespmem:s20+$0xF850] =	vst v0  }
0x30: {  	[tilespmem:s20+$0xF860] =	vst v0;
	s20 =	simm.s32 $0x0;
	s22 =	sshll.u32 s19, $0x9;
	s21 =	simm.s32 $0x5000  }
0x31: {  	[tilespmem:s13], [sflag:$0x1] =	stream.indirect.gather [hbm4b:s6+s10], $0x80, s20, s10, $0xb8;
	[tilespmem:$0x1FC00] =	vst v63  }
0x32: {  	s23 =	simm.s32 $0x5080;
	s24 =	simm.s32 $0x2880;
	v17 =	vmov s22;
	s22 =	simm.s32 $0x2800  }
.LBB2_5:
0x33: {  	s25 =	sshll.u32 s20, $0x8  }
0x34: {  	s25 =	sor.u32 $0x80, s25  }
0x35: {  	v18 =	vmov s22;
	[tilespmem:s14], [sflag:$0x2] =	stream.indirect.gather [hbm4b:s6+s10], $0x80, s25, s10, $0xb8;
	[tilespmem:$0x1FC00] =	vst v63  }
0x36: {  	_ =	swait.ge [sflag:s2], $0x4000  }
0x37: {  	s26 =	simm.s32 $0x7C00;
	[sflag:s2] =	ssyncset.done $0x0  }
0x38: {  	v19 =	vmov s21;
	s28 =	simm.s32 $0x0;
	s25 =	sshll.u32 s20, $0xA;
	[sflag:s2] =	ssyncadd.s32 $0xFFFFC000  }
.LBB2_6:
0x39: {  	s29 =	sshra.s32 s28, $0x2  }
0x3a: {  	v20 =	vld.idx.msk [tilespmem:v18+s29+$0x0 ss:$0x1], $0xffff;
	_ =	sdelay $0x4  }
0x3b: {  	v21 =	vsub.s32 v20, v17  }
0x3c: {  	(v2sf) =	vpush v21, $0x0  }
0x3d: {  	v22 =	vld [tilespmem:s26+$0xFFFFFC00]  }
0x3e: {  	v23 =	vld [tilespmem:s26+$0xFFFFFC10]  }
0x3f: {  	v24 =	vld [tilespmem:s26+$0xFFFFFC20]  }
0x40: {  	v25 =	vld [tilespmem:s26+$0xFFFFFC30]  }
0x41: {  	v26 =	vld [tilespmem:s26+$0xFFFFFC40]  }
0x42: {  	v27 =	vld [tilespmem:s26+$0xFFFFFC50]  }
0x43: {  	v28 =	vld [tilespmem:s26+$0xFFFFFC60]  }
0x44: {  	v29 =	vld [tilespmem:s26+$0xFFFFFC70]  }
0x45: {  	v20 =	vld.idx.msk [tilespmem:v19+s29+$0x0 ss:$0x1], $0xffff  }
0x46: {  	v30 =	vld [tilespmem:s26+$0xFFFFFC80]  }
0x47: {  	v31 =	vld [tilespmem:s26+$0xFFFFFC90]  }
0x48: {  	v32 =	vld [tilespmem:s26+$0xFFFFFCA0]  }
0x49: {  	v33 =	vld [tilespmem:s26+$0xFFFFFCB0]  }
0x4a: {  	v35 =	vld [tilespmem:s26+$0xFFFFFCC0];
	v34 =	vperm.xlane v20, v1  }
0x4b: {  	v36 =	vld [tilespmem:s26+$0xFFFFFCD0];
	s31 =	spop (v2sf)  }
0x4c: {  	v37 =	vld [tilespmem:s26+$0xFFFFFCE0];
	(v2sf) =	vpush v21, $0x1;
	v22 =	vmul.f32 v22, v34;
	s29 =	smin.u32 s31, $0x200  }
0x4d: {  	v38 =	vld [tilespmem:s26+$0xFFFFFCF0];
	v23 =	vmul.f32 v23, v34;
	s29 =	sshll.u32 s29, $0x7  }
0x4e: {  	v24 =	vmul.f32 v24, v34;
	[tilespmem:s29+$0xF800] =	vst.add.f32.msk $0xffff, v22  }
0x4f: {  	v51 =	vmul.f32 v25, v34;
	[tilespmem:s29+$0xF810] =	vst.add.f32.msk $0xffff, v23  }
0x50: {  	v52 =	vmul.f32 v26, v34;
	[tilespmem:s29+$0xF820] =	vst.add.f32.msk $0xffff, v24  }
0x51: {  	v53 =	vmul.f32 v27, v34;
	[tilespmem:s29+$0xF830] =	vst.add.f32.msk $0xffff, v51  }
0x52: {  	v54 =	vmul.f32 v28, v34;
	[tilespmem:s29+$0xF840] =	vst.add.f32.msk $0xffff, v52  }
0x53: {  	v55 =	vmul.f32 v29, v34;
	[tilespmem:s29+$0xF850] =	vst.add.f32.msk $0xffff, v53  }
0x54: {  	[tilespmem:s29+$0xF860] =	vst.add.f32.msk $0xffff, v54  }
0x55: {  	[tilespmem:s29+$0xF870] =	vst.add.f32.msk $0xffff, v55  }
0x56: {  	v22 =	vld [tilespmem:s26+$0xFFFFFD00]  }
0x57: {  	v23 =	vld [tilespmem:s26+$0xFFFFFD10]  }
0x58: {  	v24 =	vld [tilespmem:s26+$0xFFFFFD20]  }
0x59: {  	v56 =	vld [tilespmem:s26+$0xFFFFFD30]  }
0x5a: {  	v57 =	vperm.xlane v20, v2;
	v58 =	vld [tilespmem:s26+$0xFFFFFD40]  }
0x5b: {  	s30 =	spop (v2sf);
	v59 =	vld [tilespmem:s26+$0xFFFFFD50]  }
0x5c: {  	v60 =	vmul.f32 v30, v57;
	(v2sf) =	vpush v21, $0x2;
	p2 =	slt.u32 s30, $0x200;
	s29 =	sshll.u32 s30, $0x7;
	v61 =	vld [tilespmem:s26+$0xFFFFFD60]  }
0x5d: {  	v31 =	vmul.f32 v31, v57;
	v62 =	vld [tilespmem:s26+$0xFFFFFD70];
	s29 =	simm.s32 @!p2 $0x10080  }
0x5e: {  	v32 =	vmul.f32 v32, v57;
	[tilespmem:s29+$0xF800] =	vst.add.f32.msk $0xffff, v60  }
0x5f: {  	v63 =	vmul.f32 v33, v57;
	[tilespmem:s29+$0xF810] =	vst.add.f32.msk $0xffff, v31  }
0x60: {  	v39 =	vmul.f32 v35, v57;
	[tilespmem:s29+$0xF820] =	vst.add.f32.msk $0xffff, v32  }
0x61: {  	v40 =	vmul.f32 v36, v57;
	[tilespmem:s29+$0xF830] =	vst.add.f32.msk $0xffff, v63  }
0x62: {  	v41 =	vmul.f32 v37, v57;
	[tilespmem:s29+$0xF840] =	vst.add.f32.msk $0xffff, v39  }
0x63: {  	v26 =	vmul.f32 v38, v57;
	[tilespmem:s29+$0xF850] =	vst.add.f32.msk $0xffff, v40  }
0x64: {  	[tilespmem:s29+$0xF860] =	vst.add.f32.msk $0xffff, v41  }
0x65: {  	[tilespmem:s29+$0xF870] =	vst.add.f32.msk $0xffff, v26  }
0x66: {  	v26 =	vld [tilespmem:s26+$0xFFFFFD80]  }
0x67: {  	v29 =	vld [tilespmem:s26+$0xFFFFFD90]  }
0x68: {  	v31 =	vld [tilespmem:s26+$0xFFFFFDA0]  }
0x69: {  	v32 =	vld [tilespmem:s26+$0xFFFFFDB0]  }
0x6a: {  	v42 =	vperm.xlane v20, v3;
	v43 =	vld [tilespmem:s26+$0xFFFFFDC0]  }
0x6b: {  	v44 =	vld [tilespmem:s26+$0xFFFFFDD0];
	s31 =	spop (v2sf)  }
0x6c: {  	v45 =	vld [tilespmem:s26+$0xFFFFFDE0];
	v22 =	vmul.f32 v22, v42;
	(v2sf) =	vpush v21, $0x3;
	p2 =	slt.u32 s31, $0x200;
	s29 =	sshll.u32 s31, $0x7  }
0x6d: {  	v46 =	vld [tilespmem:s26+$0xFFFFFDF0];
	v23 =	vmul.f32 v23, v42;
	s29 =	simm.s32 @!p2 $0x10100  }
0x6e: {  	v24 =	vmul.f32 v24, v42;
	[tilespmem:s29+$0xF800] =	vst.add.f32.msk $0xffff, v22  }
0x6f: {  	v47 =	vmul.f32 v56, v42;
	[tilespmem:s29+$0xF810] =	vst.add.f32.msk $0xffff, v23  }
0x70: {  	v48 =	vmul.f32 v58, v42;
	[tilespmem:s29+$0xF820] =	vst.add.f32.msk $0xffff, v24  }
0x71: {  	v49 =	vmul.f32 v59, v42;
	[tilespmem:s29+$0xF830] =	vst.add.f32.msk $0xffff, v47  }
0x72: {  	v50 =	vmul.f32 v61, v42;
	[tilespmem:s29+$0xF840] =	vst.add.f32.msk $0xffff, v48  }
0x73: {  	v51 =	vmul.f32 v62, v42;
	[tilespmem:s29+$0xF850] =	vst.add.f32.msk $0xffff, v49  }
0x74: {  	[tilespmem:s29+$0xF860] =	vst.add.f32.msk $0xffff, v50  }
0x75: {  	[tilespmem:s29+$0xF870] =	vst.add.f32.msk $0xffff, v51  }
0x76: {  	v22 =	vld [tilespmem:s26+$0xFFFFFE00]  }
0x77: {  	v23 =	vld [tilespmem:s26+$0xFFFFFE10]  }
0x78: {  	v24 =	vld [tilespmem:s26+$0xFFFFFE20]  }
0x79: {  	v52 =	vld [tilespmem:s26+$0xFFFFFE30]  }
0x7a: {  	v53 =	vperm.xlane v20, v4;
	v54 =	vld [tilespmem:s26+$0xFFFFFE40]  }
0x7b: {  	v55 =	vld [tilespmem:s26+$0xFFFFFE50];
	s30 =	spop (v2sf)  }
0x7c: {  	v26 =	vmul.f32 v26, v53;
	v56 =	vld [tilespmem:s26+$0xFFFFFE60];
	(v2sf) =	vpush v21, $0x4;
	p2 =	slt.u32 s30, $0x200;
	s29 =	sshll.u32 s30, $0x7  }
0x7d: {  	v29 =	vmul.f32 v29, v53;
	v57 =	vld [tilespmem:s26+$0xFFFFFE70];
	s29 =	simm.s32 @!p2 $0x10180  }
0x7e: {  	v31 =	vmul.f32 v31, v53;
	[tilespmem:s29+$0xF800] =	vst.add.f32.msk $0xffff, v26  }
0x7f: {  	v58 =	vmul.f32 v32, v53;
	[tilespmem:s29+$0xF810] =	vst.add.f32.msk $0xffff, v29  }
0x80: {  	v59 =	vmul.f32 v43, v53;
	[tilespmem:s29+$0xF820] =	vst.add.f32.msk $0xffff, v31  }
0x81: {  	v60 =	vmul.f32 v44, v53;
	[tilespmem:s29+$0xF830] =	vst.add.f32.msk $0xffff, v58  }
0x82: {  	v61 =	vmul.f32 v45, v53;
	[tilespmem:s29+$0xF840] =	vst.add.f32.msk $0xffff, v59  }
0x83: {  	v27 =	vmul.f32 v46, v53;
	[tilespmem:s29+$0xF850] =	vst.add.f32.msk $0xffff, v60  }
0x84: {  	[tilespmem:s29+$0xF860] =	vst.add.f32.msk $0xffff, v61  }
0x85: {  	[tilespmem:s29+$0xF870] =	vst.add.f32.msk $0xffff, v27  }
0x86: {  	v26 =	vld [tilespmem:s26+$0xFFFFFE80]  }
0x87: {  	v27 =	vld [tilespmem:s26+$0xFFFFFE90]  }
0x88: {  	v29 =	vld [tilespmem:s26+$0xFFFFFEA0]  }
0x89: {  	v31 =	vld [tilespmem:s26+$0xFFFFFEB0]  }
0x8a: {  	v62 =	vperm.xlane v20, v5;
	v63 =	vld [tilespmem:s26+$0xFFFFFEC0]  }
0x8b: {  	v40 =	vld [tilespmem:s26+$0xFFFFFED0];
	s31 =	spop (v2sf)  }
0x8c: {  	v22 =	vmul.f32 v22, v62;
	v41 =	vld [tilespmem:s26+$0xFFFFFEE0];
	(v2sf) =	vpush v21, $0x5;
	p2 =	slt.u32 s31, $0x200;
	s29 =	sshll.u32 s31, $0x7  }
0x8d: {  	v23 =	vmul.f32 v23, v62;
	v42 =	vld [tilespmem:s26+$0xFFFFFEF0];
	s29 =	simm.s32 @!p2 $0x10200  }
0x8e: {  	v24 =	vmul.f32 v24, v62;
	[tilespmem:s29+$0xF800] =	vst.add.f32.msk $0xffff, v22  }
0x8f: {  	v43 =	vmul.f32 v52, v62;
	[tilespmem:s29+$0xF810] =	vst.add.f32.msk $0xffff, v23  }
0x90: {  	v44 =	vmul.f32 v54, v62;
	[tilespmem:s29+$0xF820] =	vst.add.f32.msk $0xffff, v24  }
0x91: {  	v45 =	vmul.f32 v55, v62;
	[tilespmem:s29+$0xF830] =	vst.add.f32.msk $0xffff, v43  }
0x92: {  	v46 =	vmul.f32 v56, v62;
	[tilespmem:s29+$0xF840] =	vst.add.f32.msk $0xffff, v44  }
0x93: {  	v47 =	vmul.f32 v57, v62;
	[tilespmem:s29+$0xF850] =	vst.add.f32.msk $0xffff, v45  }
0x94: {  	[tilespmem:s29+$0xF860] =	vst.add.f32.msk $0xffff, v46  }
0x95: {  	[tilespmem:s29+$0xF870] =	vst.add.f32.msk $0xffff, v47  }
0x96: {  	v22 =	vld [tilespmem:s26+$0xFFFFFF00]  }
0x97: {  	v23 =	vld [tilespmem:s26+$0xFFFFFF10]  }
0x98: {  	v24 =	vld [tilespmem:s26+$0xFFFFFF20]  }
0x99: {  	v48 =	vld [tilespmem:s26+$0xFFFFFF30]  }
0x9a: {  	v49 =	vperm.xlane v20, v6;
	v50 =	vld [tilespmem:s26+$0xFFFFFF40]  }
0x9b: {  	v51 =	vld [tilespmem:s26+$0xFFFFFF50];
	s30 =	spop (v2sf)  }
0x9c: {  	v26 =	vmul.f32 v26, v49;
	v52 =	vld [tilespmem:s26+$0xFFFFFF60];
	(v2sf) =	vpush v21, $0x6;
	p2 =	slt.u32 s30, $0x200;
	s29 =	sshll.u32 s30, $0x7  }
0x9d: {  	v27 =	vmul.f32 v27, v49;
	v53 =	vld [tilespmem:s26+$0xFFFFFF70];
	s29 =	simm.s32 @!p2 $0x10280  }
0x9e: {  	v29 =	vmul.f32 v29, v49;
	[tilespmem:s29+$0xF800] =	vst.add.f32.msk $0xffff, v26  }
0x9f: {  	v54 =	vmul.f32 v31, v49;
	[tilespmem:s29+$0xF810] =	vst.add.f32.msk $0xffff, v27  }
0xa0: {  	v55 =	vmul.f32 v63, v49;
	[tilespmem:s29+$0xF820] =	vst.add.f32.msk $0xffff, v29  }
0xa1: {  	v56 =	vmul.f32 v40, v49;
	[tilespmem:s29+$0xF830] =	vst.add.f32.msk $0xffff, v54  }
0xa2: {  	v57 =	vmul.f32 v41, v49;
	[tilespmem:s29+$0xF840] =	vst.add.f32.msk $0xffff, v55  }
0xa3: {  	v58 =	vmul.f32 v42, v49;
	[tilespmem:s29+$0xF850] =	vst.add.f32.msk $0xffff, v56  }
0xa4: {  	[tilespmem:s29+$0xF860] =	vst.add.f32.msk $0xffff, v57  }
0xa5: {  	[tilespmem:s29+$0xF870] =	vst.add.f32.msk $0xffff, v58  }
0xa6: {  	v26 =	vld [tilespmem:s26+$0xFFFFFF80]  }
0xa7: {  	v27 =	vld [tilespmem:s26+$0xFFFFFF90]  }
0xa8: {  	v59 =	vld [tilespmem:s26+$0xFFFFFFA0]  }
0xa9: {  	v29 =	vld [tilespmem:s26+$0xFFFFFFB0]  }
0xaa: {  	v60 =	vperm.xlane v20, v7;
	v61 =	vld [tilespmem:s26+$0xFFFFFFC0]  }
0xab: {  	v62 =	vld [tilespmem:s26+$0xFFFFFFD0];
	s31 =	spop (v2sf)  }
0xac: {  	v22 =	vmul.f32 v22, v60;
	v63 =	vld [tilespmem:s26+$0xFFFFFFE0];
	(v2sf) =	vpush v21, $0x7;
	p2 =	slt.u32 s31, $0x200;
	s29 =	sshll.u32 s31, $0x7  }
0xad: {  	v23 =	vmul.f32 v23, v60;
	v40 =	vld [tilespmem:s26+$0xFFFFFFF0];
	s29 =	simm.s32 @!p2 $0x10300  }
0xae: {  	v24 =	vmul.f32 v24, v60;
	[tilespmem:s29+$0xF800] =	vst.add.f32.msk $0xffff, v22  }
0xaf: {  	v41 =	vmul.f32 v48, v60;
	[tilespmem:s29+$0xF810] =	vst.add.f32.msk $0xffff, v23  }
0xb0: {  	v42 =	vmul.f32 v50, v60;
	[tilespmem:s29+$0xF820] =	vst.add.f32.msk $0xffff, v24  }
0xb1: {  	v43 =	vmul.f32 v51, v60;
	[tilespmem:s29+$0xF830] =	vst.add.f32.msk $0xffff, v41  }
0xb2: {  	v44 =	vmul.f32 v52, v60;
	[tilespmem:s29+$0xF840] =	vst.add.f32.msk $0xffff, v42  }
0xb3: {  	v45 =	vmul.f32 v53, v60;
	[tilespmem:s29+$0xF850] =	vst.add.f32.msk $0xffff, v43  }
0xb4: {  	[tilespmem:s29+$0xF860] =	vst.add.f32.msk $0xffff, v44  }
0xb5: {  	[tilespmem:s29+$0xF870] =	vst.add.f32.msk $0xffff, v45  }
0xb6: {  	v22 =	vld [tilespmem:s26+$0x0]  }
0xb7: {  	v23 =	vld [tilespmem:s26+$0x10]  }
0xb8: {  	v24 =	vld [tilespmem:s26+$0x20]  }
0xb9: {  	v46 =	vld [tilespmem:s26+$0x30]  }
0xba: {  	v47 =	vperm.xlane v20, v8;
	v48 =	vld [tilespmem:s26+$0x40]  }
0xbb: {  	v49 =	vld [tilespmem:s26+$0x50];
	s30 =	spop (v2sf)  }
0xbc: {  	v26 =	vmul.f32 v26, v47;
	v50 =	vld [tilespmem:s26+$0x60];
	(v2sf) =	vpush v21, $0x8;
	p2 =	slt.u32 s30, $0x200;
	s29 =	sshll.u32 s30, $0x7  }
0xbd: {  	v27 =	vmul.f32 v27, v47;
	v51 =	vld [tilespmem:s26+$0x70];
	s29 =	simm.s32 @!p2 $0x10380  }
0xbe: {  	v28 =	vmul.f32 v59, v47;
	[tilespmem:s29+$0xF800] =	vst.add.f32.msk $0xffff, v26  }
0xbf: {  	v52 =	vmul.f32 v29, v47;
	[tilespmem:s29+$0xF810] =	vst.add.f32.msk $0xffff, v27  }
0xc0: {  	v53 =	vmul.f32 v61, v47;
	[tilespmem:s29+$0xF820] =	vst.add.f32.msk $0xffff, v28  }
0xc1: {  	v54 =	vmul.f32 v62, v47;
	[tilespmem:s29+$0xF830] =	vst.add.f32.msk $0xffff, v52  }
0xc2: {  	v55 =	vmul.f32 v63, v47;
	[tilespmem:s29+$0xF840] =	vst.add.f32.msk $0xffff, v53  }
0xc3: {  	v56 =	vmul.f32 v40, v47;
	[tilespmem:s29+$0xF850] =	vst.add.f32.msk $0xffff, v54  }
0xc4: {  	[tilespmem:s29+$0xF860] =	vst.add.f32.msk $0xffff, v55  }
0xc5: {  	[tilespmem:s29+$0xF870] =	vst.add.f32.msk $0xffff, v56  }
0xc6: {  	v26 =	vld [tilespmem:s26+$0x80]  }
0xc7: {  	v27 =	vld [tilespmem:s26+$0x90]  }
0xc8: {  	v28 =	vld [tilespmem:s26+$0xA0]  }
0xc9: {  	v57 =	vld [tilespmem:s26+$0xB0]  }
0xca: {  	v58 =	vperm.xlane v20, v9;
	v59 =	vld [tilespmem:s26+$0xC0]  }
0xcb: {  	v60 =	vld [tilespmem:s26+$0xD0];
	s31 =	spop (v2sf)  }
0xcc: {  	v22 =	vmul.f32 v22, v58;
	v61 =	vld [tilespmem:s26+$0xE0];
	(v2sf) =	vpush v21, $0x9;
	s29 =	smin.u32 s31, $0x200  }
0xcd: {  	v23 =	vmul.f32 v23, v58;
	v62 =	vld [tilespmem:s26+$0xF0];
	s29 =	sshll.u32 s29, $0x7  }
0xce: {  	v24 =	vmul.f32 v24, v58;
	[tilespmem:s29+$0xF800] =	vst.add.f32.msk $0xffff, v22  }
0xcf: {  	v63 =	vmul.f32 v46, v58;
	[tilespmem:s29+$0xF810] =	vst.add.f32.msk $0xffff, v23  }
0xd0: {  	v31 =	vmul.f32 v48, v58;
	[tilespmem:s29+$0xF820] =	vst.add.f32.msk $0xffff, v24  }
0xd1: {  	v32 =	vmul.f32 v49, v58;
	[tilespmem:s29+$0xF830] =	vst.add.f32.msk $0xffff, v63  }
0xd2: {  	v39 =	vmul.f32 v50, v58;
	[tilespmem:s29+$0xF840] =	vst.add.f32.msk $0xffff, v31  }
0xd3: {  	v40 =	vmul.f32 v51, v58;
	[tilespmem:s29+$0xF850] =	vst.add.f32.msk $0xffff, v32  }
0xd4: {  	[tilespmem:s29+$0xF860] =	vst.add.f32.msk $0xffff, v39  }
0xd5: {  	[tilespmem:s29+$0xF870] =	vst.add.f32.msk $0xffff, v40  }
0xd6: {  	v22 =	vld [tilespmem:s26+$0x100]  }
0xd7: {  	v23 =	vld [tilespmem:s26+$0x110]  }
0xd8: {  	v24 =	vld [tilespmem:s26+$0x120]  }
0xd9: {  	v41 =	vld [tilespmem:s26+$0x130]  }
0xda: {  	v42 =	vperm.xlane v20, v10;
	v43 =	vld [tilespmem:s26+$0x140]  }
0xdb: {  	v44 =	vld [tilespmem:s26+$0x150];
	s30 =	spop (v2sf)  }
0xdc: {  	v26 =	vmul.f32 v26, v42;
	v45 =	vld [tilespmem:s26+$0x160];
	(v2sf) =	vpush v21, $0xA;
	p2 =	slt.u32 s30, $0x200;
	s29 =	sshll.u32 s30, $0x7  }
0xdd: {  	v27 =	vmul.f32 v27, v42;
	v46 =	vld [tilespmem:s26+$0x170];
	s29 =	simm.s32 @!p2 $0x10080  }
0xde: {  	v28 =	vmul.f32 v28, v42;
	[tilespmem:s29+$0xF800] =	vst.add.f32.msk $0xffff, v26  }
0xdf: {  	v47 =	vmul.f32 v57, v42;
	[tilespmem:s29+$0xF810] =	vst.add.f32.msk $0xffff, v27  }
0xe0: {  	v48 =	vmul.f32 v59, v42;
	[tilespmem:s29+$0xF820] =	vst.add.f32.msk $0xffff, v28  }
0xe1: {  	v49 =	vmul.f32 v60, v42;
	[tilespmem:s29+$0xF830] =	vst.add.f32.msk $0xffff, v47  }
0xe2: {  	v50 =	vmul.f32 v61, v42;
	[tilespmem:s29+$0xF840] =	vst.add.f32.msk $0xffff, v48  }
0xe3: {  	v51 =	vmul.f32 v62, v42;
	[tilespmem:s29+$0xF850] =	vst.add.f32.msk $0xffff, v49  }
0xe4: {  	[tilespmem:s29+$0xF860] =	vst.add.f32.msk $0xffff, v50  }
0xe5: {  	[tilespmem:s29+$0xF870] =	vst.add.f32.msk $0xffff, v51  }
0xe6: {  	v26 =	vld [tilespmem:s26+$0x180]  }
0xe7: {  	v27 =	vld [tilespmem:s26+$0x190]  }
0xe8: {  	v28 =	vld [tilespmem:s26+$0x1A0]  }
0xe9: {  	v52 =	vld [tilespmem:s26+$0x1B0]  }
0xea: {  	v53 =	vperm.xlane v20, v11;
	v54 =	vld [tilespmem:s26+$0x1C0]  }
0xeb: {  	v55 =	vld [tilespmem:s26+$0x1D0];
	s31 =	spop (v2sf)  }
0xec: {  	v22 =	vmul.f32 v22, v53;
	v56 =	vld [tilespmem:s26+$0x1E0];
	(v2sf) =	vpush v21, $0xB;
	p2 =	slt.u32 s31, $0x200;
	s29 =	sshll.u32 s31, $0x7  }
0xed: {  	v23 =	vmul.f32 v23, v53;
	v57 =	vld [tilespmem:s26+$0x1F0];
	s29 =	simm.s32 @!p2 $0x10100  }
0xee: {  	v24 =	vmul.f32 v24, v53;
	[tilespmem:s29+$0xF800] =	vst.add.f32.msk $0xffff, v22  }
0xef: {  	v58 =	vmul.f32 v41, v53;
	[tilespmem:s29+$0xF810] =	vst.add.f32.msk $0xffff, v23  }
0xf0: {  	v59 =	vmul.f32 v43, v53;
	[tilespmem:s29+$0xF820] =	vst.add.f32.msk $0xffff, v24  }
0xf1: {  	v60 =	vmul.f32 v44, v53;
	[tilespmem:s29+$0xF830] =	vst.add.f32.msk $0xffff, v58  }
0xf2: {  	v61 =	vmul.f32 v45, v53;
	[tilespmem:s29+$0xF840] =	vst.add.f32.msk $0xffff, v59  }
0xf3: {  	v62 =	vmul.f32 v46, v53;
	[tilespmem:s29+$0xF850] =	vst.add.f32.msk $0xffff, v60  }
0xf4: {  	[tilespmem:s29+$0xF860] =	vst.add.f32.msk $0xffff, v61  }
0xf5: {  	[tilespmem:s29+$0xF870] =	vst.add.f32.msk $0xffff, v62  }
0xf6: {  	v22 =	vld [tilespmem:s26+$0x200]  }
0xf7: {  	v23 =	vld [tilespmem:s26+$0x210]  }
0xf8: {  	v24 =	vld [tilespmem:s26+$0x220]  }
0xf9: {  	v63 =	vld [tilespmem:s26+$0x230]  }
0xfa: {  	v39 =	vperm.xlane v20, v12;
	v40 =	vld [tilespmem:s26+$0x240]  }
0xfb: {  	v41 =	vld [tilespmem:s26+$0x250];
	s30 =	spop (v2sf)  }
0xfc: {  	v26 =	vmul.f32 v26, v39;
	v42 =	vld [tilespmem:s26+$0x260];
	(v2sf) =	vpush v21, $0xC;
	p2 =	slt.u32 s30, $0x200;
	s29 =	sshll.u32 s30, $0x7  }
0xfd: {  	v27 =	vmul.f32 v27, v39;
	v43 =	vld [tilespmem:s26+$0x270];
	s29 =	simm.s32 @!p2 $0x10180  }
0xfe: {  	v28 =	vmul.f32 v28, v39;
	[tilespmem:s29+$0xF800] =	vst.add.f32.msk $0xffff, v26  }
0xff: {  	v44 =	vmul.f32 v52, v39;
	[tilespmem:s29+$0xF810] =	vst.add.f32.msk $0xffff, v27  }
0x100: {  	v45 =	vmul.f32 v54, v39;
	[tilespmem:s29+$0xF820] =	vst.add.f32.msk $0xffff, v28  }
0x101: {  	v46 =	vmul.f32 v55, v39;
	[tilespmem:s29+$0xF830] =	vst.add.f32.msk $0xffff, v44  }
0x102: {  	v47 =	vmul.f32 v56, v39;
	[tilespmem:s29+$0xF840] =	vst.add.f32.msk $0xffff, v45  }
0x103: {  	v48 =	vmul.f32 v57, v39;
	[tilespmem:s29+$0xF850] =	vst.add.f32.msk $0xffff, v46  }
0x104: {  	[tilespmem:s29+$0xF860] =	vst.add.f32.msk $0xffff, v47  }
0x105: {  	[tilespmem:s29+$0xF870] =	vst.add.f32.msk $0xffff, v48  }
0x106: {  	v26 =	vld [tilespmem:s26+$0x280]  }
0x107: {  	v27 =	vld [tilespmem:s26+$0x290]  }
0x108: {  	v28 =	vld [tilespmem:s26+$0x2A0]  }
0x109: {  	v49 =	vld [tilespmem:s26+$0x2B0]  }
0x10a: {  	v50 =	vperm.xlane v20, v13;
	v51 =	vld [tilespmem:s26+$0x2C0]  }
0x10b: {  	v52 =	vld [tilespmem:s26+$0x2D0];
	s31 =	spop (v2sf)  }
0x10c: {  	v22 =	vmul.f32 v22, v50;
	v53 =	vld [tilespmem:s26+$0x2E0];
	(v2sf) =	vpush v21, $0xD;
	p2 =	slt.u32 s31, $0x200;
	s29 =	sshll.u32 s31, $0x7  }
0x10d: {  	v23 =	vmul.f32 v23, v50;
	v54 =	vld [tilespmem:s26+$0x2F0];
	s29 =	simm.s32 @!p2 $0x10200  }
0x10e: {  	v24 =	vmul.f32 v24, v50;
	[tilespmem:s29+$0xF800] =	vst.add.f32.msk $0xffff, v22  }
0x10f: {  	v55 =	vmul.f32 v63, v50;
	[tilespmem:s29+$0xF810] =	vst.add.f32.msk $0xffff, v23  }
0x110: {  	v56 =	vmul.f32 v40, v50;
	[tilespmem:s29+$0xF820] =	vst.add.f32.msk $0xffff, v24  }
0x111: {  	v57 =	vmul.f32 v41, v50;
	[tilespmem:s29+$0xF830] =	vst.add.f32.msk $0xffff, v55  }
0x112: {  	v58 =	vmul.f32 v42, v50;
	[tilespmem:s29+$0xF840] =	vst.add.f32.msk $0xffff, v56  }
0x113: {  	v59 =	vmul.f32 v43, v50;
	[tilespmem:s29+$0xF850] =	vst.add.f32.msk $0xffff, v57  }
0x114: {  	[tilespmem:s29+$0xF860] =	vst.add.f32.msk $0xffff, v58  }
0x115: {  	[tilespmem:s29+$0xF870] =	vst.add.f32.msk $0xffff, v59  }
0x116: {  	v22 =	vld [tilespmem:s26+$0x300]  }
0x117: {  	v23 =	vld [tilespmem:s26+$0x310]  }
0x118: {  	v24 =	vld [tilespmem:s26+$0x320]  }
0x119: {  	v60 =	vld [tilespmem:s26+$0x330]  }
0x11a: {  	v61 =	vperm.xlane v20, v14;
	v62 =	vld [tilespmem:s26+$0x340]  }
0x11b: {  	v63 =	vld [tilespmem:s26+$0x350];
	s30 =	spop (v2sf)  }
0x11c: {  	v26 =	vmul.f32 v26, v61;
	(v2sf) =	vpush v21, $0xE;
	v40 =	vld [tilespmem:s26+$0x360];
	p2 =	slt.u32 s30, $0x200;
	s29 =	sshll.u32 s30, $0x7  }
0x11d: {  	v27 =	vmul.f32 v27, v61;
	v41 =	vld [tilespmem:s26+$0x370];
	s29 =	simm.s32 @!p2 $0x10280  }
0x11e: {  	v28 =	vmul.f32 v28, v61;
	[tilespmem:s29+$0xF800] =	vst.add.f32.msk $0xffff, v26  }
0x11f: {  	v42 =	vmul.f32 v49, v61;
	[tilespmem:s29+$0xF810] =	vst.add.f32.msk $0xffff, v27  }
0x120: {  	v43 =	vmul.f32 v51, v61;
	[tilespmem:s29+$0xF820] =	vst.add.f32.msk $0xffff, v28  }
0x121: {  	v44 =	vmul.f32 v52, v61;
	[tilespmem:s29+$0xF830] =	vst.add.f32.msk $0xffff, v42  }
0x122: {  	v45 =	vmul.f32 v53, v61;
	[tilespmem:s29+$0xF840] =	vst.add.f32.msk $0xffff, v43  }
0x123: {  	v46 =	vmul.f32 v54, v61;
	[tilespmem:s29+$0xF850] =	vst.add.f32.msk $0xffff, v44  }
0x124: {  	(v2sf) =	vpush v21, $0xF;
	[tilespmem:s29+$0xF860] =	vst.add.f32.msk $0xffff, v45  }
0x125: {  	[tilespmem:s29+$0xF870] =	vst.add.f32.msk $0xffff, v46  }
0x126: {  	v47 =	vld [tilespmem:s26+$0x380]  }
0x127: {  	v26 =	vld [tilespmem:s26+$0x390]  }
0x128: {  	v27 =	vld [tilespmem:s26+$0x3A0]  }
0x129: {  	v28 =	vld [tilespmem:s26+$0x3B0]  }
0x12a: {  	v48 =	vperm.xlane v20, v15;
	v49 =	vld [tilespmem:s26+$0x3C0]  }
0x12b: {  	s31 =	spop (v2sf);
	v50 =	vld [tilespmem:s26+$0x3D0]  }
0x12c: {  	v22 =	vmul.f32 v22, v48;
	p2 =	slt.u32 s31, $0x200;
	s29 =	sshll.u32 s31, $0x7;
	v51 =	vld [tilespmem:s26+$0x3E0]  }
0x12d: {  	v23 =	vmul.f32 v23, v48;
	v52 =	vld [tilespmem:s26+$0x3F0];
	s29 =	simm.s32 @!p2 $0x10300  }
0x12e: {  	v24 =	vmul.f32 v24, v48;
	[tilespmem:s29+$0xF800] =	vst.add.f32.msk $0xffff, v22  }
0x12f: {  	v53 =	vmul.f32 v60, v48;
	[tilespmem:s29+$0xF810] =	vst.add.f32.msk $0xffff, v23  }
0x130: {  	v54 =	vmul.f32 v62, v48;
	[tilespmem:s29+$0xF820] =	vst.add.f32.msk $0xffff, v24  }
0x131: {  	v55 =	vmul.f32 v63, v48;
	[tilespmem:s29+$0xF830] =	vst.add.f32.msk $0xffff, v53  }
0x132: {  	v20 =	vperm.xlane v20, v16;
	v56 =	vmul.f32 v40, v48;
	[tilespmem:s29+$0xF840] =	vst.add.f32.msk $0xffff, v54  }
0x133: {  	v57 =	vmul.f32 v41, v48;
	[tilespmem:s29+$0xF850] =	vst.add.f32.msk $0xffff, v55;
	s30 =	spop (v2sf)  }
0x134: {  	[tilespmem:s29+$0xF860] =	vst.add.f32.msk $0xffff, v56;
	v21 =	vmul.f32 v47, v20;
	p2 =	slt.u32 s30, $0x200;
	s30 =	sshll.u32 s30, $0x7  }
0x135: {  	[tilespmem:s29+$0xF870] =	vst.add.f32.msk $0xffff, v57;
	v58 =	vmul.f32 v26, v20;
	s30 =	simm.s32 @!p2 $0x10380  }
0x136: {  	v59 =	vmul.f32 v27, v20;
	[tilespmem:s30+$0xF800] =	vst.add.f32.msk $0xffff, v21  }
0x137: {  	v60 =	vmul.f32 v28, v20;
	[tilespmem:s30+$0xF810] =	vst.add.f32.msk $0xffff, v58  }
0x138: {  	v61 =	vmul.f32 v49, v20;
	p2 =	sne.s32 s28, $0x1C0;
	[tilespmem:s30+$0xF820] =	vst.add.f32.msk $0xffff, v59  }
.Ltmp1:
0x139: {  	v62 =	vmul.f32 v50, v20;
	[tilespmem:s30+$0xF830] =	vst.add.f32.msk $0xffff, v60;
	(pc) =	sbr.rel @p2 .LBB2_6-.Ltmp1, $4  }
0x13a: {  	v63 =	vmul.f32 v51, v20;
	[tilespmem:s30+$0xF840] =	vst.add.f32.msk $0xffff, v61  }
0x13b: {  	v20 =	vmul.f32 v52, v20;
	[tilespmem:s30+$0xF850] =	vst.add.f32.msk $0xffff, v62  }
0x13c: {  	[tilespmem:s30+$0xF860] =	vst.add.f32.msk $0xffff, v63  }
0x13d: {  	s26 =	sadd.s32 $0x800, s26;
	s28 =	sadd.s32 $0x40, s28;
	[tilespmem:s30+$0xF870] =	vst.add.f32.msk $0xffff, v20  }
0x13e: {  	p2 =	seq.s32 s20, $0x27  }
0x13f: {  	s25 =	sshrl.u32 @!p2 s25, $0x2  }
0x140: {  	s26 =	simm.s32 @!p2 $0x80;
	s28 =	simm.s32 @!p2 $0x7800;
	s25 =	sadd.s32 @!p2 $0x100, s25  }
0x141: {  	v18 =	vmov s24;
	[tilespmem:s28], [sflag:$0x1] =	stream.indirect.gather @!p2 [hbm4b:s6+s26], $0x80, s25, s26, $0xb8;
	[tilespmem:$0x1FC00] =	vst v63  }
0x142: {  	_ =	swait.ge [sflag:s15], $0x4000  }
0x143: {  	[sflag:s15] =	ssyncset.done $0x0  }
0x144: {  	v19 =	vmov s23;
	s25 =	simm.s32 $0x0;
	s26 =	simm.s32 $0xBC00;
	[sflag:s15] =	ssyncadd.s32 $0xFFFFC000  }
.LBB2_8:
0x145: {  	s28 =	sshra.s32 s25, $0x2  }
0x146: {  	v20 =	vld.idx.msk [tilespmem:v18+s28+$0x0 ss:$0x1], $0xffff;
	_ =	sdelay $0x4  }
0x147: {  	v21 =	vsub.s32 v20, v17  }
0x148: {  	(v2sf) =	vpush v21, $0x0  }
0x149: {  	v22 =	vld [tilespmem:s26+$0xFFFFFC00]  }
0x14a: {  	v23 =	vld [tilespmem:s26+$0xFFFFFC10]  }
0x14b: {  	v24 =	vld [tilespmem:s26+$0xFFFFFC20]  }
0x14c: {  	v25 =	vld [tilespmem:s26+$0xFFFFFC30]  }
0x14d: {  	v26 =	vld [tilespmem:s26+$0xFFFFFC40]  }
0x14e: {  	v27 =	vld [tilespmem:s26+$0xFFFFFC50]  }
0x14f: {  	v28 =	vld [tilespmem:s26+$0xFFFFFC60]  }
0x150: {  	v29 =	vld [tilespmem:s26+$0xFFFFFC70]  }
0x151: {  	v20 =	vld.idx.msk [tilespmem:v19+s28+$0x0 ss:$0x1], $0xffff  }
0x152: {  	v30 =	vld [tilespmem:s26+$0xFFFFFC80]  }
0x153: {  	v31 =	vld [tilespmem:s26+$0xFFFFFC90]  }
0x154: {  	v32 =	vld [tilespmem:s26+$0xFFFFFCA0]  }
0x155: {  	v33 =	vld [tilespmem:s26+$0xFFFFFCB0]  }
0x156: {  	v35 =	vld [tilespmem:s26+$0xFFFFFCC0];
	v34 =	vperm.xlane v20, v1  }
0x157: {  	v36 =	vld [tilespmem:s26+$0xFFFFFCD0];
	s29 =	spop (v2sf)  }
0x158: {  	v37 =	vld [tilespmem:s26+$0xFFFFFCE0];
	(v2sf) =	vpush v21, $0x1;
	v22 =	vmul.f32 v22, v34;
	s28 =	smin.u32 s29, $0x200  }
0x159: {  	v38 =	vld [tilespmem:s26+$0xFFFFFCF0];
	v23 =	vmul.f32 v23, v34;
	s28 =	sshll.u32 s28, $0x7  }
0x15a: {  	v24 =	vmul.f32 v24, v34;
	[tilespmem:s28+$0xF800] =	vst.add.f32.msk $0xffff, v22  }
0x15b: {  	v51 =	vmul.f32 v25, v34;
	[tilespmem:s28+$0xF810] =	vst.add.f32.msk $0xffff, v23  }
0x15c: {  	v52 =	vmul.f32 v26, v34;
	[tilespmem:s28+$0xF820] =	vst.add.f32.msk $0xffff, v24  }
0x15d: {  	v53 =	vmul.f32 v27, v34;
	[tilespmem:s28+$0xF830] =	vst.add.f32.msk $0xffff, v51  }
0x15e: {  	v54 =	vmul.f32 v28, v34;
	[tilespmem:s28+$0xF840] =	vst.add.f32.msk $0xffff, v52  }
0x15f: {  	v55 =	vmul.f32 v29, v34;
	[tilespmem:s28+$0xF850] =	vst.add.f32.msk $0xffff, v53  }
0x160: {  	[tilespmem:s28+$0xF860] =	vst.add.f32.msk $0xffff, v54  }
0x161: {  	[tilespmem:s28+$0xF870] =	vst.add.f32.msk $0xffff, v55  }
0x162: {  	v22 =	vld [tilespmem:s26+$0xFFFFFD00]  }
0x163: {  	v23 =	vld [tilespmem:s26+$0xFFFFFD10]  }
0x164: {  	v24 =	vld [tilespmem:s26+$0xFFFFFD20]  }
0x165: {  	v56 =	vld [tilespmem:s26+$0xFFFFFD30]  }
0x166: {  	v57 =	vperm.xlane v20, v2;
	v58 =	vld [tilespmem:s26+$0xFFFFFD40]  }
0x167: {  	s30 =	spop (v2sf);
	v59 =	vld [tilespmem:s26+$0xFFFFFD50]  }
0x168: {  	v60 =	vmul.f32 v30, v57;
	(v2sf) =	vpush v21, $0x2;
	p2 =	slt.u32 s30, $0x200;
	s28 =	sshll.u32 s30, $0x7;
	v61 =	vld [tilespmem:s26+$0xFFFFFD60]  }
0x169: {  	v31 =	vmul.f32 v31, v57;
	v62 =	vld [tilespmem:s26+$0xFFFFFD70];
	s28 =	simm.s32 @!p2 $0x10080  }
0x16a: {  	v32 =	vmul.f32 v32, v57;
	[tilespmem:s28+$0xF800] =	vst.add.f32.msk $0xffff, v60  }
0x16b: {  	v63 =	vmul.f32 v33, v57;
	[tilespmem:s28+$0xF810] =	vst.add.f32.msk $0xffff, v31  }
0x16c: {  	v39 =	vmul.f32 v35, v57;
	[tilespmem:s28+$0xF820] =	vst.add.f32.msk $0xffff, v32  }
0x16d: {  	v40 =	vmul.f32 v36, v57;
	[tilespmem:s28+$0xF830] =	vst.add.f32.msk $0xffff, v63  }
0x16e: {  	v41 =	vmul.f32 v37, v57;
	[tilespmem:s28+$0xF840] =	vst.add.f32.msk $0xffff, v39  }
0x16f: {  	v26 =	vmul.f32 v38, v57;
	[tilespmem:s28+$0xF850] =	vst.add.f32.msk $0xffff, v40  }
0x170: {  	[tilespmem:s28+$0xF860] =	vst.add.f32.msk $0xffff, v41  }
0x171: {  	[tilespmem:s28+$0xF870] =	vst.add.f32.msk $0xffff, v26  }
0x172: {  	v26 =	vld [tilespmem:s26+$0xFFFFFD80]  }
0x173: {  	v29 =	vld [tilespmem:s26+$0xFFFFFD90]  }
0x174: {  	v31 =	vld [tilespmem:s26+$0xFFFFFDA0]  }
0x175: {  	v32 =	vld [tilespmem:s26+$0xFFFFFDB0]  }
0x176: {  	v42 =	vperm.xlane v20, v3;
	v43 =	vld [tilespmem:s26+$0xFFFFFDC0]  }
0x177: {  	v44 =	vld [tilespmem:s26+$0xFFFFFDD0];
	s31 =	spop (v2sf)  }
0x178: {  	v45 =	vld [tilespmem:s26+$0xFFFFFDE0];
	v22 =	vmul.f32 v22, v42;
	(v2sf) =	vpush v21, $0x3;
	p2 =	slt.u32 s31, $0x200;
	s28 =	sshll.u32 s31, $0x7  }
0x179: {  	v46 =	vld [tilespmem:s26+$0xFFFFFDF0];
	v23 =	vmul.f32 v23, v42;
	s28 =	simm.s32 @!p2 $0x10100  }
0x17a: {  	v24 =	vmul.f32 v24, v42;
	[tilespmem:s28+$0xF800] =	vst.add.f32.msk $0xffff, v22  }
0x17b: {  	v47 =	vmul.f32 v56, v42;
	[tilespmem:s28+$0xF810] =	vst.add.f32.msk $0xffff, v23  }
0x17c: {  	v48 =	vmul.f32 v58, v42;
	[tilespmem:s28+$0xF820] =	vst.add.f32.msk $0xffff, v24  }
0x17d: {  	v49 =	vmul.f32 v59, v42;
	[tilespmem:s28+$0xF830] =	vst.add.f32.msk $0xffff, v47  }
0x17e: {  	v50 =	vmul.f32 v61, v42;
	[tilespmem:s28+$0xF840] =	vst.add.f32.msk $0xffff, v48  }
0x17f: {  	v51 =	vmul.f32 v62, v42;
	[tilespmem:s28+$0xF850] =	vst.add.f32.msk $0xffff, v49  }
0x180: {  	[tilespmem:s28+$0xF860] =	vst.add.f32.msk $0xffff, v50  }
0x181: {  	[tilespmem:s28+$0xF870] =	vst.add.f32.msk $0xffff, v51  }
0x182: {  	v22 =	vld [tilespmem:s26+$0xFFFFFE00]  }
0x183: {  	v23 =	vld [tilespmem:s26+$0xFFFFFE10]  }
0x184: {  	v24 =	vld [tilespmem:s26+$0xFFFFFE20]  }
0x185: {  	v52 =	vld [tilespmem:s26+$0xFFFFFE30]  }
0x186: {  	v53 =	vperm.xlane v20, v4;
	v54 =	vld [tilespmem:s26+$0xFFFFFE40]  }
0x187: {  	v55 =	vld [tilespmem:s26+$0xFFFFFE50];
	s29 =	spop (v2sf)  }
0x188: {  	v26 =	vmul.f32 v26, v53;
	v56 =	vld [tilespmem:s26+$0xFFFFFE60];
	(v2sf) =	vpush v21, $0x4;
	p2 =	slt.u32 s29, $0x200;
	s28 =	sshll.u32 s29, $0x7  }
0x189: {  	v29 =	vmul.f32 v29, v53;
	v57 =	vld [tilespmem:s26+$0xFFFFFE70];
	s28 =	simm.s32 @!p2 $0x10180  }
0x18a: {  	v31 =	vmul.f32 v31, v53;
	[tilespmem:s28+$0xF800] =	vst.add.f32.msk $0xffff, v26  }
0x18b: {  	v58 =	vmul.f32 v32, v53;
	[tilespmem:s28+$0xF810] =	vst.add.f32.msk $0xffff, v29  }
0x18c: {  	v59 =	vmul.f32 v43, v53;
	[tilespmem:s28+$0xF820] =	vst.add.f32.msk $0xffff, v31  }
0x18d: {  	v60 =	vmul.f32 v44, v53;
	[tilespmem:s28+$0xF830] =	vst.add.f32.msk $0xffff, v58  }
0x18e: {  	v61 =	vmul.f32 v45, v53;
	[tilespmem:s28+$0xF840] =	vst.add.f32.msk $0xffff, v59  }
0x18f: {  	v27 =	vmul.f32 v46, v53;
	[tilespmem:s28+$0xF850] =	vst.add.f32.msk $0xffff, v60  }
0x190: {  	[tilespmem:s28+$0xF860] =	vst.add.f32.msk $0xffff, v61  }
0x191: {  	[tilespmem:s28+$0xF870] =	vst.add.f32.msk $0xffff, v27  }
0x192: {  	v26 =	vld [tilespmem:s26+$0xFFFFFE80]  }
0x193: {  	v27 =	vld [tilespmem:s26+$0xFFFFFE90]  }
0x194: {  	v29 =	vld [tilespmem:s26+$0xFFFFFEA0]  }
0x195: {  	v31 =	vld [tilespmem:s26+$0xFFFFFEB0]  }
0x196: {  	v62 =	vperm.xlane v20, v5;
	v63 =	vld [tilespmem:s26+$0xFFFFFEC0]  }
0x197: {  	v40 =	vld [tilespmem:s26+$0xFFFFFED0];
	s30 =	spop (v2sf)  }
0x198: {  	v22 =	vmul.f32 v22, v62;
	v41 =	vld [tilespmem:s26+$0xFFFFFEE0];
	(v2sf) =	vpush v21, $0x5;
	p2 =	slt.u32 s30, $0x200;
	s28 =	sshll.u32 s30, $0x7  }
0x199: {  	v23 =	vmul.f32 v23, v62;
	v42 =	vld [tilespmem:s26+$0xFFFFFEF0];
	s28 =	simm.s32 @!p2 $0x10200  }
0x19a: {  	v24 =	vmul.f32 v24, v62;
	[tilespmem:s28+$0xF800] =	vst.add.f32.msk $0xffff, v22  }
0x19b: {  	v43 =	vmul.f32 v52, v62;
	[tilespmem:s28+$0xF810] =	vst.add.f32.msk $0xffff, v23  }
0x19c: {  	v44 =	vmul.f32 v54, v62;
	[tilespmem:s28+$0xF820] =	vst.add.f32.msk $0xffff, v24  }
0x19d: {  	v45 =	vmul.f32 v55, v62;
	[tilespmem:s28+$0xF830] =	vst.add.f32.msk $0xffff, v43  }
0x19e: {  	v46 =	vmul.f32 v56, v62;
	[tilespmem:s28+$0xF840] =	vst.add.f32.msk $0xffff, v44  }
0x19f: {  	v47 =	vmul.f32 v57, v62;
	[tilespmem:s28+$0xF850] =	vst.add.f32.msk $0xffff, v45  }
0x1a0: {  	[tilespmem:s28+$0xF860] =	vst.add.f32.msk $0xffff, v46  }
0x1a1: {  	[tilespmem:s28+$0xF870] =	vst.add.f32.msk $0xffff, v47  }
0x1a2: {  	v22 =	vld [tilespmem:s26+$0xFFFFFF00]  }
0x1a3: {  	v23 =	vld [tilespmem:s26+$0xFFFFFF10]  }
0x1a4: {  	v24 =	vld [tilespmem:s26+$0xFFFFFF20]  }
0x1a5: {  	v48 =	vld [tilespmem:s26+$0xFFFFFF30]  }
0x1a6: {  	v49 =	vperm.xlane v20, v6;
	v50 =	vld [tilespmem:s26+$0xFFFFFF40]  }
0x1a7: {  	v51 =	vld [tilespmem:s26+$0xFFFFFF50];
	s31 =	spop (v2sf)  }
0x1a8: {  	v26 =	vmul.f32 v26, v49;
	v52 =	vld [tilespmem:s26+$0xFFFFFF60];
	(v2sf) =	vpush v21, $0x6;
	p2 =	slt.u32 s31, $0x200;
	s28 =	sshll.u32 s31, $0x7  }
0x1a9: {  	v27 =	vmul.f32 v27, v49;
	v53 =	vld [tilespmem:s26+$0xFFFFFF70];
	s28 =	simm.s32 @!p2 $0x10280  }
0x1aa: {  	v29 =	vmul.f32 v29, v49;
	[tilespmem:s28+$0xF800] =	vst.add.f32.msk $0xffff, v26  }
0x1ab: {  	v54 =	vmul.f32 v31, v49;
	[tilespmem:s28+$0xF810] =	vst.add.f32.msk $0xffff, v27  }
0x1ac: {  	v55 =	vmul.f32 v63, v49;
	[tilespmem:s28+$0xF820] =	vst.add.f32.msk $0xffff, v29  }
0x1ad: {  	v56 =	vmul.f32 v40, v49;
	[tilespmem:s28+$0xF830] =	vst.add.f32.msk $0xffff, v54  }
0x1ae: {  	v57 =	vmul.f32 v41, v49;
	[tilespmem:s28+$0xF840] =	vst.add.f32.msk $0xffff, v55  }
0x1af: {  	v58 =	vmul.f32 v42, v49;
	[tilespmem:s28+$0xF850] =	vst.add.f32.msk $0xffff, v56  }
0x1b0: {  	[tilespmem:s28+$0xF860] =	vst.add.f32.msk $0xffff, v57  }
0x1b1: {  	[tilespmem:s28+$0xF870] =	vst.add.f32.msk $0xffff, v58  }
0x1b2: {  	v26 =	vld [tilespmem:s26+$0xFFFFFF80]  }
0x1b3: {  	v27 =	vld [tilespmem:s26+$0xFFFFFF90]  }
0x1b4: {  	v59 =	vld [tilespmem:s26+$0xFFFFFFA0]  }
0x1b5: {  	v29 =	vld [tilespmem:s26+$0xFFFFFFB0]  }
0x1b6: {  	v60 =	vperm.xlane v20, v7;
	v61 =	vld [tilespmem:s26+$0xFFFFFFC0]  }
0x1b7: {  	v62 =	vld [tilespmem:s26+$0xFFFFFFD0];
	s29 =	spop (v2sf)  }
0x1b8: {  	v22 =	vmul.f32 v22, v60;
	v63 =	vld [tilespmem:s26+$0xFFFFFFE0];
	(v2sf) =	vpush v21, $0x7;
	p2 =	slt.u32 s29, $0x200;
	s28 =	sshll.u32 s29, $0x7  }
0x1b9: {  	v23 =	vmul.f32 v23, v60;
	v40 =	vld [tilespmem:s26+$0xFFFFFFF0];
	s28 =	simm.s32 @!p2 $0x10300  }
0x1ba: {  	v24 =	vmul.f32 v24, v60;
	[tilespmem:s28+$0xF800] =	vst.add.f32.msk $0xffff, v22  }
0x1bb: {  	v41 =	vmul.f32 v48, v60;
	[tilespmem:s28+$0xF810] =	vst.add.f32.msk $0xffff, v23  }
0x1bc: {  	v42 =	vmul.f32 v50, v60;
	[tilespmem:s28+$0xF820] =	vst.add.f32.msk $0xffff, v24  }
0x1bd: {  	v43 =	vmul.f32 v51, v60;
	[tilespmem:s28+$0xF830] =	vst.add.f32.msk $0xffff, v41  }
0x1be: {  	v44 =	vmul.f32 v52, v60;
	[tilespmem:s28+$0xF840] =	vst.add.f32.msk $0xffff, v42  }
0x1bf: {  	v45 =	vmul.f32 v53, v60;
	[tilespmem:s28+$0xF850] =	vst.add.f32.msk $0xffff, v43  }
0x1c0: {  	[tilespmem:s28+$0xF860] =	vst.add.f32.msk $0xffff, v44  }
0x1c1: {  	[tilespmem:s28+$0xF870] =	vst.add.f32.msk $0xffff, v45  }
0x1c2: {  	v22 =	vld [tilespmem:s26+$0x0]  }
0x1c3: {  	v23 =	vld [tilespmem:s26+$0x10]  }
0x1c4: {  	v24 =	vld [tilespmem:s26+$0x20]  }
0x1c5: {  	v46 =	vld [tilespmem:s26+$0x30]  }
0x1c6: {  	v47 =	vperm.xlane v20, v8;
	v48 =	vld [tilespmem:s26+$0x40]  }
0x1c7: {  	v49 =	vld [tilespmem:s26+$0x50];
	s30 =	spop (v2sf)  }
0x1c8: {  	v26 =	vmul.f32 v26, v47;
	v50 =	vld [tilespmem:s26+$0x60];
	(v2sf) =	vpush v21, $0x8;
	p2 =	slt.u32 s30, $0x200;
	s28 =	sshll.u32 s30, $0x7  }
0x1c9: {  	v27 =	vmul.f32 v27, v47;
	v51 =	vld [tilespmem:s26+$0x70];
	s28 =	simm.s32 @!p2 $0x10380  }
0x1ca: {  	v28 =	vmul.f32 v59, v47;
	[tilespmem:s28+$0xF800] =	vst.add.f32.msk $0xffff, v26  }
0x1cb: {  	v52 =	vmul.f32 v29, v47;
	[tilespmem:s28+$0xF810] =	vst.add.f32.msk $0xffff, v27  }
0x1cc: {  	v53 =	vmul.f32 v61, v47;
	[tilespmem:s28+$0xF820] =	vst.add.f32.msk $0xffff, v28  }
0x1cd: {  	v54 =	vmul.f32 v62, v47;
	[tilespmem:s28+$0xF830] =	vst.add.f32.msk $0xffff, v52  }
0x1ce: {  	v55 =	vmul.f32 v63, v47;
	[tilespmem:s28+$0xF840] =	vst.add.f32.msk $0xffff, v53  }
0x1cf: {  	v56 =	vmul.f32 v40, v47;
	[tilespmem:s28+$0xF850] =	vst.add.f32.msk $0xffff, v54  }
0x1d0: {  	[tilespmem:s28+$0xF860] =	vst.add.f32.msk $0xffff, v55  }
0x1d1: {  	[tilespmem:s28+$0xF870] =	vst.add.f32.msk $0xffff, v56  }
0x1d2: {  	v26 =	vld [tilespmem:s26+$0x80]  }
0x1d3: {  	v27 =	vld [tilespmem:s26+$0x90]  }
0x1d4: {  	v28 =	vld [tilespmem:s26+$0xA0]  }
0x1d5: {  	v57 =	vld [tilespmem:s26+$0xB0]  }
0x1d6: {  	v58 =	vperm.xlane v20, v9;
	v59 =	vld [tilespmem:s26+$0xC0]  }
0x1d7: {  	v60 =	vld [tilespmem:s26+$0xD0];
	s31 =	spop (v2sf)  }
0x1d8: {  	v22 =	vmul.f32 v22, v58;
	v61 =	vld [tilespmem:s26+$0xE0];
	(v2sf) =	vpush v21, $0x9;
	s28 =	smin.u32 s31, $0x200  }
0x1d9: {  	v23 =	vmul.f32 v23, v58;
	v62 =	vld [tilespmem:s26+$0xF0];
	s28 =	sshll.u32 s28, $0x7  }
0x1da: {  	v24 =	vmul.f32 v24, v58;
	[tilespmem:s28+$0xF800] =	vst.add.f32.msk $0xffff, v22  }
0x1db: {  	v63 =	vmul.f32 v46, v58;
	[tilespmem:s28+$0xF810] =	vst.add.f32.msk $0xffff, v23  }
0x1dc: {  	v31 =	vmul.f32 v48, v58;
	[tilespmem:s28+$0xF820] =	vst.add.f32.msk $0xffff, v24  }
0x1dd: {  	v32 =	vmul.f32 v49, v58;
	[tilespmem:s28+$0xF830] =	vst.add.f32.msk $0xffff, v63  }
0x1de: {  	v39 =	vmul.f32 v50, v58;
	[tilespmem:s28+$0xF840] =	vst.add.f32.msk $0xffff, v31  }
0x1df: {  	v40 =	vmul.f32 v51, v58;
	[tilespmem:s28+$0xF850] =	vst.add.f32.msk $0xffff, v32  }
0x1e0: {  	[tilespmem:s28+$0xF860] =	vst.add.f32.msk $0xffff, v39  }
0x1e1: {  	[tilespmem:s28+$0xF870] =	vst.add.f32.msk $0xffff, v40  }
0x1e2: {  	v22 =	vld [tilespmem:s26+$0x100]  }
0x1e3: {  	v23 =	vld [tilespmem:s26+$0x110]  }
0x1e4: {  	v24 =	vld [tilespmem:s26+$0x120]  }
0x1e5: {  	v41 =	vld [tilespmem:s26+$0x130]  }
0x1e6: {  	v42 =	vperm.xlane v20, v10;
	v43 =	vld [tilespmem:s26+$0x140]  }
0x1e7: {  	v44 =	vld [tilespmem:s26+$0x150];
	s29 =	spop (v2sf)  }
0x1e8: {  	v26 =	vmul.f32 v26, v42;
	v45 =	vld [tilespmem:s26+$0x160];
	(v2sf) =	vpush v21, $0xA;
	p2 =	slt.u32 s29, $0x200;
	s28 =	sshll.u32 s29, $0x7  }
0x1e9: {  	v27 =	vmul.f32 v27, v42;
	v46 =	vld [tilespmem:s26+$0x170];
	s28 =	simm.s32 @!p2 $0x10080  }
0x1ea: {  	v28 =	vmul.f32 v28, v42;
	[tilespmem:s28+$0xF800] =	vst.add.f32.msk $0xffff, v26  }
0x1eb: {  	v47 =	vmul.f32 v57, v42;
	[tilespmem:s28+$0xF810] =	vst.add.f32.msk $0xffff, v27  }
0x1ec: {  	v48 =	vmul.f32 v59, v42;
	[tilespmem:s28+$0xF820] =	vst.add.f32.msk $0xffff, v28  }
0x1ed: {  	v49 =	vmul.f32 v60, v42;
	[tilespmem:s28+$0xF830] =	vst.add.f32.msk $0xffff, v47  }
0x1ee: {  	v50 =	vmul.f32 v61, v42;
	[tilespmem:s28+$0xF840] =	vst.add.f32.msk $0xffff, v48  }
0x1ef: {  	v51 =	vmul.f32 v62, v42;
	[tilespmem:s28+$0xF850] =	vst.add.f32.msk $0xffff, v49  }
0x1f0: {  	[tilespmem:s28+$0xF860] =	vst.add.f32.msk $0xffff, v50  }
0x1f1: {  	[tilespmem:s28+$0xF870] =	vst.add.f32.msk $0xffff, v51  }
0x1f2: {  	v26 =	vld [tilespmem:s26+$0x180]  }
0x1f3: {  	v27 =	vld [tilespmem:s26+$0x190]  }
0x1f4: {  	v28 =	vld [tilespmem:s26+$0x1A0]  }
0x1f5: {  	v52 =	vld [tilespmem:s26+$0x1B0]  }
0x1f6: {  	v53 =	vperm.xlane v20, v11;
	v54 =	vld [tilespmem:s26+$0x1C0]  }
0x1f7: {  	v55 =	vld [tilespmem:s26+$0x1D0];
	s30 =	spop (v2sf)  }
0x1f8: {  	v22 =	vmul.f32 v22, v53;
	v56 =	vld [tilespmem:s26+$0x1E0];
	(v2sf) =	vpush v21, $0xB;
	p2 =	slt.u32 s30, $0x200;
	s28 =	sshll.u32 s30, $0x7  }
0x1f9: {  	v23 =	vmul.f32 v23, v53;
	v57 =	vld [tilespmem:s26+$0x1F0];
	s28 =	simm.s32 @!p2 $0x10100  }
0x1fa: {  	v24 =	vmul.f32 v24, v53;
	[tilespmem:s28+$0xF800] =	vst.add.f32.msk $0xffff, v22  }
0x1fb: {  	v58 =	vmul.f32 v41, v53;
	[tilespmem:s28+$0xF810] =	vst.add.f32.msk $0xffff, v23  }
0x1fc: {  	v59 =	vmul.f32 v43, v53;
	[tilespmem:s28+$0xF820] =	vst.add.f32.msk $0xffff, v24  }
0x1fd: {  	v60 =	vmul.f32 v44, v53;
	[tilespmem:s28+$0xF830] =	vst.add.f32.msk $0xffff, v58  }
0x1fe: {  	v61 =	vmul.f32 v45, v53;
	[tilespmem:s28+$0xF840] =	vst.add.f32.msk $0xffff, v59  }
0x1ff: {  	v62 =	vmul.f32 v46, v53;
	[tilespmem:s28+$0xF850] =	vst.add.f32.msk $0xffff, v60  }
0x200: {  	[tilespmem:s28+$0xF860] =	vst.add.f32.msk $0xffff, v61  }
0x201: {  	[tilespmem:s28+$0xF870] =	vst.add.f32.msk $0xffff, v62  }
0x202: {  	v22 =	vld [tilespmem:s26+$0x200]  }
0x203: {  	v23 =	vld [tilespmem:s26+$0x210]  }
0x204: {  	v24 =	vld [tilespmem:s26+$0x220]  }
0x205: {  	v63 =	vld [tilespmem:s26+$0x230]  }
0x206: {  	v39 =	vperm.xlane v20, v12;
	v40 =	vld [tilespmem:s26+$0x240]  }
0x207: {  	v41 =	vld [tilespmem:s26+$0x250];
	s31 =	spop (v2sf)  }
0x208: {  	v26 =	vmul.f32 v26, v39;
	v42 =	vld [tilespmem:s26+$0x260];
	(v2sf) =	vpush v21, $0xC;
	p2 =	slt.u32 s31, $0x200;
	s28 =	sshll.u32 s31, $0x7  }
0x209: {  	v27 =	vmul.f32 v27, v39;
	v43 =	vld [tilespmem:s26+$0x270];
	s28 =	simm.s32 @!p2 $0x10180  }
0x20a: {  	v28 =	vmul.f32 v28, v39;
	[tilespmem:s28+$0xF800] =	vst.add.f32.msk $0xffff, v26  }
0x20b: {  	v44 =	vmul.f32 v52, v39;
	[tilespmem:s28+$0xF810] =	vst.add.f32.msk $0xffff, v27  }
0x20c: {  	v45 =	vmul.f32 v54, v39;
	[tilespmem:s28+$0xF820] =	vst.add.f32.msk $0xffff, v28  }
0x20d: {  	v46 =	vmul.f32 v55, v39;
	[tilespmem:s28+$0xF830] =	vst.add.f32.msk $0xffff, v44  }
0x20e: {  	v47 =	vmul.f32 v56, v39;
	[tilespmem:s28+$0xF840] =	vst.add.f32.msk $0xffff, v45  }
0x20f: {  	v48 =	vmul.f32 v57, v39;
	[tilespmem:s28+$0xF850] =	vst.add.f32.msk $0xffff, v46  }
0x210: {  	[tilespmem:s28+$0xF860] =	vst.add.f32.msk $0xffff, v47  }
0x211: {  	[tilespmem:s28+$0xF870] =	vst.add.f32.msk $0xffff, v48  }
0x212: {  	v26 =	vld [tilespmem:s26+$0x280]  }
0x213: {  	v27 =	vld [tilespmem:s26+$0x290]  }
0x214: {  	v28 =	vld [tilespmem:s26+$0x2A0]  }
0x215: {  	v49 =	vld [tilespmem:s26+$0x2B0]  }
0x216: {  	v50 =	vperm.xlane v20, v13;
	v51 =	vld [tilespmem:s26+$0x2C0]  }
0x217: {  	v52 =	vld [tilespmem:s26+$0x2D0];
	s29 =	spop (v2sf)  }
0x218: {  	v22 =	vmul.f32 v22, v50;
	v53 =	vld [tilespmem:s26+$0x2E0];
	(v2sf) =	vpush v21, $0xD;
	p2 =	slt.u32 s29, $0x200;
	s28 =	sshll.u32 s29, $0x7  }
0x219: {  	v23 =	vmul.f32 v23, v50;
	v54 =	vld [tilespmem:s26+$0x2F0];
	s28 =	simm.s32 @!p2 $0x10200  }
0x21a: {  	v24 =	vmul.f32 v24, v50;
	[tilespmem:s28+$0xF800] =	vst.add.f32.msk $0xffff, v22  }
0x21b: {  	v55 =	vmul.f32 v63, v50;
	[tilespmem:s28+$0xF810] =	vst.add.f32.msk $0xffff, v23  }
0x21c: {  	v56 =	vmul.f32 v40, v50;
	[tilespmem:s28+$0xF820] =	vst.add.f32.msk $0xffff, v24  }
0x21d: {  	v57 =	vmul.f32 v41, v50;
	[tilespmem:s28+$0xF830] =	vst.add.f32.msk $0xffff, v55  }
0x21e: {  	v58 =	vmul.f32 v42, v50;
	[tilespmem:s28+$0xF840] =	vst.add.f32.msk $0xffff, v56  }
0x21f: {  	v59 =	vmul.f32 v43, v50;
	[tilespmem:s28+$0xF850] =	vst.add.f32.msk $0xffff, v57  }
0x220: {  	[tilespmem:s28+$0xF860] =	vst.add.f32.msk $0xffff, v58  }
0x221: {  	[tilespmem:s28+$0xF870] =	vst.add.f32.msk $0xffff, v59  }
0x222: {  	v22 =	vld [tilespmem:s26+$0x300]  }
0x223: {  	v23 =	vld [tilespmem:s26+$0x310]  }
0x224: {  	v24 =	vld [tilespmem:s26+$0x320]  }
0x225: {  	v60 =	vld [tilespmem:s26+$0x330]  }
0x226: {  	v61 =	vperm.xlane v20, v14;
	v62 =	vld [tilespmem:s26+$0x340]  }
0x227: {  	v63 =	vld [tilespmem:s26+$0x350];
	s30 =	spop (v2sf)  }
0x228: {  	v26 =	vmul.f32 v26, v61;
	(v2sf) =	vpush v21, $0xE;
	v40 =	vld [tilespmem:s26+$0x360];
	p2 =	slt.u32 s30, $0x200;
	s28 =	sshll.u32 s30, $0x7  }
0x229: {  	v27 =	vmul.f32 v27, v61;
	v41 =	vld [tilespmem:s26+$0x370];
	s28 =	simm.s32 @!p2 $0x10280  }
0x22a: {  	v28 =	vmul.f32 v28, v61;
	[tilespmem:s28+$0xF800] =	vst.add.f32.msk $0xffff, v26  }
0x22b: {  	v42 =	vmul.f32 v49, v61;
	[tilespmem:s28+$0xF810] =	vst.add.f32.msk $0xffff, v27  }
0x22c: {  	v43 =	vmul.f32 v51, v61;
	[tilespmem:s28+$0xF820] =	vst.add.f32.msk $0xffff, v28  }
0x22d: {  	v44 =	vmul.f32 v52, v61;
	[tilespmem:s28+$0xF830] =	vst.add.f32.msk $0xffff, v42  }
0x22e: {  	v45 =	vmul.f32 v53, v61;
	[tilespmem:s28+$0xF840] =	vst.add.f32.msk $0xffff, v43  }
0x22f: {  	v46 =	vmul.f32 v54, v61;
	[tilespmem:s28+$0xF850] =	vst.add.f32.msk $0xffff, v44  }
0x230: {  	(v2sf) =	vpush v21, $0xF;
	[tilespmem:s28+$0xF860] =	vst.add.f32.msk $0xffff, v45  }
0x231: {  	[tilespmem:s28+$0xF870] =	vst.add.f32.msk $0xffff, v46  }
0x232: {  	v47 =	vld [tilespmem:s26+$0x380]  }
0x233: {  	v26 =	vld [tilespmem:s26+$0x390]  }
0x234: {  	v27 =	vld [tilespmem:s26+$0x3A0]  }
0x235: {  	v28 =	vld [tilespmem:s26+$0x3B0]  }
0x236: {  	v48 =	vperm.xlane v20, v15;
	v49 =	vld [tilespmem:s26+$0x3C0]  }
0x237: {  	s31 =	spop (v2sf);
	v50 =	vld [tilespmem:s26+$0x3D0]  }
0x238: {  	v22 =	vmul.f32 v22, v48;
	p2 =	slt.u32 s31, $0x200;
	s28 =	sshll.u32 s31, $0x7;
	v51 =	vld [tilespmem:s26+$0x3E0]  }
0x239: {  	v23 =	vmul.f32 v23, v48;
	v52 =	vld [tilespmem:s26+$0x3F0];
	s28 =	simm.s32 @!p2 $0x10300  }
0x23a: {  	v24 =	vmul.f32 v24, v48;
	[tilespmem:s28+$0xF800] =	vst.add.f32.msk $0xffff, v22  }
0x23b: {  	v53 =	vmul.f32 v60, v48;
	[tilespmem:s28+$0xF810] =	vst.add.f32.msk $0xffff, v23  }
0x23c: {  	v54 =	vmul.f32 v62, v48;
	[tilespmem:s28+$0xF820] =	vst.add.f32.msk $0xffff, v24  }
0x23d: {  	v55 =	vmul.f32 v63, v48;
	[tilespmem:s28+$0xF830] =	vst.add.f32.msk $0xffff, v53  }
0x23e: {  	v20 =	vperm.xlane v20, v16;
	v56 =	vmul.f32 v40, v48;
	[tilespmem:s28+$0xF840] =	vst.add.f32.msk $0xffff, v54  }
0x23f: {  	v57 =	vmul.f32 v41, v48;
	[tilespmem:s28+$0xF850] =	vst.add.f32.msk $0xffff, v55;
	s29 =	spop (v2sf)  }
0x240: {  	[tilespmem:s28+$0xF860] =	vst.add.f32.msk $0xffff, v56;
	v21 =	vmul.f32 v47, v20;
	p2 =	slt.u32 s29, $0x200;
	s29 =	sshll.u32 s29, $0x7  }
0x241: {  	[tilespmem:s28+$0xF870] =	vst.add.f32.msk $0xffff, v57;
	v58 =	vmul.f32 v26, v20;
	s29 =	simm.s32 @!p2 $0x10380  }
0x242: {  	v59 =	vmul.f32 v27, v20;
	[tilespmem:s29+$0xF800] =	vst.add.f32.msk $0xffff, v21  }
0x243: {  	v60 =	vmul.f32 v28, v20;
	[tilespmem:s29+$0xF810] =	vst.add.f32.msk $0xffff, v58  }
0x244: {  	v61 =	vmul.f32 v49, v20;
	p2 =	sne.s32 s25, $0x1C0;
	[tilespmem:s29+$0xF820] =	vst.add.f32.msk $0xffff, v59  }
.Ltmp2:
0x245: {  	v62 =	vmul.f32 v50, v20;
	[tilespmem:s29+$0xF830] =	vst.add.f32.msk $0xffff, v60;
	(pc) =	sbr.rel @p2 .LBB2_8-.Ltmp2, $4  }
0x246: {  	v63 =	vmul.f32 v51, v20;
	[tilespmem:s29+$0xF840] =	vst.add.f32.msk $0xffff, v61  }
0x247: {  	v20 =	vmul.f32 v52, v20;
	[tilespmem:s29+$0xF850] =	vst.add.f32.msk $0xffff, v62  }
0x248: {  	[tilespmem:s29+$0xF860] =	vst.add.f32.msk $0xffff, v63  }
0x249: {  	s26 =	sadd.s32 $0x800, s26;
	s25 =	sadd.s32 $0x40, s25;
	[tilespmem:s29+$0xF870] =	vst.add.f32.msk $0xffff, v20  }
0x24a: {  	s20 =	sadd.s32 $0x1, s20  }
0x24b: {  	p2 =	sne.s32 s20, $0x28  }
.Ltmp3:
0x24c: {  	_ = 	snop;
	(pc) =	sbr.rel @p2 .LBB2_5-.Ltmp3, $3  }
0x24d: {  	_ =	sdelay $0x1  }
0x24e: {  	s21 =	sadd.s32 $0x100, s21  }
0x24f: {  	s22 =	sadd.s32 $0x100, s22;
	s23 =	sadd.s32 $0x100, s23;
	s24 =	sadd.s32 $0x100, s24  }
0x250: {  	s19 =	sshll.u32 s19, $0xD  }
.Ltmp4:
0x251: {  	s19 =	sadd.s32 s19, s16;
	(pc) =	sbr.rel @p1 .LBB2_2-.Ltmp4, $4  }
0x252: {  	[hbm4b:s19+s1] =	stream.linear.scatter [tilespmem:s17], [sflag:$0x3], $0x10000, $0x38;
	[tilespmem:$0x1FC00] =	vst v63  }
0x253: {  	_ =	swait.ge [sflag:s8], $0x10000  }
0x254: {  	[sflag:s8] =	ssyncset.done $0x0  }
0x255: {  	p2 =	por $0x0, $0x0;
	s19 =	simm.s32 $0x1;
	[sflag:s8] =	ssyncadd.s32 $0xFFFF0000  }
0x256: {  	s18 =	sadd.s32 $0x1, s18  }
0x257: {  	p1 =	sne.s32 s18, s7  }
.Ltmp5:
0x258: {  	_ = 	snop;
	(pc) =	sbr.rel @p1 .LBB2_1-.Ltmp5, $1  }
0x259: {  	_ =	sdelay $0x3  }
0x25a: {  	_ =	sfence.sel $0x180000  }
0x25b: {  	[bflag:$0x0] =	sbarrier.arrive $0xFFFF  }
0x25c: {  	_ =	strace $0x90000047  }
0x25d: {  	s0 =	sadd.s32 @!p0 $0x100000, s0;
	[bflag:$0x2] =	sbarrier.arrive $0xFFFF  }
0x25e: {  	[sflag:s0] =	ssyncadd.tile.s32 @!p0 $0x1;
	_ =	shalt  }
.Lfunc_end2:
_tile_overlayer_lowered:
.L_overlay_start_2:
0x25f: {  	(tag) =	ssettag $0x2  }
0x260: {  	s0 =	rddreg [dreg:$0x0];
	s2 =	stileid.u32  }
0x261: {  	s1 =	rddreg [dreg:$0x1];
	p0 =	sne.s32 s2, $0x0  }
0x262: {  	s3 =	rddreg [dreg:$0x2];
	[bflag:$0x3] =	sbarrier.arrive $0xFFFF;
	s2 =	simm.s32 @!p0 $0x1C03  }
0x263: {  	[timem:s3], [sflag:s2] =	dma.local @!p0 [hbm:s0], s1  }
0x264: {  	s0 =	simm.s32 @!p0 $0x3  }
0x265: {  	_ =	swait.ge @!p0 [sflag:s0], s1  }
0x266: {  	s1 =	ssub.s32 @!p0 $0x0, s1;
	[sflag:s0] =	ssyncset.done @!p0 $0x0  }
0x267: {  	[sflag:s0] =	ssyncadd.s32 @!p0 s1  }
0x268: {  	[bflag:$0x3] =	sbarrier.arrive $0xFFFF  }
0x269: {  	_ =	shalt  }

</sc_bundles>
